<compile_context>
chip_gen: v7x
topology: tpu7x:2x2x1
jax: 0.10.2.dev20260603
libtpu: 0.0.44.dev20260713+nightly
codegen_flags: <defaults>
</compile_context>

<pallas_src>
import functools

import jax
import jax.numpy as jnp
from jax import lax
from jax.experimental import pallas as pl
from jax.experimental.pallas import tpu as pltpu
from jax.experimental.pallas import tpu_sc as plsc

MAX_D = 4
B, S = 4, 2048
ROWS = B * S
NUM_WORKERS = 32
ROWS_PER_WORKER = ROWS // NUM_WORKERS
CHUNK_ROWS = 4
NUM_CHUNKS = ROWS_PER_WORKER // CHUNK_ROWS
NBUF = 4
LANES = 16
UNROLL = 8

_mesh = plsc.VectorSubcoreMesh(core_axis_name="c", subcore_axis_name="s")


@functools.partial(
    pl.kernel,
    mesh=_mesh,
    out_type=jax.ShapeDtypeStruct((ROWS, S), jnp.float32),
    scratch_types=(
        [pltpu.VMEM((LANES,), jnp.float32)]
        + [pltpu.VMEM((CHUNK_ROWS, S), jnp.int32) for _ in range(NBUF)]
        + [pltpu.VMEM((CHUNK_ROWS, S), jnp.float32) for _ in range(NBUF)]
        + [pltpu.SemaphoreType.DMA for _ in range(2 * NBUF)]
    ),
    compiler_params=pltpu.CompilerParams(needs_layout_passes=False),
)
def _distance_bias_sc(d_hbm, bias_hbm, out_hbm, tab_v, *bufs_and_sems):
    idx_bufs = bufs_and_sems[:NBUF]
    out_bufs = bufs_and_sems[NBUF : 2 * NBUF]
    in_sems = bufs_and_sems[2 * NBUF : 3 * NBUF]
    out_sems = bufs_and_sems[3 * NBUF : 4 * NBUF]
    wid = lax.axis_index("s") * 2 + lax.axis_index("c")
    pltpu.sync_copy(bias_hbm, tab_v)
    base_row = wid * ROWS_PER_WORKER
    tab_vec = tab_v[pl.ds(0, LANES)]
    bsplat = [
        jax.lax.broadcast_in_dim(tab_vec[k], (LANES,), ()) for k in range(MAX_D + 1)
    ]

    def start_in(chunk, b):
        r0 = base_row + chunk * CHUNK_ROWS
        pltpu.async_copy(d_hbm.at[pl.ds(r0, CHUNK_ROWS)], idx_bufs[b], in_sems[b])

    def wait_in(b):
        pltpu.make_async_copy(
            d_hbm.at[pl.ds(base_row, CHUNK_ROWS)], idx_bufs[b], in_sems[b]
        ).wait()

    def start_out(chunk, b):
        r0 = base_row + chunk * CHUNK_ROWS
        pltpu.async_copy(out_bufs[b], out_hbm.at[pl.ds(r0, CHUNK_ROWS)], out_sems[b])

    def wait_out(b):
        pltpu.make_async_copy(
            out_bufs[b], out_hbm.at[pl.ds(base_row, CHUNK_ROWS)], out_sems[b]
        ).wait()

    def compute(b):
        idx_v, out_v = idx_bufs[b], out_bufs[b]
        for r in range(CHUNK_ROWS):

            def vec_body(vi, c, r=r):
                o = vi * (LANES * UNROLL)
                raw = [idx_v[r, pl.ds(o + u * LANES, LANES)] for u in range(UNROLL)]
                vals = []
                for u, x in enumerate(raw):
                    if u % 2 == 0:
                        cl = plsc.bitcast(
                            jnp.minimum(plsc.bitcast(x, jnp.uint32), MAX_D),
                            jnp.int32,
                        )
                        vals.append(plsc.load_gather(tab_v, [cl]))
                    else:
                        v = jnp.where(x >= 1, bsplat[1], bsplat[0])
                        v = jnp.where(x >= 2, bsplat[2], v)
                        v = jnp.where(x >= 3, bsplat[3], v)
                        v = jnp.where(x >= 4, bsplat[4], v)
                        vals.append(v)
                for u in range(UNROLL):
                    out_v[r, pl.ds(o + u * LANES, LANES)] = vals[u]
                return c

            lax.fori_loop(0, S // (LANES * UNROLL), vec_body, 0)

    for b in range(NBUF):
        start_in(b, b)

    def ring_body(ci, carry):
        for b in range(NBUF):
            chunk = ci * NBUF + b
            wait_in(b)
            @pl.when(chunk >= NBUF)
            def _():
                wait_out(b)

            compute(b)
            start_out(chunk, b)

            @pl.when(chunk + NBUF < NUM_CHUNKS)
            def _():
                start_in(chunk + NBUF, b)

        return carry

    lax.fori_loop(0, NUM_CHUNKS // NBUF, ring_body, 0)
    for b in range(NBUF):
        wait_out(b)


def kernel(distances, distance_bias):
    d2 = distances.reshape(ROWS, S)
    bias_pad = jnp.zeros((LANES,), jnp.float32).at[: MAX_D + 1].set(distance_bias)
    out = _distance_bias_sc(d2, bias_pad)
    return out.reshape(B, S, S)

# --- scband reference (transcript-rebuilt; emitter-appended) ---
"""Pipeline reference for scband-distance-bias-31568009625745 (READ-ONLY COPY).

The authoritative reference and input builder live on the scoring server;
editing this copy changes nothing except your own understanding.
"""

import jax, jax.numpy as jnp
import numpy as np

MAX_DISTANCE = 4
EMBED_DIM = 64


def setup_inputs(seed: int = 0) -> dict:
    key = jax.random.key(seed)
    k1, k2, k3 = jax.random.split(key, 3)
    # distances: int indices in [0, MAX_DISTANCE]
    distances = jax.random.randint(k1, (4, 2048, 2048), 0, MAX_DISTANCE + 1, dtype=jnp.int32)
    # learned parameters sized per init_kwargs
    distance_bias = jax.random.normal(k2, (MAX_DISTANCE + 1,), dtype=jnp.float32) * 0.1
    distance_embeddings = jax.random.normal(k3, (MAX_DISTANCE + 1, EMBED_DIM), dtype=jnp.float32) * 0.1  # unused in forward, kept for parity
    return {"distances": distances, "distance_bias": distance_bias}


def reference(distances, distance_bias):
    # clamp distances to valid range, then gather the learnable per-distance bias
    d = jnp.clip(distances, 0, MAX_DISTANCE).astype(jnp.int32)
    bias = jnp.take(distance_bias, d, axis=0)  # [B, S, S]
    return bias

if __name__ == "__main__":
    import jax
    _d = setup_inputs()
    print(jax.jit(kernel)(*tuple(_d.values())))

</pallas_src>

<mosaic_0001>
#map = affine_map<(d0, d1) -> (0, 0)>
#map1 = affine_map<(d0, d1) -> (0)>
module attributes {stable_mosaic.version = 14 : i64} {
  func.func @_distance_bias_sc(%arg0: i32, %arg1: i32, %arg2: memref<8192x2048xi32, #tpu.memory_space<hbm>>, %arg3: memref<16xf32, #tpu.memory_space<hbm>>, %arg4: memref<8192x2048xf32, #tpu.memory_space<hbm>>, %arg5: memref<16xf32, #tpu.memory_space<vmem>>, %arg6: memref<4x2048xi32, #tpu.memory_space<vmem>>, %arg7: memref<4x2048xi32, #tpu.memory_space<vmem>>, %arg8: memref<4x2048xi32, #tpu.memory_space<vmem>>, %arg9: memref<4x2048xi32, #tpu.memory_space<vmem>>, %arg10: memref<4x2048xf32, #tpu.memory_space<vmem>>, %arg11: memref<4x2048xf32, #tpu.memory_space<vmem>>, %arg12: memref<4x2048xf32, #tpu.memory_space<vmem>>, %arg13: memref<4x2048xf32, #tpu.memory_space<vmem>>, %arg14: memref<!tpu.dma_semaphore, #tpu.memory_space<semaphore_mem>>, %arg15: memref<!tpu.dma_semaphore, #tpu.memory_space<semaphore_mem>>, %arg16: memref<!tpu.dma_semaphore, #tpu.memory_space<semaphore_mem>>, %arg17: memref<!tpu.dma_semaphore, #tpu.memory_space<semaphore_mem>>, %arg18: memref<!tpu.dma_semaphore, #tpu.memory_space<semaphore_mem>>, %arg19: memref<!tpu.dma_semaphore, #tpu.memory_space<semaphore_mem>>, %arg20: memref<!tpu.dma_semaphore, #tpu.memory_space<semaphore_mem>>, %arg21: memref<!tpu.dma_semaphore, #tpu.memory_space<semaphore_mem>>) attributes {dimension_semantics = [#tpu.dimension_semantics<core_parallel>, #tpu.dimension_semantics<subcore_parallel>], iteration_bounds = array<i64: 2, 16>, scalar_prefetch = 0 : i64, scratch_operands = 17 : i64, tpu.core_type = #tpu.core_type<sc_vector_subcore>, window_params = [{transform_indices = #map}, {transform_indices = #map1}, {transform_indices = #map}]} {
    %mul3A = arith.constant 2 : i32
    %mul3A_0 = arith.muli %arg1, %mul3A : i32
    %add3A = arith.addi %mul3A_0, %arg0 : i32
    "tpu.region"() ({
      %run_scoped3A = tpu.sem_alloc : memref<!tpu.dma_semaphore, #tpu.memory_space<semaphore_mem>>
      tpu.enqueue_dma source(%arg3 : memref<16xf32, #tpu.memory_space<hbm>>) target(%arg5 : memref<16xf32, #tpu.memory_space<vmem>>) target_semaphore(%run_scoped3A : memref<!tpu.dma_semaphore, #tpu.memory_space<semaphore_mem>>)
      tpu.wait_dma2 semaphore(%run_scoped3A : memref<!tpu.dma_semaphore, #tpu.memory_space<semaphore_mem>>) src(%arg3 : memref<16xf32, #tpu.memory_space<hbm>>) dst(%arg5 : memref<16xf32, #tpu.memory_space<vmem>>)
      tpu.yield
    }) : () -> ()
    %mul3A_1 = arith.constant 256 : i32
    %mul3A_2 = arith.muli %add3A, %mul3A_1 : i32
    %get3A = arith.constant 0 : index
    %get3A_3 = tpu.vector_load %arg5[%get3A] {strides = array<i32>} : memref<16xf32, #tpu.memory_space<vmem>>, vector<16xf32>,
    %slice3A = vector.extract_strided_slice %get3A_3 {offsets = [0], sizes = [1], strides = [1]} : vector<16xf32> to vector<1xf32>
    %squeeze3A = vector.extract %slice3A[0] : f32 from vector<1xf32>
    %broadcast_in_dim3A = vector.broadcast %squeeze3A : f32 to vector<16xf32>
    %slice3A_4 = vector.extract_strided_slice %get3A_3 {offsets = [1], sizes = [1], strides = [1]} : vector<16xf32> to vector<1xf32>
    %squeeze3A_5 = vector.extract %slice3A_4[0] : f32 from vector<1xf32>
    %broadcast_in_dim3A_6 = vector.broadcast %squeeze3A_5 : f32 to vector<16xf32>
    %slice3A_7 = vector.extract_strided_slice %get3A_3 {offsets = [2], sizes = [1], strides = [1]} : vector<16xf32> to vector<1xf32>
    %squeeze3A_8 = vector.extract %slice3A_7[0] : f32 from vector<1xf32>
    %broadcast_in_dim3A_9 = vector.broadcast %squeeze3A_8 : f32 to vector<16xf32>
    %slice3A_10 = vector.extract_strided_slice %get3A_3 {offsets = [3], sizes = [1], strides = [1]} : vector<16xf32> to vector<1xf32>
    %squeeze3A_11 = vector.extract %slice3A_10[0] : f32 from vector<1xf32>
    %broadcast_in_dim3A_12 = vector.broadcast %squeeze3A_11 : f32 to vector<16xf32>
    %slice3A_13 = vector.extract_strided_slice %get3A_3 {offsets = [4], sizes = [1], strides = [1]} : vector<16xf32> to vector<1xf32>
    %squeeze3A_14 = vector.extract %slice3A_13[0] : f32 from vector<1xf32>
    %broadcast_in_dim3A_15 = vector.broadcast %squeeze3A_14 : f32 to vector<16xf32>
    %add3A_16 = arith.constant 0 : i32
    %add3A_17 = arith.addi %mul3A_2, %add3A_16 : i32
    %dma_start3A = arith.constant 0 : i32
    %dma_start3A_18 = tpu.memref_slice %arg2[%add3A_17, %dma_start3A] : memref<8192x2048xi32, #tpu.memory_space<hbm>> -> memref<4x2048xi32, #tpu.memory_space<hbm>>
    %dma_start3A_19 = arith.constant 0 : i32
    %dma_start3A_20 = tpu.memref_slice %arg2[%add3A_17, %dma_start3A_19] : memref<8192x2048xi32, #tpu.memory_space<hbm>> -> memref<4x2048xi32, #tpu.memory_space<hbm>>
    tpu.enqueue_dma source(%dma_start3A_20 : memref<4x2048xi32, #tpu.memory_space<hbm>>) target(%arg6 : memref<4x2048xi32, #tpu.memory_space<vmem>>) target_semaphore(%arg14 : memref<!tpu.dma_semaphore, #tpu.memory_space<semaphore_mem>>)
    %add3A_21 = arith.constant 4 : i32
    %add3A_22 = arith.addi %mul3A_2, %add3A_21 : i32
    %dma_start3A_23 = arith.constant 0 : i32
    %dma_start3A_24 = tpu.memref_slice %arg2[%add3A_22, %dma_start3A_23] : memref<8192x2048xi32, #tpu.memory_space<hbm>> -> memref<4x2048xi32, #tpu.memory_space<hbm>>
    %dma_start3A_25 = arith.constant 0 : i32
    %dma_start3A_26 = tpu.memref_slice %arg2[%add3A_22, %dma_start3A_25] : memref<8192x2048xi32, #tpu.memory_space<hbm>> -> memref<4x2048xi32, #tpu.memory_space<hbm>>
    tpu.enqueue_dma source(%dma_start3A_26 : memref<4x2048xi32, #tpu.memory_space<hbm>>) target(%arg7 : memref<4x2048xi32, #tpu.memory_space<vmem>>) target_semaphore(%arg15 : memref<!tpu.dma_semaphore, #tpu.memory_space<semaphore_mem>>)
    %add3A_27 = arith.constant 8 : i32
    %add3A_28 = arith.addi %mul3A_2, %add3A_27 : i32
    %dma_start3A_29 = arith.constant 0 : i32
    %dma_start3A_30 = tpu.memref_slice %arg2[%add3A_28, %dma_start3A_29] : memref<8192x2048xi32, #tpu.memory_space<hbm>> -> memref<4x2048xi32, #tpu.memory_space<hbm>>
    %dma_start3A_31 = arith.constant 0 : i32
    %dma_start3A_32 = tpu.memref_slice %arg2[%add3A_28, %dma_start3A_31] : memref<8192x2048xi32, #tpu.memory_space<hbm>> -> memref<4x2048xi32, #tpu.memory_space<hbm>>
    tpu.enqueue_dma source(%dma_start3A_32 : memref<4x2048xi32, #tpu.memory_space<hbm>>) target(%arg8 : memref<4x2048xi32, #tpu.memory_space<vmem>>) target_semaphore(%arg16 : memref<!tpu.dma_semaphore, #tpu.memory_space<semaphore_mem>>)
    %add3A_33 = arith.constant 12 : i32
    %add3A_34 = arith.addi %mul3A_2, %add3A_33 : i32
    %dma_start3A_35 = arith.constant 0 : i32
    %dma_start3A_36 = tpu.memref_slice %arg2[%add3A_34, %dma_start3A_35] : memref<8192x2048xi32, #tpu.memory_space<hbm>> -> memref<4x2048xi32, #tpu.memory_space<hbm>>
    %dma_start3A_37 = arith.constant 0 : i32
    %dma_start3A_38 = tpu.memref_slice %arg2[%add3A_34, %dma_start3A_37] : memref<8192x2048xi32, #tpu.memory_space<hbm>> -> memref<4x2048xi32, #tpu.memory_space<hbm>>
    tpu.enqueue_dma source(%dma_start3A_38 : memref<4x2048xi32, #tpu.memory_space<hbm>>) target(%arg9 : memref<4x2048xi32, #tpu.memory_space<vmem>>) target_semaphore(%arg17 : memref<!tpu.dma_semaphore, #tpu.memory_space<semaphore_mem>>)
    %scan3A = arith.constant 0 : i32
    %scan3A_39 = arith.constant 0 : i32
    %scan3A_40 = arith.constant 16 : i32
    %scan3A_41 = arith.addi %scan3A_39, %scan3A_40 : i32
    %scan3A_42 = arith.constant 1 : i32
    scf.for %scan3A_59 = %scan3A_39 to %scan3A_41 step %scan3A_42  : i32 {
      %mul3A_60 = arith.constant 4 : i32
      %mul3A_61 = arith.muli %scan3A_59, %mul3A_60 : i32
      %add3A_62 = arith.constant 0 : i32
      %add3A_63 = arith.addi %mul3A_61, %add3A_62 : i32
      %dma_wait3A_64 = arith.constant 0 : i32
      %dma_wait3A_65 = tpu.memref_slice %arg2[%mul3A_2, %dma_wait3A_64] : memref<8192x2048xi32, #tpu.memory_space<hbm>> -> memref<4x2048xi32, #tpu.memory_space<hbm>>
      %dma_wait3A_66 = arith.constant 0 : i32
      %dma_wait3A_67 = tpu.memref_slice %arg2[%mul3A_2, %dma_wait3A_66] : memref<8192x2048xi32, #tpu.memory_space<hbm>> -> memref<4x2048xi32, #tpu.memory_space<hbm>>
      tpu.wait_dma2 semaphore(%arg14 : memref<!tpu.dma_semaphore, #tpu.memory_space<semaphore_mem>>) src(%dma_wait3A_67 : memref<4x2048xi32, #tpu.memory_space<hbm>>) dst(%arg6 : memref<4x2048xi32, #tpu.memory_space<vmem>>)
      %ge3A = arith.constant 4 : i32
      %ge3A_68 = arith.cmpi sge, %add3A_63, %ge3A : i32
      %convert_element_type3A = arith.extui %ge3A_68 : i1 to i32
      %cond3A = arith.constant 0 : i32
      %cond3A_69 = arith.cmpi ne, %convert_element_type3A, %cond3A : i32
      scf.if %cond3A_69 {
        %dma_wait3A_260 = arith.constant 0 : i32
        %dma_wait3A_261 = tpu.memref_slice %arg4[%mul3A_2, %dma_wait3A_260] : memref<8192x2048xf32, #tpu.memory_space<hbm>> -> memref<4x2048xf32, #tpu.memory_space<hbm>>
        %dma_wait3A_262 = arith.constant 0 : i32
        %dma_wait3A_263 = tpu.memref_slice %arg4[%mul3A_2, %dma_wait3A_262] : memref<8192x2048xf32, #tpu.memory_space<hbm>> -> memref<4x2048xf32, #tpu.memory_space<hbm>>
        tpu.wait_dma2 semaphore(%arg18 : memref<!tpu.dma_semaphore, #tpu.memory_space<semaphore_mem>>) src(%arg10 : memref<4x2048xf32, #tpu.memory_space<vmem>>) dst(%dma_wait3A_263 : memref<4x2048xf32, #tpu.memory_space<hbm>>)
      } else {
      }
      %scan3A_70 = arith.constant 0 : i32
      %scan3A_71 = arith.constant 0 : i32
      %scan3A_72 = arith.constant 16 : i32
      %scan3A_73 = arith.addi %scan3A_71, %scan3A_72 : i32
      %scan3A_74 = arith.constant 1 : i32
      scf.for %scan3A_260 = %scan3A_71 to %scan3A_73 step %scan3A_74  : i32 {
        %mul3A_261 = arith.constant 128 : i32
        %mul3A_262 = arith.muli %scan3A_260, %mul3A_261 : i32
        %add3A_263 = arith.constant 0 : i32
        %add3A_264 = arith.addi %mul3A_262, %add3A_263 : i32
        %get3A_265 = arith.constant 0 : i32
        %get3A_266 = arith.index_cast %get3A_265 : i32 to index
        %get3A_267 = arith.index_cast %add3A_264 : i32 to index
        %get3A_268 = tpu.vector_load %arg6[%get3A_266, %get3A_267] {strides = array<i32>} : memref<4x2048xi32, #tpu.memory_space<vmem>>, vector<16xi32>,
        %add3A_269 = arith.constant 16 : i32
        %add3A_270 = arith.addi %mul3A_262, %add3A_269 : i32
        %get3A_271 = arith.constant 0 : i32
        %get3A_272 = arith.index_cast %get3A_271 : i32 to index
        %get3A_273 = arith.index_cast %add3A_270 : i32 to index
        %get3A_274 = tpu.vector_load %arg6[%get3A_272, %get3A_273] {strides = array<i32>} : memref<4x2048xi32, #tpu.memory_space<vmem>>, vector<16xi32>,
        %add3A_275 = arith.constant 32 : i32
        %add3A_276 = arith.addi %mul3A_262, %add3A_275 : i32
        %get3A_277 = arith.constant 0 : i32
        %get3A_278 = arith.index_cast %get3A_277 : i32 to index
        %get3A_279 = arith.index_cast %add3A_276 : i32 to index
        %get3A_280 = tpu.vector_load %arg6[%get3A_278, %get3A_279] {strides = array<i32>} : memref<4x2048xi32, #tpu.memory_space<vmem>>, vector<16xi32>,
        %add3A_281 = arith.constant 48 : i32
        %add3A_282 = arith.addi %mul3A_262, %add3A_281 : i32
        %get3A_283 = arith.constant 0 : i32
        %get3A_284 = arith.index_cast %get3A_283 : i32 to index
        %get3A_285 = arith.index_cast %add3A_282 : i32 to index
        %get3A_286 = tpu.vector_load %arg6[%get3A_284, %get3A_285] {strides = array<i32>} : memref<4x2048xi32, #tpu.memory_space<vmem>>, vector<16xi32>,
        %add3A_287 = arith.constant 64 : i32
        %add3A_288 = arith.addi %mul3A_262, %add3A_287 : i32
        %get3A_289 = arith.constant 0 : i32
        %get3A_290 = arith.index_cast %get3A_289 : i32 to index
        %get3A_291 = arith.index_cast %add3A_288 : i32 to index
        %get3A_292 = tpu.vector_load %arg6[%get3A_290, %get3A_291] {strides = array<i32>} : memref<4x2048xi32, #tpu.memory_space<vmem>>, vector<16xi32>,
        %add3A_293 = arith.constant 80 : i32
        %add3A_294 = arith.addi %mul3A_262, %add3A_293 : i32
        %get3A_295 = arith.constant 0 : i32
        %get3A_296 = arith.index_cast %get3A_295 : i32 to index
        %get3A_297 = arith.index_cast %add3A_294 : i32 to index
        %get3A_298 = tpu.vector_load %arg6[%get3A_296, %get3A_297] {strides = array<i32>} : memref<4x2048xi32, #tpu.memory_space<vmem>>, vector<16xi32>,
        %add3A_299 = arith.constant 96 : i32
        %add3A_300 = arith.addi %mul3A_262, %add3A_299 : i32
        %get3A_301 = arith.constant 0 : i32
        %get3A_302 = arith.index_cast %get3A_301 : i32 to index
        %get3A_303 = arith.index_cast %add3A_300 : i32 to index
        %get3A_304 = tpu.vector_load %arg6[%get3A_302, %get3A_303] {strides = array<i32>} : memref<4x2048xi32, #tpu.memory_space<vmem>>, vector<16xi32>,
        %add3A_305 = arith.constant 112 : i32
        %add3A_306 = arith.addi %mul3A_262, %add3A_305 : i32
        %get3A_307 = arith.constant 0 : i32
        %get3A_308 = arith.index_cast %get3A_307 : i32 to index
        %get3A_309 = arith.index_cast %add3A_306 : i32 to index
        %get3A_310 = tpu.vector_load %arg6[%get3A_308, %get3A_309] {strides = array<i32>} : memref<4x2048xi32, #tpu.memory_space<vmem>>, vector<16xi32>,
        %bitcast3A = vector.bitcast %get3A_268 : vector<16xi32> to vector<16xi32>
        %min3A = arith.constant 4 : i32
        %min3A_311 = vector.broadcast %min3A : i32 to vector<16xi32>
        %min3A_312 = arith.minui %bitcast3A, %min3A_311 : vector<16xi32>
        %bitcast3A_313 = vector.bitcast %min3A_312 : vector<16xi32> to vector<16xi32>
        %gather3A = tpu.vector_load_idx %arg5[%bitcast3A_313] : memref<16xf32, #tpu.memory_space<vmem>>[vector<16xi32>], vector<16xf32>,
        %ge3A_314 = arith.constant 1 : i32
        %ge3A_315 = vector.broadcast %ge3A_314 : i32 to vector<16xi32>
        %ge3A_316 = arith.cmpi sge, %get3A_274, %ge3A_315 : vector<16xi32>
        %select_n3A = arith.select %ge3A_316, %broadcast_in_dim3A_6, %broadcast_in_dim3A : vector<16xi1>, vector<16xf32>
        %ge3A_317 = arith.constant 2 : i32
        %ge3A_318 = vector.broadcast %ge3A_317 : i32 to vector<16xi32>
        %ge3A_319 = arith.cmpi sge, %get3A_274, %ge3A_318 : vector<16xi32>
        %select_n3A_320 = arith.select %ge3A_319, %broadcast_in_dim3A_9, %select_n3A : vector<16xi1>, vector<16xf32>
        %ge3A_321 = arith.constant 3 : i32
        %ge3A_322 = vector.broadcast %ge3A_321 : i32 to vector<16xi32>
        %ge3A_323 = arith.cmpi sge, %get3A_274, %ge3A_322 : vector<16xi32>
        %select_n3A_324 = arith.select %ge3A_323, %broadcast_in_dim3A_12, %select_n3A_320 : vector<16xi1>, vector<16xf32>
        %ge3A_325 = arith.constant 4 : i32
        %ge3A_326 = vector.broadcast %ge3A_325 : i32 to vector<16xi32>
        %ge3A_327 = arith.cmpi sge, %get3A_274, %ge3A_326 : vector<16xi32>
        %select_n3A_328 = arith.select %ge3A_327, %broadcast_in_dim3A_15, %select_n3A_324 : vector<16xi1>, vector<16xf32>
        %bitcast3A_329 = vector.bitcast %get3A_280 : vector<16xi32> to vector<16xi32>
        %min3A_330 = arith.constant 4 : i32
        %min3A_331 = vector.broadcast %min3A_330 : i32 to vector<16xi32>
        %min3A_332 = arith.minui %bitcast3A_329, %min3A_331 : vector<16xi32>
        %bitcast3A_333 = vector.bitcast %min3A_332 : vector<16xi32> to vector<16xi32>
        %gather3A_334 = tpu.vector_load_idx %arg5[%bitcast3A_333] : memref<16xf32, #tpu.memory_space<vmem>>[vector<16xi32>], vector<16xf32>,
        %ge3A_335 = arith.constant 1 : i32
        %ge3A_336 = vector.broadcast %ge3A_335 : i32 to vector<16xi32>
        %ge3A_337 = arith.cmpi sge, %get3A_286, %ge3A_336 : vector<16xi32>
        %select_n3A_338 = arith.select %ge3A_337, %broadcast_in_dim3A_6, %broadcast_in_dim3A : vector<16xi1>, vector<16xf32>
        %ge3A_339 = arith.constant 2 : i32
        %ge3A_340 = vector.broadcast %ge3A_339 : i32 to vector<16xi32>
        %ge3A_341 = arith.cmpi sge, %get3A_286, %ge3A_340 : vector<16xi32>
        %select_n3A_342 = arith.select %ge3A_341, %broadcast_in_dim3A_9, %select_n3A_338 : vector<16xi1>, vector<16xf32>
        %ge3A_343 = arith.constant 3 : i32
        %ge3A_344 = vector.broadcast %ge3A_343 : i32 to vector<16xi32>
        %ge3A_345 = arith.cmpi sge, %get3A_286, %ge3A_344 : vector<16xi32>
        %select_n3A_346 = arith.select %ge3A_345, %broadcast_in_dim3A_12, %select_n3A_342 : vector<16xi1>, vector<16xf32>
        %ge3A_347 = arith.constant 4 : i32
        %ge3A_348 = vector.broadcast %ge3A_347 : i32 to vector<16xi32>
        %ge3A_349 = arith.cmpi sge, %get3A_286, %ge3A_348 : vector<16xi32>
        %select_n3A_350 = arith.select %ge3A_349, %broadcast_in_dim3A_15, %select_n3A_346 : vector<16xi1>, vector<16xf32>
        %bitcast3A_351 = vector.bitcast %get3A_292 : vector<16xi32> to vector<16xi32>
        %min3A_352 = arith.constant 4 : i32
        %min3A_353 = vector.broadcast %min3A_352 : i32 to vector<16xi32>
        %min3A_354 = arith.minui %bitcast3A_351, %min3A_353 : vector<16xi32>
        %bitcast3A_355 = vector.bitcast %min3A_354 : vector<16xi32> to vector<16xi32>
        %gather3A_356 = tpu.vector_load_idx %arg5[%bitcast3A_355] : memref<16xf32, #tpu.memory_space<vmem>>[vector<16xi32>], vector<16xf32>,
        %ge3A_357 = arith.constant 1 : i32
        %ge3A_358 = vector.broadcast %ge3A_357 : i32 to vector<16xi32>
        %ge3A_359 = arith.cmpi sge, %get3A_298, %ge3A_358 : vector<16xi32>
        %select_n3A_360 = arith.select %ge3A_359, %broadcast_in_dim3A_6, %broadcast_in_dim3A : vector<16xi1>, vector<16xf32>
        %ge3A_361 = arith.constant 2 : i32
        %ge3A_362 = vector.broadcast %ge3A_361 : i32 to vector<16xi32>
        %ge3A_363 = arith.cmpi sge, %get3A_298, %ge3A_362 : vector<16xi32>
        %select_n3A_364 = arith.select %ge3A_363, %broadcast_in_dim3A_9, %select_n3A_360 : vector<16xi1>, vector<16xf32>
        %ge3A_365 = arith.constant 3 : i32
        %ge3A_366 = vector.broadcast %ge3A_365 : i32 to vector<16xi32>
        %ge3A_367 = arith.cmpi sge, %get3A_298, %ge3A_366 : vector<16xi32>
        %select_n3A_368 = arith.select %ge3A_367, %broadcast_in_dim3A_12, %select_n3A_364 : vector<16xi1>, vector<16xf32>
        %ge3A_369 = arith.constant 4 : i32
        %ge3A_370 = vector.broadcast %ge3A_369 : i32 to vector<16xi32>
        %ge3A_371 = arith.cmpi sge, %get3A_298, %ge3A_370 : vector<16xi32>
        %select_n3A_372 = arith.select %ge3A_371, %broadcast_in_dim3A_15, %select_n3A_368 : vector<16xi1>, vector<16xf32>
        %bitcast3A_373 = vector.bitcast %get3A_304 : vector<16xi32> to vector<16xi32>
        %min3A_374 = arith.constant 4 : i32
        %min3A_375 = vector.broadcast %min3A_374 : i32 to vector<16xi32>
        %min3A_376 = arith.minui %bitcast3A_373, %min3A_375 : vector<16xi32>
        %bitcast3A_377 = vector.bitcast %min3A_376 : vector<16xi32> to vector<16xi32>
        %gather3A_378 = tpu.vector_load_idx %arg5[%bitcast3A_377] : memref<16xf32, #tpu.memory_space<vmem>>[vector<16xi32>], vector<16xf32>,
        %ge3A_379 = arith.constant 1 : i32
        %ge3A_380 = vector.broadcast %ge3A_379 : i32 to vector<16xi32>
        %ge3A_381 = arith.cmpi sge, %get3A_310, %ge3A_380 : vector<16xi32>
        %select_n3A_382 = arith.select %ge3A_381, %broadcast_in_dim3A_6, %broadcast_in_dim3A : vector<16xi1>, vector<16xf32>
        %ge3A_383 = arith.constant 2 : i32
        %ge3A_384 = vector.broadcast %ge3A_383 : i32 to vector<16xi32>
        %ge3A_385 = arith.cmpi sge, %get3A_310, %ge3A_384 : vector<16xi32>
        %select_n3A_386 = arith.select %ge3A_385, %broadcast_in_dim3A_9, %select_n3A_382 : vector<16xi1>, vector<16xf32>
        %ge3A_387 = arith.constant 3 : i32
        %ge3A_388 = vector.broadcast %ge3A_387 : i32 to vector<16xi32>
        %ge3A_389 = arith.cmpi sge, %get3A_310, %ge3A_388 : vector<16xi32>
        %select_n3A_390 = arith.select %ge3A_389, %broadcast_in_dim3A_12, %select_n3A_386 : vector<16xi1>, vector<16xf32>
        %ge3A_391 = arith.constant 4 : i32
        %ge3A_392 = vector.broadcast %ge3A_391 : i32 to vector<16xi32>
        %ge3A_393 = arith.cmpi sge, %get3A_310, %ge3A_392 : vector<16xi32>
        %select_n3A_394 = arith.select %ge3A_393, %broadcast_in_dim3A_15, %select_n3A_390 : vector<16xi1>, vector<16xf32>
        %add3A_395 = arith.constant 0 : i32
        %add3A_396 = arith.addi %mul3A_262, %add3A_395 : i32
        %swap3A = arith.constant 0 : i32
        %swap3A_397 = arith.index_cast %swap3A : i32 to index
        %swap3A_398 = arith.index_cast %add3A_396 : i32 to index
        %swap3A_399 = tpu.vector_load %arg10[%swap3A_397, %swap3A_398] {strides = array<i32>} : memref<4x2048xf32, #tpu.memory_space<vmem>>, vector<16xf32>,
        tpu.vector_store %arg10[%swap3A_397, %swap3A_398], %gather3A {strides = array<i32>} : memref<4x2048xf32, #tpu.memory_space<vmem>>, vector<16xf32>,
        %add3A_400 = arith.constant 16 : i32
        %add3A_401 = arith.addi %mul3A_262, %add3A_400 : i32
        %swap3A_402 = arith.constant 0 : i32
        %swap3A_403 = arith.index_cast %swap3A_402 : i32 to index
        %swap3A_404 = arith.index_cast %add3A_401 : i32 to index
        %swap3A_405 = tpu.vector_load %arg10[%swap3A_403, %swap3A_404] {strides = array<i32>} : memref<4x2048xf32, #tpu.memory_space<vmem>>, vector<16xf32>,
        tpu.vector_store %arg10[%swap3A_403, %swap3A_404], %select_n3A_328 {strides = array<i32>} : memref<4x2048xf32, #tpu.memory_space<vmem>>, vector<16xf32>,
        %add3A_406 = arith.constant 32 : i32
        %add3A_407 = arith.addi %mul3A_262, %add3A_406 : i32
        %swap3A_408 = arith.constant 0 : i32
        %swap3A_409 = arith.index_cast %swap3A_408 : i32 to index
        %swap3A_410 = arith.index_cast %add3A_407 : i32 to index
        %swap3A_411 = tpu.vector_load %arg10[%swap3A_409, %swap3A_410] {strides = array<i32>} : memref<4x2048xf32, #tpu.memory_space<vmem>>, vector<16xf32>,
        tpu.vector_store %arg10[%swap3A_409, %swap3A_410], %gather3A_334 {strides = array<i32>} : memref<4x2048xf32, #tpu.memory_space<vmem>>, vector<16xf32>,
        %add3A_412 = arith.constant 48 : i32
        %add3A_413 = arith.addi %mul3A_262, %add3A_412 : i32
        %swap3A_414 = arith.constant 0 : i32
        %swap3A_415 = arith.index_cast %swap3A_414 : i32 to index
        %swap3A_416 = arith.index_cast %add3A_413 : i32 to index
        %swap3A_417 = tpu.vector_load %arg10[%swap3A_415, %swap3A_416] {strides = array<i32>} : memref<4x2048xf32, #tpu.memory_space<vmem>>, vector<16xf32>,
        tpu.vector_store %arg10[%swap3A_415, %swap3A_416], %select_n3A_350 {strides = array<i32>} : memref<4x2048xf32, #tpu.memory_space<vmem>>, vector<16xf32>,
        %add3A_418 = arith.constant 64 : i32
        %add3A_419 = arith.addi %mul3A_262, %add3A_418 : i32
        %swap3A_420 = arith.constant 0 : i32
        %swap3A_421 = arith.index_cast %swap3A_420 : i32 to index
        %swap3A_422 = arith.index_cast %add3A_419 : i32 to index
        %swap3A_423 = tpu.vector_load %arg10[%swap3A_421, %swap3A_422] {strides = array<i32>} : memref<4x2048xf32, #tpu.memory_space<vmem>>, vector<16xf32>,
        tpu.vector_store %arg10[%swap3A_421, %swap3A_422], %gather3A_356 {strides = array<i32>} : memref<4x2048xf32, #tpu.memory_space<vmem>>, vector<16xf32>,
        %add3A_424 = arith.constant 80 : i32
        %add3A_425 = arith.addi %mul3A_262, %add3A_424 : i32
        %swap3A_426 = arith.constant 0 : i32
        %swap3A_427 = arith.index_cast %swap3A_426 : i32 to index
        %swap3A_428 = arith.index_cast %add3A_425 : i32 to index
        %swap3A_429 = tpu.vector_load %arg10[%swap3A_427, %swap3A_428] {strides = array<i32>} : memref<4x2048xf32, #tpu.memory_space<vmem>>, vector<16xf32>,
        tpu.vector_store %arg10[%swap3A_427, %swap3A_428], %select_n3A_372 {strides = array<i32>} : memref<4x2048xf32, #tpu.memory_space<vmem>>, vector<16xf32>,
        %add3A_430 = arith.constant 96 : i32
        %add3A_431 = arith.addi %mul3A_262, %add3A_430 : i32
        %swap3A_432 = arith.constant 0 : i32
        %swap3A_433 = arith.index_cast %swap3A_432 : i32 to index
        %swap3A_434 = arith.index_cast %add3A_431 : i32 to index
        %swap3A_435 = tpu.vector_load %arg10[%swap3A_433, %swap3A_434] {strides = array<i32>} : memref<4x2048xf32, #tpu.memory_space<vmem>>, vector<16xf32>,
        tpu.vector_store %arg10[%swap3A_433, %swap3A_434], %gather3A_378 {strides = array<i32>} : memref<4x2048xf32, #tpu.memory_space<vmem>>, vector<16xf32>,
        %add3A_436 = arith.constant 112 : i32
        %add3A_437 = arith.addi %mul3A_262, %add3A_436 : i32
        %swap3A_438 = arith.constant 0 : i32
        %swap3A_439 = arith.index_cast %swap3A_438 : i32 to index
        %swap3A_440 = arith.index_cast %add3A_437 : i32 to index
        %swap3A_441 = tpu.vector_load %arg10[%swap3A_439, %swap3A_440] {strides = array<i32>} : memref<4x2048xf32, #tpu.memory_space<vmem>>, vector<16xf32>,
        tpu.vector_store %arg10[%swap3A_439, %swap3A_440], %select_n3A_394 {strides = array<i32>} : memref<4x2048xf32, #tpu.memory_space<vmem>>, vector<16xf32>,
      }
      %scan3A_75 = arith.constant 16 : i32
      %scan3A_76 = arith.constant 0 : i32
      %scan3A_77 = arith.constant 0 : i32
      %scan3A_78 = arith.constant 16 : i32
      %scan3A_79 = arith.addi %scan3A_77, %scan3A_78 : i32
      %scan3A_80 = arith.constant 1 : i32
      scf.for %scan3A_260 = %scan3A_77 to %scan3A_79 step %scan3A_80  : i32 {
        %mul3A_261 = arith.constant 128 : i32
        %mul3A_262 = arith.muli %scan3A_260, %mul3A_261 : i32
        %add3A_263 = arith.constant 0 : i32
        %add3A_264 = arith.addi %mul3A_262, %add3A_263 : i32
        %get3A_265 = arith.constant 1 : i32
        %get3A_266 = arith.index_cast %get3A_265 : i32 to index
        %get3A_267 = arith.index_cast %add3A_264 : i32 to index
        %get3A_268 = tpu.vector_load %arg6[%get3A_266, %get3A_267] {strides = array<i32>} : memref<4x2048xi32, #tpu.memory_space<vmem>>, vector<16xi32>,
        %add3A_269 = arith.constant 16 : i32
        %add3A_270 = arith.addi %mul3A_262, %add3A_269 : i32
        %get3A_271 = arith.constant 1 : i32
        %get3A_272 = arith.index_cast %get3A_271 : i32 to index
        %get3A_273 = arith.index_cast %add3A_270 : i32 to index
        %get3A_274 = tpu.vector_load %arg6[%get3A_272, %get3A_273] {strides = array<i32>} : memref<4x2048xi32, #tpu.memory_space<vmem>>, vector<16xi32>,
        %add3A_275 = arith.constant 32 : i32
        %add3A_276 = arith.addi %mul3A_262, %add3A_275 : i32
        %get3A_277 = arith.constant 1 : i32
        %get3A_278 = arith.index_cast %get3A_277 : i32 to index
        %get3A_279 = arith.index_cast %add3A_276 : i32 to index
        %get3A_280 = tpu.vector_load %arg6[%get3A_278, %get3A_279] {strides = array<i32>} : memref<4x2048xi32, #tpu.memory_space<vmem>>, vector<16xi32>,
        %add3A_281 = arith.constant 48 : i32
        %add3A_282 = arith.addi %mul3A_262, %add3A_281 : i32
        %get3A_283 = arith.constant 1 : i32
        %get3A_284 = arith.index_cast %get3A_283 : i32 to index
        %get3A_285 = arith.index_cast %add3A_282 : i32 to index
        %get3A_286 = tpu.vector_load %arg6[%get3A_284, %get3A_285] {strides = array<i32>} : memref<4x2048xi32, #tpu.memory_space<vmem>>, vector<16xi32>,
        %add3A_287 = arith.constant 64 : i32
        %add3A_288 = arith.addi %mul3A_262, %add3A_287 : i32
        %get3A_289 = arith.constant 1 : i32
        %get3A_290 = arith.index_cast %get3A_289 : i32 to index
        %get3A_291 = arith.index_cast %add3A_288 : i32 to index
        %get3A_292 = tpu.vector_load %arg6[%get3A_290, %get3A_291] {strides = array<i32>} : memref<4x2048xi32, #tpu.memory_space<vmem>>, vector<16xi32>,
        %add3A_293 = arith.constant 80 : i32
        %add3A_294 = arith.addi %mul3A_262, %add3A_293 : i32
        %get3A_295 = arith.constant 1 : i32
        %get3A_296 = arith.index_cast %get3A_295 : i32 to index
        %get3A_297 = arith.index_cast %add3A_294 : i32 to index
        %get3A_298 = tpu.vector_load %arg6[%get3A_296, %get3A_297] {strides = array<i32>} : memref<4x2048xi32, #tpu.memory_space<vmem>>, vector<16xi32>,
        %add3A_299 = arith.constant 96 : i32
        %add3A_300 = arith.addi %mul3A_262, %add3A_299 : i32
        %get3A_301 = arith.constant 1 : i32
        %get3A_302 = arith.index_cast %get3A_301 : i32 to index
        %get3A_303 = arith.index_cast %add3A_300 : i32 to index
        %get3A_304 = tpu.vector_load %arg6[%get3A_302, %get3A_303] {strides = array<i32>} : memref<4x2048xi32, #tpu.memory_space<vmem>>, vector<16xi32>,
        %add3A_305 = arith.constant 112 : i32
        %add3A_306 = arith.addi %mul3A_262, %add3A_305 : i32
        %get3A_307 = arith.constant 1 : i32
        %get3A_308 = arith.index_cast %get3A_307 : i32 to index
        %get3A_309 = arith.index_cast %add3A_306 : i32 to index
        %get3A_310 = tpu.vector_load %arg6[%get3A_308, %get3A_309] {strides = array<i32>} : memref<4x2048xi32, #tpu.memory_space<vmem>>, vector<16xi32>,
        %bitcast3A = vector.bitcast %get3A_268 : vector<16xi32> to vector<16xi32>
        %min3A = arith.constant 4 : i32
        %min3A_311 = vector.broadcast %min3A : i32 to vector<16xi32>
        %min3A_312 = arith.minui %bitcast3A, %min3A_311 : vector<16xi32>
        %bitcast3A_313 = vector.bitcast %min3A_312 : vector<16xi32> to vector<16xi32>
        %gather3A = tpu.vector_load_idx %arg5[%bitcast3A_313] : memref<16xf32, #tpu.memory_space<vmem>>[vector<16xi32>], vector<16xf32>,
        %ge3A_314 = arith.constant 1 : i32
        %ge3A_315 = vector.broadcast %ge3A_314 : i32 to vector<16xi32>
        %ge3A_316 = arith.cmpi sge, %get3A_274, %ge3A_315 : vector<16xi32>
        %select_n3A = arith.select %ge3A_316, %broadcast_in_dim3A_6, %broadcast_in_dim3A : vector<16xi1>, vector<16xf32>
        %ge3A_317 = arith.constant 2 : i32
        %ge3A_318 = vector.broadcast %ge3A_317 : i32 to vector<16xi32>
        %ge3A_319 = arith.cmpi sge, %get3A_274, %ge3A_318 : vector<16xi32>
        %select_n3A_320 = arith.select %ge3A_319, %broadcast_in_dim3A_9, %select_n3A : vector<16xi1>, vector<16xf32>
        %ge3A_321 = arith.constant 3 : i32
        %ge3A_322 = vector.broadcast %ge3A_321 : i32 to vector<16xi32>
        %ge3A_323 = arith.cmpi sge, %get3A_274, %ge3A_322 : vector<16xi32>
        %select_n3A_324 = arith.select %ge3A_323, %broadcast_in_dim3A_12, %select_n3A_320 : vector<16xi1>, vector<16xf32>
        %ge3A_325 = arith.constant 4 : i32
        %ge3A_326 = vector.broadcast %ge3A_325 : i32 to vector<16xi32>
        %ge3A_327 = arith.cmpi sge, %get3A_274, %ge3A_326 : vector<16xi32>
        %select_n3A_328 = arith.select %ge3A_327, %broadcast_in_dim3A_15, %select_n3A_324 : vector<16xi1>, vector<16xf32>
        %bitcast3A_329 = vector.bitcast %get3A_280 : vector<16xi32> to vector<16xi32>
        %min3A_330 = arith.constant 4 : i32
        %min3A_331 = vector.broadcast %min3A_330 : i32 to vector<16xi32>
        %min3A_332 = arith.minui %bitcast3A_329, %min3A_331 : vector<16xi32>
        %bitcast3A_333 = vector.bitcast %min3A_332 : vector<16xi32> to vector<16xi32>
        %gather3A_334 = tpu.vector_load_idx %arg5[%bitcast3A_333] : memref<16xf32, #tpu.memory_space<vmem>>[vector<16xi32>], vector<16xf32>,
        %ge3A_335 = arith.constant 1 : i32
        %ge3A_336 = vector.broadcast %ge3A_335 : i32 to vector<16xi32>
        %ge3A_337 = arith.cmpi sge, %get3A_286, %ge3A_336 : vector<16xi32>
        %select_n3A_338 = arith.select %ge3A_337, %broadcast_in_dim3A_6, %broadcast_in_dim3A : vector<16xi1>, vector<16xf32>
        %ge3A_339 = arith.constant 2 : i32
        %ge3A_340 = vector.broadcast %ge3A_339 : i32 to vector<16xi32>
        %ge3A_341 = arith.cmpi sge, %get3A_286, %ge3A_340 : vector<16xi32>
        %select_n3A_342 = arith.select %ge3A_341, %broadcast_in_dim3A_9, %select_n3A_338 : vector<16xi1>, vector<16xf32>
        %ge3A_343 = arith.constant 3 : i32
        %ge3A_344 = vector.broadcast %ge3A_343 : i32 to vector<16xi32>
        %ge3A_345 = arith.cmpi sge, %get3A_286, %ge3A_344 : vector<16xi32>
        %select_n3A_346 = arith.select %ge3A_345, %broadcast_in_dim3A_12, %select_n3A_342 : vector<16xi1>, vector<16xf32>
        %ge3A_347 = arith.constant 4 : i32
        %ge3A_348 = vector.broadcast %ge3A_347 : i32 to vector<16xi32>
        %ge3A_349 = arith.cmpi sge, %get3A_286, %ge3A_348 : vector<16xi32>
        %select_n3A_350 = arith.select %ge3A_349, %broadcast_in_dim3A_15, %select_n3A_346 : vector<16xi1>, vector<16xf32>
        %bitcast3A_351 = vector.bitcast %get3A_292 : vector<16xi32> to vector<16xi32>
        %min3A_352 = arith.constant 4 : i32
        %min3A_353 = vector.broadcast %min3A_352 : i32 to vector<16xi32>
        %min3A_354 = arith.minui %bitcast3A_351, %min3A_353 : vector<16xi32>
        %bitcast3A_355 = vector.bitcast %min3A_354 : vector<16xi32> to vector<16xi32>
        %gather3A_356 = tpu.vector_load_idx %arg5[%bitcast3A_355] : memref<16xf32, #tpu.memory_space<vmem>>[vector<16xi32>], vector<16xf32>,
        %ge3A_357 = arith.constant 1 : i32
        %ge3A_358 = vector.broadcast %ge3A_357 : i32 to vector<16xi32>
        %ge3A_359 = arith.cmpi sge, %get3A_298, %ge3A_358 : vector<16xi32>
        %select_n3A_360 = arith.select %ge3A_359, %broadcast_in_dim3A_6, %broadcast_in_dim3A : vector<16xi1>, vector<16xf32>
        %ge3A_361 = arith.constant 2 : i32
        %ge3A_362 = vector.broadcast %ge3A_361 : i32 to vector<16xi32>
        %ge3A_363 = arith.cmpi sge, %get3A_298, %ge3A_362 : vector<16xi32>
        %select_n3A_364 = arith.select %ge3A_363, %broadcast_in_dim3A_9, %select_n3A_360 : vector<16xi1>, vector<16xf32>
        %ge3A_365 = arith.constant 3 : i32
        %ge3A_366 = vector.broadcast %ge3A_365 : i32 to vector<16xi32>
        %ge3A_367 = arith.cmpi sge, %get3A_298, %ge3A_366 : vector<16xi32>
        %select_n3A_368 = arith.select %ge3A_367, %broadcast_in_dim3A_12, %select_n3A_364 : vector<16xi1>, vector<16xf32>
        %ge3A_369 = arith.constant 4 : i32
        %ge3A_370 = vector.broadcast %ge3A_369 : i32 to vector<16xi32>
        %ge3A_371 = arith.cmpi sge, %get3A_298, %ge3A_370 : vector<16xi32>
        %select_n3A_372 = arith.select %ge3A_371, %broadcast_in_dim3A_15, %select_n3A_368 : vector<16xi1>, vector<16xf32>
        %bitcast3A_373 = vector.bitcast %get3A_304 : vector<16xi32> to vector<16xi32>
        %min3A_374 = arith.constant 4 : i32
        %min3A_375 = vector.broadcast %min3A_374 : i32 to vector<16xi32>
        %min3A_376 = arith.minui %bitcast3A_373, %min3A_375 : vector<16xi32>
        %bitcast3A_377 = vector.bitcast %min3A_376 : vector<16xi32> to vector<16xi32>
        %gather3A_378 = tpu.vector_load_idx %arg5[%bitcast3A_377] : memref<16xf32, #tpu.memory_space<vmem>>[vector<16xi32>], vector<16xf32>,
        %ge3A_379 = arith.constant 1 : i32
        %ge3A_380 = vector.broadcast %ge3A_379 : i32 to vector<16xi32>
        %ge3A_381 = arith.cmpi sge, %get3A_310, %ge3A_380 : vector<16xi32>
        %select_n3A_382 = arith.select %ge3A_381, %broadcast_in_dim3A_6, %broadcast_in_dim3A : vector<16xi1>, vector<16xf32>
        %ge3A_383 = arith.constant 2 : i32
        %ge3A_384 = vector.broadcast %ge3A_383 : i32 to vector<16xi32>
        %ge3A_385 = arith.cmpi sge, %get3A_310, %ge3A_384 : vector<16xi32>
        %select_n3A_386 = arith.select %ge3A_385, %broadcast_in_dim3A_9, %select_n3A_382 : vector<16xi1>, vector<16xf32>
        %ge3A_387 = arith.constant 3 : i32
        %ge3A_388 = vector.broadcast %ge3A_387 : i32 to vector<16xi32>
        %ge3A_389 = arith.cmpi sge, %get3A_310, %ge3A_388 : vector<16xi32>
        %select_n3A_390 = arith.select %ge3A_389, %broadcast_in_dim3A_12, %select_n3A_386 : vector<16xi1>, vector<16xf32>
        %ge3A_391 = arith.constant 4 : i32
        %ge3A_392 = vector.broadcast %ge3A_391 : i32 to vector<16xi32>
        %ge3A_393 = arith.cmpi sge, %get3A_310, %ge3A_392 : vector<16xi32>
        %select_n3A_394 = arith.select %ge3A_393, %broadcast_in_dim3A_15, %select_n3A_390 : vector<16xi1>, vector<16xf32>
        %add3A_395 = arith.constant 0 : i32
        %add3A_396 = arith.addi %mul3A_262, %add3A_395 : i32
        %swap3A = arith.constant 1 : i32
        %swap3A_397 = arith.index_cast %swap3A : i32 to index
        %swap3A_398 = arith.index_cast %add3A_396 : i32 to index
        %swap3A_399 = tpu.vector_load %arg10[%swap3A_397, %swap3A_398] {strides = array<i32>} : memref<4x2048xf32, #tpu.memory_space<vmem>>, vector<16xf32>,
        tpu.vector_store %arg10[%swap3A_397, %swap3A_398], %gather3A {strides = array<i32>} : memref<4x2048xf32, #tpu.memory_space<vmem>>, vector<16xf32>,
        %add3A_400 = arith.constant 16 : i32
        %add3A_401 = arith.addi %mul3A_262, %add3A_400 : i32
        %swap3A_402 = arith.constant 1 : i32
        %swap3A_403 = arith.index_cast %swap3A_402 : i32 to index
        %swap3A_404 = arith.index_cast %add3A_401 : i32 to index
        %swap3A_405 = tpu.vector_load %arg10[%swap3A_403, %swap3A_404] {strides = array<i32>} : memref<4x2048xf32, #tpu.memory_space<vmem>>, vector<16xf32>,
        tpu.vector_store %arg10[%swap3A_403, %swap3A_404], %select_n3A_328 {strides = array<i32>} : memref<4x2048xf32, #tpu.memory_space<vmem>>, vector<16xf32>,
        %add3A_406 = arith.constant 32 : i32
        %add3A_407 = arith.addi %mul3A_262, %add3A_406 : i32
        %swap3A_408 = arith.constant 1 : i32
        %swap3A_409 = arith.index_cast %swap3A_408 : i32 to index
        %swap3A_410 = arith.index_cast %add3A_407 : i32 to index
        %swap3A_411 = tpu.vector_load %arg10[%swap3A_409, %swap3A_410] {strides = array<i32>} : memref<4x2048xf32, #tpu.memory_space<vmem>>, vector<16xf32>,
        tpu.vector_store %arg10[%swap3A_409, %swap3A_410], %gather3A_334 {strides = array<i32>} : memref<4x2048xf32, #tpu.memory_space<vmem>>, vector<16xf32>,
        %add3A_412 = arith.constant 48 : i32
        %add3A_413 = arith.addi %mul3A_262, %add3A_412 : i32
        %swap3A_414 = arith.constant 1 : i32
        %swap3A_415 = arith.index_cast %swap3A_414 : i32 to index
        %swap3A_416 = arith.index_cast %add3A_413 : i32 to index
        %swap3A_417 = tpu.vector_load %arg10[%swap3A_415, %swap3A_416] {strides = array<i32>} : memref<4x2048xf32, #tpu.memory_space<vmem>>, vector<16xf32>,
        tpu.vector_store %arg10[%swap3A_415, %swap3A_416], %select_n3A_350 {strides = array<i32>} : memref<4x2048xf32, #tpu.memory_space<vmem>>, vector<16xf32>,
        %add3A_418 = arith.constant 64 : i32
        %add3A_419 = arith.addi %mul3A_262, %add3A_418 : i32
        %swap3A_420 = arith.constant 1 : i32
        %swap3A_421 = arith.index_cast %swap3A_420 : i32 to index
        %swap3A_422 = arith.index_cast %add3A_419 : i32 to index
        %swap3A_423 = tpu.vector_load %arg10[%swap3A_421, %swap3A_422] {strides = array<i32>} : memref<4x2048xf32, #tpu.memory_space<vmem>>, vector<16xf32>,
        tpu.vector_store %arg10[%swap3A_421, %swap3A_422], %gather3A_356 {strides = array<i32>} : memref<4x2048xf32, #tpu.memory_space<vmem>>, vector<16xf32>,
        %add3A_424 = arith.constant 80 : i32
        %add3A_425 = arith.addi %mul3A_262, %add3A_424 : i32
        %swap3A_426 = arith.constant 1 : i32
        %swap3A_427 = arith.index_cast %swap3A_426 : i32 to index
        %swap3A_428 = arith.index_cast %add3A_425 : i32 to index
        %swap3A_429 = tpu.vector_load %arg10[%swap3A_427, %swap3A_428] {strides = array<i32>} : memref<4x2048xf32, #tpu.memory_space<vmem>>, vector<16xf32>,
        tpu.vector_store %arg10[%swap3A_427, %swap3A_428], %select_n3A_372 {strides = array<i32>} : memref<4x2048xf32, #tpu.memory_space<vmem>>, vector<16xf32>,
        %add3A_430 = arith.constant 96 : i32
        %add3A_431 = arith.addi %mul3A_262, %add3A_430 : i32
        %swap3A_432 = arith.constant 1 : i32
        %swap3A_433 = arith.index_cast %swap3A_432 : i32 to index
        %swap3A_434 = arith.index_cast %add3A_431 : i32 to index
        %swap3A_435 = tpu.vector_load %arg10[%swap3A_433, %swap3A_434] {strides = array<i32>} : memref<4x2048xf32, #tpu.memory_space<vmem>>, vector<16xf32>,
        tpu.vector_store %arg10[%swap3A_433, %swap3A_434], %gather3A_378 {strides = array<i32>} : memref<4x2048xf32, #tpu.memory_space<vmem>>, vector<16xf32>,
        %add3A_436 = arith.constant 112 : i32
        %add3A_437 = arith.addi %mul3A_262, %add3A_436 : i32
        %swap3A_438 = arith.constant 1 : i32
        %swap3A_439 = arith.index_cast %swap3A_438 : i32 to index
        %swap3A_440 = arith.index_cast %add3A_437 : i32 to index
        %swap3A_441 = tpu.vector_load %arg10[%swap3A_439, %swap3A_440] {strides = array<i32>} : memref<4x2048xf32, #tpu.memory_space<vmem>>, vector<16xf32>,
        tpu.vector_store %arg10[%swap3A_439, %swap3A_440], %select_n3A_394 {strides = array<i32>} : memref<4x2048xf32, #tpu.memory_space<vmem>>, vector<16xf32>,
      }
      %scan3A_81 = arith.constant 16 : i32
      %scan3A_82 = arith.constant 0 : i32
      %scan3A_83 = arith.constant 0 : i32
      %scan3A_84 = arith.constant 16 : i32
      %scan3A_85 = arith.addi %scan3A_83, %scan3A_84 : i32
      %scan3A_86 = arith.constant 1 : i32
      scf.for %scan3A_260 = %scan3A_83 to %scan3A_85 step %scan3A_86  : i32 {
        %mul3A_261 = arith.constant 128 : i32
        %mul3A_262 = arith.muli %scan3A_260, %mul3A_261 : i32
        %add3A_263 = arith.constant 0 : i32
        %add3A_264 = arith.addi %mul3A_262, %add3A_263 : i32
        %get3A_265 = arith.constant 2 : i32
        %get3A_266 = arith.index_cast %get3A_265 : i32 to index
        %get3A_267 = arith.index_cast %add3A_264 : i32 to index
        %get3A_268 = tpu.vector_load %arg6[%get3A_266, %get3A_267] {strides = array<i32>} : memref<4x2048xi32, #tpu.memory_space<vmem>>, vector<16xi32>,
        %add3A_269 = arith.constant 16 : i32
        %add3A_270 = arith.addi %mul3A_262, %add3A_269 : i32
        %get3A_271 = arith.constant 2 : i32
        %get3A_272 = arith.index_cast %get3A_271 : i32 to index
        %get3A_273 = arith.index_cast %add3A_270 : i32 to index
        %get3A_274 = tpu.vector_load %arg6[%get3A_272, %get3A_273] {strides = array<i32>} : memref<4x2048xi32, #tpu.memory_space<vmem>>, vector<16xi32>,
        %add3A_275 = arith.constant 32 : i32
        %add3A_276 = arith.addi %mul3A_262, %add3A_275 : i32
        %get3A_277 = arith.constant 2 : i32
        %get3A_278 = arith.index_cast %get3A_277 : i32 to index
        %get3A_279 = arith.index_cast %add3A_276 : i32 to index
        %get3A_280 = tpu.vector_load %arg6[%get3A_278, %get3A_279] {strides = array<i32>} : memref<4x2048xi32, #tpu.memory_space<vmem>>, vector<16xi32>,
        %add3A_281 = arith.constant 48 : i32
        %add3A_282 = arith.addi %mul3A_262, %add3A_281 : i32
        %get3A_283 = arith.constant 2 : i32
        %get3A_284 = arith.index_cast %get3A_283 : i32 to index
        %get3A_285 = arith.index_cast %add3A_282 : i32 to index
        %get3A_286 = tpu.vector_load %arg6[%get3A_284, %get3A_285] {strides = array<i32>} : memref<4x2048xi32, #tpu.memory_space<vmem>>, vector<16xi32>,
        %add3A_287 = arith.constant 64 : i32
        %add3A_288 = arith.addi %mul3A_262, %add3A_287 : i32
        %get3A_289 = arith.constant 2 : i32
        %get3A_290 = arith.index_cast %get3A_289 : i32 to index
        %get3A_291 = arith.index_cast %add3A_288 : i32 to index
        %get3A_292 = tpu.vector_load %arg6[%get3A_290, %get3A_291] {strides = array<i32>} : memref<4x2048xi32, #tpu.memory_space<vmem>>, vector<16xi32>,
        %add3A_293 = arith.constant 80 : i32
        %add3A_294 = arith.addi %mul3A_262, %add3A_293 : i32
        %get3A_295 = arith.constant 2 : i32
        %get3A_296 = arith.index_cast %get3A_295 : i32 to index
        %get3A_297 = arith.index_cast %add3A_294 : i32 to index
        %get3A_298 = tpu.vector_load %arg6[%get3A_296, %get3A_297] {strides = array<i32>} : memref<4x2048xi32, #tpu.memory_space<vmem>>, vector<16xi32>,
        %add3A_299 = arith.constant 96 : i32
        %add3A_300 = arith.addi %mul3A_262, %add3A_299 : i32
        %get3A_301 = arith.constant 2 : i32
        %get3A_302 = arith.index_cast %get3A_301 : i32 to index
        %get3A_303 = arith.index_cast %add3A_300 : i32 to index
        %get3A_304 = tpu.vector_load %arg6[%get3A_302, %get3A_303] {strides = array<i32>} : memref<4x2048xi32, #tpu.memory_space<vmem>>, vector<16xi32>,
        %add3A_305 = arith.constant 112 : i32
        %add3A_306 = arith.addi %mul3A_262, %add3A_305 : i32
        %get3A_307 = arith.constant 2 : i32
        %get3A_308 = arith.index_cast %get3A_307 : i32 to index
        %get3A_309 = arith.index_cast %add3A_306 : i32 to index
        %get3A_310 = tpu.vector_load %arg6[%get3A_308, %get3A_309] {strides = array<i32>} : memref<4x2048xi32, #tpu.memory_space<vmem>>, vector<16xi32>,
        %bitcast3A = vector.bitcast %get3A_268 : vector<16xi32> to vector<16xi32>
        %min3A = arith.constant 4 : i32
        %min3A_311 = vector.broadcast %min3A : i32 to vector<16xi32>
        %min3A_312 = arith.minui %bitcast3A, %min3A_311 : vector<16xi32>
        %bitcast3A_313 = vector.bitcast %min3A_312 : vector<16xi32> to vector<16xi32>
        %gather3A = tpu.vector_load_idx %arg5[%bitcast3A_313] : memref<16xf32, #tpu.memory_space<vmem>>[vector<16xi32>], vector<16xf32>,
        %ge3A_314 = arith.constant 1 : i32
        %ge3A_315 = vector.broadcast %ge3A_314 : i32 to vector<16xi32>
        %ge3A_316 = arith.cmpi sge, %get3A_274, %ge3A_315 : vector<16xi32>
        %select_n3A = arith.select %ge3A_316, %broadcast_in_dim3A_6, %broadcast_in_dim3A : vector<16xi1>, vector<16xf32>
        %ge3A_317 = arith.constant 2 : i32
        %ge3A_318 = vector.broadcast %ge3A_317 : i32 to vector<16xi32>
        %ge3A_319 = arith.cmpi sge, %get3A_274, %ge3A_318 : vector<16xi32>
        %select_n3A_320 = arith.select %ge3A_319, %broadcast_in_dim3A_9, %select_n3A : vector<16xi1>, vector<16xf32>
        %ge3A_321 = arith.constant 3 : i32
        %ge3A_322 = vector.broadcast %ge3A_321 : i32 to vector<16xi32>
        %ge3A_323 = arith.cmpi sge, %get3A_274, %ge3A_322 : vector<16xi32>
        %select_n3A_324 = arith.select %ge3A_323, %broadcast_in_dim3A_12, %select_n3A_320 : vector<16xi1>, vector<16xf32>
        %ge3A_325 = arith.constant 4 : i32
        %ge3A_326 = vector.broadcast %ge3A_325 : i32 to vector<16xi32>
        %ge3A_327 = arith.cmpi sge, %get3A_274, %ge3A_326 : vector<16xi32>
        %select_n3A_328 = arith.select %ge3A_327, %broadcast_in_dim3A_15, %select_n3A_324 : vector<16xi1>, vector<16xf32>
        %bitcast3A_329 = vector.bitcast %get3A_280 : vector<16xi32> to vector<16xi32>
        %min3A_330 = arith.constant 4 : i32
        %min3A_331 = vector.broadcast %min3A_330 : i32 to vector<16xi32>
        %min3A_332 = arith.minui %bitcast3A_329, %min3A_331 : vector<16xi32>
        %bitcast3A_333 = vector.bitcast %min3A_332 : vector<16xi32> to vector<16xi32>
        %gather3A_334 = tpu.vector_load_idx %arg5[%bitcast3A_333] : memref<16xf32, #tpu.memory_space<vmem>>[vector<16xi32>], vector<16xf32>,
        %ge3A_335 = arith.constant 1 : i32
        %ge3A_336 = vector.broadcast %ge3A_335 : i32 to vector<16xi32>
        %ge3A_337 = arith.cmpi sge, %get3A_286, %ge3A_336 : vector<16xi32>
        %select_n3A_338 = arith.select %ge3A_337, %broadcast_in_dim3A_6, %broadcast_in_dim3A : vector<16xi1>, vector<16xf32>
        %ge3A_339 = arith.constant 2 : i32
        %ge3A_340 = vector.broadcast %ge3A_339 : i32 to vector<16xi32>
        %ge3A_341 = arith.cmpi sge, %get3A_286, %ge3A_340 : vector<16xi32>
        %select_n3A_342 = arith.select %ge3A_341, %broadcast_in_dim3A_9, %select_n3A_338 : vector<16xi1>, vector<16xf32>
        %ge3A_343 = arith.constant 3 : i32
        %ge3A_344 = vector.broadcast %ge3A_343 : i32 to vector<16xi32>
        %ge3A_345 = arith.cmpi sge, %get3A_286, %ge3A_344 : vector<16xi32>
        %select_n3A_346 = arith.select %ge3A_345, %broadcast_in_dim3A_12, %select_n3A_342 : vector<16xi1>, vector<16xf32>
        %ge3A_347 = arith.constant 4 : i32
        %ge3A_348 = vector.broadcast %ge3A_347 : i32 to vector<16xi32>
        %ge3A_349 = arith.cmpi sge, %get3A_286, %ge3A_348 : vector<16xi32>
        %select_n3A_350 = arith.select %ge3A_349, %broadcast_in_dim3A_15, %select_n3A_346 : vector<16xi1>, vector<16xf32>
        %bitcast3A_351 = vector.bitcast %get3A_292 : vector<16xi32> to vector<16xi32>
        %min3A_352 = arith.constant 4 : i32
        %min3A_353 = vector.broadcast %min3A_352 : i32 to vector<16xi32>
        %min3A_354 = arith.minui %bitcast3A_351, %min3A_353 : vector<16xi32>
        %bitcast3A_355 = vector.bitcast %min3A_354 : vector<16xi32> to vector<16xi32>
        %gather3A_356 = tpu.vector_load_idx %arg5[%bitcast3A_355] : memref<16xf32, #tpu.memory_space<vmem>>[vector<16xi32>], vector<16xf32>,
        %ge3A_357 = arith.constant 1 : i32
        %ge3A_358 = vector.broadcast %ge3A_357 : i32 to vector<16xi32>
        %ge3A_359 = arith.cmpi sge, %get3A_298, %ge3A_358 : vector<16xi32>
        %select_n3A_360 = arith.select %ge3A_359, %broadcast_in_dim3A_6, %broadcast_in_dim3A : vector<16xi1>, vector<16xf32>
        %ge3A_361 = arith.constant 2 : i32
        %ge3A_362 = vector.broadcast %ge3A_361 : i32 to vector<16xi32>
        %ge3A_363 = arith.cmpi sge, %get3A_298, %ge3A_362 : vector<16xi32>
        %select_n3A_364 = arith.select %ge3A_363, %broadcast_in_dim3A_9, %select_n3A_360 : vector<16xi1>, vector<16xf32>
        %ge3A_365 = arith.constant 3 : i32
        %ge3A_366 = vector.broadcast %ge3A_365 : i32 to vector<16xi32>
        %ge3A_367 = arith.cmpi sge, %get3A_298, %ge3A_366 : vector<16xi32>
        %select_n3A_368 = arith.select %ge3A_367, %broadcast_in_dim3A_12, %select_n3A_364 : vector<16xi1>, vector<16xf32>
        %ge3A_369 = arith.constant 4 : i32
        %ge3A_370 = vector.broadcast %ge3A_369 : i32 to vector<16xi32>
        %ge3A_371 = arith.cmpi sge, %get3A_298, %ge3A_370 : vector<16xi32>
        %select_n3A_372 = arith.select %ge3A_371, %broadcast_in_dim3A_15, %select_n3A_368 : vector<16xi1>, vector<16xf32>
        %bitcast3A_373 = vector.bitcast %get3A_304 : vector<16xi32> to vector<16xi32>
        %min3A_374 = arith.constant 4 : i32
        %min3A_375 = vector.broadcast %min3A_374 : i32 to vector<16xi32>
        %min3A_376 = arith.minui %bitcast3A_373, %min3A_375 : vector<16xi32>
        %bitcast3A_377 = vector.bitcast %min3A_376 : vector<16xi32> to vector<16xi32>
        %gather3A_378 = tpu.vector_load_idx %arg5[%bitcast3A_377] : memref<16xf32, #tpu.memory_space<vmem>>[vector<16xi32>], vector<16xf32>,
        %ge3A_379 = arith.constant 1 : i32
        %ge3A_380 = vector.broadcast %ge3A_379 : i32 to vector<16xi32>
        %ge3A_381 = arith.cmpi sge, %get3A_310, %ge3A_380 : vector<16xi32>
        %select_n3A_382 = arith.select %ge3A_381, %broadcast_in_dim3A_6, %broadcast_in_dim3A : vector<16xi1>, vector<16xf32>
        %ge3A_383 = arith.constant 2 : i32
        %ge3A_384 = vector.broadcast %ge3A_383 : i32 to vector<16xi32>
        %ge3A_385 = arith.cmpi sge, %get3A_310, %ge3A_384 : vector<16xi32>
        %select_n3A_386 = arith.select %ge3A_385, %broadcast_in_dim3A_9, %select_n3A_382 : vector<16xi1>, vector<16xf32>
        %ge3A_387 = arith.constant 3 : i32
        %ge3A_388 = vector.broadcast %ge3A_387 : i32 to vector<16xi32>
        %ge3A_389 = arith.cmpi sge, %get3A_310, %ge3A_388 : vector<16xi32>
        %select_n3A_390 = arith.select %ge3A_389, %broadcast_in_dim3A_12, %select_n3A_386 : vector<16xi1>, vector<16xf32>
        %ge3A_391 = arith.constant 4 : i32
        %ge3A_392 = vector.broadcast %ge3A_391 : i32 to vector<16xi32>
        %ge3A_393 = arith.cmpi sge, %get3A_310, %ge3A_392 : vector<16xi32>
        %select_n3A_394 = arith.select %ge3A_393, %broadcast_in_dim3A_15, %select_n3A_390 : vector<16xi1>, vector<16xf32>
        %add3A_395 = arith.constant 0 : i32
        %add3A_396 = arith.addi %mul3A_262, %add3A_395 : i32
        %swap3A = arith.constant 2 : i32
        %swap3A_397 = arith.index_cast %swap3A : i32 to index
        %swap3A_398 = arith.index_cast %add3A_396 : i32 to index
        %swap3A_399 = tpu.vector_load %arg10[%swap3A_397, %swap3A_398] {strides = array<i32>} : memref<4x2048xf32, #tpu.memory_space<vmem>>, vector<16xf32>,
        tpu.vector_store %arg10[%swap3A_397, %swap3A_398], %gather3A {strides = array<i32>} : memref<4x2048xf32, #tpu.memory_space<vmem>>, vector<16xf32>,
        %add3A_400 = arith.constant 16 : i32
        %add3A_401 = arith.addi %mul3A_262, %add3A_400 : i32
        %swap3A_402 = arith.constant 2 : i32
        %swap3A_403 = arith.index_cast %swap3A_402 : i32 to index
        %swap3A_404 = arith.index_cast %add3A_401 : i32 to index
        %swap3A_405 = tpu.vector_load %arg10[%swap3A_403, %swap3A_404] {strides = array<i32>} : memref<4x2048xf32, #tpu.memory_space<vmem>>, vector<16xf32>,
        tpu.vector_store %arg10[%swap3A_403, %swap3A_404], %select_n3A_328 {strides = array<i32>} : memref<4x2048xf32, #tpu.memory_space<vmem>>, vector<16xf32>,
        %add3A_406 = arith.constant 32 : i32
        %add3A_407 = arith.addi %mul3A_262, %add3A_406 : i32
        %swap3A_408 = arith.constant 2 : i32
        %swap3A_409 = arith.index_cast %swap3A_408 : i32 to index
        %swap3A_410 = arith.index_cast %add3A_407 : i32 to index
        %swap3A_411 = tpu.vector_load %arg10[%swap3A_409, %swap3A_410] {strides = array<i32>} : memref<4x2048xf32, #tpu.memory_space<vmem>>, vector<16xf32>,
        tpu.vector_store %arg10[%swap3A_409, %swap3A_410], %gather3A_334 {strides = array<i32>} : memref<4x2048xf32, #tpu.memory_space<vmem>>, vector<16xf32>,
        %add3A_412 = arith.constant 48 : i32
        %add3A_413 = arith.addi %mul3A_262, %add3A_412 : i32
        %swap3A_414 = arith.constant 2 : i32
        %swap3A_415 = arith.index_cast %swap3A_414 : i32 to index
        %swap3A_416 = arith.index_cast %add3A_413 : i32 to index
        %swap3A_417 = tpu.vector_load %arg10[%swap3A_415, %swap3A_416] {strides = array<i32>} : memref<4x2048xf32, #tpu.memory_space<vmem>>, vector<16xf32>,
        tpu.vector_store %arg10[%swap3A_415, %swap3A_416], %select_n3A_350 {strides = array<i32>} : memref<4x2048xf32, #tpu.memory_space<vmem>>, vector<16xf32>,
        %add3A_418 = arith.constant 64 : i32
        %add3A_419 = arith.addi %mul3A_262, %add3A_418 : i32
        %swap3A_420 = arith.constant 2 : i32
        %swap3A_421 = arith.index_cast %swap3A_420 : i32 to index
        %swap3A_422 = arith.index_cast %add3A_419 : i32 to index
        %swap3A_423 = tpu.vector_load %arg10[%swap3A_421, %swap3A_422] {strides = array<i32>} : memref<4x2048xf32, #tpu.memory_space<vmem>>, vector<16xf32>,
        tpu.vector_store %arg10[%swap3A_421, %swap3A_422], %gather3A_356 {strides = array<i32>} : memref<4x2048xf32, #tpu.memory_space<vmem>>, vector<16xf32>,
        %add3A_424 = arith.constant 80 : i32
        %add3A_425 = arith.addi %mul3A_262, %add3A_424 : i32
        %swap3A_426 = arith.constant 2 : i32
        %swap3A_427 = arith.index_cast %swap3A_426 : i32 to index
        %swap3A_428 = arith.index_cast %add3A_425 : i32 to index
        %swap3A_429 = tpu.vector_load %arg10[%swap3A_427, %swap3A_428] {strides = array<i32>} : memref<4x2048xf32, #tpu.memory_space<vmem>>, vector<16xf32>,
        tpu.vector_store %arg10[%swap3A_427, %swap3A_428], %select_n3A_372 {strides = array<i32>} : memref<4x2048xf32, #tpu.memory_space<vmem>>, vector<16xf32>,
        %add3A_430 = arith.constant 96 : i32
        %add3A_431 = arith.addi %mul3A_262, %add3A_430 : i32
        %swap3A_432 = arith.constant 2 : i32
        %swap3A_433 = arith.index_cast %swap3A_432 : i32 to index
        %swap3A_434 = arith.index_cast %add3A_431 : i32 to index
        %swap3A_435 = tpu.vector_load %arg10[%swap3A_433, %swap3A_434] {strides = array<i32>} : memref<4x2048xf32, #tpu.memory_space<vmem>>, vector<16xf32>,
        tpu.vector_store %arg10[%swap3A_433, %swap3A_434], %gather3A_378 {strides = array<i32>} : memref<4x2048xf32, #tpu.memory_space<vmem>>, vector<16xf32>,
        %add3A_436 = arith.constant 112 : i32
        %add3A_437 = arith.addi %mul3A_262, %add3A_436 : i32
        %swap3A_438 = arith.constant 2 : i32
        %swap3A_439 = arith.index_cast %swap3A_438 : i32 to index
        %swap3A_440 = arith.index_cast %add3A_437 : i32 to index
        %swap3A_441 = tpu.vector_load %arg10[%swap3A_439, %swap3A_440] {strides = array<i32>} : memref<4x2048xf32, #tpu.memory_space<vmem>>, vector<16xf32>,
        tpu.vector_store %arg10[%swap3A_439, %swap3A_440], %select_n3A_394 {strides = array<i32>} : memref<4x2048xf32, #tpu.memory_space<vmem>>, vector<16xf32>,
      }
      %scan3A_87 = arith.constant 16 : i32
      %scan3A_88 = arith.constant 0 : i32
      %scan3A_89 = arith.constant 0 : i32
      %scan3A_90 = arith.constant 16 : i32
      %scan3A_91 = arith.addi %scan3A_89, %scan3A_90 : i32
      %scan3A_92 = arith.constant 1 : i32
      scf.for %scan3A_260 = %scan3A_89 to %scan3A_91 step %scan3A_92  : i32 {
        %mul3A_261 = arith.constant 128 : i32
        %mul3A_262 = arith.muli %scan3A_260, %mul3A_261 : i32
        %add3A_263 = arith.constant 0 : i32
        %add3A_264 = arith.addi %mul3A_262, %add3A_263 : i32
        %get3A_265 = arith.constant 3 : i32
        %get3A_266 = arith.index_cast %get3A_265 : i32 to index
        %get3A_267 = arith.index_cast %add3A_264 : i32 to index
        %get3A_268 = tpu.vector_load %arg6[%get3A_266, %get3A_267] {strides = array<i32>} : memref<4x2048xi32, #tpu.memory_space<vmem>>, vector<16xi32>,
        %add3A_269 = arith.constant 16 : i32
        %add3A_270 = arith.addi %mul3A_262, %add3A_269 : i32
        %get3A_271 = arith.constant 3 : i32
        %get3A_272 = arith.index_cast %get3A_271 : i32 to index
        %get3A_273 = arith.index_cast %add3A_270 : i32 to index
        %get3A_274 = tpu.vector_load %arg6[%get3A_272, %get3A_273] {strides = array<i32>} : memref<4x2048xi32, #tpu.memory_space<vmem>>, vector<16xi32>,
        %add3A_275 = arith.constant 32 : i32
        %add3A_276 = arith.addi %mul3A_262, %add3A_275 : i32
        %get3A_277 = arith.constant 3 : i32
        %get3A_278 = arith.index_cast %get3A_277 : i32 to index
        %get3A_279 = arith.index_cast %add3A_276 : i32 to index
        %get3A_280 = tpu.vector_load %arg6[%get3A_278, %get3A_279] {strides = array<i32>} : memref<4x2048xi32, #tpu.memory_space<vmem>>, vector<16xi32>,
        %add3A_281 = arith.constant 48 : i32
        %add3A_282 = arith.addi %mul3A_262, %add3A_281 : i32
        %get3A_283 = arith.constant 3 : i32
        %get3A_284 = arith.index_cast %get3A_283 : i32 to index
        %get3A_285 = arith.index_cast %add3A_282 : i32 to index
        %get3A_286 = tpu.vector_load %arg6[%get3A_284, %get3A_285] {strides = array<i32>} : memref<4x2048xi32, #tpu.memory_space<vmem>>, vector<16xi32>,
        %add3A_287 = arith.constant 64 : i32
        %add3A_288 = arith.addi %mul3A_262, %add3A_287 : i32
        %get3A_289 = arith.constant 3 : i32
        %get3A_290 = arith.index_cast %get3A_289 : i32 to index
        %get3A_291 = arith.index_cast %add3A_288 : i32 to index
        %get3A_292 = tpu.vector_load %arg6[%get3A_290, %get3A_291] {strides = array<i32>} : memref<4x2048xi32, #tpu.memory_space<vmem>>, vector<16xi32>,
        %add3A_293 = arith.constant 80 : i32
        %add3A_294 = arith.addi %mul3A_262, %add3A_293 : i32
        %get3A_295 = arith.constant 3 : i32
        %get3A_296 = arith.index_cast %get3A_295 : i32 to index
        %get3A_297 = arith.index_cast %add3A_294 : i32 to index
        %get3A_298 = tpu.vector_load %arg6[%get3A_296, %get3A_297] {strides = array<i32>} : memref<4x2048xi32, #tpu.memory_space<vmem>>, vector<16xi32>,
        %add3A_299 = arith.constant 96 : i32
        %add3A_300 = arith.addi %mul3A_262, %add3A_299 : i32
        %get3A_301 = arith.constant 3 : i32
        %get3A_302 = arith.index_cast %get3A_301 : i32 to index
        %get3A_303 = arith.index_cast %add3A_300 : i32 to index
        %get3A_304 = tpu.vector_load %arg6[%get3A_302, %get3A_303] {strides = array<i32>} : memref<4x2048xi32, #tpu.memory_space<vmem>>, vector<16xi32>,
        %add3A_305 = arith.constant 112 : i32
        %add3A_306 = arith.addi %mul3A_262, %add3A_305 : i32
        %get3A_307 = arith.constant 3 : i32
        %get3A_308 = arith.index_cast %get3A_307 : i32 to index
        %get3A_309 = arith.index_cast %add3A_306 : i32 to index
        %get3A_310 = tpu.vector_load %arg6[%get3A_308, %get3A_309] {strides = array<i32>} : memref<4x2048xi32, #tpu.memory_space<vmem>>, vector<16xi32>,
        %bitcast3A = vector.bitcast %get3A_268 : vector<16xi32> to vector<16xi32>
        %min3A = arith.constant 4 : i32
        %min3A_311 = vector.broadcast %min3A : i32 to vector<16xi32>
        %min3A_312 = arith.minui %bitcast3A, %min3A_311 : vector<16xi32>
        %bitcast3A_313 = vector.bitcast %min3A_312 : vector<16xi32> to vector<16xi32>
        %gather3A = tpu.vector_load_idx %arg5[%bitcast3A_313] : memref<16xf32, #tpu.memory_space<vmem>>[vector<16xi32>], vector<16xf32>,
        %ge3A_314 = arith.constant 1 : i32
        %ge3A_315 = vector.broadcast %ge3A_314 : i32 to vector<16xi32>
        %ge3A_316 = arith.cmpi sge, %get3A_274, %ge3A_315 : vector<16xi32>
        %select_n3A = arith.select %ge3A_316, %broadcast_in_dim3A_6, %broadcast_in_dim3A : vector<16xi1>, vector<16xf32>
        %ge3A_317 = arith.constant 2 : i32
        %ge3A_318 = vector.broadcast %ge3A_317 : i32 to vector<16xi32>
        %ge3A_319 = arith.cmpi sge, %get3A_274, %ge3A_318 : vector<16xi32>
        %select_n3A_320 = arith.select %ge3A_319, %broadcast_in_dim3A_9, %select_n3A : vector<16xi1>, vector<16xf32>
        %ge3A_321 = arith.constant 3 : i32
        %ge3A_322 = vector.broadcast %ge3A_321 : i32 to vector<16xi32>
        %ge3A_323 = arith.cmpi sge, %get3A_274, %ge3A_322 : vector<16xi32>
        %select_n3A_324 = arith.select %ge3A_323, %broadcast_in_dim3A_12, %select_n3A_320 : vector<16xi1>, vector<16xf32>
        %ge3A_325 = arith.constant 4 : i32
        %ge3A_326 = vector.broadcast %ge3A_325 : i32 to vector<16xi32>
        %ge3A_327 = arith.cmpi sge, %get3A_274, %ge3A_326 : vector<16xi32>
        %select_n3A_328 = arith.select %ge3A_327, %broadcast_in_dim3A_15, %select_n3A_324 : vector<16xi1>, vector<16xf32>
        %bitcast3A_329 = vector.bitcast %get3A_280 : vector<16xi32> to vector<16xi32>
        %min3A_330 = arith.constant 4 : i32
        %min3A_331 = vector.broadcast %min3A_330 : i32 to vector<16xi32>
        %min3A_332 = arith.minui %bitcast3A_329, %min3A_331 : vector<16xi32>
        %bitcast3A_333 = vector.bitcast %min3A_332 : vector<16xi32> to vector<16xi32>
        %gather3A_334 = tpu.vector_load_idx %arg5[%bitcast3A_333] : memref<16xf32, #tpu.memory_space<vmem>>[vector<16xi32>], vector<16xf32>,
        %ge3A_335 = arith.constant 1 : i32
        %ge3A_336 = vector.broadcast %ge3A_335 : i32 to vector<16xi32>
        %ge3A_337 = arith.cmpi sge, %get3A_286, %ge3A_336 : vector<16xi32>
        %select_n3A_338 = arith.select %ge3A_337, %broadcast_in_dim3A_6, %broadcast_in_dim3A : vector<16xi1>, vector<16xf32>
        %ge3A_339 = arith.constant 2 : i32
        %ge3A_340 = vector.broadcast %ge3A_339 : i32 to vector<16xi32>
        %ge3A_341 = arith.cmpi sge, %get3A_286, %ge3A_340 : vector<16xi32>
        %select_n3A_342 = arith.select %ge3A_341, %broadcast_in_dim3A_9, %select_n3A_338 : vector<16xi1>, vector<16xf32>
        %ge3A_343 = arith.constant 3 : i32
        %ge3A_344 = vector.broadcast %ge3A_343 : i32 to vector<16xi32>
        %ge3A_345 = arith.cmpi sge, %get3A_286, %ge3A_344 : vector<16xi32>
        %select_n3A_346 = arith.select %ge3A_345, %broadcast_in_dim3A_12, %select_n3A_342 : vector<16xi1>, vector<16xf32>
        %ge3A_347 = arith.constant 4 : i32
        %ge3A_348 = vector.broadcast %ge3A_347 : i32 to vector<16xi32>
        %ge3A_349 = arith.cmpi sge, %get3A_286, %ge3A_348 : vector<16xi32>
        %select_n3A_350 = arith.select %ge3A_349, %broadcast_in_dim3A_15, %select_n3A_346 : vector<16xi1>, vector<16xf32>
        %bitcast3A_351 = vector.bitcast %get3A_292 : vector<16xi32> to vector<16xi32>
        %min3A_352 = arith.constant 4 : i32
        %min3A_353 = vector.broadcast %min3A_352 : i32 to vector<16xi32>
        %min3A_354 = arith.minui %bitcast3A_351, %min3A_353 : vector<16xi32>
        %bitcast3A_355 = vector.bitcast %min3A_354 : vector<16xi32> to vector<16xi32>
        %gather3A_356 = tpu.vector_load_idx %arg5[%bitcast3A_355] : memref<16xf32, #tpu.memory_space<vmem>>[vector<16xi32>], vector<16xf32>,
        %ge3A_357 = arith.constant 1 : i32
        %ge3A_358 = vector.broadcast %ge3A_357 : i32 to vector<16xi32>
        %ge3A_359 = arith.cmpi sge, %get3A_298, %ge3A_358 : vector<16xi32>
        %select_n3A_360 = arith.select %ge3A_359, %broadcast_in_dim3A_6, %broadcast_in_dim3A : vector<16xi1>, vector<16xf32>
        %ge3A_361 = arith.constant 2 : i32
        %ge3A_362 = vector.broadcast %ge3A_361 : i32 to vector<16xi32>
        %ge3A_363 = arith.cmpi sge, %get3A_298, %ge3A_362 : vector<16xi32>
        %select_n3A_364 = arith.select %ge3A_363, %broadcast_in_dim3A_9, %select_n3A_360 : vector<16xi1>, vector<16xf32>
        %ge3A_365 = arith.constant 3 : i32
        %ge3A_366 = vector.broadcast %ge3A_365 : i32 to vector<16xi32>
        %ge3A_367 = arith.cmpi sge, %get3A_298, %ge3A_366 : vector<16xi32>
        %select_n3A_368 = arith.select %ge3A_367, %broadcast_in_dim3A_12, %select_n3A_364 : vector<16xi1>, vector<16xf32>
        %ge3A_369 = arith.constant 4 : i32
        %ge3A_370 = vector.broadcast %ge3A_369 : i32 to vector<16xi32>
        %ge3A_371 = arith.cmpi sge, %get3A_298, %ge3A_370 : vector<16xi32>
        %select_n3A_372 = arith.select %ge3A_371, %broadcast_in_dim3A_15, %select_n3A_368 : vector<16xi1>, vector<16xf32>
        %bitcast3A_373 = vector.bitcast %get3A_304 : vector<16xi32> to vector<16xi32>
        %min3A_374 = arith.constant 4 : i32
        %min3A_375 = vector.broadcast %min3A_374 : i32 to vector<16xi32>
        %min3A_376 = arith.minui %bitcast3A_373, %min3A_375 : vector<16xi32>
        %bitcast3A_377 = vector.bitcast %min3A_376 : vector<16xi32> to vector<16xi32>
        %gather3A_378 = tpu.vector_load_idx %arg5[%bitcast3A_377] : memref<16xf32, #tpu.memory_space<vmem>>[vector<16xi32>], vector<16xf32>,
        %ge3A_379 = arith.constant 1 : i32
        %ge3A_380 = vector.broadcast %ge3A_379 : i32 to vector<16xi32>
        %ge3A_381 = arith.cmpi sge, %get3A_310, %ge3A_380 : vector<16xi32>
        %select_n3A_382 = arith.select %ge3A_381, %broadcast_in_dim3A_6, %broadcast_in_dim3A : vector<16xi1>, vector<16xf32>
        %ge3A_383 = arith.constant 2 : i32
        %ge3A_384 = vector.broadcast %ge3A_383 : i32 to vector<16xi32>
        %ge3A_385 = arith.cmpi sge, %get3A_310, %ge3A_384 : vector<16xi32>
        %select_n3A_386 = arith.select %ge3A_385, %broadcast_in_dim3A_9, %select_n3A_382 : vector<16xi1>, vector<16xf32>
        %ge3A_387 = arith.constant 3 : i32
        %ge3A_388 = vector.broadcast %ge3A_387 : i32 to vector<16xi32>
        %ge3A_389 = arith.cmpi sge, %get3A_310, %ge3A_388 : vector<16xi32>
        %select_n3A_390 = arith.select %ge3A_389, %broadcast_in_dim3A_12, %select_n3A_386 : vector<16xi1>, vector<16xf32>
        %ge3A_391 = arith.constant 4 : i32
        %ge3A_392 = vector.broadcast %ge3A_391 : i32 to vector<16xi32>
        %ge3A_393 = arith.cmpi sge, %get3A_310, %ge3A_392 : vector<16xi32>
        %select_n3A_394 = arith.select %ge3A_393, %broadcast_in_dim3A_15, %select_n3A_390 : vector<16xi1>, vector<16xf32>
        %add3A_395 = arith.constant 0 : i32
        %add3A_396 = arith.addi %mul3A_262, %add3A_395 : i32
        %swap3A = arith.constant 3 : i32
        %swap3A_397 = arith.index_cast %swap3A : i32 to index
        %swap3A_398 = arith.index_cast %add3A_396 : i32 to index
        %swap3A_399 = tpu.vector_load %arg10[%swap3A_397, %swap3A_398] {strides = array<i32>} : memref<4x2048xf32, #tpu.memory_space<vmem>>, vector<16xf32>,
        tpu.vector_store %arg10[%swap3A_397, %swap3A_398], %gather3A {strides = array<i32>} : memref<4x2048xf32, #tpu.memory_space<vmem>>, vector<16xf32>,
        %add3A_400 = arith.constant 16 : i32
        %add3A_401 = arith.addi %mul3A_262, %add3A_400 : i32
        %swap3A_402 = arith.constant 3 : i32
        %swap3A_403 = arith.index_cast %swap3A_402 : i32 to index
        %swap3A_404 = arith.index_cast %add3A_401 : i32 to index
        %swap3A_405 = tpu.vector_load %arg10[%swap3A_403, %swap3A_404] {strides = array<i32>} : memref<4x2048xf32, #tpu.memory_space<vmem>>, vector<16xf32>,
        tpu.vector_store %arg10[%swap3A_403, %swap3A_404], %select_n3A_328 {strides = array<i32>} : memref<4x2048xf32, #tpu.memory_space<vmem>>, vector<16xf32>,
        %add3A_406 = arith.constant 32 : i32
        %add3A_407 = arith.addi %mul3A_262, %add3A_406 : i32
        %swap3A_408 = arith.constant 3 : i32
        %swap3A_409 = arith.index_cast %swap3A_408 : i32 to index
        %swap3A_410 = arith.index_cast %add3A_407 : i32 to index
        %swap3A_411 = tpu.vector_load %arg10[%swap3A_409, %swap3A_410] {strides = array<i32>} : memref<4x2048xf32, #tpu.memory_space<vmem>>, vector<16xf32>,
        tpu.vector_store %arg10[%swap3A_409, %swap3A_410], %gather3A_334 {strides = array<i32>} : memref<4x2048xf32, #tpu.memory_space<vmem>>, vector<16xf32>,
        %add3A_412 = arith.constant 48 : i32
        %add3A_413 = arith.addi %mul3A_262, %add3A_412 : i32
        %swap3A_414 = arith.constant 3 : i32
        %swap3A_415 = arith.index_cast %swap3A_414 : i32 to index
        %swap3A_416 = arith.index_cast %add3A_413 : i32 to index
        %swap3A_417 = tpu.vector_load %arg10[%swap3A_415, %swap3A_416] {strides = array<i32>} : memref<4x2048xf32, #tpu.memory_space<vmem>>, vector<16xf32>,
        tpu.vector_store %arg10[%swap3A_415, %swap3A_416], %select_n3A_350 {strides = array<i32>} : memref<4x2048xf32, #tpu.memory_space<vmem>>, vector<16xf32>,
        %add3A_418 = arith.constant 64 : i32
        %add3A_419 = arith.addi %mul3A_262, %add3A_418 : i32
        %swap3A_420 = arith.constant 3 : i32
        %swap3A_421 = arith.index_cast %swap3A_420 : i32 to index
        %swap3A_422 = arith.index_cast %add3A_419 : i32 to index
        %swap3A_423 = tpu.vector_load %arg10[%swap3A_421, %swap3A_422] {strides = array<i32>} : memref<4x2048xf32, #tpu.memory_space<vmem>>, vector<16xf32>,
        tpu.vector_store %arg10[%swap3A_421, %swap3A_422], %gather3A_356 {strides = array<i32>} : memref<4x2048xf32, #tpu.memory_space<vmem>>, vector<16xf32>,
        %add3A_424 = arith.constant 80 : i32
        %add3A_425 = arith.addi %mul3A_262, %add3A_424 : i32
        %swap3A_426 = arith.constant 3 : i32
        %swap3A_427 = arith.index_cast %swap3A_426 : i32 to index
        %swap3A_428 = arith.index_cast %add3A_425 : i32 to index
        %swap3A_429 = tpu.vector_load %arg10[%swap3A_427, %swap3A_428] {strides = array<i32>} : memref<4x2048xf32, #tpu.memory_space<vmem>>, vector<16xf32>,
        tpu.vector_store %arg10[%swap3A_427, %swap3A_428], %select_n3A_372 {strides = array<i32>} : memref<4x2048xf32, #tpu.memory_space<vmem>>, vector<16xf32>,
        %add3A_430 = arith.constant 96 : i32
        %add3A_431 = arith.addi %mul3A_262, %add3A_430 : i32
        %swap3A_432 = arith.constant 3 : i32
        %swap3A_433 = arith.index_cast %swap3A_432 : i32 to index
        %swap3A_434 = arith.index_cast %add3A_431 : i32 to index
        %swap3A_435 = tpu.vector_load %arg10[%swap3A_433, %swap3A_434] {strides = array<i32>} : memref<4x2048xf32, #tpu.memory_space<vmem>>, vector<16xf32>,
        tpu.vector_store %arg10[%swap3A_433, %swap3A_434], %gather3A_378 {strides = array<i32>} : memref<4x2048xf32, #tpu.memory_space<vmem>>, vector<16xf32>,
        %add3A_436 = arith.constant 112 : i32
        %add3A_437 = arith.addi %mul3A_262, %add3A_436 : i32
        %swap3A_438 = arith.constant 3 : i32
        %swap3A_439 = arith.index_cast %swap3A_438 : i32 to index
        %swap3A_440 = arith.index_cast %add3A_437 : i32 to index
        %swap3A_441 = tpu.vector_load %arg10[%swap3A_439, %swap3A_440] {strides = array<i32>} : memref<4x2048xf32, #tpu.memory_space<vmem>>, vector<16xf32>,
        tpu.vector_store %arg10[%swap3A_439, %swap3A_440], %select_n3A_394 {strides = array<i32>} : memref<4x2048xf32, #tpu.memory_space<vmem>>, vector<16xf32>,
      }
      %scan3A_93 = arith.constant 16 : i32
      %mul3A_94 = arith.constant 4 : i32
      %mul3A_95 = arith.muli %add3A_63, %mul3A_94 : i32
      %add3A_96 = arith.addi %mul3A_2, %mul3A_95 : i32
      %dma_start3A_97 = arith.constant 0 : i32
      %dma_start3A_98 = tpu.memref_slice %arg4[%add3A_96, %dma_start3A_97] : memref<8192x2048xf32, #tpu.memory_space<hbm>> -> memref<4x2048xf32, #tpu.memory_space<hbm>>
      %dma_start3A_99 = arith.constant 0 : i32
      %dma_start3A_100 = tpu.memref_slice %arg4[%add3A_96, %dma_start3A_99] : memref<8192x2048xf32, #tpu.memory_space<hbm>> -> memref<4x2048xf32, #tpu.memory_space<hbm>>
      tpu.enqueue_dma source(%arg10 : memref<4x2048xf32, #tpu.memory_space<vmem>>) target(%dma_start3A_100 : memref<4x2048xf32, #tpu.memory_space<hbm>>) target_semaphore(%arg18 : memref<!tpu.dma_semaphore, #tpu.memory_space<semaphore_mem>>)
      %add3A_101 = arith.constant 4 : i32
      %add3A_102 = arith.addi %add3A_63, %add3A_101 : i32
      %lt3A = arith.constant 64 : i32
      %lt3A_103 = arith.cmpi slt, %add3A_102, %lt3A : i32
      %convert_element_type3A_104 = arith.extui %lt3A_103 : i1 to i32
      %cond3A_105 = arith.constant 0 : i32
      %cond3A_106 = arith.cmpi ne, %convert_element_type3A_104, %cond3A_105 : i32
      scf.if %cond3A_106 {
        %add3A_260 = arith.constant 4 : i32
        %add3A_261 = arith.addi %add3A_63, %add3A_260 : i32
        %mul3A_262 = arith.constant 4 : i32
        %mul3A_263 = arith.muli %add3A_261, %mul3A_262 : i32
        %add3A_264 = arith.addi %mul3A_2, %mul3A_263 : i32
        %dma_start3A_265 = arith.constant 0 : i32
        %dma_start3A_266 = tpu.memref_slice %arg2[%add3A_264, %dma_start3A_265] : memref<8192x2048xi32, #tpu.memory_space<hbm>> -> memref<4x2048xi32, #tpu.memory_space<hbm>>
        %dma_start3A_267 = arith.constant 0 : i32
        %dma_start3A_268 = tpu.memref_slice %arg2[%add3A_264, %dma_start3A_267] : memref<8192x2048xi32, #tpu.memory_space<hbm>> -> memref<4x2048xi32, #tpu.memory_space<hbm>>
        tpu.enqueue_dma source(%dma_start3A_268 : memref<4x2048xi32, #tpu.memory_space<hbm>>) target(%arg6 : memref<4x2048xi32, #tpu.memory_space<vmem>>) target_semaphore(%arg14 : memref<!tpu.dma_semaphore, #tpu.memory_space<semaphore_mem>>)
      } else {
      }
      %mul3A_107 = arith.constant 4 : i32
      %mul3A_108 = arith.muli %scan3A_59, %mul3A_107 : i32
      %add3A_109 = arith.constant 1 : i32
      %add3A_110 = arith.addi %mul3A_108, %add3A_109 : i32
      %dma_wait3A_111 = arith.constant 0 : i32
      %dma_wait3A_112 = tpu.memref_slice %arg2[%mul3A_2, %dma_wait3A_111] : memref<8192x2048xi32, #tpu.memory_space<hbm>> -> memref<4x2048xi32, #tpu.memory_space<hbm>>
      %dma_wait3A_113 = arith.constant 0 : i32
      %dma_wait3A_114 = tpu.memref_slice %arg2[%mul3A_2, %dma_wait3A_113] : memref<8192x2048xi32, #tpu.memory_space<hbm>> -> memref<4x2048xi32, #tpu.memory_space<hbm>>
      tpu.wait_dma2 semaphore(%arg15 : memref<!tpu.dma_semaphore, #tpu.memory_space<semaphore_mem>>) src(%dma_wait3A_114 : memref<4x2048xi32, #tpu.memory_space<hbm>>) dst(%arg7 : memref<4x2048xi32, #tpu.memory_space<vmem>>)
      %ge3A_115 = arith.constant 4 : i32
      %ge3A_116 = arith.cmpi sge, %add3A_110, %ge3A_115 : i32
      %convert_element_type3A_117 = arith.extui %ge3A_116 : i1 to i32
      %cond3A_118 = arith.constant 0 : i32
      %cond3A_119 = arith.cmpi ne, %convert_element_type3A_117, %cond3A_118 : i32
      scf.if %cond3A_119 {
        %dma_wait3A_260 = arith.constant 0 : i32
        %dma_wait3A_261 = tpu.memref_slice %arg4[%mul3A_2, %dma_wait3A_260] : memref<8192x2048xf32, #tpu.memory_space<hbm>> -> memref<4x2048xf32, #tpu.memory_space<hbm>>
        %dma_wait3A_262 = arith.constant 0 : i32
        %dma_wait3A_263 = tpu.memref_slice %arg4[%mul3A_2, %dma_wait3A_262] : memref<8192x2048xf32, #tpu.memory_space<hbm>> -> memref<4x2048xf32, #tpu.memory_space<hbm>>
        tpu.wait_dma2 semaphore(%arg19 : memref<!tpu.dma_semaphore, #tpu.memory_space<semaphore_mem>>) src(%arg11 : memref<4x2048xf32, #tpu.memory_space<vmem>>) dst(%dma_wait3A_263 : memref<4x2048xf32, #tpu.memory_space<hbm>>)
      } else {
      }
      %scan3A_120 = arith.constant 0 : i32
      %scan3A_121 = arith.constant 0 : i32
      %scan3A_122 = arith.constant 16 : i32
      %scan3A_123 = arith.addi %scan3A_121, %scan3A_122 : i32
      %scan3A_124 = arith.constant 1 : i32
      scf.for %scan3A_260 = %scan3A_121 to %scan3A_123 step %scan3A_124  : i32 {
        %mul3A_261 = arith.constant 128 : i32
        %mul3A_262 = arith.muli %scan3A_260, %mul3A_261 : i32
        %add3A_263 = arith.constant 0 : i32
        %add3A_264 = arith.addi %mul3A_262, %add3A_263 : i32
        %get3A_265 = arith.constant 0 : i32
        %get3A_266 = arith.index_cast %get3A_265 : i32 to index
        %get3A_267 = arith.index_cast %add3A_264 : i32 to index
        %get3A_268 = tpu.vector_load %arg7[%get3A_266, %get3A_267] {strides = array<i32>} : memref<4x2048xi32, #tpu.memory_space<vmem>>, vector<16xi32>,
        %add3A_269 = arith.constant 16 : i32
        %add3A_270 = arith.addi %mul3A_262, %add3A_269 : i32
        %get3A_271 = arith.constant 0 : i32
        %get3A_272 = arith.index_cast %get3A_271 : i32 to index
        %get3A_273 = arith.index_cast %add3A_270 : i32 to index
        %get3A_274 = tpu.vector_load %arg7[%get3A_272, %get3A_273] {strides = array<i32>} : memref<4x2048xi32, #tpu.memory_space<vmem>>, vector<16xi32>,
        %add3A_275 = arith.constant 32 : i32
        %add3A_276 = arith.addi %mul3A_262, %add3A_275 : i32
        %get3A_277 = arith.constant 0 : i32
        %get3A_278 = arith.index_cast %get3A_277 : i32 to index
        %get3A_279 = arith.index_cast %add3A_276 : i32 to index
        %get3A_280 = tpu.vector_load %arg7[%get3A_278, %get3A_279] {strides = array<i32>} : memref<4x2048xi32, #tpu.memory_space<vmem>>, vector<16xi32>,
        %add3A_281 = arith.constant 48 : i32
        %add3A_282 = arith.addi %mul3A_262, %add3A_281 : i32
        %get3A_283 = arith.constant 0 : i32
        %get3A_284 = arith.index_cast %get3A_283 : i32 to index
        %get3A_285 = arith.index_cast %add3A_282 : i32 to index
        %get3A_286 = tpu.vector_load %arg7[%get3A_284, %get3A_285] {strides = array<i32>} : memref<4x2048xi32, #tpu.memory_space<vmem>>, vector<16xi32>,
        %add3A_287 = arith.constant 64 : i32
        %add3A_288 = arith.addi %mul3A_262, %add3A_287 : i32
        %get3A_289 = arith.constant 0 : i32
        %get3A_290 = arith.index_cast %get3A_289 : i32 to index
        %get3A_291 = arith.index_cast %add3A_288 : i32 to index
        %get3A_292 = tpu.vector_load %arg7[%get3A_290, %get3A_291] {strides = array<i32>} : memref<4x2048xi32, #tpu.memory_space<vmem>>, vector<16xi32>,
        %add3A_293 = arith.constant 80 : i32
        %add3A_294 = arith.addi %mul3A_262, %add3A_293 : i32
        %get3A_295 = arith.constant 0 : i32
        %get3A_296 = arith.index_cast %get3A_295 : i32 to index
        %get3A_297 = arith.index_cast %add3A_294 : i32 to index
        %get3A_298 = tpu.vector_load %arg7[%get3A_296, %get3A_297] {strides = array<i32>} : memref<4x2048xi32, #tpu.memory_space<vmem>>, vector<16xi32>,
        %add3A_299 = arith.constant 96 : i32
        %add3A_300 = arith.addi %mul3A_262, %add3A_299 : i32
        %get3A_301 = arith.constant 0 : i32
        %get3A_302 = arith.index_cast %get3A_301 : i32 to index
        %get3A_303 = arith.index_cast %add3A_300 : i32 to index
        %get3A_304 = tpu.vector_load %arg7[%get3A_302, %get3A_303] {strides = array<i32>} : memref<4x2048xi32, #tpu.memory_space<vmem>>, vector<16xi32>,
        %add3A_305 = arith.constant 112 : i32
        %add3A_306 = arith.addi %mul3A_262, %add3A_305 : i32
        %get3A_307 = arith.constant 0 : i32
        %get3A_308 = arith.index_cast %get3A_307 : i32 to index
        %get3A_309 = arith.index_cast %add3A_306 : i32 to index
        %get3A_310 = tpu.vector_load %arg7[%get3A_308, %get3A_309] {strides = array<i32>} : memref<4x2048xi32, #tpu.memory_space<vmem>>, vector<16xi32>,
        %bitcast3A = vector.bitcast %get3A_268 : vector<16xi32> to vector<16xi32>
        %min3A = arith.constant 4 : i32
        %min3A_311 = vector.broadcast %min3A : i32 to vector<16xi32>
        %min3A_312 = arith.minui %bitcast3A, %min3A_311 : vector<16xi32>
        %bitcast3A_313 = vector.bitcast %min3A_312 : vector<16xi32> to vector<16xi32>
        %gather3A = tpu.vector_load_idx %arg5[%bitcast3A_313] : memref<16xf32, #tpu.memory_space<vmem>>[vector<16xi32>], vector<16xf32>,
        %ge3A_314 = arith.constant 1 : i32
        %ge3A_315 = vector.broadcast %ge3A_314 : i32 to vector<16xi32>
        %ge3A_316 = arith.cmpi sge, %get3A_274, %ge3A_315 : vector<16xi32>
        %select_n3A = arith.select %ge3A_316, %broadcast_in_dim3A_6, %broadcast_in_dim3A : vector<16xi1>, vector<16xf32>
        %ge3A_317 = arith.constant 2 : i32
        %ge3A_318 = vector.broadcast %ge3A_317 : i32 to vector<16xi32>
        %ge3A_319 = arith.cmpi sge, %get3A_274, %ge3A_318 : vector<16xi32>
        %select_n3A_320 = arith.select %ge3A_319, %broadcast_in_dim3A_9, %select_n3A : vector<16xi1>, vector<16xf32>
        %ge3A_321 = arith.constant 3 : i32
        %ge3A_322 = vector.broadcast %ge3A_321 : i32 to vector<16xi32>
        %ge3A_323 = arith.cmpi sge, %get3A_274, %ge3A_322 : vector<16xi32>
        %select_n3A_324 = arith.select %ge3A_323, %broadcast_in_dim3A_12, %select_n3A_320 : vector<16xi1>, vector<16xf32>
        %ge3A_325 = arith.constant 4 : i32
        %ge3A_326 = vector.broadcast %ge3A_325 : i32 to vector<16xi32>
        %ge3A_327 = arith.cmpi sge, %get3A_274, %ge3A_326 : vector<16xi32>
        %select_n3A_328 = arith.select %ge3A_327, %broadcast_in_dim3A_15, %select_n3A_324 : vector<16xi1>, vector<16xf32>
        %bitcast3A_329 = vector.bitcast %get3A_280 : vector<16xi32> to vector<16xi32>
        %min3A_330 = arith.constant 4 : i32
        %min3A_331 = vector.broadcast %min3A_330 : i32 to vector<16xi32>
        %min3A_332 = arith.minui %bitcast3A_329, %min3A_331 : vector<16xi32>
        %bitcast3A_333 = vector.bitcast %min3A_332 : vector<16xi32> to vector<16xi32>
        %gather3A_334 = tpu.vector_load_idx %arg5[%bitcast3A_333] : memref<16xf32, #tpu.memory_space<vmem>>[vector<16xi32>], vector<16xf32>,
        %ge3A_335 = arith.constant 1 : i32
        %ge3A_336 = vector.broadcast %ge3A_335 : i32 to vector<16xi32>
        %ge3A_337 = arith.cmpi sge, %get3A_286, %ge3A_336 : vector<16xi32>
        %select_n3A_338 = arith.select %ge3A_337, %broadcast_in_dim3A_6, %broadcast_in_dim3A : vector<16xi1>, vector<16xf32>
        %ge3A_339 = arith.constant 2 : i32
        %ge3A_340 = vector.broadcast %ge3A_339 : i32 to vector<16xi32>
        %ge3A_341 = arith.cmpi sge, %get3A_286, %ge3A_340 : vector<16xi32>
        %select_n3A_342 = arith.select %ge3A_341, %broadcast_in_dim3A_9, %select_n3A_338 : vector<16xi1>, vector<16xf32>
        %ge3A_343 = arith.constant 3 : i32
        %ge3A_344 = vector.broadcast %ge3A_343 : i32 to vector<16xi32>
        %ge3A_345 = arith.cmpi sge, %get3A_286, %ge3A_344 : vector<16xi32>
        %select_n3A_346 = arith.select %ge3A_345, %broadcast_in_dim3A_12, %select_n3A_342 : vector<16xi1>, vector<16xf32>
        %ge3A_347 = arith.constant 4 : i32
        %ge3A_348 = vector.broadcast %ge3A_347 : i32 to vector<16xi32>
        %ge3A_349 = arith.cmpi sge, %get3A_286, %ge3A_348 : vector<16xi32>
        %select_n3A_350 = arith.select %ge3A_349, %broadcast_in_dim3A_15, %select_n3A_346 : vector<16xi1>, vector<16xf32>
        %bitcast3A_351 = vector.bitcast %get3A_292 : vector<16xi32> to vector<16xi32>
        %min3A_352 = arith.constant 4 : i32
        %min3A_353 = vector.broadcast %min3A_352 : i32 to vector<16xi32>
        %min3A_354 = arith.minui %bitcast3A_351, %min3A_353 : vector<16xi32>
        %bitcast3A_355 = vector.bitcast %min3A_354 : vector<16xi32> to vector<16xi32>
        %gather3A_356 = tpu.vector_load_idx %arg5[%bitcast3A_355] : memref<16xf32, #tpu.memory_space<vmem>>[vector<16xi32>], vector<16xf32>,
        %ge3A_357 = arith.constant 1 : i32
        %ge3A_358 = vector.broadcast %ge3A_357 : i32 to vector<16xi32>
        %ge3A_359 = arith.cmpi sge, %get3A_298, %ge3A_358 : vector<16xi32>
        %select_n3A_360 = arith.select %ge3A_359, %broadcast_in_dim3A_6, %broadcast_in_dim3A : vector<16xi1>, vector<16xf32>
        %ge3A_361 = arith.constant 2 : i32
        %ge3A_362 = vector.broadcast %ge3A_361 : i32 to vector<16xi32>
        %ge3A_363 = arith.cmpi sge, %get3A_298, %ge3A_362 : vector<16xi32>
        %select_n3A_364 = arith.select %ge3A_363, %broadcast_in_dim3A_9, %select_n3A_360 : vector<16xi1>, vector<16xf32>
        %ge3A_365 = arith.constant 3 : i32
        %ge3A_366 = vector.broadcast %ge3A_365 : i32 to vector<16xi32>
        %ge3A_367 = arith.cmpi sge, %get3A_298, %ge3A_366 : vector<16xi32>
        %select_n3A_368 = arith.select %ge3A_367, %broadcast_in_dim3A_12, %select_n3A_364 : vector<16xi1>, vector<16xf32>
        %ge3A_369 = arith.constant 4 : i32
        %ge3A_370 = vector.broadcast %ge3A_369 : i32 to vector<16xi32>
        %ge3A_371 = arith.cmpi sge, %get3A_298, %ge3A_370 : vector<16xi32>
        %select_n3A_372 = arith.select %ge3A_371, %broadcast_in_dim3A_15, %select_n3A_368 : vector<16xi1>, vector<16xf32>
        %bitcast3A_373 = vector.bitcast %get3A_304 : vector<16xi32> to vector<16xi32>
        %min3A_374 = arith.constant 4 : i32
        %min3A_375 = vector.broadcast %min3A_374 : i32 to vector<16xi32>
        %min3A_376 = arith.minui %bitcast3A_373, %min3A_375 : vector<16xi32>
        %bitcast3A_377 = vector.bitcast %min3A_376 : vector<16xi32> to vector<16xi32>
        %gather3A_378 = tpu.vector_load_idx %arg5[%bitcast3A_377] : memref<16xf32, #tpu.memory_space<vmem>>[vector<16xi32>], vector<16xf32>,
        %ge3A_379 = arith.constant 1 : i32
        %ge3A_380 = vector.broadcast %ge3A_379 : i32 to vector<16xi32>
        %ge3A_381 = arith.cmpi sge, %get3A_310, %ge3A_380 : vector<16xi32>
        %select_n3A_382 = arith.select %ge3A_381, %broadcast_in_dim3A_6, %broadcast_in_dim3A : vector<16xi1>, vector<16xf32>
        %ge3A_383 = arith.constant 2 : i32
        %ge3A_384 = vector.broadcast %ge3A_383 : i32 to vector<16xi32>
        %ge3A_385 = arith.cmpi sge, %get3A_310, %ge3A_384 : vector<16xi32>
        %select_n3A_386 = arith.select %ge3A_385, %broadcast_in_dim3A_9, %select_n3A_382 : vector<16xi1>, vector<16xf32>
        %ge3A_387 = arith.constant 3 : i32
        %ge3A_388 = vector.broadcast %ge3A_387 : i32 to vector<16xi32>
        %ge3A_389 = arith.cmpi sge, %get3A_310, %ge3A_388 : vector<16xi32>
        %select_n3A_390 = arith.select %ge3A_389, %broadcast_in_dim3A_12, %select_n3A_386 : vector<16xi1>, vector<16xf32>
        %ge3A_391 = arith.constant 4 : i32
        %ge3A_392 = vector.broadcast %ge3A_391 : i32 to vector<16xi32>
        %ge3A_393 = arith.cmpi sge, %get3A_310, %ge3A_392 : vector<16xi32>
        %select_n3A_394 = arith.select %ge3A_393, %broadcast_in_dim3A_15, %select_n3A_390 : vector<16xi1>, vector<16xf32>
        %add3A_395 = arith.constant 0 : i32
        %add3A_396 = arith.addi %mul3A_262, %add3A_395 : i32
        %swap3A = arith.constant 0 : i32
        %swap3A_397 = arith.index_cast %swap3A : i32 to index
        %swap3A_398 = arith.index_cast %add3A_396 : i32 to index
        %swap3A_399 = tpu.vector_load %arg11[%swap3A_397, %swap3A_398] {strides = array<i32>} : memref<4x2048xf32, #tpu.memory_space<vmem>>, vector<16xf32>,
        tpu.vector_store %arg11[%swap3A_397, %swap3A_398], %gather3A {strides = array<i32>} : memref<4x2048xf32, #tpu.memory_space<vmem>>, vector<16xf32>,
        %add3A_400 = arith.constant 16 : i32
        %add3A_401 = arith.addi %mul3A_262, %add3A_400 : i32
        %swap3A_402 = arith.constant 0 : i32
        %swap3A_403 = arith.index_cast %swap3A_402 : i32 to index
        %swap3A_404 = arith.index_cast %add3A_401 : i32 to index
        %swap3A_405 = tpu.vector_load %arg11[%swap3A_403, %swap3A_404] {strides = array<i32>} : memref<4x2048xf32, #tpu.memory_space<vmem>>, vector<16xf32>,
        tpu.vector_store %arg11[%swap3A_403, %swap3A_404], %select_n3A_328 {strides = array<i32>} : memref<4x2048xf32, #tpu.memory_space<vmem>>, vector<16xf32>,
        %add3A_406 = arith.constant 32 : i32
        %add3A_407 = arith.addi %mul3A_262, %add3A_406 : i32
        %swap3A_408 = arith.constant 0 : i32
        %swap3A_409 = arith.index_cast %swap3A_408 : i32 to index
        %swap3A_410 = arith.index_cast %add3A_407 : i32 to index
        %swap3A_411 = tpu.vector_load %arg11[%swap3A_409, %swap3A_410] {strides = array<i32>} : memref<4x2048xf32, #tpu.memory_space<vmem>>, vector<16xf32>,
        tpu.vector_store %arg11[%swap3A_409, %swap3A_410], %gather3A_334 {strides = array<i32>} : memref<4x2048xf32, #tpu.memory_space<vmem>>, vector<16xf32>,
        %add3A_412 = arith.constant 48 : i32
        %add3A_413 = arith.addi %mul3A_262, %add3A_412 : i32
        %swap3A_414 = arith.constant 0 : i32
        %swap3A_415 = arith.index_cast %swap3A_414 : i32 to index
        %swap3A_416 = arith.index_cast %add3A_413 : i32 to index
        %swap3A_417 = tpu.vector_load %arg11[%swap3A_415, %swap3A_416] {strides = array<i32>} : memref<4x2048xf32, #tpu.memory_space<vmem>>, vector<16xf32>,
        tpu.vector_store %arg11[%swap3A_415, %swap3A_416], %select_n3A_350 {strides = array<i32>} : memref<4x2048xf32, #tpu.memory_space<vmem>>, vector<16xf32>,
        %add3A_418 = arith.constant 64 : i32
        %add3A_419 = arith.addi %mul3A_262, %add3A_418 : i32
        %swap3A_420 = arith.constant 0 : i32
        %swap3A_421 = arith.index_cast %swap3A_420 : i32 to index
        %swap3A_422 = arith.index_cast %add3A_419 : i32 to index
        %swap3A_423 = tpu.vector_load %arg11[%swap3A_421, %swap3A_422] {strides = array<i32>} : memref<4x2048xf32, #tpu.memory_space<vmem>>, vector<16xf32>,
        tpu.vector_store %arg11[%swap3A_421, %swap3A_422], %gather3A_356 {strides = array<i32>} : memref<4x2048xf32, #tpu.memory_space<vmem>>, vector<16xf32>,
        %add3A_424 = arith.constant 80 : i32
        %add3A_425 = arith.addi %mul3A_262, %add3A_424 : i32
        %swap3A_426 = arith.constant 0 : i32
        %swap3A_427 = arith.index_cast %swap3A_426 : i32 to index
        %swap3A_428 = arith.index_cast %add3A_425 : i32 to index
        %swap3A_429 = tpu.vector_load %arg11[%swap3A_427, %swap3A_428] {strides = array<i32>} : memref<4x2048xf32, #tpu.memory_space<vmem>>, vector<16xf32>,
        tpu.vector_store %arg11[%swap3A_427, %swap3A_428], %select_n3A_372 {strides = array<i32>} : memref<4x2048xf32, #tpu.memory_space<vmem>>, vector<16xf32>,
        %add3A_430 = arith.constant 96 : i32
        %add3A_431 = arith.addi %mul3A_262, %add3A_430 : i32
        %swap3A_432 = arith.constant 0 : i32
        %swap3A_433 = arith.index_cast %swap3A_432 : i32 to index
        %swap3A_434 = arith.index_cast %add3A_431 : i32 to index
        %swap3A_435 = tpu.vector_load %arg11[%swap3A_433, %swap3A_434] {strides = array<i32>} : memref<4x2048xf32, #tpu.memory_space<vmem>>, vector<16xf32>,
        tpu.vector_store %arg11[%swap3A_433, %swap3A_434], %gather3A_378 {strides = array<i32>} : memref<4x2048xf32, #tpu.memory_space<vmem>>, vector<16xf32>,
        %add3A_436 = arith.constant 112 : i32
        %add3A_437 = arith.addi %mul3A_262, %add3A_436 : i32
        %swap3A_438 = arith.constant 0 : i32
        %swap3A_439 = arith.index_cast %swap3A_438 : i32 to index
        %swap3A_440 = arith.index_cast %add3A_437 : i32 to index
        %swap3A_441 = tpu.vector_load %arg11[%swap3A_439, %swap3A_440] {strides = array<i32>} : memref<4x2048xf32, #tpu.memory_space<vmem>>, vector<16xf32>,
        tpu.vector_store %arg11[%swap3A_439, %swap3A_440], %select_n3A_394 {strides = array<i32>} : memref<4x2048xf32, #tpu.memory_space<vmem>>, vector<16xf32>,
      }
      %scan3A_125 = arith.constant 16 : i32
      %scan3A_126 = arith.constant 0 : i32
      %scan3A_127 = arith.constant 0 : i32
      %scan3A_128 = arith.constant 16 : i32
      %scan3A_129 = arith.addi %scan3A_127, %scan3A_128 : i32
      %scan3A_130 = arith.constant 1 : i32
      scf.for %scan3A_260 = %scan3A_127 to %scan3A_129 step %scan3A_130  : i32 {
        %mul3A_261 = arith.constant 128 : i32
        %mul3A_262 = arith.muli %scan3A_260, %mul3A_261 : i32
        %add3A_263 = arith.constant 0 : i32
        %add3A_264 = arith.addi %mul3A_262, %add3A_263 : i32
        %get3A_265 = arith.constant 1 : i32
        %get3A_266 = arith.index_cast %get3A_265 : i32 to index
        %get3A_267 = arith.index_cast %add3A_264 : i32 to index
        %get3A_268 = tpu.vector_load %arg7[%get3A_266, %get3A_267] {strides = array<i32>} : memref<4x2048xi32, #tpu.memory_space<vmem>>, vector<16xi32>,
        %add3A_269 = arith.constant 16 : i32
        %add3A_270 = arith.addi %mul3A_262, %add3A_269 : i32
        %get3A_271 = arith.constant 1 : i32
        %get3A_272 = arith.index_cast %get3A_271 : i32 to index
        %get3A_273 = arith.index_cast %add3A_270 : i32 to index
        %get3A_274 = tpu.vector_load %arg7[%get3A_272, %get3A_273] {strides = array<i32>} : memref<4x2048xi32, #tpu.memory_space<vmem>>, vector<16xi32>,
        %add3A_275 = arith.constant 32 : i32
        %add3A_276 = arith.addi %mul3A_262, %add3A_275 : i32
        %get3A_277 = arith.constant 1 : i32
        %get3A_278 = arith.index_cast %get3A_277 : i32 to index
        %get3A_279 = arith.index_cast %add3A_276 : i32 to index
        %get3A_280 = tpu.vector_load %arg7[%get3A_278, %get3A_279] {strides = array<i32>} : memref<4x2048xi32, #tpu.memory_space<vmem>>, vector<16xi32>,
        %add3A_281 = arith.constant 48 : i32
        %add3A_282 = arith.addi %mul3A_262, %add3A_281 : i32
        %get3A_283 = arith.constant 1 : i32
        %get3A_284 = arith.index_cast %get3A_283 : i32 to index
        %get3A_285 = arith.index_cast %add3A_282 : i32 to index
        %get3A_286 = tpu.vector_load %arg7[%get3A_284, %get3A_285] {strides = array<i32>} : memref<4x2048xi32, #tpu.memory_space<vmem>>, vector<16xi32>,
        %add3A_287 = arith.constant 64 : i32
        %add3A_288 = arith.addi %mul3A_262, %add3A_287 : i32
        %get3A_289 = arith.constant 1 : i32
        %get3A_290 = arith.index_cast %get3A_289 : i32 to index
        %get3A_291 = arith.index_cast %add3A_288 : i32 to index
        %get3A_292 = tpu.vector_load %arg7[%get3A_290, %get3A_291] {strides = array<i32>} : memref<4x2048xi32, #tpu.memory_space<vmem>>, vector<16xi32>,
        %add3A_293 = arith.constant 80 : i32
        %add3A_294 = arith.addi %mul3A_262, %add3A_293 : i32
        %get3A_295 = arith.constant 1 : i32
        %get3A_296 = arith.index_cast %get3A_295 : i32 to index
        %get3A_297 = arith.index_cast %add3A_294 : i32 to index
        %get3A_298 = tpu.vector_load %arg7[%get3A_296, %get3A_297] {strides = array<i32>} : memref<4x2048xi32, #tpu.memory_space<vmem>>, vector<16xi32>,
        %add3A_299 = arith.constant 96 : i32
        %add3A_300 = arith.addi %mul3A_262, %add3A_299 : i32
        %get3A_301 = arith.constant 1 : i32
        %get3A_302 = arith.index_cast %get3A_301 : i32 to index
        %get3A_303 = arith.index_cast %add3A_300 : i32 to index
        %get3A_304 = tpu.vector_load %arg7[%get3A_302, %get3A_303] {strides = array<i32>} : memref<4x2048xi32, #tpu.memory_space<vmem>>, vector<16xi32>,
        %add3A_305 = arith.constant 112 : i32
        %add3A_306 = arith.addi %mul3A_262, %add3A_305 : i32
        %get3A_307 = arith.constant 1 : i32
        %get3A_308 = arith.index_cast %get3A_307 : i32 to index
        %get3A_309 = arith.index_cast %add3A_306 : i32 to index
        %get3A_310 = tpu.vector_load %arg7[%get3A_308, %get3A_309] {strides = array<i32>} : memref<4x2048xi32, #tpu.memory_space<vmem>>, vector<16xi32>,
        %bitcast3A = vector.bitcast %get3A_268 : vector<16xi32> to vector<16xi32>
        %min3A = arith.constant 4 : i32
        %min3A_311 = vector.broadcast %min3A : i32 to vector<16xi32>
        %min3A_312 = arith.minui %bitcast3A, %min3A_311 : vector<16xi32>
        %bitcast3A_313 = vector.bitcast %min3A_312 : vector<16xi32> to vector<16xi32>
        %gather3A = tpu.vector_load_idx %arg5[%bitcast3A_313] : memref<16xf32, #tpu.memory_space<vmem>>[vector<16xi32>], vector<16xf32>,
        %ge3A_314 = arith.constant 1 : i32
        %ge3A_315 = vector.broadcast %ge3A_314 : i32 to vector<16xi32>
        %ge3A_316 = arith.cmpi sge, %get3A_274, %ge3A_315 : vector<16xi32>
        %select_n3A = arith.select %ge3A_316, %broadcast_in_dim3A_6, %broadcast_in_dim3A : vector<16xi1>, vector<16xf32>
        %ge3A_317 = arith.constant 2 : i32
        %ge3A_318 = vector.broadcast %ge3A_317 : i32 to vector<16xi32>
        %ge3A_319 = arith.cmpi sge, %get3A_274, %ge3A_318 : vector<16xi32>
        %select_n3A_320 = arith.select %ge3A_319, %broadcast_in_dim3A_9, %select_n3A : vector<16xi1>, vector<16xf32>
        %ge3A_321 = arith.constant 3 : i32
        %ge3A_322 = vector.broadcast %ge3A_321 : i32 to vector<16xi32>
        %ge3A_323 = arith.cmpi sge, %get3A_274, %ge3A_322 : vector<16xi32>
        %select_n3A_324 = arith.select %ge3A_323, %broadcast_in_dim3A_12, %select_n3A_320 : vector<16xi1>, vector<16xf32>
        %ge3A_325 = arith.constant 4 : i32
        %ge3A_326 = vector.broadcast %ge3A_325 : i32 to vector<16xi32>
        %ge3A_327 = arith.cmpi sge, %get3A_274, %ge3A_326 : vector<16xi32>
        %select_n3A_328 = arith.select %ge3A_327, %broadcast_in_dim3A_15, %select_n3A_324 : vector<16xi1>, vector<16xf32>
        %bitcast3A_329 = vector.bitcast %get3A_280 : vector<16xi32> to vector<16xi32>
        %min3A_330 = arith.constant 4 : i32
        %min3A_331 = vector.broadcast %min3A_330 : i32 to vector<16xi32>
        %min3A_332 = arith.minui %bitcast3A_329, %min3A_331 : vector<16xi32>
        %bitcast3A_333 = vector.bitcast %min3A_332 : vector<16xi32> to vector<16xi32>
        %gather3A_334 = tpu.vector_load_idx %arg5[%bitcast3A_333] : memref<16xf32, #tpu.memory_space<vmem>>[vector<16xi32>], vector<16xf32>,
        %ge3A_335 = arith.constant 1 : i32
        %ge3A_336 = vector.broadcast %ge3A_335 : i32 to vector<16xi32>
        %ge3A_337 = arith.cmpi sge, %get3A_286, %ge3A_336 : vector<16xi32>
        %select_n3A_338 = arith.select %ge3A_337, %broadcast_in_dim3A_6, %broadcast_in_dim3A : vector<16xi1>, vector<16xf32>
        %ge3A_339 = arith.constant 2 : i32
        %ge3A_340 = vector.broadcast %ge3A_339 : i32 to vector<16xi32>
        %ge3A_341 = arith.cmpi sge, %get3A_286, %ge3A_340 : vector<16xi32>
        %select_n3A_342 = arith.select %ge3A_341, %broadcast_in_dim3A_9, %select_n3A_338 : vector<16xi1>, vector<16xf32>
        %ge3A_343 = arith.constant 3 : i32
        %ge3A_344 = vector.broadcast %ge3A_343 : i32 to vector<16xi32>
        %ge3A_345 = arith.cmpi sge, %get3A_286, %ge3A_344 : vector<16xi32>
        %select_n3A_346 = arith.select %ge3A_345, %broadcast_in_dim3A_12, %select_n3A_342 : vector<16xi1>, vector<16xf32>
        %ge3A_347 = arith.constant 4 : i32
        %ge3A_348 = vector.broadcast %ge3A_347 : i32 to vector<16xi32>
        %ge3A_349 = arith.cmpi sge, %get3A_286, %ge3A_348 : vector<16xi32>
        %select_n3A_350 = arith.select %ge3A_349, %broadcast_in_dim3A_15, %select_n3A_346 : vector<16xi1>, vector<16xf32>
        %bitcast3A_351 = vector.bitcast %get3A_292 : vector<16xi32> to vector<16xi32>
        %min3A_352 = arith.constant 4 : i32
        %min3A_353 = vector.broadcast %min3A_352 : i32 to vector<16xi32>
        %min3A_354 = arith.minui %bitcast3A_351, %min3A_353 : vector<16xi32>
        %bitcast3A_355 = vector.bitcast %min3A_354 : vector<16xi32> to vector<16xi32>
        %gather3A_356 = tpu.vector_load_idx %arg5[%bitcast3A_355] : memref<16xf32, #tpu.memory_space<vmem>>[vector<16xi32>], vector<16xf32>,
        %ge3A_357 = arith.constant 1 : i32
        %ge3A_358 = vector.broadcast %ge3A_357 : i32 to vector<16xi32>
        %ge3A_359 = arith.cmpi sge, %get3A_298, %ge3A_358 : vector<16xi32>
        %select_n3A_360 = arith.select %ge3A_359, %broadcast_in_dim3A_6, %broadcast_in_dim3A : vector<16xi1>, vector<16xf32>
        %ge3A_361 = arith.constant 2 : i32
        %ge3A_362 = vector.broadcast %ge3A_361 : i32 to vector<16xi32>
        %ge3A_363 = arith.cmpi sge, %get3A_298, %ge3A_362 : vector<16xi32>
        %select_n3A_364 = arith.select %ge3A_363, %broadcast_in_dim3A_9, %select_n3A_360 : vector<16xi1>, vector<16xf32>
        %ge3A_365 = arith.constant 3 : i32
        %ge3A_366 = vector.broadcast %ge3A_365 : i32 to vector<16xi32>
        %ge3A_367 = arith.cmpi sge, %get3A_298, %ge3A_366 : vector<16xi32>
        %select_n3A_368 = arith.select %ge3A_367, %broadcast_in_dim3A_12, %select_n3A_364 : vector<16xi1>, vector<16xf32>
        %ge3A_369 = arith.constant 4 : i32
        %ge3A_370 = vector.broadcast %ge3A_369 : i32 to vector<16xi32>
        %ge3A_371 = arith.cmpi sge, %get3A_298, %ge3A_370 : vector<16xi32>
        %select_n3A_372 = arith.select %ge3A_371, %broadcast_in_dim3A_15, %select_n3A_368 : vector<16xi1>, vector<16xf32>
        %bitcast3A_373 = vector.bitcast %get3A_304 : vector<16xi32> to vector<16xi32>
        %min3A_374 = arith.constant 4 : i32
        %min3A_375 = vector.broadcast %min3A_374 : i32 to vector<16xi32>
        %min3A_376 = arith.minui %bitcast3A_373, %min3A_375 : vector<16xi32>
        %bitcast3A_377 = vector.bitcast %min3A_376 : vector<16xi32> to vector<16xi32>
        %gather3A_378 = tpu.vector_load_idx %arg5[%bitcast3A_377] : memref<16xf32, #tpu.memory_space<vmem>>[vector<16xi32>], vector<16xf32>,
        %ge3A_379 = arith.constant 1 : i32
        %ge3A_380 = vector.broadcast %ge3A_379 : i32 to vector<16xi32>
        %ge3A_381 = arith.cmpi sge, %get3A_310, %ge3A_380 : vector<16xi32>
        %select_n3A_382 = arith.select %ge3A_381, %broadcast_in_dim3A_6, %broadcast_in_dim3A : vector<16xi1>, vector<16xf32>
        %ge3A_383 = arith.constant 2 : i32
        %ge3A_384 = vector.broadcast %ge3A_383 : i32 to vector<16xi32>
        %ge3A_385 = arith.cmpi sge, %get3A_310, %ge3A_384 : vector<16xi32>
        %select_n3A_386 = arith.select %ge3A_385, %broadcast_in_dim3A_9, %select_n3A_382 : vector<16xi1>, vector<16xf32>
        %ge3A_387 = arith.constant 3 : i32
        %ge3A_388 = vector.broadcast %ge3A_387 : i32 to vector<16xi32>
        %ge3A_389 = arith.cmpi sge, %get3A_310, %ge3A_388 : vector<16xi32>
        %select_n3A_390 = arith.select %ge3A_389, %broadcast_in_dim3A_12, %select_n3A_386 : vector<16xi1>, vector<16xf32>
        %ge3A_391 = arith.constant 4 : i32
        %ge3A_392 = vector.broadcast %ge3A_391 : i32 to vector<16xi32>
        %ge3A_393 = arith.cmpi sge, %get3A_310, %ge3A_392 : vector<16xi32>
        %select_n3A_394 = arith.select %ge3A_393, %broadcast_in_dim3A_15, %select_n3A_390 : vector<16xi1>, vector<16xf32>
        %add3A_395 = arith.constant 0 : i32
        %add3A_396 = arith.addi %mul3A_262, %add3A_395 : i32
        %swap3A = arith.constant 1 : i32
        %swap3A_397 = arith.index_cast %swap3A : i32 to index
        %swap3A_398 = arith.index_cast %add3A_396 : i32 to index
        %swap3A_399 = tpu.vector_load %arg11[%swap3A_397, %swap3A_398] {strides = array<i32>} : memref<4x2048xf32, #tpu.memory_space<vmem>>, vector<16xf32>,
        tpu.vector_store %arg11[%swap3A_397, %swap3A_398], %gather3A {strides = array<i32>} : memref<4x2048xf32, #tpu.memory_space<vmem>>, vector<16xf32>,
        %add3A_400 = arith.constant 16 : i32
        %add3A_401 = arith.addi %mul3A_262, %add3A_400 : i32
        %swap3A_402 = arith.constant 1 : i32
        %swap3A_403 = arith.index_cast %swap3A_402 : i32 to index
        %swap3A_404 = arith.index_cast %add3A_401 : i32 to index
        %swap3A_405 = tpu.vector_load %arg11[%swap3A_403, %swap3A_404] {strides = array<i32>} : memref<4x2048xf32, #tpu.memory_space<vmem>>, vector<16xf32>,
        tpu.vector_store %arg11[%swap3A_403, %swap3A_404], %select_n3A_328 {strides = array<i32>} : memref<4x2048xf32, #tpu.memory_space<vmem>>, vector<16xf32>,
        %add3A_406 = arith.constant 32 : i32
        %add3A_407 = arith.addi %mul3A_262, %add3A_406 : i32
        %swap3A_408 = arith.constant 1 : i32
        %swap3A_409 = arith.index_cast %swap3A_408 : i32 to index
        %swap3A_410 = arith.index_cast %add3A_407 : i32 to index
        %swap3A_411 = tpu.vector_load %arg11[%swap3A_409, %swap3A_410] {strides = array<i32>} : memref<4x2048xf32, #tpu.memory_space<vmem>>, vector<16xf32>,
        tpu.vector_store %arg11[%swap3A_409, %swap3A_410], %gather3A_334 {strides = array<i32>} : memref<4x2048xf32, #tpu.memory_space<vmem>>, vector<16xf32>,
        %add3A_412 = arith.constant 48 : i32
        %add3A_413 = arith.addi %mul3A_262, %add3A_412 : i32
        %swap3A_414 = arith.constant 1 : i32
        %swap3A_415 = arith.index_cast %swap3A_414 : i32 to index
        %swap3A_416 = arith.index_cast %add3A_413 : i32 to index
        %swap3A_417 = tpu.vector_load %arg11[%swap3A_415, %swap3A_416] {strides = array<i32>} : memref<4x2048xf32, #tpu.memory_space<vmem>>, vector<16xf32>,
        tpu.vector_store %arg11[%swap3A_415, %swap3A_416], %select_n3A_350 {strides = array<i32>} : memref<4x2048xf32, #tpu.memory_space<vmem>>, vector<16xf32>,
        %add3A_418 = arith.constant 64 : i32
        %add3A_419 = arith.addi %mul3A_262, %add3A_418 : i32
        %swap3A_420 = arith.constant 1 : i32
        %swap3A_421 = arith.index_cast %swap3A_420 : i32 to index
        %swap3A_422 = arith.index_cast %add3A_419 : i32 to index
        %swap3A_423 = tpu.vector_load %arg11[%swap3A_421, %swap3A_422] {strides = array<i32>} : memref<4x2048xf32, #tpu.memory_space<vmem>>, vector<16xf32>,
        tpu.vector_store %arg11[%swap3A_421, %swap3A_422], %gather3A_356 {strides = array<i32>} : memref<4x2048xf32, #tpu.memory_space<vmem>>, vector<16xf32>,
        %add3A_424 = arith.constant 80 : i32
        %add3A_425 = arith.addi %mul3A_262, %add3A_424 : i32
        %swap3A_426 = arith.constant 1 : i32
        %swap3A_427 = arith.index_cast %swap3A_426 : i32 to index
        %swap3A_428 = arith.index_cast %add3A_425 : i32 to index
        %swap3A_429 = tpu.vector_load %arg11[%swap3A_427, %swap3A_428] {strides = array<i32>} : memref<4x2048xf32, #tpu.memory_space<vmem>>, vector<16xf32>,
        tpu.vector_store %arg11[%swap3A_427, %swap3A_428], %select_n3A_372 {strides = array<i32>} : memref<4x2048xf32, #tpu.memory_space<vmem>>, vector<16xf32>,
        %add3A_430 = arith.constant 96 : i32
        %add3A_431 = arith.addi %mul3A_262, %add3A_430 : i32
        %swap3A_432 = arith.constant 1 : i32
        %swap3A_433 = arith.index_cast %swap3A_432 : i32 to index
        %swap3A_434 = arith.index_cast %add3A_431 : i32 to index
        %swap3A_435 = tpu.vector_load %arg11[%swap3A_433, %swap3A_434] {strides = array<i32>} : memref<4x2048xf32, #tpu.memory_space<vmem>>, vector<16xf32>,
        tpu.vector_store %arg11[%swap3A_433, %swap3A_434], %gather3A_378 {strides = array<i32>} : memref<4x2048xf32, #tpu.memory_space<vmem>>, vector<16xf32>,
        %add3A_436 = arith.constant 112 : i32
        %add3A_437 = arith.addi %mul3A_262, %add3A_436 : i32
        %swap3A_438 = arith.constant 1 : i32
        %swap3A_439 = arith.index_cast %swap3A_438 : i32 to index
        %swap3A_440 = arith.index_cast %add3A_437 : i32 to index
        %swap3A_441 = tpu.vector_load %arg11[%swap3A_439, %swap3A_440] {strides = array<i32>} : memref<4x2048xf32, #tpu.memory_space<vmem>>, vector<16xf32>,
        tpu.vector_store %arg11[%swap3A_439, %swap3A_440], %select_n3A_394 {strides = array<i32>} : memref<4x2048xf32, #tpu.memory_space<vmem>>, vector<16xf32>,
      }
      %scan3A_131 = arith.constant 16 : i32
      %scan3A_132 = arith.constant 0 : i32
      %scan3A_133 = arith.constant 0 : i32
      %scan3A_134 = arith.constant 16 : i32
      %scan3A_135 = arith.addi %scan3A_133, %scan3A_134 : i32
      %scan3A_136 = arith.constant 1 : i32
      scf.for %scan3A_260 = %scan3A_133 to %scan3A_135 step %scan3A_136  : i32 {
        %mul3A_261 = arith.constant 128 : i32
        %mul3A_262 = arith.muli %scan3A_260, %mul3A_261 : i32
        %add3A_263 = arith.constant 0 : i32
        %add3A_264 = arith.addi %mul3A_262, %add3A_263 : i32
        %get3A_265 = arith.constant 2 : i32
        %get3A_266 = arith.index_cast %get3A_265 : i32 to index
        %get3A_267 = arith.index_cast %add3A_264 : i32 to index
        %get3A_268 = tpu.vector_load %arg7[%get3A_266, %get3A_267] {strides = array<i32>} : memref<4x2048xi32, #tpu.memory_space<vmem>>, vector<16xi32>,
        %add3A_269 = arith.constant 16 : i32
        %add3A_270 = arith.addi %mul3A_262, %add3A_269 : i32
        %get3A_271 = arith.constant 2 : i32
        %get3A_272 = arith.index_cast %get3A_271 : i32 to index
        %get3A_273 = arith.index_cast %add3A_270 : i32 to index
        %get3A_274 = tpu.vector_load %arg7[%get3A_272, %get3A_273] {strides = array<i32>} : memref<4x2048xi32, #tpu.memory_space<vmem>>, vector<16xi32>,
        %add3A_275 = arith.constant 32 : i32
        %add3A_276 = arith.addi %mul3A_262, %add3A_275 : i32
        %get3A_277 = arith.constant 2 : i32
        %get3A_278 = arith.index_cast %get3A_277 : i32 to index
        %get3A_279 = arith.index_cast %add3A_276 : i32 to index
        %get3A_280 = tpu.vector_load %arg7[%get3A_278, %get3A_279] {strides = array<i32>} : memref<4x2048xi32, #tpu.memory_space<vmem>>, vector<16xi32>,
        %add3A_281 = arith.constant 48 : i32
        %add3A_282 = arith.addi %mul3A_262, %add3A_281 : i32
        %get3A_283 = arith.constant 2 : i32
        %get3A_284 = arith.index_cast %get3A_283 : i32 to index
        %get3A_285 = arith.index_cast %add3A_282 : i32 to index
        %get3A_286 = tpu.vector_load %arg7[%get3A_284, %get3A_285] {strides = array<i32>} : memref<4x2048xi32, #tpu.memory_space<vmem>>, vector<16xi32>,
        %add3A_287 = arith.constant 64 : i32
        %add3A_288 = arith.addi %mul3A_262, %add3A_287 : i32
        %get3A_289 = arith.constant 2 : i32
        %get3A_290 = arith.index_cast %get3A_289 : i32 to index
        %get3A_291 = arith.index_cast %add3A_288 : i32 to index
        %get3A_292 = tpu.vector_load %arg7[%get3A_290, %get3A_291] {strides = array<i32>} : memref<4x2048xi32, #tpu.memory_space<vmem>>, vector<16xi32>,
        %add3A_293 = arith.constant 80 : i32
        %add3A_294 = arith.addi %mul3A_262, %add3A_293 : i32
        %get3A_295 = arith.constant 2 : i32
        %get3A_296 = arith.index_cast %get3A_295 : i32 to index
        %get3A_297 = arith.index_cast %add3A_294 : i32 to index
        %get3A_298 = tpu.vector_load %arg7[%get3A_296, %get3A_297] {strides = array<i32>} : memref<4x2048xi32, #tpu.memory_space<vmem>>, vector<16xi32>,
        %add3A_299 = arith.constant 96 : i32
        %add3A_300 = arith.addi %mul3A_262, %add3A_299 : i32
        %get3A_301 = arith.constant 2 : i32
        %get3A_302 = arith.index_cast %get3A_301 : i32 to index
        %get3A_303 = arith.index_cast %add3A_300 : i32 to index
        %get3A_304 = tpu.vector_load %arg7[%get3A_302, %get3A_303] {strides = array<i32>} : memref<4x2048xi32, #tpu.memory_space<vmem>>, vector<16xi32>,
        %add3A_305 = arith.constant 112 : i32
        %add3A_306 = arith.addi %mul3A_262, %add3A_305 : i32
        %get3A_307 = arith.constant 2 : i32
        %get3A_308 = arith.index_cast %get3A_307 : i32 to index
        %get3A_309 = arith.index_cast %add3A_306 : i32 to index
        %get3A_310 = tpu.vector_load %arg7[%get3A_308, %get3A_309] {strides = array<i32>} : memref<4x2048xi32, #tpu.memory_space<vmem>>, vector<16xi32>,
        %bitcast3A = vector.bitcast %get3A_268 : vector<16xi32> to vector<16xi32>
        %min3A = arith.constant 4 : i32
        %min3A_311 = vector.broadcast %min3A : i32 to vector<16xi32>
        %min3A_312 = arith.minui %bitcast3A, %min3A_311 : vector<16xi32>
        %bitcast3A_313 = vector.bitcast %min3A_312 : vector<16xi32> to vector<16xi32>
        %gather3A = tpu.vector_load_idx %arg5[%bitcast3A_313] : memref<16xf32, #tpu.memory_space<vmem>>[vector<16xi32>], vector<16xf32>,
        %ge3A_314 = arith.constant 1 : i32
        %ge3A_315 = vector.broadcast %ge3A_314 : i32 to vector<16xi32>
        %ge3A_316 = arith.cmpi sge, %get3A_274, %ge3A_315 : vector<16xi32>
        %select_n3A = arith.select %ge3A_316, %broadcast_in_dim3A_6, %broadcast_in_dim3A : vector<16xi1>, vector<16xf32>
        %ge3A_317 = arith.constant 2 : i32
        %ge3A_318 = vector.broadcast %ge3A_317 : i32 to vector<16xi32>
        %ge3A_319 = arith.cmpi sge, %get3A_274, %ge3A_318 : vector<16xi32>
        %select_n3A_320 = arith.select %ge3A_319, %broadcast_in_dim3A_9, %select_n3A : vector<16xi1>, vector<16xf32>
        %ge3A_321 = arith.constant 3 : i32
        %ge3A_322 = vector.broadcast %ge3A_321 : i32 to vector<16xi32>
        %ge3A_323 = arith.cmpi sge, %get3A_274, %ge3A_322 : vector<16xi32>
        %select_n3A_324 = arith.select %ge3A_323, %broadcast_in_dim3A_12, %select_n3A_320 : vector<16xi1>, vector<16xf32>
        %ge3A_325 = arith.constant 4 : i32
        %ge3A_326 = vector.broadcast %ge3A_325 : i32 to vector<16xi32>
        %ge3A_327 = arith.cmpi sge, %get3A_274, %ge3A_326 : vector<16xi32>
        %select_n3A_328 = arith.select %ge3A_327, %broadcast_in_dim3A_15, %select_n3A_324 : vector<16xi1>, vector<16xf32>
        %bitcast3A_329 = vector.bitcast %get3A_280 : vector<16xi32> to vector<16xi32>
        %min3A_330 = arith.constant 4 : i32
        %min3A_331 = vector.broadcast %min3A_330 : i32 to vector<16xi32>
        %min3A_332 = arith.minui %bitcast3A_329, %min3A_331 : vector<16xi32>
        %bitcast3A_333 = vector.bitcast %min3A_332 : vector<16xi32> to vector<16xi32>
        %gather3A_334 = tpu.vector_load_idx %arg5[%bitcast3A_333] : memref<16xf32, #tpu.memory_space<vmem>>[vector<16xi32>], vector<16xf32>,
        %ge3A_335 = arith.constant 1 : i32
        %ge3A_336 = vector.broadcast %ge3A_335 : i32 to vector<16xi32>
        %ge3A_337 = arith.cmpi sge, %get3A_286, %ge3A_336 : vector<16xi32>
        %select_n3A_338 = arith.select %ge3A_337, %broadcast_in_dim3A_6, %broadcast_in_dim3A : vector<16xi1>, vector<16xf32>
        %ge3A_339 = arith.constant 2 : i32
        %ge3A_340 = vector.broadcast %ge3A_339 : i32 to vector<16xi32>
        %ge3A_341 = arith.cmpi sge, %get3A_286, %ge3A_340 : vector<16xi32>
        %select_n3A_342 = arith.select %ge3A_341, %broadcast_in_dim3A_9, %select_n3A_338 : vector<16xi1>, vector<16xf32>
        %ge3A_343 = arith.constant 3 : i32
        %ge3A_344 = vector.broadcast %ge3A_343 : i32 to vector<16xi32>
        %ge3A_345 = arith.cmpi sge, %get3A_286, %ge3A_344 : vector<16xi32>
        %select_n3A_346 = arith.select %ge3A_345, %broadcast_in_dim3A_12, %select_n3A_342 : vector<16xi1>, vector<16xf32>
        %ge3A_347 = arith.constant 4 : i32
        %ge3A_348 = vector.broadcast %ge3A_347 : i32 to vector<16xi32>
        %ge3A_349 = arith.cmpi sge, %get3A_286, %ge3A_348 : vector<16xi32>
        %select_n3A_350 = arith.select %ge3A_349, %broadcast_in_dim3A_15, %select_n3A_346 : vector<16xi1>, vector<16xf32>
        %bitcast3A_351 = vector.bitcast %get3A_292 : vector<16xi32> to vector<16xi32>
        %min3A_352 = arith.constant 4 : i32
        %min3A_353 = vector.broadcast %min3A_352 : i32 to vector<16xi32>
        %min3A_354 = arith.minui %bitcast3A_351, %min3A_353 : vector<16xi32>
        %bitcast3A_355 = vector.bitcast %min3A_354 : vector<16xi32> to vector<16xi32>
        %gather3A_356 = tpu.vector_load_idx %arg5[%bitcast3A_355] : memref<16xf32, #tpu.memory_space<vmem>>[vector<16xi32>], vector<16xf32>,
        %ge3A_357 = arith.constant 1 : i32
        %ge3A_358 = vector.broadcast %ge3A_357 : i32 to vector<16xi32>
        %ge3A_359 = arith.cmpi sge, %get3A_298, %ge3A_358 : vector<16xi32>
        %select_n3A_360 = arith.select %ge3A_359, %broadcast_in_dim3A_6, %broadcast_in_dim3A : vector<16xi1>, vector<16xf32>
        %ge3A_361 = arith.constant 2 : i32
        %ge3A_362 = vector.broadcast %ge3A_361 : i32 to vector<16xi32>
        %ge3A_363 = arith.cmpi sge, %get3A_298, %ge3A_362 : vector<16xi32>
        %select_n3A_364 = arith.select %ge3A_363, %broadcast_in_dim3A_9, %select_n3A_360 : vector<16xi1>, vector<16xf32>
        %ge3A_365 = arith.constant 3 : i32
        %ge3A_366 = vector.broadcast %ge3A_365 : i32 to vector<16xi32>
        %ge3A_367 = arith.cmpi sge, %get3A_298, %ge3A_366 : vector<16xi32>
        %select_n3A_368 = arith.select %ge3A_367, %broadcast_in_dim3A_12, %select_n3A_364 : vector<16xi1>, vector<16xf32>
        %ge3A_369 = arith.constant 4 : i32
        %ge3A_370 = vector.broadcast %ge3A_369 : i32 to vector<16xi32>
        %ge3A_371 = arith.cmpi sge, %get3A_298, %ge3A_370 : vector<16xi32>
        %select_n3A_372 = arith.select %ge3A_371, %broadcast_in_dim3A_15, %select_n3A_368 : vector<16xi1>, vector<16xf32>
        %bitcast3A_373 = vector.bitcast %get3A_304 : vector<16xi32> to vector<16xi32>
        %min3A_374 = arith.constant 4 : i32
        %min3A_375 = vector.broadcast %min3A_374 : i32 to vector<16xi32>
        %min3A_376 = arith.minui %bitcast3A_373, %min3A_375 : vector<16xi32>
        %bitcast3A_377 = vector.bitcast %min3A_376 : vector<16xi32> to vector<16xi32>
        %gather3A_378 = tpu.vector_load_idx %arg5[%bitcast3A_377] : memref<16xf32, #tpu.memory_space<vmem>>[vector<16xi32>], vector<16xf32>,
        %ge3A_379 = arith.constant 1 : i32
        %ge3A_380 = vector.broadcast %ge3A_379 : i32 to vector<16xi32>
        %ge3A_381 = arith.cmpi sge, %get3A_310, %ge3A_380 : vector<16xi32>
        %select_n3A_382 = arith.select %ge3A_381, %broadcast_in_dim3A_6, %broadcast_in_dim3A : vector<16xi1>, vector<16xf32>
        %ge3A_383 = arith.constant 2 : i32
        %ge3A_384 = vector.broadcast %ge3A_383 : i32 to vector<16xi32>
        %ge3A_385 = arith.cmpi sge, %get3A_310, %ge3A_384 : vector<16xi32>
        %select_n3A_386 = arith.select %ge3A_385, %broadcast_in_dim3A_9, %select_n3A_382 : vector<16xi1>, vector<16xf32>
        %ge3A_387 = arith.constant 3 : i32
        %ge3A_388 = vector.broadcast %ge3A_387 : i32 to vector<16xi32>
        %ge3A_389 = arith.cmpi sge, %get3A_310, %ge3A_388 : vector<16xi32>
        %select_n3A_390 = arith.select %ge3A_389, %broadcast_in_dim3A_12, %select_n3A_386 : vector<16xi1>, vector<16xf32>
        %ge3A_391 = arith.constant 4 : i32
        %ge3A_392 = vector.broadcast %ge3A_391 : i32 to vector<16xi32>
        %ge3A_393 = arith.cmpi sge, %get3A_310, %ge3A_392 : vector<16xi32>
        %select_n3A_394 = arith.select %ge3A_393, %broadcast_in_dim3A_15, %select_n3A_390 : vector<16xi1>, vector<16xf32>
        %add3A_395 = arith.constant 0 : i32
        %add3A_396 = arith.addi %mul3A_262, %add3A_395 : i32
        %swap3A = arith.constant 2 : i32
        %swap3A_397 = arith.index_cast %swap3A : i32 to index
        %swap3A_398 = arith.index_cast %add3A_396 : i32 to index
        %swap3A_399 = tpu.vector_load %arg11[%swap3A_397, %swap3A_398] {strides = array<i32>} : memref<4x2048xf32, #tpu.memory_space<vmem>>, vector<16xf32>,
        tpu.vector_store %arg11[%swap3A_397, %swap3A_398], %gather3A {strides = array<i32>} : memref<4x2048xf32, #tpu.memory_space<vmem>>, vector<16xf32>,
        %add3A_400 = arith.constant 16 : i32
        %add3A_401 = arith.addi %mul3A_262, %add3A_400 : i32
        %swap3A_402 = arith.constant 2 : i32
        %swap3A_403 = arith.index_cast %swap3A_402 : i32 to index
        %swap3A_404 = arith.index_cast %add3A_401 : i32 to index
        %swap3A_405 = tpu.vector_load %arg11[%swap3A_403, %swap3A_404] {strides = array<i32>} : memref<4x2048xf32, #tpu.memory_space<vmem>>, vector<16xf32>,
        tpu.vector_store %arg11[%swap3A_403, %swap3A_404], %select_n3A_328 {strides = array<i32>} : memref<4x2048xf32, #tpu.memory_space<vmem>>, vector<16xf32>,
        %add3A_406 = arith.constant 32 : i32
        %add3A_407 = arith.addi %mul3A_262, %add3A_406 : i32
        %swap3A_408 = arith.constant 2 : i32
        %swap3A_409 = arith.index_cast %swap3A_408 : i32 to index
        %swap3A_410 = arith.index_cast %add3A_407 : i32 to index
        %swap3A_411 = tpu.vector_load %arg11[%swap3A_409, %swap3A_410] {strides = array<i32>} : memref<4x2048xf32, #tpu.memory_space<vmem>>, vector<16xf32>,
        tpu.vector_store %arg11[%swap3A_409, %swap3A_410], %gather3A_334 {strides = array<i32>} : memref<4x2048xf32, #tpu.memory_space<vmem>>, vector<16xf32>,
        %add3A_412 = arith.constant 48 : i32
        %add3A_413 = arith.addi %mul3A_262, %add3A_412 : i32
        %swap3A_414 = arith.constant 2 : i32
        %swap3A_415 = arith.index_cast %swap3A_414 : i32 to index
        %swap3A_416 = arith.index_cast %add3A_413 : i32 to index
        %swap3A_417 = tpu.vector_load %arg11[%swap3A_415, %swap3A_416] {strides = array<i32>} : memref<4x2048xf32, #tpu.memory_space<vmem>>, vector<16xf32>,
        tpu.vector_store %arg11[%swap3A_415, %swap3A_416], %select_n3A_350 {strides = array<i32>} : memref<4x2048xf32, #tpu.memory_space<vmem>>, vector<16xf32>,
        %add3A_418 = arith.constant 64 : i32
        %add3A_419 = arith.addi %mul3A_262, %add3A_418 : i32
        %swap3A_420 = arith.constant 2 : i32
        %swap3A_421 = arith.index_cast %swap3A_420 : i32 to index
        %swap3A_422 = arith.index_cast %add3A_419 : i32 to index
        %swap3A_423 = tpu.vector_load %arg11[%swap3A_421, %swap3A_422] {strides = array<i32>} : memref<4x2048xf32, #tpu.memory_space<vmem>>, vector<16xf32>,
        tpu.vector_store %arg11[%swap3A_421, %swap3A_422], %gather3A_356 {strides = array<i32>} : memref<4x2048xf32, #tpu.memory_space<vmem>>, vector<16xf32>,
        %add3A_424 = arith.constant 80 : i32
        %add3A_425 = arith.addi %mul3A_262, %add3A_424 : i32
        %swap3A_426 = arith.constant 2 : i32
        %swap3A_427 = arith.index_cast %swap3A_426 : i32 to index
        %swap3A_428 = arith.index_cast %add3A_425 : i32 to index
        %swap3A_429 = tpu.vector_load %arg11[%swap3A_427, %swap3A_428] {strides = array<i32>} : memref<4x2048xf32, #tpu.memory_space<vmem>>, vector<16xf32>,
        tpu.vector_store %arg11[%swap3A_427, %swap3A_428], %select_n3A_372 {strides = array<i32>} : memref<4x2048xf32, #tpu.memory_space<vmem>>, vector<16xf32>,
        %add3A_430 = arith.constant 96 : i32
        %add3A_431 = arith.addi %mul3A_262, %add3A_430 : i32
        %swap3A_432 = arith.constant 2 : i32
        %swap3A_433 = arith.index_cast %swap3A_432 : i32 to index
        %swap3A_434 = arith.index_cast %add3A_431 : i32 to index
        %swap3A_435 = tpu.vector_load %arg11[%swap3A_433, %swap3A_434] {strides = array<i32>} : memref<4x2048xf32, #tpu.memory_space<vmem>>, vector<16xf32>,
        tpu.vector_store %arg11[%swap3A_433, %swap3A_434], %gather3A_378 {strides = array<i32>} : memref<4x2048xf32, #tpu.memory_space<vmem>>, vector<16xf32>,
        %add3A_436 = arith.constant 112 : i32
        %add3A_437 = arith.addi %mul3A_262, %add3A_436 : i32
        %swap3A_438 = arith.constant 2 : i32
        %swap3A_439 = arith.index_cast %swap3A_438 : i32 to index
        %swap3A_440 = arith.index_cast %add3A_437 : i32 to index
        %swap3A_441 = tpu.vector_load %arg11[%swap3A_439, %swap3A_440] {strides = array<i32>} : memref<4x2048xf32, #tpu.memory_space<vmem>>, vector<16xf32>,
        tpu.vector_store %arg11[%swap3A_439, %swap3A_440], %select_n3A_394 {strides = array<i32>} : memref<4x2048xf32, #tpu.memory_space<vmem>>, vector<16xf32>,
      }
      %scan3A_137 = arith.constant 16 : i32
      %scan3A_138 = arith.constant 0 : i32
      %scan3A_139 = arith.constant 0 : i32
      %scan3A_140 = arith.constant 16 : i32
      %scan3A_141 = arith.addi %scan3A_139, %scan3A_140 : i32
      %scan3A_142 = arith.constant 1 : i32
      scf.for %scan3A_260 = %scan3A_139 to %scan3A_141 step %scan3A_142  : i32 {
        %mul3A_261 = arith.constant 128 : i32
        %mul3A_262 = arith.muli %scan3A_260, %mul3A_261 : i32
        %add3A_263 = arith.constant 0 : i32
        %add3A_264 = arith.addi %mul3A_262, %add3A_263 : i32
        %get3A_265 = arith.constant 3 : i32
        %get3A_266 = arith.index_cast %get3A_265 : i32 to index
        %get3A_267 = arith.index_cast %add3A_264 : i32 to index
        %get3A_268 = tpu.vector_load %arg7[%get3A_266, %get3A_267] {strides = array<i32>} : memref<4x2048xi32, #tpu.memory_space<vmem>>, vector<16xi32>,
        %add3A_269 = arith.constant 16 : i32
        %add3A_270 = arith.addi %mul3A_262, %add3A_269 : i32
        %get3A_271 = arith.constant 3 : i32
        %get3A_272 = arith.index_cast %get3A_271 : i32 to index
        %get3A_273 = arith.index_cast %add3A_270 : i32 to index
        %get3A_274 = tpu.vector_load %arg7[%get3A_272, %get3A_273] {strides = array<i32>} : memref<4x2048xi32, #tpu.memory_space<vmem>>, vector<16xi32>,
        %add3A_275 = arith.constant 32 : i32
        %add3A_276 = arith.addi %mul3A_262, %add3A_275 : i32
        %get3A_277 = arith.constant 3 : i32
        %get3A_278 = arith.index_cast %get3A_277 : i32 to index
        %get3A_279 = arith.index_cast %add3A_276 : i32 to index
        %get3A_280 = tpu.vector_load %arg7[%get3A_278, %get3A_279] {strides = array<i32>} : memref<4x2048xi32, #tpu.memory_space<vmem>>, vector<16xi32>,
        %add3A_281 = arith.constant 48 : i32
        %add3A_282 = arith.addi %mul3A_262, %add3A_281 : i32
        %get3A_283 = arith.constant 3 : i32
        %get3A_284 = arith.index_cast %get3A_283 : i32 to index
        %get3A_285 = arith.index_cast %add3A_282 : i32 to index
        %get3A_286 = tpu.vector_load %arg7[%get3A_284, %get3A_285] {strides = array<i32>} : memref<4x2048xi32, #tpu.memory_space<vmem>>, vector<16xi32>,
        %add3A_287 = arith.constant 64 : i32
        %add3A_288 = arith.addi %mul3A_262, %add3A_287 : i32
        %get3A_289 = arith.constant 3 : i32
        %get3A_290 = arith.index_cast %get3A_289 : i32 to index
        %get3A_291 = arith.index_cast %add3A_288 : i32 to index
        %get3A_292 = tpu.vector_load %arg7[%get3A_290, %get3A_291] {strides = array<i32>} : memref<4x2048xi32, #tpu.memory_space<vmem>>, vector<16xi32>,
        %add3A_293 = arith.constant 80 : i32
        %add3A_294 = arith.addi %mul3A_262, %add3A_293 : i32
        %get3A_295 = arith.constant 3 : i32
        %get3A_296 = arith.index_cast %get3A_295 : i32 to index
        %get3A_297 = arith.index_cast %add3A_294 : i32 to index
        %get3A_298 = tpu.vector_load %arg7[%get3A_296, %get3A_297] {strides = array<i32>} : memref<4x2048xi32, #tpu.memory_space<vmem>>, vector<16xi32>,
        %add3A_299 = arith.constant 96 : i32
        %add3A_300 = arith.addi %mul3A_262, %add3A_299 : i32
        %get3A_301 = arith.constant 3 : i32
        %get3A_302 = arith.index_cast %get3A_301 : i32 to index
        %get3A_303 = arith.index_cast %add3A_300 : i32 to index
        %get3A_304 = tpu.vector_load %arg7[%get3A_302, %get3A_303] {strides = array<i32>} : memref<4x2048xi32, #tpu.memory_space<vmem>>, vector<16xi32>,
        %add3A_305 = arith.constant 112 : i32
        %add3A_306 = arith.addi %mul3A_262, %add3A_305 : i32
        %get3A_307 = arith.constant 3 : i32
        %get3A_308 = arith.index_cast %get3A_307 : i32 to index
        %get3A_309 = arith.index_cast %add3A_306 : i32 to index
        %get3A_310 = tpu.vector_load %arg7[%get3A_308, %get3A_309] {strides = array<i32>} : memref<4x2048xi32, #tpu.memory_space<vmem>>, vector<16xi32>,
        %bitcast3A = vector.bitcast %get3A_268 : vector<16xi32> to vector<16xi32>
        %min3A = arith.constant 4 : i32
        %min3A_311 = vector.broadcast %min3A : i32 to vector<16xi32>
        %min3A_312 = arith.minui %bitcast3A, %min3A_311 : vector<16xi32>
        %bitcast3A_313 = vector.bitcast %min3A_312 : vector<16xi32> to vector<16xi32>
        %gather3A = tpu.vector_load_idx %arg5[%bitcast3A_313] : memref<16xf32, #tpu.memory_space<vmem>>[vector<16xi32>], vector<16xf32>,
        %ge3A_314 = arith.constant 1 : i32
        %ge3A_315 = vector.broadcast %ge3A_314 : i32 to vector<16xi32>
        %ge3A_316 = arith.cmpi sge, %get3A_274, %ge3A_315 : vector<16xi32>
        %select_n3A = arith.select %ge3A_316, %broadcast_in_dim3A_6, %broadcast_in_dim3A : vector<16xi1>, vector<16xf32>
        %ge3A_317 = arith.constant 2 : i32
        %ge3A_318 = vector.broadcast %ge3A_317 : i32 to vector<16xi32>
        %ge3A_319 = arith.cmpi sge, %get3A_274, %ge3A_318 : vector<16xi32>
        %select_n3A_320 = arith.select %ge3A_319, %broadcast_in_dim3A_9, %select_n3A : vector<16xi1>, vector<16xf32>
        %ge3A_321 = arith.constant 3 : i32
        %ge3A_322 = vector.broadcast %ge3A_321 : i32 to vector<16xi32>
        %ge3A_323 = arith.cmpi sge, %get3A_274, %ge3A_322 : vector<16xi32>
        %select_n3A_324 = arith.select %ge3A_323, %broadcast_in_dim3A_12, %select_n3A_320 : vector<16xi1>, vector<16xf32>
        %ge3A_325 = arith.constant 4 : i32
        %ge3A_326 = vector.broadcast %ge3A_325 : i32 to vector<16xi32>
        %ge3A_327 = arith.cmpi sge, %get3A_274, %ge3A_326 : vector<16xi32>
        %select_n3A_328 = arith.select %ge3A_327, %broadcast_in_dim3A_15, %select_n3A_324 : vector<16xi1>, vector<16xf32>
        %bitcast3A_329 = vector.bitcast %get3A_280 : vector<16xi32> to vector<16xi32>
        %min3A_330 = arith.constant 4 : i32
        %min3A_331 = vector.broadcast %min3A_330 : i32 to vector<16xi32>
        %min3A_332 = arith.minui %bitcast3A_329, %min3A_331 : vector<16xi32>
        %bitcast3A_333 = vector.bitcast %min3A_332 : vector<16xi32> to vector<16xi32>
        %gather3A_334 = tpu.vector_load_idx %arg5[%bitcast3A_333] : memref<16xf32, #tpu.memory_space<vmem>>[vector<16xi32>], vector<16xf32>,
        %ge3A_335 = arith.constant 1 : i32
        %ge3A_336 = vector.broadcast %ge3A_335 : i32 to vector<16xi32>
        %ge3A_337 = arith.cmpi sge, %get3A_286, %ge3A_336 : vector<16xi32>
        %select_n3A_338 = arith.select %ge3A_337, %broadcast_in_dim3A_6, %broadcast_in_dim3A : vector<16xi1>, vector<16xf32>
        %ge3A_339 = arith.constant 2 : i32
        %ge3A_340 = vector.broadcast %ge3A_339 : i32 to vector<16xi32>
        %ge3A_341 = arith.cmpi sge, %get3A_286, %ge3A_340 : vector<16xi32>
        %select_n3A_342 = arith.select %ge3A_341, %broadcast_in_dim3A_9, %select_n3A_338 : vector<16xi1>, vector<16xf32>
        %ge3A_343 = arith.constant 3 : i32
        %ge3A_344 = vector.broadcast %ge3A_343 : i32 to vector<16xi32>
        %ge3A_345 = arith.cmpi sge, %get3A_286, %ge3A_344 : vector<16xi32>
        %select_n3A_346 = arith.select %ge3A_345, %broadcast_in_dim3A_12, %select_n3A_342 : vector<16xi1>, vector<16xf32>
        %ge3A_347 = arith.constant 4 : i32
        %ge3A_348 = vector.broadcast %ge3A_347 : i32 to vector<16xi32>
        %ge3A_349 = arith.cmpi sge, %get3A_286, %ge3A_348 : vector<16xi32>
        %select_n3A_350 = arith.select %ge3A_349, %broadcast_in_dim3A_15, %select_n3A_346 : vector<16xi1>, vector<16xf32>
        %bitcast3A_351 = vector.bitcast %get3A_292 : vector<16xi32> to vector<16xi32>
        %min3A_352 = arith.constant 4 : i32
        %min3A_353 = vector.broadcast %min3A_352 : i32 to vector<16xi32>
        %min3A_354 = arith.minui %bitcast3A_351, %min3A_353 : vector<16xi32>
        %bitcast3A_355 = vector.bitcast %min3A_354 : vector<16xi32> to vector<16xi32>
        %gather3A_356 = tpu.vector_load_idx %arg5[%bitcast3A_355] : memref<16xf32, #tpu.memory_space<vmem>>[vector<16xi32>], vector<16xf32>,
        %ge3A_357 = arith.constant 1 : i32
        %ge3A_358 = vector.broadcast %ge3A_357 : i32 to vector<16xi32>
        %ge3A_359 = arith.cmpi sge, %get3A_298, %ge3A_358 : vector<16xi32>
        %select_n3A_360 = arith.select %ge3A_359, %broadcast_in_dim3A_6, %broadcast_in_dim3A : vector<16xi1>, vector<16xf32>
        %ge3A_361 = arith.constant 2 : i32
        %ge3A_362 = vector.broadcast %ge3A_361 : i32 to vector<16xi32>
        %ge3A_363 = arith.cmpi sge, %get3A_298, %ge3A_362 : vector<16xi32>
        %select_n3A_364 = arith.select %ge3A_363, %broadcast_in_dim3A_9, %select_n3A_360 : vector<16xi1>, vector<16xf32>
        %ge3A_365 = arith.constant 3 : i32
        %ge3A_366 = vector.broadcast %ge3A_365 : i32 to vector<16xi32>
        %ge3A_367 = arith.cmpi sge, %get3A_298, %ge3A_366 : vector<16xi32>
        %select_n3A_368 = arith.select %ge3A_367, %broadcast_in_dim3A_12, %select_n3A_364 : vector<16xi1>, vector<16xf32>
        %ge3A_369 = arith.constant 4 : i32
        %ge3A_370 = vector.broadcast %ge3A_369 : i32 to vector<16xi32>
        %ge3A_371 = arith.cmpi sge, %get3A_298, %ge3A_370 : vector<16xi32>
        %select_n3A_372 = arith.select %ge3A_371, %broadcast_in_dim3A_15, %select_n3A_368 : vector<16xi1>, vector<16xf32>
        %bitcast3A_373 = vector.bitcast %get3A_304 : vector<16xi32> to vector<16xi32>
        %min3A_374 = arith.constant 4 : i32
        %min3A_375 = vector.broadcast %min3A_374 : i32 to vector<16xi32>
        %min3A_376 = arith.minui %bitcast3A_373, %min3A_375 : vector<16xi32>
        %bitcast3A_377 = vector.bitcast %min3A_376 : vector<16xi32> to vector<16xi32>
        %gather3A_378 = tpu.vector_load_idx %arg5[%bitcast3A_377] : memref<16xf32, #tpu.memory_space<vmem>>[vector<16xi32>], vector<16xf32>,
        %ge3A_379 = arith.constant 1 : i32
        %ge3A_380 = vector.broadcast %ge3A_379 : i32 to vector<16xi32>
        %ge3A_381 = arith.cmpi sge, %get3A_310, %ge3A_380 : vector<16xi32>
        %select_n3A_382 = arith.select %ge3A_381, %broadcast_in_dim3A_6, %broadcast_in_dim3A : vector<16xi1>, vector<16xf32>
        %ge3A_383 = arith.constant 2 : i32
        %ge3A_384 = vector.broadcast %ge3A_383 : i32 to vector<16xi32>
        %ge3A_385 = arith.cmpi sge, %get3A_310, %ge3A_384 : vector<16xi32>
        %select_n3A_386 = arith.select %ge3A_385, %broadcast_in_dim3A_9, %select_n3A_382 : vector<16xi1>, vector<16xf32>
        %ge3A_387 = arith.constant 3 : i32
        %ge3A_388 = vector.broadcast %ge3A_387 : i32 to vector<16xi32>
        %ge3A_389 = arith.cmpi sge, %get3A_310, %ge3A_388 : vector<16xi32>
        %select_n3A_390 = arith.select %ge3A_389, %broadcast_in_dim3A_12, %select_n3A_386 : vector<16xi1>, vector<16xf32>
        %ge3A_391 = arith.constant 4 : i32
        %ge3A_392 = vector.broadcast %ge3A_391 : i32 to vector<16xi32>
        %ge3A_393 = arith.cmpi sge, %get3A_310, %ge3A_392 : vector<16xi32>
        %select_n3A_394 = arith.select %ge3A_393, %broadcast_in_dim3A_15, %select_n3A_390 : vector<16xi1>, vector<16xf32>
        %add3A_395 = arith.constant 0 : i32
        %add3A_396 = arith.addi %mul3A_262, %add3A_395 : i32
        %swap3A = arith.constant 3 : i32
        %swap3A_397 = arith.index_cast %swap3A : i32 to index
        %swap3A_398 = arith.index_cast %add3A_396 : i32 to index
        %swap3A_399 = tpu.vector_load %arg11[%swap3A_397, %swap3A_398] {strides = array<i32>} : memref<4x2048xf32, #tpu.memory_space<vmem>>, vector<16xf32>,
        tpu.vector_store %arg11[%swap3A_397, %swap3A_398], %gather3A {strides = array<i32>} : memref<4x2048xf32, #tpu.memory_space<vmem>>, vector<16xf32>,
        %add3A_400 = arith.constant 16 : i32
        %add3A_401 = arith.addi %mul3A_262, %add3A_400 : i32
        %swap3A_402 = arith.constant 3 : i32
        %swap3A_403 = arith.index_cast %swap3A_402 : i32 to index
        %swap3A_404 = arith.index_cast %add3A_401 : i32 to index
        %swap3A_405 = tpu.vector_load %arg11[%swap3A_403, %swap3A_404] {strides = array<i32>} : memref<4x2048xf32, #tpu.memory_space<vmem>>, vector<16xf32>,
        tpu.vector_store %arg11[%swap3A_403, %swap3A_404], %select_n3A_328 {strides = array<i32>} : memref<4x2048xf32, #tpu.memory_space<vmem>>, vector<16xf32>,
        %add3A_406 = arith.constant 32 : i32
        %add3A_407 = arith.addi %mul3A_262, %add3A_406 : i32
        %swap3A_408 = arith.constant 3 : i32
        %swap3A_409 = arith.index_cast %swap3A_408 : i32 to index
        %swap3A_410 = arith.index_cast %add3A_407 : i32 to index
        %swap3A_411 = tpu.vector_load %arg11[%swap3A_409, %swap3A_410] {strides = array<i32>} : memref<4x2048xf32, #tpu.memory_space<vmem>>, vector<16xf32>,
        tpu.vector_store %arg11[%swap3A_409, %swap3A_410], %gather3A_334 {strides = array<i32>} : memref<4x2048xf32, #tpu.memory_space<vmem>>, vector<16xf32>,
        %add3A_412 = arith.constant 48 : i32
        %add3A_413 = arith.addi %mul3A_262, %add3A_412 : i32
        %swap3A_414 = arith.constant 3 : i32
        %swap3A_415 = arith.index_cast %swap3A_414 : i32 to index
        %swap3A_416 = arith.index_cast %add3A_413 : i32 to index
        %swap3A_417 = tpu.vector_load %arg11[%swap3A_415, %swap3A_416] {strides = array<i32>} : memref<4x2048xf32, #tpu.memory_space<vmem>>, vector<16xf32>,
        tpu.vector_store %arg11[%swap3A_415, %swap3A_416], %select_n3A_350 {strides = array<i32>} : memref<4x2048xf32, #tpu.memory_space<vmem>>, vector<16xf32>,
        %add3A_418 = arith.constant 64 : i32
        %add3A_419 = arith.addi %mul3A_262, %add3A_418 : i32
        %swap3A_420 = arith.constant 3 : i32
        %swap3A_421 = arith.index_cast %swap3A_420 : i32 to index
        %swap3A_422 = arith.index_cast %add3A_419 : i32 to index
        %swap3A_423 = tpu.vector_load %arg11[%swap3A_421, %swap3A_422] {strides = array<i32>} : memref<4x2048xf32, #tpu.memory_space<vmem>>, vector<16xf32>,
        tpu.vector_store %arg11[%swap3A_421, %swap3A_422], %gather3A_356 {strides = array<i32>} : memref<4x2048xf32, #tpu.memory_space<vmem>>, vector<16xf32>,
        %add3A_424 = arith.constant 80 : i32
        %add3A_425 = arith.addi %mul3A_262, %add3A_424 : i32
        %swap3A_426 = arith.constant 3 : i32
        %swap3A_427 = arith.index_cast %swap3A_426 : i32 to index
        %swap3A_428 = arith.index_cast %add3A_425 : i32 to index
        %swap3A_429 = tpu.vector_load %arg11[%swap3A_427, %swap3A_428] {strides = array<i32>} : memref<4x2048xf32, #tpu.memory_space<vmem>>, vector<16xf32>,
        tpu.vector_store %arg11[%swap3A_427, %swap3A_428], %select_n3A_372 {strides = array<i32>} : memref<4x2048xf32, #tpu.memory_space<vmem>>, vector<16xf32>,
        %add3A_430 = arith.constant 96 : i32
        %add3A_431 = arith.addi %mul3A_262, %add3A_430 : i32
        %swap3A_432 = arith.constant 3 : i32
        %swap3A_433 = arith.index_cast %swap3A_432 : i32 to index
        %swap3A_434 = arith.index_cast %add3A_431 : i32 to index
        %swap3A_435 = tpu.vector_load %arg11[%swap3A_433, %swap3A_434] {strides = array<i32>} : memref<4x2048xf32, #tpu.memory_space<vmem>>, vector<16xf32>,
        tpu.vector_store %arg11[%swap3A_433, %swap3A_434], %gather3A_378 {strides = array<i32>} : memref<4x2048xf32, #tpu.memory_space<vmem>>, vector<16xf32>,
        %add3A_436 = arith.constant 112 : i32
        %add3A_437 = arith.addi %mul3A_262, %add3A_436 : i32
        %swap3A_438 = arith.constant 3 : i32
        %swap3A_439 = arith.index_cast %swap3A_438 : i32 to index
        %swap3A_440 = arith.index_cast %add3A_437 : i32 to index
        %swap3A_441 = tpu.vector_load %arg11[%swap3A_439, %swap3A_440] {strides = array<i32>} : memref<4x2048xf32, #tpu.memory_space<vmem>>, vector<16xf32>,
        tpu.vector_store %arg11[%swap3A_439, %swap3A_440], %select_n3A_394 {strides = array<i32>} : memref<4x2048xf32, #tpu.memory_space<vmem>>, vector<16xf32>,
      }
      %scan3A_143 = arith.constant 16 : i32
      %mul3A_144 = arith.constant 4 : i32
      %mul3A_145 = arith.muli %add3A_110, %mul3A_144 : i32
      %add3A_146 = arith.addi %mul3A_2, %mul3A_145 : i32
      %dma_start3A_147 = arith.constant 0 : i32
      %dma_start3A_148 = tpu.memref_slice %arg4[%add3A_146, %dma_start3A_147] : memref<8192x2048xf32, #tpu.memory_space<hbm>> -> memref<4x2048xf32, #tpu.memory_space<hbm>>
      %dma_start3A_149 = arith.constant 0 : i32
      %dma_start3A_150 = tpu.memref_slice %arg4[%add3A_146, %dma_start3A_149] : memref<8192x2048xf32, #tpu.memory_space<hbm>> -> memref<4x2048xf32, #tpu.memory_space<hbm>>
      tpu.enqueue_dma source(%arg11 : memref<4x2048xf32, #tpu.memory_space<vmem>>) target(%dma_start3A_150 : memref<4x2048xf32, #tpu.memory_space<hbm>>) target_semaphore(%arg19 : memref<!tpu.dma_semaphore, #tpu.memory_space<semaphore_mem>>)
      %add3A_151 = arith.constant 4 : i32
      %add3A_152 = arith.addi %add3A_110, %add3A_151 : i32
      %lt3A_153 = arith.constant 64 : i32
      %lt3A_154 = arith.cmpi slt, %add3A_152, %lt3A_153 : i32
      %convert_element_type3A_155 = arith.extui %lt3A_154 : i1 to i32
      %cond3A_156 = arith.constant 0 : i32
      %cond3A_157 = arith.cmpi ne, %convert_element_type3A_155, %cond3A_156 : i32
      scf.if %cond3A_157 {
        %add3A_260 = arith.constant 4 : i32
        %add3A_261 = arith.addi %add3A_110, %add3A_260 : i32
        %mul3A_262 = arith.constant 4 : i32
        %mul3A_263 = arith.muli %add3A_261, %mul3A_262 : i32
        %add3A_264 = arith.addi %mul3A_2, %mul3A_263 : i32
        %dma_start3A_265 = arith.constant 0 : i32
        %dma_start3A_266 = tpu.memref_slice %arg2[%add3A_264, %dma_start3A_265] : memref<8192x2048xi32, #tpu.memory_space<hbm>> -> memref<4x2048xi32, #tpu.memory_space<hbm>>
        %dma_start3A_267 = arith.constant 0 : i32
        %dma_start3A_268 = tpu.memref_slice %arg2[%add3A_264, %dma_start3A_267] : memref<8192x2048xi32, #tpu.memory_space<hbm>> -> memref<4x2048xi32, #tpu.memory_space<hbm>>
        tpu.enqueue_dma source(%dma_start3A_268 : memref<4x2048xi32, #tpu.memory_space<hbm>>) target(%arg7 : memref<4x2048xi32, #tpu.memory_space<vmem>>) target_semaphore(%arg15 : memref<!tpu.dma_semaphore, #tpu.memory_space<semaphore_mem>>)
      } else {
      }
      %mul3A_158 = arith.constant 4 : i32
      %mul3A_159 = arith.muli %scan3A_59, %mul3A_158 : i32
      %add3A_160 = arith.constant 2 : i32
      %add3A_161 = arith.addi %mul3A_159, %add3A_160 : i32
      %dma_wait3A_162 = arith.constant 0 : i32
      %dma_wait3A_163 = tpu.memref_slice %arg2[%mul3A_2, %dma_wait3A_162] : memref<8192x2048xi32, #tpu.memory_space<hbm>> -> memref<4x2048xi32, #tpu.memory_space<hbm>>
      %dma_wait3A_164 = arith.constant 0 : i32
      %dma_wait3A_165 = tpu.memref_slice %arg2[%mul3A_2, %dma_wait3A_164] : memref<8192x2048xi32, #tpu.memory_space<hbm>> -> memref<4x2048xi32, #tpu.memory_space<hbm>>
      tpu.wait_dma2 semaphore(%arg16 : memref<!tpu.dma_semaphore, #tpu.memory_space<semaphore_mem>>) src(%dma_wait3A_165 : memref<4x2048xi32, #tpu.memory_space<hbm>>) dst(%arg8 : memref<4x2048xi32, #tpu.memory_space<vmem>>)
      %ge3A_166 = arith.constant 4 : i32
      %ge3A_167 = arith.cmpi sge, %add3A_161, %ge3A_166 : i32
      %convert_element_type3A_168 = arith.extui %ge3A_167 : i1 to i32
      %cond3A_169 = arith.constant 0 : i32
      %cond3A_170 = arith.cmpi ne, %convert_element_type3A_168, %cond3A_169 : i32
      scf.if %cond3A_170 {
        %dma_wait3A_260 = arith.constant 0 : i32
        %dma_wait3A_261 = tpu.memref_slice %arg4[%mul3A_2, %dma_wait3A_260] : memref<8192x2048xf32, #tpu.memory_space<hbm>> -> memref<4x2048xf32, #tpu.memory_space<hbm>>
        %dma_wait3A_262 = arith.constant 0 : i32
        %dma_wait3A_263 = tpu.memref_slice %arg4[%mul3A_2, %dma_wait3A_262] : memref<8192x2048xf32, #tpu.memory_space<hbm>> -> memref<4x2048xf32, #tpu.memory_space<hbm>>
        tpu.wait_dma2 semaphore(%arg20 : memref<!tpu.dma_semaphore, #tpu.memory_space<semaphore_mem>>) src(%arg12 : memref<4x2048xf32, #tpu.memory_space<vmem>>) dst(%dma_wait3A_263 : memref<4x2048xf32, #tpu.memory_space<hbm>>)
      } else {
      }
      %scan3A_171 = arith.constant 0 : i32
      %scan3A_172 = arith.constant 0 : i32
      %scan3A_173 = arith.constant 16 : i32
      %scan3A_174 = arith.addi %scan3A_172, %scan3A_173 : i32
      %scan3A_175 = arith.constant 1 : i32
      scf.for %scan3A_260 = %scan3A_172 to %scan3A_174 step %scan3A_175  : i32 {
        %mul3A_261 = arith.constant 128 : i32
        %mul3A_262 = arith.muli %scan3A_260, %mul3A_261 : i32
        %add3A_263 = arith.constant 0 : i32
        %add3A_264 = arith.addi %mul3A_262, %add3A_263 : i32
        %get3A_265 = arith.constant 0 : i32
        %get3A_266 = arith.index_cast %get3A_265 : i32 to index
        %get3A_267 = arith.index_cast %add3A_264 : i32 to index
        %get3A_268 = tpu.vector_load %arg8[%get3A_266, %get3A_267] {strides = array<i32>} : memref<4x2048xi32, #tpu.memory_space<vmem>>, vector<16xi32>,
        %add3A_269 = arith.constant 16 : i32
        %add3A_270 = arith.addi %mul3A_262, %add3A_269 : i32
        %get3A_271 = arith.constant 0 : i32
        %get3A_272 = arith.index_cast %get3A_271 : i32 to index
        %get3A_273 = arith.index_cast %add3A_270 : i32 to index
        %get3A_274 = tpu.vector_load %arg8[%get3A_272, %get3A_273] {strides = array<i32>} : memref<4x2048xi32, #tpu.memory_space<vmem>>, vector<16xi32>,
        %add3A_275 = arith.constant 32 : i32
        %add3A_276 = arith.addi %mul3A_262, %add3A_275 : i32
        %get3A_277 = arith.constant 0 : i32
        %get3A_278 = arith.index_cast %get3A_277 : i32 to index
        %get3A_279 = arith.index_cast %add3A_276 : i32 to index
        %get3A_280 = tpu.vector_load %arg8[%get3A_278, %get3A_279] {strides = array<i32>} : memref<4x2048xi32, #tpu.memory_space<vmem>>, vector<16xi32>,
        %add3A_281 = arith.constant 48 : i32
        %add3A_282 = arith.addi %mul3A_262, %add3A_281 : i32
        %get3A_283 = arith.constant 0 : i32
        %get3A_284 = arith.index_cast %get3A_283 : i32 to index
        %get3A_285 = arith.index_cast %add3A_282 : i32 to index
        %get3A_286 = tpu.vector_load %arg8[%get3A_284, %get3A_285] {strides = array<i32>} : memref<4x2048xi32, #tpu.memory_space<vmem>>, vector<16xi32>,
        %add3A_287 = arith.constant 64 : i32
        %add3A_288 = arith.addi %mul3A_262, %add3A_287 : i32
        %get3A_289 = arith.constant 0 : i32
        %get3A_290 = arith.index_cast %get3A_289 : i32 to index
        %get3A_291 = arith.index_cast %add3A_288 : i32 to index
        %get3A_292 = tpu.vector_load %arg8[%get3A_290, %get3A_291] {strides = array<i32>} : memref<4x2048xi32, #tpu.memory_space<vmem>>, vector<16xi32>,
        %add3A_293 = arith.constant 80 : i32
        %add3A_294 = arith.addi %mul3A_262, %add3A_293 : i32
        %get3A_295 = arith.constant 0 : i32
        %get3A_296 = arith.index_cast %get3A_295 : i32 to index
        %get3A_297 = arith.index_cast %add3A_294 : i32 to index
        %get3A_298 = tpu.vector_load %arg8[%get3A_296, %get3A_297] {strides = array<i32>} : memref<4x2048xi32, #tpu.memory_space<vmem>>, vector<16xi32>,
        %add3A_299 = arith.constant 96 : i32
        %add3A_300 = arith.addi %mul3A_262, %add3A_299 : i32
        %get3A_301 = arith.constant 0 : i32
        %get3A_302 = arith.index_cast %get3A_301 : i32 to index
        %get3A_303 = arith.index_cast %add3A_300 : i32 to index
        %get3A_304 = tpu.vector_load %arg8[%get3A_302, %get3A_303] {strides = array<i32>} : memref<4x2048xi32, #tpu.memory_space<vmem>>, vector<16xi32>,
        %add3A_305 = arith.constant 112 : i32
        %add3A_306 = arith.addi %mul3A_262, %add3A_305 : i32
        %get3A_307 = arith.constant 0 : i32
        %get3A_308 = arith.index_cast %get3A_307 : i32 to index
        %get3A_309 = arith.index_cast %add3A_306 : i32 to index
        %get3A_310 = tpu.vector_load %arg8[%get3A_308, %get3A_309] {strides = array<i32>} : memref<4x2048xi32, #tpu.memory_space<vmem>>, vector<16xi32>,
        %bitcast3A = vector.bitcast %get3A_268 : vector<16xi32> to vector<16xi32>
        %min3A = arith.constant 4 : i32
        %min3A_311 = vector.broadcast %min3A : i32 to vector<16xi32>
        %min3A_312 = arith.minui %bitcast3A, %min3A_311 : vector<16xi32>
        %bitcast3A_313 = vector.bitcast %min3A_312 : vector<16xi32> to vector<16xi32>
        %gather3A = tpu.vector_load_idx %arg5[%bitcast3A_313] : memref<16xf32, #tpu.memory_space<vmem>>[vector<16xi32>], vector<16xf32>,
        %ge3A_314 = arith.constant 1 : i32
        %ge3A_315 = vector.broadcast %ge3A_314 : i32 to vector<16xi32>
        %ge3A_316 = arith.cmpi sge, %get3A_274, %ge3A_315 : vector<16xi32>
        %select_n3A = arith.select %ge3A_316, %broadcast_in_dim3A_6, %broadcast_in_dim3A : vector<16xi1>, vector<16xf32>
        %ge3A_317 = arith.constant 2 : i32
        %ge3A_318 = vector.broadcast %ge3A_317 : i32 to vector<16xi32>
        %ge3A_319 = arith.cmpi sge, %get3A_274, %ge3A_318 : vector<16xi32>
        %select_n3A_320 = arith.select %ge3A_319, %broadcast_in_dim3A_9, %select_n3A : vector<16xi1>, vector<16xf32>
        %ge3A_321 = arith.constant 3 : i32
        %ge3A_322 = vector.broadcast %ge3A_321 : i32 to vector<16xi32>
        %ge3A_323 = arith.cmpi sge, %get3A_274, %ge3A_322 : vector<16xi32>
        %select_n3A_324 = arith.select %ge3A_323, %broadcast_in_dim3A_12, %select_n3A_320 : vector<16xi1>, vector<16xf32>
        %ge3A_325 = arith.constant 4 : i32
        %ge3A_326 = vector.broadcast %ge3A_325 : i32 to vector<16xi32>
        %ge3A_327 = arith.cmpi sge, %get3A_274, %ge3A_326 : vector<16xi32>
        %select_n3A_328 = arith.select %ge3A_327, %broadcast_in_dim3A_15, %select_n3A_324 : vector<16xi1>, vector<16xf32>
        %bitcast3A_329 = vector.bitcast %get3A_280 : vector<16xi32> to vector<16xi32>
        %min3A_330 = arith.constant 4 : i32
        %min3A_331 = vector.broadcast %min3A_330 : i32 to vector<16xi32>
        %min3A_332 = arith.minui %bitcast3A_329, %min3A_331 : vector<16xi32>
        %bitcast3A_333 = vector.bitcast %min3A_332 : vector<16xi32> to vector<16xi32>
        %gather3A_334 = tpu.vector_load_idx %arg5[%bitcast3A_333] : memref<16xf32, #tpu.memory_space<vmem>>[vector<16xi32>], vector<16xf32>,
        %ge3A_335 = arith.constant 1 : i32
        %ge3A_336 = vector.broadcast %ge3A_335 : i32 to vector<16xi32>
        %ge3A_337 = arith.cmpi sge, %get3A_286, %ge3A_336 : vector<16xi32>
        %select_n3A_338 = arith.select %ge3A_337, %broadcast_in_dim3A_6, %broadcast_in_dim3A : vector<16xi1>, vector<16xf32>
        %ge3A_339 = arith.constant 2 : i32
        %ge3A_340 = vector.broadcast %ge3A_339 : i32 to vector<16xi32>
        %ge3A_341 = arith.cmpi sge, %get3A_286, %ge3A_340 : vector<16xi32>
        %select_n3A_342 = arith.select %ge3A_341, %broadcast_in_dim3A_9, %select_n3A_338 : vector<16xi1>, vector<16xf32>
        %ge3A_343 = arith.constant 3 : i32
        %ge3A_344 = vector.broadcast %ge3A_343 : i32 to vector<16xi32>
        %ge3A_345 = arith.cmpi sge, %get3A_286, %ge3A_344 : vector<16xi32>
        %select_n3A_346 = arith.select %ge3A_345, %broadcast_in_dim3A_12, %select_n3A_342 : vector<16xi1>, vector<16xf32>
        %ge3A_347 = arith.constant 4 : i32
        %ge3A_348 = vector.broadcast %ge3A_347 : i32 to vector<16xi32>
        %ge3A_349 = arith.cmpi sge, %get3A_286, %ge3A_348 : vector<16xi32>
        %select_n3A_350 = arith.select %ge3A_349, %broadcast_in_dim3A_15, %select_n3A_346 : vector<16xi1>, vector<16xf32>
        %bitcast3A_351 = vector.bitcast %get3A_292 : vector<16xi32> to vector<16xi32>
        %min3A_352 = arith.constant 4 : i32
        %min3A_353 = vector.broadcast %min3A_352 : i32 to vector<16xi32>
        %min3A_354 = arith.minui %bitcast3A_351, %min3A_353 : vector<16xi32>
        %bitcast3A_355 = vector.bitcast %min3A_354 : vector<16xi32> to vector<16xi32>
        %gather3A_356 = tpu.vector_load_idx %arg5[%bitcast3A_355] : memref<16xf32, #tpu.memory_space<vmem>>[vector<16xi32>], vector<16xf32>,
        %ge3A_357 = arith.constant 1 : i32
        %ge3A_358 = vector.broadcast %ge3A_357 : i32 to vector<16xi32>
        %ge3A_359 = arith.cmpi sge, %get3A_298, %ge3A_358 : vector<16xi32>
        %select_n3A_360 = arith.select %ge3A_359, %broadcast_in_dim3A_6, %broadcast_in_dim3A : vector<16xi1>, vector<16xf32>
        %ge3A_361 = arith.constant 2 : i32
        %ge3A_362 = vector.broadcast %ge3A_361 : i32 to vector<16xi32>
        %ge3A_363 = arith.cmpi sge, %get3A_298, %ge3A_362 : vector<16xi32>
        %select_n3A_364 = arith.select %ge3A_363, %broadcast_in_dim3A_9, %select_n3A_360 : vector<16xi1>, vector<16xf32>
        %ge3A_365 = arith.constant 3 : i32
        %ge3A_366 = vector.broadcast %ge3A_365 : i32 to vector<16xi32>
        %ge3A_367 = arith.cmpi sge, %get3A_298, %ge3A_366 : vector<16xi32>
        %select_n3A_368 = arith.select %ge3A_367, %broadcast_in_dim3A_12, %select_n3A_364 : vector<16xi1>, vector<16xf32>
        %ge3A_369 = arith.constant 4 : i32
        %ge3A_370 = vector.broadcast %ge3A_369 : i32 to vector<16xi32>
        %ge3A_371 = arith.cmpi sge, %get3A_298, %ge3A_370 : vector<16xi32>
        %select_n3A_372 = arith.select %ge3A_371, %broadcast_in_dim3A_15, %select_n3A_368 : vector<16xi1>, vector<16xf32>
        %bitcast3A_373 = vector.bitcast %get3A_304 : vector<16xi32> to vector<16xi32>
        %min3A_374 = arith.constant 4 : i32
        %min3A_375 = vector.broadcast %min3A_374 : i32 to vector<16xi32>
        %min3A_376 = arith.minui %bitcast3A_373, %min3A_375 : vector<16xi32>
        %bitcast3A_377 = vector.bitcast %min3A_376 : vector<16xi32> to vector<16xi32>
        %gather3A_378 = tpu.vector_load_idx %arg5[%bitcast3A_377] : memref<16xf32, #tpu.memory_space<vmem>>[vector<16xi32>], vector<16xf32>,
        %ge3A_379 = arith.constant 1 : i32
        %ge3A_380 = vector.broadcast %ge3A_379 : i32 to vector<16xi32>
        %ge3A_381 = arith.cmpi sge, %get3A_310, %ge3A_380 : vector<16xi32>
        %select_n3A_382 = arith.select %ge3A_381, %broadcast_in_dim3A_6, %broadcast_in_dim3A : vector<16xi1>, vector<16xf32>
        %ge3A_383 = arith.constant 2 : i32
        %ge3A_384 = vector.broadcast %ge3A_383 : i32 to vector<16xi32>
        %ge3A_385 = arith.cmpi sge, %get3A_310, %ge3A_384 : vector<16xi32>
        %select_n3A_386 = arith.select %ge3A_385, %broadcast_in_dim3A_9, %select_n3A_382 : vector<16xi1>, vector<16xf32>
        %ge3A_387 = arith.constant 3 : i32
        %ge3A_388 = vector.broadcast %ge3A_387 : i32 to vector<16xi32>
        %ge3A_389 = arith.cmpi sge, %get3A_310, %ge3A_388 : vector<16xi32>
        %select_n3A_390 = arith.select %ge3A_389, %broadcast_in_dim3A_12, %select_n3A_386 : vector<16xi1>, vector<16xf32>
        %ge3A_391 = arith.constant 4 : i32
        %ge3A_392 = vector.broadcast %ge3A_391 : i32 to vector<16xi32>
        %ge3A_393 = arith.cmpi sge, %get3A_310, %ge3A_392 : vector<16xi32>
        %select_n3A_394 = arith.select %ge3A_393, %broadcast_in_dim3A_15, %select_n3A_390 : vector<16xi1>, vector<16xf32>
        %add3A_395 = arith.constant 0 : i32
        %add3A_396 = arith.addi %mul3A_262, %add3A_395 : i32
        %swap3A = arith.constant 0 : i32
        %swap3A_397 = arith.index_cast %swap3A : i32 to index
        %swap3A_398 = arith.index_cast %add3A_396 : i32 to index
        %swap3A_399 = tpu.vector_load %arg12[%swap3A_397, %swap3A_398] {strides = array<i32>} : memref<4x2048xf32, #tpu.memory_space<vmem>>, vector<16xf32>,
        tpu.vector_store %arg12[%swap3A_397, %swap3A_398], %gather3A {strides = array<i32>} : memref<4x2048xf32, #tpu.memory_space<vmem>>, vector<16xf32>,
        %add3A_400 = arith.constant 16 : i32
        %add3A_401 = arith.addi %mul3A_262, %add3A_400 : i32
        %swap3A_402 = arith.constant 0 : i32
        %swap3A_403 = arith.index_cast %swap3A_402 : i32 to index
        %swap3A_404 = arith.index_cast %add3A_401 : i32 to index
        %swap3A_405 = tpu.vector_load %arg12[%swap3A_403, %swap3A_404] {strides = array<i32>} : memref<4x2048xf32, #tpu.memory_space<vmem>>, vector<16xf32>,
        tpu.vector_store %arg12[%swap3A_403, %swap3A_404], %select_n3A_328 {strides = array<i32>} : memref<4x2048xf32, #tpu.memory_space<vmem>>, vector<16xf32>,
        %add3A_406 = arith.constant 32 : i32
        %add3A_407 = arith.addi %mul3A_262, %add3A_406 : i32
        %swap3A_408 = arith.constant 0 : i32
        %swap3A_409 = arith.index_cast %swap3A_408 : i32 to index
        %swap3A_410 = arith.index_cast %add3A_407 : i32 to index
        %swap3A_411 = tpu.vector_load %arg12[%swap3A_409, %swap3A_410] {strides = array<i32>} : memref<4x2048xf32, #tpu.memory_space<vmem>>, vector<16xf32>,
        tpu.vector_store %arg12[%swap3A_409, %swap3A_410], %gather3A_334 {strides = array<i32>} : memref<4x2048xf32, #tpu.memory_space<vmem>>, vector<16xf32>,
        %add3A_412 = arith.constant 48 : i32
        %add3A_413 = arith.addi %mul3A_262, %add3A_412 : i32
        %swap3A_414 = arith.constant 0 : i32
        %swap3A_415 = arith.index_cast %swap3A_414 : i32 to index
        %swap3A_416 = arith.index_cast %add3A_413 : i32 to index
        %swap3A_417 = tpu.vector_load %arg12[%swap3A_415, %swap3A_416] {strides = array<i32>} : memref<4x2048xf32, #tpu.memory_space<vmem>>, vector<16xf32>,
        tpu.vector_store %arg12[%swap3A_415, %swap3A_416], %select_n3A_350 {strides = array<i32>} : memref<4x2048xf32, #tpu.memory_space<vmem>>, vector<16xf32>,
        %add3A_418 = arith.constant 64 : i32
        %add3A_419 = arith.addi %mul3A_262, %add3A_418 : i32
        %swap3A_420 = arith.constant 0 : i32
        %swap3A_421 = arith.index_cast %swap3A_420 : i32 to index
        %swap3A_422 = arith.index_cast %add3A_419 : i32 to index
        %swap3A_423 = tpu.vector_load %arg12[%swap3A_421, %swap3A_422] {strides = array<i32>} : memref<4x2048xf32, #tpu.memory_space<vmem>>, vector<16xf32>,
        tpu.vector_store %arg12[%swap3A_421, %swap3A_422], %gather3A_356 {strides = array<i32>} : memref<4x2048xf32, #tpu.memory_space<vmem>>, vector<16xf32>,
        %add3A_424 = arith.constant 80 : i32
        %add3A_425 = arith.addi %mul3A_262, %add3A_424 : i32
        %swap3A_426 = arith.constant 0 : i32
        %swap3A_427 = arith.index_cast %swap3A_426 : i32 to index
        %swap3A_428 = arith.index_cast %add3A_425 : i32 to index
        %swap3A_429 = tpu.vector_load %arg12[%swap3A_427, %swap3A_428] {strides = array<i32>} : memref<4x2048xf32, #tpu.memory_space<vmem>>, vector<16xf32>,
        tpu.vector_store %arg12[%swap3A_427, %swap3A_428], %select_n3A_372 {strides = array<i32>} : memref<4x2048xf32, #tpu.memory_space<vmem>>, vector<16xf32>,
        %add3A_430 = arith.constant 96 : i32
        %add3A_431 = arith.addi %mul3A_262, %add3A_430 : i32
        %swap3A_432 = arith.constant 0 : i32
        %swap3A_433 = arith.index_cast %swap3A_432 : i32 to index
        %swap3A_434 = arith.index_cast %add3A_431 : i32 to index
        %swap3A_435 = tpu.vector_load %arg12[%swap3A_433, %swap3A_434] {strides = array<i32>} : memref<4x2048xf32, #tpu.memory_space<vmem>>, vector<16xf32>,
        tpu.vector_store %arg12[%swap3A_433, %swap3A_434], %gather3A_378 {strides = array<i32>} : memref<4x2048xf32, #tpu.memory_space<vmem>>, vector<16xf32>,
        %add3A_436 = arith.constant 112 : i32
        %add3A_437 = arith.addi %mul3A_262, %add3A_436 : i32
        %swap3A_438 = arith.constant 0 : i32
        %swap3A_439 = arith.index_cast %swap3A_438 : i32 to index
        %swap3A_440 = arith.index_cast %add3A_437 : i32 to index
        %swap3A_441 = tpu.vector_load %arg12[%swap3A_439, %swap3A_440] {strides = array<i32>} : memref<4x2048xf32, #tpu.memory_space<vmem>>, vector<16xf32>,
        tpu.vector_store %arg12[%swap3A_439, %swap3A_440], %select_n3A_394 {strides = array<i32>} : memref<4x2048xf32, #tpu.memory_space<vmem>>, vector<16xf32>,
      }
      %scan3A_176 = arith.constant 16 : i32
      %scan3A_177 = arith.constant 0 : i32
      %scan3A_178 = arith.constant 0 : i32
      %scan3A_179 = arith.constant 16 : i32
      %scan3A_180 = arith.addi %scan3A_178, %scan3A_179 : i32
      %scan3A_181 = arith.constant 1 : i32
      scf.for %scan3A_260 = %scan3A_178 to %scan3A_180 step %scan3A_181  : i32 {
        %mul3A_261 = arith.constant 128 : i32
        %mul3A_262 = arith.muli %scan3A_260, %mul3A_261 : i32
        %add3A_263 = arith.constant 0 : i32
        %add3A_264 = arith.addi %mul3A_262, %add3A_263 : i32
        %get3A_265 = arith.constant 1 : i32
        %get3A_266 = arith.index_cast %get3A_265 : i32 to index
        %get3A_267 = arith.index_cast %add3A_264 : i32 to index
        %get3A_268 = tpu.vector_load %arg8[%get3A_266, %get3A_267] {strides = array<i32>} : memref<4x2048xi32, #tpu.memory_space<vmem>>, vector<16xi32>,
        %add3A_269 = arith.constant 16 : i32
        %add3A_270 = arith.addi %mul3A_262, %add3A_269 : i32
        %get3A_271 = arith.constant 1 : i32
        %get3A_272 = arith.index_cast %get3A_271 : i32 to index
        %get3A_273 = arith.index_cast %add3A_270 : i32 to index
        %get3A_274 = tpu.vector_load %arg8[%get3A_272, %get3A_273] {strides = array<i32>} : memref<4x2048xi32, #tpu.memory_space<vmem>>, vector<16xi32>,
        %add3A_275 = arith.constant 32 : i32
        %add3A_276 = arith.addi %mul3A_262, %add3A_275 : i32
        %get3A_277 = arith.constant 1 : i32
        %get3A_278 = arith.index_cast %get3A_277 : i32 to index
        %get3A_279 = arith.index_cast %add3A_276 : i32 to index
        %get3A_280 = tpu.vector_load %arg8[%get3A_278, %get3A_279] {strides = array<i32>} : memref<4x2048xi32, #tpu.memory_space<vmem>>, vector<16xi32>,
        %add3A_281 = arith.constant 48 : i32
        %add3A_282 = arith.addi %mul3A_262, %add3A_281 : i32
        %get3A_283 = arith.constant 1 : i32
        %get3A_284 = arith.index_cast %get3A_283 : i32 to index
        %get3A_285 = arith.index_cast %add3A_282 : i32 to index
        %get3A_286 = tpu.vector_load %arg8[%get3A_284, %get3A_285] {strides = array<i32>} : memref<4x2048xi32, #tpu.memory_space<vmem>>, vector<16xi32>,
        %add3A_287 = arith.constant 64 : i32
        %add3A_288 = arith.addi %mul3A_262, %add3A_287 : i32
        %get3A_289 = arith.constant 1 : i32
        %get3A_290 = arith.index_cast %get3A_289 : i32 to index
        %get3A_291 = arith.index_cast %add3A_288 : i32 to index
        %get3A_292 = tpu.vector_load %arg8[%get3A_290, %get3A_291] {strides = array<i32>} : memref<4x2048xi32, #tpu.memory_space<vmem>>, vector<16xi32>,
        %add3A_293 = arith.constant 80 : i32
        %add3A_294 = arith.addi %mul3A_262, %add3A_293 : i32
        %get3A_295 = arith.constant 1 : i32
        %get3A_296 = arith.index_cast %get3A_295 : i32 to index
        %get3A_297 = arith.index_cast %add3A_294 : i32 to index
        %get3A_298 = tpu.vector_load %arg8[%get3A_296, %get3A_297] {strides = array<i32>} : memref<4x2048xi32, #tpu.memory_space<vmem>>, vector<16xi32>,
        %add3A_299 = arith.constant 96 : i32
        %add3A_300 = arith.addi %mul3A_262, %add3A_299 : i32
        %get3A_301 = arith.constant 1 : i32
        %get3A_302 = arith.index_cast %get3A_301 : i32 to index
        %get3A_303 = arith.index_cast %add3A_300 : i32 to index
        %get3A_304 = tpu.vector_load %arg8[%get3A_302, %get3A_303] {strides = array<i32>} : memref<4x2048xi32, #tpu.memory_space<vmem>>, vector<16xi32>,
        %add3A_305 = arith.constant 112 : i32
        %add3A_306 = arith.addi %mul3A_262, %add3A_305 : i32
        %get3A_307 = arith.constant 1 : i32
        %get3A_308 = arith.index_cast %get3A_307 : i32 to index
        %get3A_309 = arith.index_cast %add3A_306 : i32 to index
        %get3A_310 = tpu.vector_load %arg8[%get3A_308, %get3A_309] {strides = array<i32>} : memref<4x2048xi32, #tpu.memory_space<vmem>>, vector<16xi32>,
        %bitcast3A = vector.bitcast %get3A_268 : vector<16xi32> to vector<16xi32>
        %min3A = arith.constant 4 : i32
        %min3A_311 = vector.broadcast %min3A : i32 to vector<16xi32>
        %min3A_312 = arith.minui %bitcast3A, %min3A_311 : vector<16xi32>
        %bitcast3A_313 = vector.bitcast %min3A_312 : vector<16xi32> to vector<16xi32>
        %gather3A = tpu.vector_load_idx %arg5[%bitcast3A_313] : memref<16xf32, #tpu.memory_space<vmem>>[vector<16xi32>], vector<16xf32>,
        %ge3A_314 = arith.constant 1 : i32
        %ge3A_315 = vector.broadcast %ge3A_314 : i32 to vector<16xi32>
        %ge3A_316 = arith.cmpi sge, %get3A_274, %ge3A_315 : vector<16xi32>
        %select_n3A = arith.select %ge3A_316, %broadcast_in_dim3A_6, %broadcast_in_dim3A : vector<16xi1>, vector<16xf32>
        %ge3A_317 = arith.constant 2 : i32
        %ge3A_318 = vector.broadcast %ge3A_317 : i32 to vector<16xi32>
        %ge3A_319 = arith.cmpi sge, %get3A_274, %ge3A_318 : vector<16xi32>
        %select_n3A_320 = arith.select %ge3A_319, %broadcast_in_dim3A_9, %select_n3A : vector<16xi1>, vector<16xf32>
        %ge3A_321 = arith.constant 3 : i32
        %ge3A_322 = vector.broadcast %ge3A_321 : i32 to vector<16xi32>
        %ge3A_323 = arith.cmpi sge, %get3A_274, %ge3A_322 : vector<16xi32>
        %select_n3A_324 = arith.select %ge3A_323, %broadcast_in_dim3A_12, %select_n3A_320 : vector<16xi1>, vector<16xf32>
        %ge3A_325 = arith.constant 4 : i32
        %ge3A_326 = vector.broadcast %ge3A_325 : i32 to vector<16xi32>
        %ge3A_327 = arith.cmpi sge, %get3A_274, %ge3A_326 : vector<16xi32>
        %select_n3A_328 = arith.select %ge3A_327, %broadcast_in_dim3A_15, %select_n3A_324 : vector<16xi1>, vector<16xf32>
        %bitcast3A_329 = vector.bitcast %get3A_280 : vector<16xi32> to vector<16xi32>
        %min3A_330 = arith.constant 4 : i32
        %min3A_331 = vector.broadcast %min3A_330 : i32 to vector<16xi32>
        %min3A_332 = arith.minui %bitcast3A_329, %min3A_331 : vector<16xi32>
        %bitcast3A_333 = vector.bitcast %min3A_332 : vector<16xi32> to vector<16xi32>
        %gather3A_334 = tpu.vector_load_idx %arg5[%bitcast3A_333] : memref<16xf32, #tpu.memory_space<vmem>>[vector<16xi32>], vector<16xf32>,
        %ge3A_335 = arith.constant 1 : i32
        %ge3A_336 = vector.broadcast %ge3A_335 : i32 to vector<16xi32>
        %ge3A_337 = arith.cmpi sge, %get3A_286, %ge3A_336 : vector<16xi32>
        %select_n3A_338 = arith.select %ge3A_337, %broadcast_in_dim3A_6, %broadcast_in_dim3A : vector<16xi1>, vector<16xf32>
        %ge3A_339 = arith.constant 2 : i32
        %ge3A_340 = vector.broadcast %ge3A_339 : i32 to vector<16xi32>
        %ge3A_341 = arith.cmpi sge, %get3A_286, %ge3A_340 : vector<16xi32>
        %select_n3A_342 = arith.select %ge3A_341, %broadcast_in_dim3A_9, %select_n3A_338 : vector<16xi1>, vector<16xf32>
        %ge3A_343 = arith.constant 3 : i32
        %ge3A_344 = vector.broadcast %ge3A_343 : i32 to vector<16xi32>
        %ge3A_345 = arith.cmpi sge, %get3A_286, %ge3A_344 : vector<16xi32>
        %select_n3A_346 = arith.select %ge3A_345, %broadcast_in_dim3A_12, %select_n3A_342 : vector<16xi1>, vector<16xf32>
        %ge3A_347 = arith.constant 4 : i32
        %ge3A_348 = vector.broadcast %ge3A_347 : i32 to vector<16xi32>
        %ge3A_349 = arith.cmpi sge, %get3A_286, %ge3A_348 : vector<16xi32>
        %select_n3A_350 = arith.select %ge3A_349, %broadcast_in_dim3A_15, %select_n3A_346 : vector<16xi1>, vector<16xf32>
        %bitcast3A_351 = vector.bitcast %get3A_292 : vector<16xi32> to vector<16xi32>
        %min3A_352 = arith.constant 4 : i32
        %min3A_353 = vector.broadcast %min3A_352 : i32 to vector<16xi32>
        %min3A_354 = arith.minui %bitcast3A_351, %min3A_353 : vector<16xi32>
        %bitcast3A_355 = vector.bitcast %min3A_354 : vector<16xi32> to vector<16xi32>
        %gather3A_356 = tpu.vector_load_idx %arg5[%bitcast3A_355] : memref<16xf32, #tpu.memory_space<vmem>>[vector<16xi32>], vector<16xf32>,
        %ge3A_357 = arith.constant 1 : i32
        %ge3A_358 = vector.broadcast %ge3A_357 : i32 to vector<16xi32>
        %ge3A_359 = arith.cmpi sge, %get3A_298, %ge3A_358 : vector<16xi32>
        %select_n3A_360 = arith.select %ge3A_359, %broadcast_in_dim3A_6, %broadcast_in_dim3A : vector<16xi1>, vector<16xf32>
        %ge3A_361 = arith.constant 2 : i32
        %ge3A_362 = vector.broadcast %ge3A_361 : i32 to vector<16xi32>
        %ge3A_363 = arith.cmpi sge, %get3A_298, %ge3A_362 : vector<16xi32>
        %select_n3A_364 = arith.select %ge3A_363, %broadcast_in_dim3A_9, %select_n3A_360 : vector<16xi1>, vector<16xf32>
        %ge3A_365 = arith.constant 3 : i32
        %ge3A_366 = vector.broadcast %ge3A_365 : i32 to vector<16xi32>
        %ge3A_367 = arith.cmpi sge, %get3A_298, %ge3A_366 : vector<16xi32>
        %select_n3A_368 = arith.select %ge3A_367, %broadcast_in_dim3A_12, %select_n3A_364 : vector<16xi1>, vector<16xf32>
        %ge3A_369 = arith.constant 4 : i32
        %ge3A_370 = vector.broadcast %ge3A_369 : i32 to vector<16xi32>
        %ge3A_371 = arith.cmpi sge, %get3A_298, %ge3A_370 : vector<16xi32>
        %select_n3A_372 = arith.select %ge3A_371, %broadcast_in_dim3A_15, %select_n3A_368 : vector<16xi1>, vector<16xf32>
        %bitcast3A_373 = vector.bitcast %get3A_304 : vector<16xi32> to vector<16xi32>
        %min3A_374 = arith.constant 4 : i32
        %min3A_375 = vector.broadcast %min3A_374 : i32 to vector<16xi32>
        %min3A_376 = arith.minui %bitcast3A_373, %min3A_375 : vector<16xi32>
        %bitcast3A_377 = vector.bitcast %min3A_376 : vector<16xi32> to vector<16xi32>
        %gather3A_378 = tpu.vector_load_idx %arg5[%bitcast3A_377] : memref<16xf32, #tpu.memory_space<vmem>>[vector<16xi32>], vector<16xf32>,
        %ge3A_379 = arith.constant 1 : i32
        %ge3A_380 = vector.broadcast %ge3A_379 : i32 to vector<16xi32>
        %ge3A_381 = arith.cmpi sge, %get3A_310, %ge3A_380 : vector<16xi32>
        %select_n3A_382 = arith.select %ge3A_381, %broadcast_in_dim3A_6, %broadcast_in_dim3A : vector<16xi1>, vector<16xf32>
        %ge3A_383 = arith.constant 2 : i32
        %ge3A_384 = vector.broadcast %ge3A_383 : i32 to vector<16xi32>
        %ge3A_385 = arith.cmpi sge, %get3A_310, %ge3A_384 : vector<16xi32>
        %select_n3A_386 = arith.select %ge3A_385, %broadcast_in_dim3A_9, %select_n3A_382 : vector<16xi1>, vector<16xf32>
        %ge3A_387 = arith.constant 3 : i32
        %ge3A_388 = vector.broadcast %ge3A_387 : i32 to vector<16xi32>
        %ge3A_389 = arith.cmpi sge, %get3A_310, %ge3A_388 : vector<16xi32>
        %select_n3A_390 = arith.select %ge3A_389, %broadcast_in_dim3A_12, %select_n3A_386 : vector<16xi1>, vector<16xf32>
        %ge3A_391 = arith.constant 4 : i32
        %ge3A_392 = vector.broadcast %ge3A_391 : i32 to vector<16xi32>
        %ge3A_393 = arith.cmpi sge, %get3A_310, %ge3A_392 : vector<16xi32>
        %select_n3A_394 = arith.select %ge3A_393, %broadcast_in_dim3A_15, %select_n3A_390 : vector<16xi1>, vector<16xf32>
        %add3A_395 = arith.constant 0 : i32
        %add3A_396 = arith.addi %mul3A_262, %add3A_395 : i32
        %swap3A = arith.constant 1 : i32
        %swap3A_397 = arith.index_cast %swap3A : i32 to index
        %swap3A_398 = arith.index_cast %add3A_396 : i32 to index
        %swap3A_399 = tpu.vector_load %arg12[%swap3A_397, %swap3A_398] {strides = array<i32>} : memref<4x2048xf32, #tpu.memory_space<vmem>>, vector<16xf32>,
        tpu.vector_store %arg12[%swap3A_397, %swap3A_398], %gather3A {strides = array<i32>} : memref<4x2048xf32, #tpu.memory_space<vmem>>, vector<16xf32>,
        %add3A_400 = arith.constant 16 : i32
        %add3A_401 = arith.addi %mul3A_262, %add3A_400 : i32
        %swap3A_402 = arith.constant 1 : i32
        %swap3A_403 = arith.index_cast %swap3A_402 : i32 to index
        %swap3A_404 = arith.index_cast %add3A_401 : i32 to index
        %swap3A_405 = tpu.vector_load %arg12[%swap3A_403, %swap3A_404] {strides = array<i32>} : memref<4x2048xf32, #tpu.memory_space<vmem>>, vector<16xf32>,
        tpu.vector_store %arg12[%swap3A_403, %swap3A_404], %select_n3A_328 {strides = array<i32>} : memref<4x2048xf32, #tpu.memory_space<vmem>>, vector<16xf32>,
        %add3A_406 = arith.constant 32 : i32
        %add3A_407 = arith.addi %mul3A_262, %add3A_406 : i32
        %swap3A_408 = arith.constant 1 : i32
        %swap3A_409 = arith.index_cast %swap3A_408 : i32 to index
        %swap3A_410 = arith.index_cast %add3A_407 : i32 to index
        %swap3A_411 = tpu.vector_load %arg12[%swap3A_409, %swap3A_410] {strides = array<i32>} : memref<4x2048xf32, #tpu.memory_space<vmem>>, vector<16xf32>,
        tpu.vector_store %arg12[%swap3A_409, %swap3A_410], %gather3A_334 {strides = array<i32>} : memref<4x2048xf32, #tpu.memory_space<vmem>>, vector<16xf32>,
        %add3A_412 = arith.constant 48 : i32
        %add3A_413 = arith.addi %mul3A_262, %add3A_412 : i32
        %swap3A_414 = arith.constant 1 : i32
        %swap3A_415 = arith.index_cast %swap3A_414 : i32 to index
        %swap3A_416 = arith.index_cast %add3A_413 : i32 to index
        %swap3A_417 = tpu.vector_load %arg12[%swap3A_415, %swap3A_416] {strides = array<i32>} : memref<4x2048xf32, #tpu.memory_space<vmem>>, vector<16xf32>,
        tpu.vector_store %arg12[%swap3A_415, %swap3A_416], %select_n3A_350 {strides = array<i32>} : memref<4x2048xf32, #tpu.memory_space<vmem>>, vector<16xf32>,
        %add3A_418 = arith.constant 64 : i32
        %add3A_419 = arith.addi %mul3A_262, %add3A_418 : i32
        %swap3A_420 = arith.constant 1 : i32
        %swap3A_421 = arith.index_cast %swap3A_420 : i32 to index
        %swap3A_422 = arith.index_cast %add3A_419 : i32 to index
        %swap3A_423 = tpu.vector_load %arg12[%swap3A_421, %swap3A_422] {strides = array<i32>} : memref<4x2048xf32, #tpu.memory_space<vmem>>, vector<16xf32>,
        tpu.vector_store %arg12[%swap3A_421, %swap3A_422], %gather3A_356 {strides = array<i32>} : memref<4x2048xf32, #tpu.memory_space<vmem>>, vector<16xf32>,
        %add3A_424 = arith.constant 80 : i32
        %add3A_425 = arith.addi %mul3A_262, %add3A_424 : i32
        %swap3A_426 = arith.constant 1 : i32
        %swap3A_427 = arith.index_cast %swap3A_426 : i32 to index
        %swap3A_428 = arith.index_cast %add3A_425 : i32 to index
        %swap3A_429 = tpu.vector_load %arg12[%swap3A_427, %swap3A_428] {strides = array<i32>} : memref<4x2048xf32, #tpu.memory_space<vmem>>, vector<16xf32>,
        tpu.vector_store %arg12[%swap3A_427, %swap3A_428], %select_n3A_372 {strides = array<i32>} : memref<4x2048xf32, #tpu.memory_space<vmem>>, vector<16xf32>,
        %add3A_430 = arith.constant 96 : i32
        %add3A_431 = arith.addi %mul3A_262, %add3A_430 : i32
        %swap3A_432 = arith.constant 1 : i32
        %swap3A_433 = arith.index_cast %swap3A_432 : i32 to index
        %swap3A_434 = arith.index_cast %add3A_431 : i32 to index
        %swap3A_435 = tpu.vector_load %arg12[%swap3A_433, %swap3A_434] {strides = array<i32>} : memref<4x2048xf32, #tpu.memory_space<vmem>>, vector<16xf32>,
        tpu.vector_store %arg12[%swap3A_433, %swap3A_434], %gather3A_378 {strides = array<i32>} : memref<4x2048xf32, #tpu.memory_space<vmem>>, vector<16xf32>,
        %add3A_436 = arith.constant 112 : i32
        %add3A_437 = arith.addi %mul3A_262, %add3A_436 : i32
        %swap3A_438 = arith.constant 1 : i32
        %swap3A_439 = arith.index_cast %swap3A_438 : i32 to index
        %swap3A_440 = arith.index_cast %add3A_437 : i32 to index
        %swap3A_441 = tpu.vector_load %arg12[%swap3A_439, %swap3A_440] {strides = array<i32>} : memref<4x2048xf32, #tpu.memory_space<vmem>>, vector<16xf32>,
        tpu.vector_store %arg12[%swap3A_439, %swap3A_440], %select_n3A_394 {strides = array<i32>} : memref<4x2048xf32, #tpu.memory_space<vmem>>, vector<16xf32>,
      }
      %scan3A_182 = arith.constant 16 : i32
      %scan3A_183 = arith.constant 0 : i32
      %scan3A_184 = arith.constant 0 : i32
      %scan3A_185 = arith.constant 16 : i32
      %scan3A_186 = arith.addi %scan3A_184, %scan3A_185 : i32
      %scan3A_187 = arith.constant 1 : i32
      scf.for %scan3A_260 = %scan3A_184 to %scan3A_186 step %scan3A_187  : i32 {
        %mul3A_261 = arith.constant 128 : i32
        %mul3A_262 = arith.muli %scan3A_260, %mul3A_261 : i32
        %add3A_263 = arith.constant 0 : i32
        %add3A_264 = arith.addi %mul3A_262, %add3A_263 : i32
        %get3A_265 = arith.constant 2 : i32
        %get3A_266 = arith.index_cast %get3A_265 : i32 to index
        %get3A_267 = arith.index_cast %add3A_264 : i32 to index
        %get3A_268 = tpu.vector_load %arg8[%get3A_266, %get3A_267] {strides = array<i32>} : memref<4x2048xi32, #tpu.memory_space<vmem>>, vector<16xi32>,
        %add3A_269 = arith.constant 16 : i32
        %add3A_270 = arith.addi %mul3A_262, %add3A_269 : i32
        %get3A_271 = arith.constant 2 : i32
        %get3A_272 = arith.index_cast %get3A_271 : i32 to index
        %get3A_273 = arith.index_cast %add3A_270 : i32 to index
        %get3A_274 = tpu.vector_load %arg8[%get3A_272, %get3A_273] {strides = array<i32>} : memref<4x2048xi32, #tpu.memory_space<vmem>>, vector<16xi32>,
        %add3A_275 = arith.constant 32 : i32
        %add3A_276 = arith.addi %mul3A_262, %add3A_275 : i32
        %get3A_277 = arith.constant 2 : i32
        %get3A_278 = arith.index_cast %get3A_277 : i32 to index
        %get3A_279 = arith.index_cast %add3A_276 : i32 to index
        %get3A_280 = tpu.vector_load %arg8[%get3A_278, %get3A_279] {strides = array<i32>} : memref<4x2048xi32, #tpu.memory_space<vmem>>, vector<16xi32>,
        %add3A_281 = arith.constant 48 : i32
        %add3A_282 = arith.addi %mul3A_262, %add3A_281 : i32
        %get3A_283 = arith.constant 2 : i32
        %get3A_284 = arith.index_cast %get3A_283 : i32 to index
        %get3A_285 = arith.index_cast %add3A_282 : i32 to index
        %get3A_286 = tpu.vector_load %arg8[%get3A_284, %get3A_285] {strides = array<i32>} : memref<4x2048xi32, #tpu.memory_space<vmem>>, vector<16xi32>,
        %add3A_287 = arith.constant 64 : i32
        %add3A_288 = arith.addi %mul3A_262, %add3A_287 : i32
        %get3A_289 = arith.constant 2 : i32
        %get3A_290 = arith.index_cast %get3A_289 : i32 to index
        %get3A_291 = arith.index_cast %add3A_288 : i32 to index
        %get3A_292 = tpu.vector_load %arg8[%get3A_290, %get3A_291] {strides = array<i32>} : memref<4x2048xi32, #tpu.memory_space<vmem>>, vector<16xi32>,
        %add3A_293 = arith.constant 80 : i32
        %add3A_294 = arith.addi %mul3A_262, %add3A_293 : i32
        %get3A_295 = arith.constant 2 : i32
        %get3A_296 = arith.index_cast %get3A_295 : i32 to index
        %get3A_297 = arith.index_cast %add3A_294 : i32 to index
        %get3A_298 = tpu.vector_load %arg8[%get3A_296, %get3A_297] {strides = array<i32>} : memref<4x2048xi32, #tpu.memory_space<vmem>>, vector<16xi32>,
        %add3A_299 = arith.constant 96 : i32
        %add3A_300 = arith.addi %mul3A_262, %add3A_299 : i32
        %get3A_301 = arith.constant 2 : i32
        %get3A_302 = arith.index_cast %get3A_301 : i32 to index
        %get3A_303 = arith.index_cast %add3A_300 : i32 to index
        %get3A_304 = tpu.vector_load %arg8[%get3A_302, %get3A_303] {strides = array<i32>} : memref<4x2048xi32, #tpu.memory_space<vmem>>, vector<16xi32>,
        %add3A_305 = arith.constant 112 : i32
        %add3A_306 = arith.addi %mul3A_262, %add3A_305 : i32
        %get3A_307 = arith.constant 2 : i32
        %get3A_308 = arith.index_cast %get3A_307 : i32 to index
        %get3A_309 = arith.index_cast %add3A_306 : i32 to index
        %get3A_310 = tpu.vector_load %arg8[%get3A_308, %get3A_309] {strides = array<i32>} : memref<4x2048xi32, #tpu.memory_space<vmem>>, vector<16xi32>,
        %bitcast3A = vector.bitcast %get3A_268 : vector<16xi32> to vector<16xi32>
        %min3A = arith.constant 4 : i32
        %min3A_311 = vector.broadcast %min3A : i32 to vector<16xi32>
        %min3A_312 = arith.minui %bitcast3A, %min3A_311 : vector<16xi32>
        %bitcast3A_313 = vector.bitcast %min3A_312 : vector<16xi32> to vector<16xi32>
        %gather3A = tpu.vector_load_idx %arg5[%bitcast3A_313] : memref<16xf32, #tpu.memory_space<vmem>>[vector<16xi32>], vector<16xf32>,
        %ge3A_314 = arith.constant 1 : i32
        %ge3A_315 = vector.broadcast %ge3A_314 : i32 to vector<16xi32>
        %ge3A_316 = arith.cmpi sge, %get3A_274, %ge3A_315 : vector<16xi32>
        %select_n3A = arith.select %ge3A_316, %broadcast_in_dim3A_6, %broadcast_in_dim3A : vector<16xi1>, vector<16xf32>
        %ge3A_317 = arith.constant 2 : i32
        %ge3A_318 = vector.broadcast %ge3A_317 : i32 to vector<16xi32>
        %ge3A_319 = arith.cmpi sge, %get3A_274, %ge3A_318 : vector<16xi32>
        %select_n3A_320 = arith.select %ge3A_319, %broadcast_in_dim3A_9, %select_n3A : vector<16xi1>, vector<16xf32>
        %ge3A_321 = arith.constant 3 : i32
        %ge3A_322 = vector.broadcast %ge3A_321 : i32 to vector<16xi32>
        %ge3A_323 = arith.cmpi sge, %get3A_274, %ge3A_322 : vector<16xi32>
        %select_n3A_324 = arith.select %ge3A_323, %broadcast_in_dim3A_12, %select_n3A_320 : vector<16xi1>, vector<16xf32>
        %ge3A_325 = arith.constant 4 : i32
        %ge3A_326 = vector.broadcast %ge3A_325 : i32 to vector<16xi32>
        %ge3A_327 = arith.cmpi sge, %get3A_274, %ge3A_326 : vector<16xi32>
        %select_n3A_328 = arith.select %ge3A_327, %broadcast_in_dim3A_15, %select_n3A_324 : vector<16xi1>, vector<16xf32>
        %bitcast3A_329 = vector.bitcast %get3A_280 : vector<16xi32> to vector<16xi32>
        %min3A_330 = arith.constant 4 : i32
        %min3A_331 = vector.broadcast %min3A_330 : i32 to vector<16xi32>
        %min3A_332 = arith.minui %bitcast3A_329, %min3A_331 : vector<16xi32>
        %bitcast3A_333 = vector.bitcast %min3A_332 : vector<16xi32> to vector<16xi32>
        %gather3A_334 = tpu.vector_load_idx %arg5[%bitcast3A_333] : memref<16xf32, #tpu.memory_space<vmem>>[vector<16xi32>], vector<16xf32>,
        %ge3A_335 = arith.constant 1 : i32
        %ge3A_336 = vector.broadcast %ge3A_335 : i32 to vector<16xi32>
        %ge3A_337 = arith.cmpi sge, %get3A_286, %ge3A_336 : vector<16xi32>
        %select_n3A_338 = arith.select %ge3A_337, %broadcast_in_dim3A_6, %broadcast_in_dim3A : vector<16xi1>, vector<16xf32>
        %ge3A_339 = arith.constant 2 : i32
        %ge3A_340 = vector.broadcast %ge3A_339 : i32 to vector<16xi32>
        %ge3A_341 = arith.cmpi sge, %get3A_286, %ge3A_340 : vector<16xi32>
        %select_n3A_342 = arith.select %ge3A_341, %broadcast_in_dim3A_9, %select_n3A_338 : vector<16xi1>, vector<16xf32>
        %ge3A_343 = arith.constant 3 : i32
        %ge3A_344 = vector.broadcast %ge3A_343 : i32 to vector<16xi32>
        %ge3A_345 = arith.cmpi sge, %get3A_286, %ge3A_344 : vector<16xi32>
        %select_n3A_346 = arith.select %ge3A_345, %broadcast_in_dim3A_12, %select_n3A_342 : vector<16xi1>, vector<16xf32>
        %ge3A_347 = arith.constant 4 : i32
        %ge3A_348 = vector.broadcast %ge3A_347 : i32 to vector<16xi32>
        %ge3A_349 = arith.cmpi sge, %get3A_286, %ge3A_348 : vector<16xi32>
        %select_n3A_350 = arith.select %ge3A_349, %broadcast_in_dim3A_15, %select_n3A_346 : vector<16xi1>, vector<16xf32>
        %bitcast3A_351 = vector.bitcast %get3A_292 : vector<16xi32> to vector<16xi32>
        %min3A_352 = arith.constant 4 : i32
        %min3A_353 = vector.broadcast %min3A_352 : i32 to vector<16xi32>
        %min3A_354 = arith.minui %bitcast3A_351, %min3A_353 : vector<16xi32>
        %bitcast3A_355 = vector.bitcast %min3A_354 : vector<16xi32> to vector<16xi32>
        %gather3A_356 = tpu.vector_load_idx %arg5[%bitcast3A_355] : memref<16xf32, #tpu.memory_space<vmem>>[vector<16xi32>], vector<16xf32>,
        %ge3A_357 = arith.constant 1 : i32
        %ge3A_358 = vector.broadcast %ge3A_357 : i32 to vector<16xi32>
        %ge3A_359 = arith.cmpi sge, %get3A_298, %ge3A_358 : vector<16xi32>
        %select_n3A_360 = arith.select %ge3A_359, %broadcast_in_dim3A_6, %broadcast_in_dim3A : vector<16xi1>, vector<16xf32>
        %ge3A_361 = arith.constant 2 : i32
        %ge3A_362 = vector.broadcast %ge3A_361 : i32 to vector<16xi32>
        %ge3A_363 = arith.cmpi sge, %get3A_298, %ge3A_362 : vector<16xi32>
        %select_n3A_364 = arith.select %ge3A_363, %broadcast_in_dim3A_9, %select_n3A_360 : vector<16xi1>, vector<16xf32>
        %ge3A_365 = arith.constant 3 : i32
        %ge3A_366 = vector.broadcast %ge3A_365 : i32 to vector<16xi32>
        %ge3A_367 = arith.cmpi sge, %get3A_298, %ge3A_366 : vector<16xi32>
        %select_n3A_368 = arith.select %ge3A_367, %broadcast_in_dim3A_12, %select_n3A_364 : vector<16xi1>, vector<16xf32>
        %ge3A_369 = arith.constant 4 : i32
        %ge3A_370 = vector.broadcast %ge3A_369 : i32 to vector<16xi32>
        %ge3A_371 = arith.cmpi sge, %get3A_298, %ge3A_370 : vector<16xi32>
        %select_n3A_372 = arith.select %ge3A_371, %broadcast_in_dim3A_15, %select_n3A_368 : vector<16xi1>, vector<16xf32>
        %bitcast3A_373 = vector.bitcast %get3A_304 : vector<16xi32> to vector<16xi32>
        %min3A_374 = arith.constant 4 : i32
        %min3A_375 = vector.broadcast %min3A_374 : i32 to vector<16xi32>
        %min3A_376 = arith.minui %bitcast3A_373, %min3A_375 : vector<16xi32>
        %bitcast3A_377 = vector.bitcast %min3A_376 : vector<16xi32> to vector<16xi32>
        %gather3A_378 = tpu.vector_load_idx %arg5[%bitcast3A_377] : memref<16xf32, #tpu.memory_space<vmem>>[vector<16xi32>], vector<16xf32>,
        %ge3A_379 = arith.constant 1 : i32
        %ge3A_380 = vector.broadcast %ge3A_379 : i32 to vector<16xi32>
        %ge3A_381 = arith.cmpi sge, %get3A_310, %ge3A_380 : vector<16xi32>
        %select_n3A_382 = arith.select %ge3A_381, %broadcast_in_dim3A_6, %broadcast_in_dim3A : vector<16xi1>, vector<16xf32>
        %ge3A_383 = arith.constant 2 : i32
        %ge3A_384 = vector.broadcast %ge3A_383 : i32 to vector<16xi32>
        %ge3A_385 = arith.cmpi sge, %get3A_310, %ge3A_384 : vector<16xi32>
        %select_n3A_386 = arith.select %ge3A_385, %broadcast_in_dim3A_9, %select_n3A_382 : vector<16xi1>, vector<16xf32>
        %ge3A_387 = arith.constant 3 : i32
        %ge3A_388 = vector.broadcast %ge3A_387 : i32 to vector<16xi32>
        %ge3A_389 = arith.cmpi sge, %get3A_310, %ge3A_388 : vector<16xi32>
        %select_n3A_390 = arith.select %ge3A_389, %broadcast_in_dim3A_12, %select_n3A_386 : vector<16xi1>, vector<16xf32>
        %ge3A_391 = arith.constant 4 : i32
        %ge3A_392 = vector.broadcast %ge3A_391 : i32 to vector<16xi32>
        %ge3A_393 = arith.cmpi sge, %get3A_310, %ge3A_392 : vector<16xi32>
        %select_n3A_394 = arith.select %ge3A_393, %broadcast_in_dim3A_15, %select_n3A_390 : vector<16xi1>, vector<16xf32>
        %add3A_395 = arith.constant 0 : i32
        %add3A_396 = arith.addi %mul3A_262, %add3A_395 : i32
        %swap3A = arith.constant 2 : i32
        %swap3A_397 = arith.index_cast %swap3A : i32 to index
        %swap3A_398 = arith.index_cast %add3A_396 : i32 to index
        %swap3A_399 = tpu.vector_load %arg12[%swap3A_397, %swap3A_398] {strides = array<i32>} : memref<4x2048xf32, #tpu.memory_space<vmem>>, vector<16xf32>,
        tpu.vector_store %arg12[%swap3A_397, %swap3A_398], %gather3A {strides = array<i32>} : memref<4x2048xf32, #tpu.memory_space<vmem>>, vector<16xf32>,
        %add3A_400 = arith.constant 16 : i32
        %add3A_401 = arith.addi %mul3A_262, %add3A_400 : i32
        %swap3A_402 = arith.constant 2 : i32
        %swap3A_403 = arith.index_cast %swap3A_402 : i32 to index
        %swap3A_404 = arith.index_cast %add3A_401 : i32 to index
        %swap3A_405 = tpu.vector_load %arg12[%swap3A_403, %swap3A_404] {strides = array<i32>} : memref<4x2048xf32, #tpu.memory_space<vmem>>, vector<16xf32>,
        tpu.vector_store %arg12[%swap3A_403, %swap3A_404], %select_n3A_328 {strides = array<i32>} : memref<4x2048xf32, #tpu.memory_space<vmem>>, vector<16xf32>,
        %add3A_406 = arith.constant 32 : i32
        %add3A_407 = arith.addi %mul3A_262, %add3A_406 : i32
        %swap3A_408 = arith.constant 2 : i32
        %swap3A_409 = arith.index_cast %swap3A_408 : i32 to index
        %swap3A_410 = arith.index_cast %add3A_407 : i32 to index
        %swap3A_411 = tpu.vector_load %arg12[%swap3A_409, %swap3A_410] {strides = array<i32>} : memref<4x2048xf32, #tpu.memory_space<vmem>>, vector<16xf32>,
        tpu.vector_store %arg12[%swap3A_409, %swap3A_410], %gather3A_334 {strides = array<i32>} : memref<4x2048xf32, #tpu.memory_space<vmem>>, vector<16xf32>,
        %add3A_412 = arith.constant 48 : i32
        %add3A_413 = arith.addi %mul3A_262, %add3A_412 : i32
        %swap3A_414 = arith.constant 2 : i32
        %swap3A_415 = arith.index_cast %swap3A_414 : i32 to index
        %swap3A_416 = arith.index_cast %add3A_413 : i32 to index
        %swap3A_417 = tpu.vector_load %arg12[%swap3A_415, %swap3A_416] {strides = array<i32>} : memref<4x2048xf32, #tpu.memory_space<vmem>>, vector<16xf32>,
        tpu.vector_store %arg12[%swap3A_415, %swap3A_416], %select_n3A_350 {strides = array<i32>} : memref<4x2048xf32, #tpu.memory_space<vmem>>, vector<16xf32>,
        %add3A_418 = arith.constant 64 : i32
        %add3A_419 = arith.addi %mul3A_262, %add3A_418 : i32
        %swap3A_420 = arith.constant 2 : i32
        %swap3A_421 = arith.index_cast %swap3A_420 : i32 to index
        %swap3A_422 = arith.index_cast %add3A_419 : i32 to index
        %swap3A_423 = tpu.vector_load %arg12[%swap3A_421, %swap3A_422] {strides = array<i32>} : memref<4x2048xf32, #tpu.memory_space<vmem>>, vector<16xf32>,
        tpu.vector_store %arg12[%swap3A_421, %swap3A_422], %gather3A_356 {strides = array<i32>} : memref<4x2048xf32, #tpu.memory_space<vmem>>, vector<16xf32>,
        %add3A_424 = arith.constant 80 : i32
        %add3A_425 = arith.addi %mul3A_262, %add3A_424 : i32
        %swap3A_426 = arith.constant 2 : i32
        %swap3A_427 = arith.index_cast %swap3A_426 : i32 to index
        %swap3A_428 = arith.index_cast %add3A_425 : i32 to index
        %swap3A_429 = tpu.vector_load %arg12[%swap3A_427, %swap3A_428] {strides = array<i32>} : memref<4x2048xf32, #tpu.memory_space<vmem>>, vector<16xf32>,
        tpu.vector_store %arg12[%swap3A_427, %swap3A_428], %select_n3A_372 {strides = array<i32>} : memref<4x2048xf32, #tpu.memory_space<vmem>>, vector<16xf32>,
        %add3A_430 = arith.constant 96 : i32
        %add3A_431 = arith.addi %mul3A_262, %add3A_430 : i32
        %swap3A_432 = arith.constant 2 : i32
        %swap3A_433 = arith.index_cast %swap3A_432 : i32 to index
        %swap3A_434 = arith.index_cast %add3A_431 : i32 to index
        %swap3A_435 = tpu.vector_load %arg12[%swap3A_433, %swap3A_434] {strides = array<i32>} : memref<4x2048xf32, #tpu.memory_space<vmem>>, vector<16xf32>,
        tpu.vector_store %arg12[%swap3A_433, %swap3A_434], %gather3A_378 {strides = array<i32>} : memref<4x2048xf32, #tpu.memory_space<vmem>>, vector<16xf32>,
        %add3A_436 = arith.constant 112 : i32
        %add3A_437 = arith.addi %mul3A_262, %add3A_436 : i32
        %swap3A_438 = arith.constant 2 : i32
        %swap3A_439 = arith.index_cast %swap3A_438 : i32 to index
        %swap3A_440 = arith.index_cast %add3A_437 : i32 to index
        %swap3A_441 = tpu.vector_load %arg12[%swap3A_439, %swap3A_440] {strides = array<i32>} : memref<4x2048xf32, #tpu.memory_space<vmem>>, vector<16xf32>,
        tpu.vector_store %arg12[%swap3A_439, %swap3A_440], %select_n3A_394 {strides = array<i32>} : memref<4x2048xf32, #tpu.memory_space<vmem>>, vector<16xf32>,
      }
      %scan3A_188 = arith.constant 16 : i32
      %scan3A_189 = arith.constant 0 : i32
      %scan3A_190 = arith.constant 0 : i32
      %scan3A_191 = arith.constant 16 : i32
      %scan3A_192 = arith.addi %scan3A_190, %scan3A_191 : i32
      %scan3A_193 = arith.constant 1 : i32
      scf.for %scan3A_260 = %scan3A_190 to %scan3A_192 step %scan3A_193  : i32 {
        %mul3A_261 = arith.constant 128 : i32
        %mul3A_262 = arith.muli %scan3A_260, %mul3A_261 : i32
        %add3A_263 = arith.constant 0 : i32
        %add3A_264 = arith.addi %mul3A_262, %add3A_263 : i32
        %get3A_265 = arith.constant 3 : i32
        %get3A_266 = arith.index_cast %get3A_265 : i32 to index
        %get3A_267 = arith.index_cast %add3A_264 : i32 to index
        %get3A_268 = tpu.vector_load %arg8[%get3A_266, %get3A_267] {strides = array<i32>} : memref<4x2048xi32, #tpu.memory_space<vmem>>, vector<16xi32>,
        %add3A_269 = arith.constant 16 : i32
        %add3A_270 = arith.addi %mul3A_262, %add3A_269 : i32
        %get3A_271 = arith.constant 3 : i32
        %get3A_272 = arith.index_cast %get3A_271 : i32 to index
        %get3A_273 = arith.index_cast %add3A_270 : i32 to index
        %get3A_274 = tpu.vector_load %arg8[%get3A_272, %get3A_273] {strides = array<i32>} : memref<4x2048xi32, #tpu.memory_space<vmem>>, vector<16xi32>,
        %add3A_275 = arith.constant 32 : i32
        %add3A_276 = arith.addi %mul3A_262, %add3A_275 : i32
        %get3A_277 = arith.constant 3 : i32
        %get3A_278 = arith.index_cast %get3A_277 : i32 to index
        %get3A_279 = arith.index_cast %add3A_276 : i32 to index
        %get3A_280 = tpu.vector_load %arg8[%get3A_278, %get3A_279] {strides = array<i32>} : memref<4x2048xi32, #tpu.memory_space<vmem>>, vector<16xi32>,
        %add3A_281 = arith.constant 48 : i32
        %add3A_282 = arith.addi %mul3A_262, %add3A_281 : i32
        %get3A_283 = arith.constant 3 : i32
        %get3A_284 = arith.index_cast %get3A_283 : i32 to index
        %get3A_285 = arith.index_cast %add3A_282 : i32 to index
        %get3A_286 = tpu.vector_load %arg8[%get3A_284, %get3A_285] {strides = array<i32>} : memref<4x2048xi32, #tpu.memory_space<vmem>>, vector<16xi32>,
        %add3A_287 = arith.constant 64 : i32
        %add3A_288 = arith.addi %mul3A_262, %add3A_287 : i32
        %get3A_289 = arith.constant 3 : i32
        %get3A_290 = arith.index_cast %get3A_289 : i32 to index
        %get3A_291 = arith.index_cast %add3A_288 : i32 to index
        %get3A_292 = tpu.vector_load %arg8[%get3A_290, %get3A_291] {strides = array<i32>} : memref<4x2048xi32, #tpu.memory_space<vmem>>, vector<16xi32>,
        %add3A_293 = arith.constant 80 : i32
        %add3A_294 = arith.addi %mul3A_262, %add3A_293 : i32
        %get3A_295 = arith.constant 3 : i32
        %get3A_296 = arith.index_cast %get3A_295 : i32 to index
        %get3A_297 = arith.index_cast %add3A_294 : i32 to index
        %get3A_298 = tpu.vector_load %arg8[%get3A_296, %get3A_297] {strides = array<i32>} : memref<4x2048xi32, #tpu.memory_space<vmem>>, vector<16xi32>,
        %add3A_299 = arith.constant 96 : i32
        %add3A_300 = arith.addi %mul3A_262, %add3A_299 : i32
        %get3A_301 = arith.constant 3 : i32
        %get3A_302 = arith.index_cast %get3A_301 : i32 to index
        %get3A_303 = arith.index_cast %add3A_300 : i32 to index
        %get3A_304 = tpu.vector_load %arg8[%get3A_302, %get3A_303] {strides = array<i32>} : memref<4x2048xi32, #tpu.memory_space<vmem>>, vector<16xi32>,
        %add3A_305 = arith.constant 112 : i32
        %add3A_306 = arith.addi %mul3A_262, %add3A_305 : i32
        %get3A_307 = arith.constant 3 : i32
        %get3A_308 = arith.index_cast %get3A_307 : i32 to index
        %get3A_309 = arith.index_cast %add3A_306 : i32 to index
        %get3A_310 = tpu.vector_load %arg8[%get3A_308, %get3A_309] {strides = array<i32>} : memref<4x2048xi32, #tpu.memory_space<vmem>>, vector<16xi32>,
        %bitcast3A = vector.bitcast %get3A_268 : vector<16xi32> to vector<16xi32>
        %min3A = arith.constant 4 : i32
        %min3A_311 = vector.broadcast %min3A : i32 to vector<16xi32>
        %min3A_312 = arith.minui %bitcast3A, %min3A_311 : vector<16xi32>
        %bitcast3A_313 = vector.bitcast %min3A_312 : vector<16xi32> to vector<16xi32>
        %gather3A = tpu.vector_load_idx %arg5[%bitcast3A_313] : memref<16xf32, #tpu.memory_space<vmem>>[vector<16xi32>], vector<16xf32>,
        %ge3A_314 = arith.constant 1 : i32
        %ge3A_315 = vector.broadcast %ge3A_314 : i32 to vector<16xi32>
        %ge3A_316 = arith.cmpi sge, %get3A_274, %ge3A_315 : vector<16xi32>
        %select_n3A = arith.select %ge3A_316, %broadcast_in_dim3A_6, %broadcast_in_dim3A : vector<16xi1>, vector<16xf32>
        %ge3A_317 = arith.constant 2 : i32
        %ge3A_318 = vector.broadcast %ge3A_317 : i32 to vector<16xi32>
        %ge3A_319 = arith.cmpi sge, %get3A_274, %ge3A_318 : vector<16xi32>
        %select_n3A_320 = arith.select %ge3A_319, %broadcast_in_dim3A_9, %select_n3A : vector<16xi1>, vector<16xf32>
        %ge3A_321 = arith.constant 3 : i32
        %ge3A_322 = vector.broadcast %ge3A_321 : i32 to vector<16xi32>
        %ge3A_323 = arith.cmpi sge, %get3A_274, %ge3A_322 : vector<16xi32>
        %select_n3A_324 = arith.select %ge3A_323, %broadcast_in_dim3A_12, %select_n3A_320 : vector<16xi1>, vector<16xf32>
        %ge3A_325 = arith.constant 4 : i32
        %ge3A_326 = vector.broadcast %ge3A_325 : i32 to vector<16xi32>
        %ge3A_327 = arith.cmpi sge, %get3A_274, %ge3A_326 : vector<16xi32>
        %select_n3A_328 = arith.select %ge3A_327, %broadcast_in_dim3A_15, %select_n3A_324 : vector<16xi1>, vector<16xf32>
        %bitcast3A_329 = vector.bitcast %get3A_280 : vector<16xi32> to vector<16xi32>
        %min3A_330 = arith.constant 4 : i32
        %min3A_331 = vector.broadcast %min3A_330 : i32 to vector<16xi32>
        %min3A_332 = arith.minui %bitcast3A_329, %min3A_331 : vector<16xi32>
        %bitcast3A_333 = vector.bitcast %min3A_332 : vector<16xi32> to vector<16xi32>
        %gather3A_334 = tpu.vector_load_idx %arg5[%bitcast3A_333] : memref<16xf32, #tpu.memory_space<vmem>>[vector<16xi32>], vector<16xf32>,
        %ge3A_335 = arith.constant 1 : i32
        %ge3A_336 = vector.broadcast %ge3A_335 : i32 to vector<16xi32>
        %ge3A_337 = arith.cmpi sge, %get3A_286, %ge3A_336 : vector<16xi32>
        %select_n3A_338 = arith.select %ge3A_337, %broadcast_in_dim3A_6, %broadcast_in_dim3A : vector<16xi1>, vector<16xf32>
        %ge3A_339 = arith.constant 2 : i32
        %ge3A_340 = vector.broadcast %ge3A_339 : i32 to vector<16xi32>
        %ge3A_341 = arith.cmpi sge, %get3A_286, %ge3A_340 : vector<16xi32>
        %select_n3A_342 = arith.select %ge3A_341, %broadcast_in_dim3A_9, %select_n3A_338 : vector<16xi1>, vector<16xf32>
        %ge3A_343 = arith.constant 3 : i32
        %ge3A_344 = vector.broadcast %ge3A_343 : i32 to vector<16xi32>
        %ge3A_345 = arith.cmpi sge, %get3A_286, %ge3A_344 : vector<16xi32>
        %select_n3A_346 = arith.select %ge3A_345, %broadcast_in_dim3A_12, %select_n3A_342 : vector<16xi1>, vector<16xf32>
        %ge3A_347 = arith.constant 4 : i32
        %ge3A_348 = vector.broadcast %ge3A_347 : i32 to vector<16xi32>
        %ge3A_349 = arith.cmpi sge, %get3A_286, %ge3A_348 : vector<16xi32>
        %select_n3A_350 = arith.select %ge3A_349, %broadcast_in_dim3A_15, %select_n3A_346 : vector<16xi1>, vector<16xf32>
        %bitcast3A_351 = vector.bitcast %get3A_292 : vector<16xi32> to vector<16xi32>
        %min3A_352 = arith.constant 4 : i32
        %min3A_353 = vector.broadcast %min3A_352 : i32 to vector<16xi32>
        %min3A_354 = arith.minui %bitcast3A_351, %min3A_353 : vector<16xi32>
        %bitcast3A_355 = vector.bitcast %min3A_354 : vector<16xi32> to vector<16xi32>
        %gather3A_356 = tpu.vector_load_idx %arg5[%bitcast3A_355] : memref<16xf32, #tpu.memory_space<vmem>>[vector<16xi32>], vector<16xf32>,
        %ge3A_357 = arith.constant 1 : i32
        %ge3A_358 = vector.broadcast %ge3A_357 : i32 to vector<16xi32>
        %ge3A_359 = arith.cmpi sge, %get3A_298, %ge3A_358 : vector<16xi32>
        %select_n3A_360 = arith.select %ge3A_359, %broadcast_in_dim3A_6, %broadcast_in_dim3A : vector<16xi1>, vector<16xf32>
        %ge3A_361 = arith.constant 2 : i32
        %ge3A_362 = vector.broadcast %ge3A_361 : i32 to vector<16xi32>
        %ge3A_363 = arith.cmpi sge, %get3A_298, %ge3A_362 : vector<16xi32>
        %select_n3A_364 = arith.select %ge3A_363, %broadcast_in_dim3A_9, %select_n3A_360 : vector<16xi1>, vector<16xf32>
        %ge3A_365 = arith.constant 3 : i32
        %ge3A_366 = vector.broadcast %ge3A_365 : i32 to vector<16xi32>
        %ge3A_367 = arith.cmpi sge, %get3A_298, %ge3A_366 : vector<16xi32>
        %select_n3A_368 = arith.select %ge3A_367, %broadcast_in_dim3A_12, %select_n3A_364 : vector<16xi1>, vector<16xf32>
        %ge3A_369 = arith.constant 4 : i32
        %ge3A_370 = vector.broadcast %ge3A_369 : i32 to vector<16xi32>
        %ge3A_371 = arith.cmpi sge, %get3A_298, %ge3A_370 : vector<16xi32>
        %select_n3A_372 = arith.select %ge3A_371, %broadcast_in_dim3A_15, %select_n3A_368 : vector<16xi1>, vector<16xf32>
        %bitcast3A_373 = vector.bitcast %get3A_304 : vector<16xi32> to vector<16xi32>
        %min3A_374 = arith.constant 4 : i32
        %min3A_375 = vector.broadcast %min3A_374 : i32 to vector<16xi32>
        %min3A_376 = arith.minui %bitcast3A_373, %min3A_375 : vector<16xi32>
        %bitcast3A_377 = vector.bitcast %min3A_376 : vector<16xi32> to vector<16xi32>
        %gather3A_378 = tpu.vector_load_idx %arg5[%bitcast3A_377] : memref<16xf32, #tpu.memory_space<vmem>>[vector<16xi32>], vector<16xf32>,
        %ge3A_379 = arith.constant 1 : i32
        %ge3A_380 = vector.broadcast %ge3A_379 : i32 to vector<16xi32>
        %ge3A_381 = arith.cmpi sge, %get3A_310, %ge3A_380 : vector<16xi32>
        %select_n3A_382 = arith.select %ge3A_381, %broadcast_in_dim3A_6, %broadcast_in_dim3A : vector<16xi1>, vector<16xf32>
        %ge3A_383 = arith.constant 2 : i32
        %ge3A_384 = vector.broadcast %ge3A_383 : i32 to vector<16xi32>
        %ge3A_385 = arith.cmpi sge, %get3A_310, %ge3A_384 : vector<16xi32>
        %select_n3A_386 = arith.select %ge3A_385, %broadcast_in_dim3A_9, %select_n3A_382 : vector<16xi1>, vector<16xf32>
        %ge3A_387 = arith.constant 3 : i32
        %ge3A_388 = vector.broadcast %ge3A_387 : i32 to vector<16xi32>
        %ge3A_389 = arith.cmpi sge, %get3A_310, %ge3A_388 : vector<16xi32>
        %select_n3A_390 = arith.select %ge3A_389, %broadcast_in_dim3A_12, %select_n3A_386 : vector<16xi1>, vector<16xf32>
        %ge3A_391 = arith.constant 4 : i32
        %ge3A_392 = vector.broadcast %ge3A_391 : i32 to vector<16xi32>
        %ge3A_393 = arith.cmpi sge, %get3A_310, %ge3A_392 : vector<16xi32>
        %select_n3A_394 = arith.select %ge3A_393, %broadcast_in_dim3A_15, %select_n3A_390 : vector<16xi1>, vector<16xf32>
        %add3A_395 = arith.constant 0 : i32
        %add3A_396 = arith.addi %mul3A_262, %add3A_395 : i32
        %swap3A = arith.constant 3 : i32
        %swap3A_397 = arith.index_cast %swap3A : i32 to index
        %swap3A_398 = arith.index_cast %add3A_396 : i32 to index
        %swap3A_399 = tpu.vector_load %arg12[%swap3A_397, %swap3A_398] {strides = array<i32>} : memref<4x2048xf32, #tpu.memory_space<vmem>>, vector<16xf32>,
        tpu.vector_store %arg12[%swap3A_397, %swap3A_398], %gather3A {strides = array<i32>} : memref<4x2048xf32, #tpu.memory_space<vmem>>, vector<16xf32>,
        %add3A_400 = arith.constant 16 : i32
        %add3A_401 = arith.addi %mul3A_262, %add3A_400 : i32
        %swap3A_402 = arith.constant 3 : i32
        %swap3A_403 = arith.index_cast %swap3A_402 : i32 to index
        %swap3A_404 = arith.index_cast %add3A_401 : i32 to index
        %swap3A_405 = tpu.vector_load %arg12[%swap3A_403, %swap3A_404] {strides = array<i32>} : memref<4x2048xf32, #tpu.memory_space<vmem>>, vector<16xf32>,
        tpu.vector_store %arg12[%swap3A_403, %swap3A_404], %select_n3A_328 {strides = array<i32>} : memref<4x2048xf32, #tpu.memory_space<vmem>>, vector<16xf32>,
        %add3A_406 = arith.constant 32 : i32
        %add3A_407 = arith.addi %mul3A_262, %add3A_406 : i32
        %swap3A_408 = arith.constant 3 : i32
        %swap3A_409 = arith.index_cast %swap3A_408 : i32 to index
        %swap3A_410 = arith.index_cast %add3A_407 : i32 to index
        %swap3A_411 = tpu.vector_load %arg12[%swap3A_409, %swap3A_410] {strides = array<i32>} : memref<4x2048xf32, #tpu.memory_space<vmem>>, vector<16xf32>,
        tpu.vector_store %arg12[%swap3A_409, %swap3A_410], %gather3A_334 {strides = array<i32>} : memref<4x2048xf32, #tpu.memory_space<vmem>>, vector<16xf32>,
        %add3A_412 = arith.constant 48 : i32
        %add3A_413 = arith.addi %mul3A_262, %add3A_412 : i32
        %swap3A_414 = arith.constant 3 : i32
        %swap3A_415 = arith.index_cast %swap3A_414 : i32 to index
        %swap3A_416 = arith.index_cast %add3A_413 : i32 to index
        %swap3A_417 = tpu.vector_load %arg12[%swap3A_415, %swap3A_416] {strides = array<i32>} : memref<4x2048xf32, #tpu.memory_space<vmem>>, vector<16xf32>,
        tpu.vector_store %arg12[%swap3A_415, %swap3A_416], %select_n3A_350 {strides = array<i32>} : memref<4x2048xf32, #tpu.memory_space<vmem>>, vector<16xf32>,
        %add3A_418 = arith.constant 64 : i32
        %add3A_419 = arith.addi %mul3A_262, %add3A_418 : i32
        %swap3A_420 = arith.constant 3 : i32
        %swap3A_421 = arith.index_cast %swap3A_420 : i32 to index
        %swap3A_422 = arith.index_cast %add3A_419 : i32 to index
        %swap3A_423 = tpu.vector_load %arg12[%swap3A_421, %swap3A_422] {strides = array<i32>} : memref<4x2048xf32, #tpu.memory_space<vmem>>, vector<16xf32>,
        tpu.vector_store %arg12[%swap3A_421, %swap3A_422], %gather3A_356 {strides = array<i32>} : memref<4x2048xf32, #tpu.memory_space<vmem>>, vector<16xf32>,
        %add3A_424 = arith.constant 80 : i32
        %add3A_425 = arith.addi %mul3A_262, %add3A_424 : i32
        %swap3A_426 = arith.constant 3 : i32
        %swap3A_427 = arith.index_cast %swap3A_426 : i32 to index
        %swap3A_428 = arith.index_cast %add3A_425 : i32 to index
        %swap3A_429 = tpu.vector_load %arg12[%swap3A_427, %swap3A_428] {strides = array<i32>} : memref<4x2048xf32, #tpu.memory_space<vmem>>, vector<16xf32>,
        tpu.vector_store %arg12[%swap3A_427, %swap3A_428], %select_n3A_372 {strides = array<i32>} : memref<4x2048xf32, #tpu.memory_space<vmem>>, vector<16xf32>,
        %add3A_430 = arith.constant 96 : i32
        %add3A_431 = arith.addi %mul3A_262, %add3A_430 : i32
        %swap3A_432 = arith.constant 3 : i32
        %swap3A_433 = arith.index_cast %swap3A_432 : i32 to index
        %swap3A_434 = arith.index_cast %add3A_431 : i32 to index
        %swap3A_435 = tpu.vector_load %arg12[%swap3A_433, %swap3A_434] {strides = array<i32>} : memref<4x2048xf32, #tpu.memory_space<vmem>>, vector<16xf32>,
        tpu.vector_store %arg12[%swap3A_433, %swap3A_434], %gather3A_378 {strides = array<i32>} : memref<4x2048xf32, #tpu.memory_space<vmem>>, vector<16xf32>,
        %add3A_436 = arith.constant 112 : i32
        %add3A_437 = arith.addi %mul3A_262, %add3A_436 : i32
        %swap3A_438 = arith.constant 3 : i32
        %swap3A_439 = arith.index_cast %swap3A_438 : i32 to index
        %swap3A_440 = arith.index_cast %add3A_437 : i32 to index
        %swap3A_441 = tpu.vector_load %arg12[%swap3A_439, %swap3A_440] {strides = array<i32>} : memref<4x2048xf32, #tpu.memory_space<vmem>>, vector<16xf32>,
        tpu.vector_store %arg12[%swap3A_439, %swap3A_440], %select_n3A_394 {strides = array<i32>} : memref<4x2048xf32, #tpu.memory_space<vmem>>, vector<16xf32>,
      }
      %scan3A_194 = arith.constant 16 : i32
      %mul3A_195 = arith.constant 4 : i32
      %mul3A_196 = arith.muli %add3A_161, %mul3A_195 : i32
      %add3A_197 = arith.addi %mul3A_2, %mul3A_196 : i32
      %dma_start3A_198 = arith.constant 0 : i32
      %dma_start3A_199 = tpu.memref_slice %arg4[%add3A_197, %dma_start3A_198] : memref<8192x2048xf32, #tpu.memory_space<hbm>> -> memref<4x2048xf32, #tpu.memory_space<hbm>>
      %dma_start3A_200 = arith.constant 0 : i32
      %dma_start3A_201 = tpu.memref_slice %arg4[%add3A_197, %dma_start3A_200] : memref<8192x2048xf32, #tpu.memory_space<hbm>> -> memref<4x2048xf32, #tpu.memory_space<hbm>>
      tpu.enqueue_dma source(%arg12 : memref<4x2048xf32, #tpu.memory_space<vmem>>) target(%dma_start3A_201 : memref<4x2048xf32, #tpu.memory_space<hbm>>) target_semaphore(%arg20 : memref<!tpu.dma_semaphore, #tpu.memory_space<semaphore_mem>>)
      %add3A_202 = arith.constant 4 : i32
      %add3A_203 = arith.addi %add3A_161, %add3A_202 : i32
      %lt3A_204 = arith.constant 64 : i32
      %lt3A_205 = arith.cmpi slt, %add3A_203, %lt3A_204 : i32
      %convert_element_type3A_206 = arith.extui %lt3A_205 : i1 to i32
      %cond3A_207 = arith.constant 0 : i32
      %cond3A_208 = arith.cmpi ne, %convert_element_type3A_206, %cond3A_207 : i32
      scf.if %cond3A_208 {
        %add3A_260 = arith.constant 4 : i32
        %add3A_261 = arith.addi %add3A_161, %add3A_260 : i32
        %mul3A_262 = arith.constant 4 : i32
        %mul3A_263 = arith.muli %add3A_261, %mul3A_262 : i32
        %add3A_264 = arith.addi %mul3A_2, %mul3A_263 : i32
        %dma_start3A_265 = arith.constant 0 : i32
        %dma_start3A_266 = tpu.memref_slice %arg2[%add3A_264, %dma_start3A_265] : memref<8192x2048xi32, #tpu.memory_space<hbm>> -> memref<4x2048xi32, #tpu.memory_space<hbm>>
        %dma_start3A_267 = arith.constant 0 : i32
        %dma_start3A_268 = tpu.memref_slice %arg2[%add3A_264, %dma_start3A_267] : memref<8192x2048xi32, #tpu.memory_space<hbm>> -> memref<4x2048xi32, #tpu.memory_space<hbm>>
        tpu.enqueue_dma source(%dma_start3A_268 : memref<4x2048xi32, #tpu.memory_space<hbm>>) target(%arg8 : memref<4x2048xi32, #tpu.memory_space<vmem>>) target_semaphore(%arg16 : memref<!tpu.dma_semaphore, #tpu.memory_space<semaphore_mem>>)
      } else {
      }
      %mul3A_209 = arith.constant 4 : i32
      %mul3A_210 = arith.muli %scan3A_59, %mul3A_209 : i32
      %add3A_211 = arith.constant 3 : i32
      %add3A_212 = arith.addi %mul3A_210, %add3A_211 : i32
      %dma_wait3A_213 = arith.constant 0 : i32
      %dma_wait3A_214 = tpu.memref_slice %arg2[%mul3A_2, %dma_wait3A_213] : memref<8192x2048xi32, #tpu.memory_space<hbm>> -> memref<4x2048xi32, #tpu.memory_space<hbm>>
      %dma_wait3A_215 = arith.constant 0 : i32
      %dma_wait3A_216 = tpu.memref_slice %arg2[%mul3A_2, %dma_wait3A_215] : memref<8192x2048xi32, #tpu.memory_space<hbm>> -> memref<4x2048xi32, #tpu.memory_space<hbm>>
      tpu.wait_dma2 semaphore(%arg17 : memref<!tpu.dma_semaphore, #tpu.memory_space<semaphore_mem>>) src(%dma_wait3A_216 : memref<4x2048xi32, #tpu.memory_space<hbm>>) dst(%arg9 : memref<4x2048xi32, #tpu.memory_space<vmem>>)
      %ge3A_217 = arith.constant 4 : i32
      %ge3A_218 = arith.cmpi sge, %add3A_212, %ge3A_217 : i32
      %convert_element_type3A_219 = arith.extui %ge3A_218 : i1 to i32
      %cond3A_220 = arith.constant 0 : i32
      %cond3A_221 = arith.cmpi ne, %convert_element_type3A_219, %cond3A_220 : i32
      scf.if %cond3A_221 {
        %dma_wait3A_260 = arith.constant 0 : i32
        %dma_wait3A_261 = tpu.memref_slice %arg4[%mul3A_2, %dma_wait3A_260] : memref<8192x2048xf32, #tpu.memory_space<hbm>> -> memref<4x2048xf32, #tpu.memory_space<hbm>>
        %dma_wait3A_262 = arith.constant 0 : i32
        %dma_wait3A_263 = tpu.memref_slice %arg4[%mul3A_2, %dma_wait3A_262] : memref<8192x2048xf32, #tpu.memory_space<hbm>> -> memref<4x2048xf32, #tpu.memory_space<hbm>>
        tpu.wait_dma2 semaphore(%arg21 : memref<!tpu.dma_semaphore, #tpu.memory_space<semaphore_mem>>) src(%arg13 : memref<4x2048xf32, #tpu.memory_space<vmem>>) dst(%dma_wait3A_263 : memref<4x2048xf32, #tpu.memory_space<hbm>>)
      } else {
      }
      %scan3A_222 = arith.constant 0 : i32
      %scan3A_223 = arith.constant 0 : i32
      %scan3A_224 = arith.constant 16 : i32
      %scan3A_225 = arith.addi %scan3A_223, %scan3A_224 : i32
      %scan3A_226 = arith.constant 1 : i32
      scf.for %scan3A_260 = %scan3A_223 to %scan3A_225 step %scan3A_226  : i32 {
        %mul3A_261 = arith.constant 128 : i32
        %mul3A_262 = arith.muli %scan3A_260, %mul3A_261 : i32
        %add3A_263 = arith.constant 0 : i32
        %add3A_264 = arith.addi %mul3A_262, %add3A_263 : i32
        %get3A_265 = arith.constant 0 : i32
        %get3A_266 = arith.index_cast %get3A_265 : i32 to index
        %get3A_267 = arith.index_cast %add3A_264 : i32 to index
        %get3A_268 = tpu.vector_load %arg9[%get3A_266, %get3A_267] {strides = array<i32>} : memref<4x2048xi32, #tpu.memory_space<vmem>>, vector<16xi32>,
        %add3A_269 = arith.constant 16 : i32
        %add3A_270 = arith.addi %mul3A_262, %add3A_269 : i32
        %get3A_271 = arith.constant 0 : i32
        %get3A_272 = arith.index_cast %get3A_271 : i32 to index
        %get3A_273 = arith.index_cast %add3A_270 : i32 to index
        %get3A_274 = tpu.vector_load %arg9[%get3A_272, %get3A_273] {strides = array<i32>} : memref<4x2048xi32, #tpu.memory_space<vmem>>, vector<16xi32>,
        %add3A_275 = arith.constant 32 : i32
        %add3A_276 = arith.addi %mul3A_262, %add3A_275 : i32
        %get3A_277 = arith.constant 0 : i32
        %get3A_278 = arith.index_cast %get3A_277 : i32 to index
        %get3A_279 = arith.index_cast %add3A_276 : i32 to index
        %get3A_280 = tpu.vector_load %arg9[%get3A_278, %get3A_279] {strides = array<i32>} : memref<4x2048xi32, #tpu.memory_space<vmem>>, vector<16xi32>,
        %add3A_281 = arith.constant 48 : i32
        %add3A_282 = arith.addi %mul3A_262, %add3A_281 : i32
        %get3A_283 = arith.constant 0 : i32
        %get3A_284 = arith.index_cast %get3A_283 : i32 to index
        %get3A_285 = arith.index_cast %add3A_282 : i32 to index
        %get3A_286 = tpu.vector_load %arg9[%get3A_284, %get3A_285] {strides = array<i32>} : memref<4x2048xi32, #tpu.memory_space<vmem>>, vector<16xi32>,
        %add3A_287 = arith.constant 64 : i32
        %add3A_288 = arith.addi %mul3A_262, %add3A_287 : i32
        %get3A_289 = arith.constant 0 : i32
        %get3A_290 = arith.index_cast %get3A_289 : i32 to index
        %get3A_291 = arith.index_cast %add3A_288 : i32 to index
        %get3A_292 = tpu.vector_load %arg9[%get3A_290, %get3A_291] {strides = array<i32>} : memref<4x2048xi32, #tpu.memory_space<vmem>>, vector<16xi32>,
        %add3A_293 = arith.constant 80 : i32
        %add3A_294 = arith.addi %mul3A_262, %add3A_293 : i32
        %get3A_295 = arith.constant 0 : i32
        %get3A_296 = arith.index_cast %get3A_295 : i32 to index
        %get3A_297 = arith.index_cast %add3A_294 : i32 to index
        %get3A_298 = tpu.vector_load %arg9[%get3A_296, %get3A_297] {strides = array<i32>} : memref<4x2048xi32, #tpu.memory_space<vmem>>, vector<16xi32>,
        %add3A_299 = arith.constant 96 : i32
        %add3A_300 = arith.addi %mul3A_262, %add3A_299 : i32
        %get3A_301 = arith.constant 0 : i32
        %get3A_302 = arith.index_cast %get3A_301 : i32 to index
        %get3A_303 = arith.index_cast %add3A_300 : i32 to index
        %get3A_304 = tpu.vector_load %arg9[%get3A_302, %get3A_303] {strides = array<i32>} : memref<4x2048xi32, #tpu.memory_space<vmem>>, vector<16xi32>,
        %add3A_305 = arith.constant 112 : i32
        %add3A_306 = arith.addi %mul3A_262, %add3A_305 : i32
        %get3A_307 = arith.constant 0 : i32
        %get3A_308 = arith.index_cast %get3A_307 : i32 to index
        %get3A_309 = arith.index_cast %add3A_306 : i32 to index
        %get3A_310 = tpu.vector_load %arg9[%get3A_308, %get3A_309] {strides = array<i32>} : memref<4x2048xi32, #tpu.memory_space<vmem>>, vector<16xi32>,
        %bitcast3A = vector.bitcast %get3A_268 : vector<16xi32> to vector<16xi32>
        %min3A = arith.constant 4 : i32
        %min3A_311 = vector.broadcast %min3A : i32 to vector<16xi32>
        %min3A_312 = arith.minui %bitcast3A, %min3A_311 : vector<16xi32>
        %bitcast3A_313 = vector.bitcast %min3A_312 : vector<16xi32> to vector<16xi32>
        %gather3A = tpu.vector_load_idx %arg5[%bitcast3A_313] : memref<16xf32, #tpu.memory_space<vmem>>[vector<16xi32>], vector<16xf32>,
        %ge3A_314 = arith.constant 1 : i32
        %ge3A_315 = vector.broadcast %ge3A_314 : i32 to vector<16xi32>
        %ge3A_316 = arith.cmpi sge, %get3A_274, %ge3A_315 : vector<16xi32>
        %select_n3A = arith.select %ge3A_316, %broadcast_in_dim3A_6, %broadcast_in_dim3A : vector<16xi1>, vector<16xf32>
        %ge3A_317 = arith.constant 2 : i32
        %ge3A_318 = vector.broadcast %ge3A_317 : i32 to vector<16xi32>
        %ge3A_319 = arith.cmpi sge, %get3A_274, %ge3A_318 : vector<16xi32>
        %select_n3A_320 = arith.select %ge3A_319, %broadcast_in_dim3A_9, %select_n3A : vector<16xi1>, vector<16xf32>
        %ge3A_321 = arith.constant 3 : i32
        %ge3A_322 = vector.broadcast %ge3A_321 : i32 to vector<16xi32>
        %ge3A_323 = arith.cmpi sge, %get3A_274, %ge3A_322 : vector<16xi32>
        %select_n3A_324 = arith.select %ge3A_323, %broadcast_in_dim3A_12, %select_n3A_320 : vector<16xi1>, vector<16xf32>
        %ge3A_325 = arith.constant 4 : i32
        %ge3A_326 = vector.broadcast %ge3A_325 : i32 to vector<16xi32>
        %ge3A_327 = arith.cmpi sge, %get3A_274, %ge3A_326 : vector<16xi32>
        %select_n3A_328 = arith.select %ge3A_327, %broadcast_in_dim3A_15, %select_n3A_324 : vector<16xi1>, vector<16xf32>
        %bitcast3A_329 = vector.bitcast %get3A_280 : vector<16xi32> to vector<16xi32>
        %min3A_330 = arith.constant 4 : i32
        %min3A_331 = vector.broadcast %min3A_330 : i32 to vector<16xi32>
        %min3A_332 = arith.minui %bitcast3A_329, %min3A_331 : vector<16xi32>
        %bitcast3A_333 = vector.bitcast %min3A_332 : vector<16xi32> to vector<16xi32>
        %gather3A_334 = tpu.vector_load_idx %arg5[%bitcast3A_333] : memref<16xf32, #tpu.memory_space<vmem>>[vector<16xi32>], vector<16xf32>,
        %ge3A_335 = arith.constant 1 : i32
        %ge3A_336 = vector.broadcast %ge3A_335 : i32 to vector<16xi32>
        %ge3A_337 = arith.cmpi sge, %get3A_286, %ge3A_336 : vector<16xi32>
        %select_n3A_338 = arith.select %ge3A_337, %broadcast_in_dim3A_6, %broadcast_in_dim3A : vector<16xi1>, vector<16xf32>
        %ge3A_339 = arith.constant 2 : i32
        %ge3A_340 = vector.broadcast %ge3A_339 : i32 to vector<16xi32>
        %ge3A_341 = arith.cmpi sge, %get3A_286, %ge3A_340 : vector<16xi32>
        %select_n3A_342 = arith.select %ge3A_341, %broadcast_in_dim3A_9, %select_n3A_338 : vector<16xi1>, vector<16xf32>
        %ge3A_343 = arith.constant 3 : i32
        %ge3A_344 = vector.broadcast %ge3A_343 : i32 to vector<16xi32>
        %ge3A_345 = arith.cmpi sge, %get3A_286, %ge3A_344 : vector<16xi32>
        %select_n3A_346 = arith.select %ge3A_345, %broadcast_in_dim3A_12, %select_n3A_342 : vector<16xi1>, vector<16xf32>
        %ge3A_347 = arith.constant 4 : i32
        %ge3A_348 = vector.broadcast %ge3A_347 : i32 to vector<16xi32>
        %ge3A_349 = arith.cmpi sge, %get3A_286, %ge3A_348 : vector<16xi32>
        %select_n3A_350 = arith.select %ge3A_349, %broadcast_in_dim3A_15, %select_n3A_346 : vector<16xi1>, vector<16xf32>
        %bitcast3A_351 = vector.bitcast %get3A_292 : vector<16xi32> to vector<16xi32>
        %min3A_352 = arith.constant 4 : i32
        %min3A_353 = vector.broadcast %min3A_352 : i32 to vector<16xi32>
        %min3A_354 = arith.minui %bitcast3A_351, %min3A_353 : vector<16xi32>
        %bitcast3A_355 = vector.bitcast %min3A_354 : vector<16xi32> to vector<16xi32>
        %gather3A_356 = tpu.vector_load_idx %arg5[%bitcast3A_355] : memref<16xf32, #tpu.memory_space<vmem>>[vector<16xi32>], vector<16xf32>,
        %ge3A_357 = arith.constant 1 : i32
        %ge3A_358 = vector.broadcast %ge3A_357 : i32 to vector<16xi32>
        %ge3A_359 = arith.cmpi sge, %get3A_298, %ge3A_358 : vector<16xi32>
        %select_n3A_360 = arith.select %ge3A_359, %broadcast_in_dim3A_6, %broadcast_in_dim3A : vector<16xi1>, vector<16xf32>
        %ge3A_361 = arith.constant 2 : i32
        %ge3A_362 = vector.broadcast %ge3A_361 : i32 to vector<16xi32>
        %ge3A_363 = arith.cmpi sge, %get3A_298, %ge3A_362 : vector<16xi32>
        %select_n3A_364 = arith.select %ge3A_363, %broadcast_in_dim3A_9, %select_n3A_360 : vector<16xi1>, vector<16xf32>
        %ge3A_365 = arith.constant 3 : i32
        %ge3A_366 = vector.broadcast %ge3A_365 : i32 to vector<16xi32>
        %ge3A_367 = arith.cmpi sge, %get3A_298, %ge3A_366 : vector<16xi32>
        %select_n3A_368 = arith.select %ge3A_367, %broadcast_in_dim3A_12, %select_n3A_364 : vector<16xi1>, vector<16xf32>
        %ge3A_369 = arith.constant 4 : i32
        %ge3A_370 = vector.broadcast %ge3A_369 : i32 to vector<16xi32>
        %ge3A_371 = arith.cmpi sge, %get3A_298, %ge3A_370 : vector<16xi32>
        %select_n3A_372 = arith.select %ge3A_371, %broadcast_in_dim3A_15, %select_n3A_368 : vector<16xi1>, vector<16xf32>
        %bitcast3A_373 = vector.bitcast %get3A_304 : vector<16xi32> to vector<16xi32>
        %min3A_374 = arith.constant 4 : i32
        %min3A_375 = vector.broadcast %min3A_374 : i32 to vector<16xi32>
        %min3A_376 = arith.minui %bitcast3A_373, %min3A_375 : vector<16xi32>
        %bitcast3A_377 = vector.bitcast %min3A_376 : vector<16xi32> to vector<16xi32>
        %gather3A_378 = tpu.vector_load_idx %arg5[%bitcast3A_377] : memref<16xf32, #tpu.memory_space<vmem>>[vector<16xi32>], vector<16xf32>,
        %ge3A_379 = arith.constant 1 : i32
        %ge3A_380 = vector.broadcast %ge3A_379 : i32 to vector<16xi32>
        %ge3A_381 = arith.cmpi sge, %get3A_310, %ge3A_380 : vector<16xi32>
        %select_n3A_382 = arith.select %ge3A_381, %broadcast_in_dim3A_6, %broadcast_in_dim3A : vector<16xi1>, vector<16xf32>
        %ge3A_383 = arith.constant 2 : i32
        %ge3A_384 = vector.broadcast %ge3A_383 : i32 to vector<16xi32>
        %ge3A_385 = arith.cmpi sge, %get3A_310, %ge3A_384 : vector<16xi32>
        %select_n3A_386 = arith.select %ge3A_385, %broadcast_in_dim3A_9, %select_n3A_382 : vector<16xi1>, vector<16xf32>
        %ge3A_387 = arith.constant 3 : i32
        %ge3A_388 = vector.broadcast %ge3A_387 : i32 to vector<16xi32>
        %ge3A_389 = arith.cmpi sge, %get3A_310, %ge3A_388 : vector<16xi32>
        %select_n3A_390 = arith.select %ge3A_389, %broadcast_in_dim3A_12, %select_n3A_386 : vector<16xi1>, vector<16xf32>
        %ge3A_391 = arith.constant 4 : i32
        %ge3A_392 = vector.broadcast %ge3A_391 : i32 to vector<16xi32>
        %ge3A_393 = arith.cmpi sge, %get3A_310, %ge3A_392 : vector<16xi32>
        %select_n3A_394 = arith.select %ge3A_393, %broadcast_in_dim3A_15, %select_n3A_390 : vector<16xi1>, vector<16xf32>
        %add3A_395 = arith.constant 0 : i32
        %add3A_396 = arith.addi %mul3A_262, %add3A_395 : i32
        %swap3A = arith.constant 0 : i32
        %swap3A_397 = arith.index_cast %swap3A : i32 to index
        %swap3A_398 = arith.index_cast %add3A_396 : i32 to index
        %swap3A_399 = tpu.vector_load %arg13[%swap3A_397, %swap3A_398] {strides = array<i32>} : memref<4x2048xf32, #tpu.memory_space<vmem>>, vector<16xf32>,
        tpu.vector_store %arg13[%swap3A_397, %swap3A_398], %gather3A {strides = array<i32>} : memref<4x2048xf32, #tpu.memory_space<vmem>>, vector<16xf32>,
        %add3A_400 = arith.constant 16 : i32
        %add3A_401 = arith.addi %mul3A_262, %add3A_400 : i32
        %swap3A_402 = arith.constant 0 : i32
        %swap3A_403 = arith.index_cast %swap3A_402 : i32 to index
        %swap3A_404 = arith.index_cast %add3A_401 : i32 to index
        %swap3A_405 = tpu.vector_load %arg13[%swap3A_403, %swap3A_404] {strides = array<i32>} : memref<4x2048xf32, #tpu.memory_space<vmem>>, vector<16xf32>,
        tpu.vector_store %arg13[%swap3A_403, %swap3A_404], %select_n3A_328 {strides = array<i32>} : memref<4x2048xf32, #tpu.memory_space<vmem>>, vector<16xf32>,
        %add3A_406 = arith.constant 32 : i32
        %add3A_407 = arith.addi %mul3A_262, %add3A_406 : i32
        %swap3A_408 = arith.constant 0 : i32
        %swap3A_409 = arith.index_cast %swap3A_408 : i32 to index
        %swap3A_410 = arith.index_cast %add3A_407 : i32 to index
        %swap3A_411 = tpu.vector_load %arg13[%swap3A_409, %swap3A_410] {strides = array<i32>} : memref<4x2048xf32, #tpu.memory_space<vmem>>, vector<16xf32>,
        tpu.vector_store %arg13[%swap3A_409, %swap3A_410], %gather3A_334 {strides = array<i32>} : memref<4x2048xf32, #tpu.memory_space<vmem>>, vector<16xf32>,
        %add3A_412 = arith.constant 48 : i32
        %add3A_413 = arith.addi %mul3A_262, %add3A_412 : i32
        %swap3A_414 = arith.constant 0 : i32
        %swap3A_415 = arith.index_cast %swap3A_414 : i32 to index
        %swap3A_416 = arith.index_cast %add3A_413 : i32 to index
        %swap3A_417 = tpu.vector_load %arg13[%swap3A_415, %swap3A_416] {strides = array<i32>} : memref<4x2048xf32, #tpu.memory_space<vmem>>, vector<16xf32>,
        tpu.vector_store %arg13[%swap3A_415, %swap3A_416], %select_n3A_350 {strides = array<i32>} : memref<4x2048xf32, #tpu.memory_space<vmem>>, vector<16xf32>,
        %add3A_418 = arith.constant 64 : i32
        %add3A_419 = arith.addi %mul3A_262, %add3A_418 : i32
        %swap3A_420 = arith.constant 0 : i32
        %swap3A_421 = arith.index_cast %swap3A_420 : i32 to index
        %swap3A_422 = arith.index_cast %add3A_419 : i32 to index
        %swap3A_423 = tpu.vector_load %arg13[%swap3A_421, %swap3A_422] {strides = array<i32>} : memref<4x2048xf32, #tpu.memory_space<vmem>>, vector<16xf32>,
        tpu.vector_store %arg13[%swap3A_421, %swap3A_422], %gather3A_356 {strides = array<i32>} : memref<4x2048xf32, #tpu.memory_space<vmem>>, vector<16xf32>,
        %add3A_424 = arith.constant 80 : i32
        %add3A_425 = arith.addi %mul3A_262, %add3A_424 : i32
        %swap3A_426 = arith.constant 0 : i32
        %swap3A_427 = arith.index_cast %swap3A_426 : i32 to index
        %swap3A_428 = arith.index_cast %add3A_425 : i32 to index
        %swap3A_429 = tpu.vector_load %arg13[%swap3A_427, %swap3A_428] {strides = array<i32>} : memref<4x2048xf32, #tpu.memory_space<vmem>>, vector<16xf32>,
        tpu.vector_store %arg13[%swap3A_427, %swap3A_428], %select_n3A_372 {strides = array<i32>} : memref<4x2048xf32, #tpu.memory_space<vmem>>, vector<16xf32>,
        %add3A_430 = arith.constant 96 : i32
        %add3A_431 = arith.addi %mul3A_262, %add3A_430 : i32
        %swap3A_432 = arith.constant 0 : i32
        %swap3A_433 = arith.index_cast %swap3A_432 : i32 to index
        %swap3A_434 = arith.index_cast %add3A_431 : i32 to index
        %swap3A_435 = tpu.vector_load %arg13[%swap3A_433, %swap3A_434] {strides = array<i32>} : memref<4x2048xf32, #tpu.memory_space<vmem>>, vector<16xf32>,
        tpu.vector_store %arg13[%swap3A_433, %swap3A_434], %gather3A_378 {strides = array<i32>} : memref<4x2048xf32, #tpu.memory_space<vmem>>, vector<16xf32>,
        %add3A_436 = arith.constant 112 : i32
        %add3A_437 = arith.addi %mul3A_262, %add3A_436 : i32
        %swap3A_438 = arith.constant 0 : i32
        %swap3A_439 = arith.index_cast %swap3A_438 : i32 to index
        %swap3A_440 = arith.index_cast %add3A_437 : i32 to index
        %swap3A_441 = tpu.vector_load %arg13[%swap3A_439, %swap3A_440] {strides = array<i32>} : memref<4x2048xf32, #tpu.memory_space<vmem>>, vector<16xf32>,
        tpu.vector_store %arg13[%swap3A_439, %swap3A_440], %select_n3A_394 {strides = array<i32>} : memref<4x2048xf32, #tpu.memory_space<vmem>>, vector<16xf32>,
      }
      %scan3A_227 = arith.constant 16 : i32
      %scan3A_228 = arith.constant 0 : i32
      %scan3A_229 = arith.constant 0 : i32
      %scan3A_230 = arith.constant 16 : i32
      %scan3A_231 = arith.addi %scan3A_229, %scan3A_230 : i32
      %scan3A_232 = arith.constant 1 : i32
      scf.for %scan3A_260 = %scan3A_229 to %scan3A_231 step %scan3A_232  : i32 {
        %mul3A_261 = arith.constant 128 : i32
        %mul3A_262 = arith.muli %scan3A_260, %mul3A_261 : i32
        %add3A_263 = arith.constant 0 : i32
        %add3A_264 = arith.addi %mul3A_262, %add3A_263 : i32
        %get3A_265 = arith.constant 1 : i32
        %get3A_266 = arith.index_cast %get3A_265 : i32 to index
        %get3A_267 = arith.index_cast %add3A_264 : i32 to index
        %get3A_268 = tpu.vector_load %arg9[%get3A_266, %get3A_267] {strides = array<i32>} : memref<4x2048xi32, #tpu.memory_space<vmem>>, vector<16xi32>,
        %add3A_269 = arith.constant 16 : i32
        %add3A_270 = arith.addi %mul3A_262, %add3A_269 : i32
        %get3A_271 = arith.constant 1 : i32
        %get3A_272 = arith.index_cast %get3A_271 : i32 to index
        %get3A_273 = arith.index_cast %add3A_270 : i32 to index
        %get3A_274 = tpu.vector_load %arg9[%get3A_272, %get3A_273] {strides = array<i32>} : memref<4x2048xi32, #tpu.memory_space<vmem>>, vector<16xi32>,
        %add3A_275 = arith.constant 32 : i32
        %add3A_276 = arith.addi %mul3A_262, %add3A_275 : i32
        %get3A_277 = arith.constant 1 : i32
        %get3A_278 = arith.index_cast %get3A_277 : i32 to index
        %get3A_279 = arith.index_cast %add3A_276 : i32 to index
        %get3A_280 = tpu.vector_load %arg9[%get3A_278, %get3A_279] {strides = array<i32>} : memref<4x2048xi32, #tpu.memory_space<vmem>>, vector<16xi32>,
        %add3A_281 = arith.constant 48 : i32
        %add3A_282 = arith.addi %mul3A_262, %add3A_281 : i32
        %get3A_283 = arith.constant 1 : i32
        %get3A_284 = arith.index_cast %get3A_283 : i32 to index
        %get3A_285 = arith.index_cast %add3A_282 : i32 to index
        %get3A_286 = tpu.vector_load %arg9[%get3A_284, %get3A_285] {strides = array<i32>} : memref<4x2048xi32, #tpu.memory_space<vmem>>, vector<16xi32>,
        %add3A_287 = arith.constant 64 : i32
        %add3A_288 = arith.addi %mul3A_262, %add3A_287 : i32
        %get3A_289 = arith.constant 1 : i32
        %get3A_290 = arith.index_cast %get3A_289 : i32 to index
        %get3A_291 = arith.index_cast %add3A_288 : i32 to index
        %get3A_292 = tpu.vector_load %arg9[%get3A_290, %get3A_291] {strides = array<i32>} : memref<4x2048xi32, #tpu.memory_space<vmem>>, vector<16xi32>,
        %add3A_293 = arith.constant 80 : i32
        %add3A_294 = arith.addi %mul3A_262, %add3A_293 : i32
        %get3A_295 = arith.constant 1 : i32
        %get3A_296 = arith.index_cast %get3A_295 : i32 to index
        %get3A_297 = arith.index_cast %add3A_294 : i32 to index
        %get3A_298 = tpu.vector_load %arg9[%get3A_296, %get3A_297] {strides = array<i32>} : memref<4x2048xi32, #tpu.memory_space<vmem>>, vector<16xi32>,
        %add3A_299 = arith.constant 96 : i32
        %add3A_300 = arith.addi %mul3A_262, %add3A_299 : i32
        %get3A_301 = arith.constant 1 : i32
        %get3A_302 = arith.index_cast %get3A_301 : i32 to index
        %get3A_303 = arith.index_cast %add3A_300 : i32 to index
        %get3A_304 = tpu.vector_load %arg9[%get3A_302, %get3A_303] {strides = array<i32>} : memref<4x2048xi32, #tpu.memory_space<vmem>>, vector<16xi32>,
        %add3A_305 = arith.constant 112 : i32
        %add3A_306 = arith.addi %mul3A_262, %add3A_305 : i32
        %get3A_307 = arith.constant 1 : i32
        %get3A_308 = arith.index_cast %get3A_307 : i32 to index
        %get3A_309 = arith.index_cast %add3A_306 : i32 to index
        %get3A_310 = tpu.vector_load %arg9[%get3A_308, %get3A_309] {strides = array<i32>} : memref<4x2048xi32, #tpu.memory_space<vmem>>, vector<16xi32>,
        %bitcast3A = vector.bitcast %get3A_268 : vector<16xi32> to vector<16xi32>
        %min3A = arith.constant 4 : i32
        %min3A_311 = vector.broadcast %min3A : i32 to vector<16xi32>
        %min3A_312 = arith.minui %bitcast3A, %min3A_311 : vector<16xi32>
        %bitcast3A_313 = vector.bitcast %min3A_312 : vector<16xi32> to vector<16xi32>
        %gather3A = tpu.vector_load_idx %arg5[%bitcast3A_313] : memref<16xf32, #tpu.memory_space<vmem>>[vector<16xi32>], vector<16xf32>,
        %ge3A_314 = arith.constant 1 : i32
        %ge3A_315 = vector.broadcast %ge3A_314 : i32 to vector<16xi32>
        %ge3A_316 = arith.cmpi sge, %get3A_274, %ge3A_315 : vector<16xi32>
        %select_n3A = arith.select %ge3A_316, %broadcast_in_dim3A_6, %broadcast_in_dim3A : vector<16xi1>, vector<16xf32>
        %ge3A_317 = arith.constant 2 : i32
        %ge3A_318 = vector.broadcast %ge3A_317 : i32 to vector<16xi32>
        %ge3A_319 = arith.cmpi sge, %get3A_274, %ge3A_318 : vector<16xi32>
        %select_n3A_320 = arith.select %ge3A_319, %broadcast_in_dim3A_9, %select_n3A : vector<16xi1>, vector<16xf32>
        %ge3A_321 = arith.constant 3 : i32
        %ge3A_322 = vector.broadcast %ge3A_321 : i32 to vector<16xi32>
        %ge3A_323 = arith.cmpi sge, %get3A_274, %ge3A_322 : vector<16xi32>
        %select_n3A_324 = arith.select %ge3A_323, %broadcast_in_dim3A_12, %select_n3A_320 : vector<16xi1>, vector<16xf32>
        %ge3A_325 = arith.constant 4 : i32
        %ge3A_326 = vector.broadcast %ge3A_325 : i32 to vector<16xi32>
        %ge3A_327 = arith.cmpi sge, %get3A_274, %ge3A_326 : vector<16xi32>
        %select_n3A_328 = arith.select %ge3A_327, %broadcast_in_dim3A_15, %select_n3A_324 : vector<16xi1>, vector<16xf32>
        %bitcast3A_329 = vector.bitcast %get3A_280 : vector<16xi32> to vector<16xi32>
        %min3A_330 = arith.constant 4 : i32
        %min3A_331 = vector.broadcast %min3A_330 : i32 to vector<16xi32>
        %min3A_332 = arith.minui %bitcast3A_329, %min3A_331 : vector<16xi32>
        %bitcast3A_333 = vector.bitcast %min3A_332 : vector<16xi32> to vector<16xi32>
        %gather3A_334 = tpu.vector_load_idx %arg5[%bitcast3A_333] : memref<16xf32, #tpu.memory_space<vmem>>[vector<16xi32>], vector<16xf32>,
        %ge3A_335 = arith.constant 1 : i32
        %ge3A_336 = vector.broadcast %ge3A_335 : i32 to vector<16xi32>
        %ge3A_337 = arith.cmpi sge, %get3A_286, %ge3A_336 : vector<16xi32>
        %select_n3A_338 = arith.select %ge3A_337, %broadcast_in_dim3A_6, %broadcast_in_dim3A : vector<16xi1>, vector<16xf32>
        %ge3A_339 = arith.constant 2 : i32
        %ge3A_340 = vector.broadcast %ge3A_339 : i32 to vector<16xi32>
        %ge3A_341 = arith.cmpi sge, %get3A_286, %ge3A_340 : vector<16xi32>
        %select_n3A_342 = arith.select %ge3A_341, %broadcast_in_dim3A_9, %select_n3A_338 : vector<16xi1>, vector<16xf32>
        %ge3A_343 = arith.constant 3 : i32
        %ge3A_344 = vector.broadcast %ge3A_343 : i32 to vector<16xi32>
        %ge3A_345 = arith.cmpi sge, %get3A_286, %ge3A_344 : vector<16xi32>
        %select_n3A_346 = arith.select %ge3A_345, %broadcast_in_dim3A_12, %select_n3A_342 : vector<16xi1>, vector<16xf32>
        %ge3A_347 = arith.constant 4 : i32
        %ge3A_348 = vector.broadcast %ge3A_347 : i32 to vector<16xi32>
        %ge3A_349 = arith.cmpi sge, %get3A_286, %ge3A_348 : vector<16xi32>
        %select_n3A_350 = arith.select %ge3A_349, %broadcast_in_dim3A_15, %select_n3A_346 : vector<16xi1>, vector<16xf32>
        %bitcast3A_351 = vector.bitcast %get3A_292 : vector<16xi32> to vector<16xi32>
        %min3A_352 = arith.constant 4 : i32
        %min3A_353 = vector.broadcast %min3A_352 : i32 to vector<16xi32>
        %min3A_354 = arith.minui %bitcast3A_351, %min3A_353 : vector<16xi32>
        %bitcast3A_355 = vector.bitcast %min3A_354 : vector<16xi32> to vector<16xi32>
        %gather3A_356 = tpu.vector_load_idx %arg5[%bitcast3A_355] : memref<16xf32, #tpu.memory_space<vmem>>[vector<16xi32>], vector<16xf32>,
        %ge3A_357 = arith.constant 1 : i32
        %ge3A_358 = vector.broadcast %ge3A_357 : i32 to vector<16xi32>
        %ge3A_359 = arith.cmpi sge, %get3A_298, %ge3A_358 : vector<16xi32>
        %select_n3A_360 = arith.select %ge3A_359, %broadcast_in_dim3A_6, %broadcast_in_dim3A : vector<16xi1>, vector<16xf32>
        %ge3A_361 = arith.constant 2 : i32
        %ge3A_362 = vector.broadcast %ge3A_361 : i32 to vector<16xi32>
        %ge3A_363 = arith.cmpi sge, %get3A_298, %ge3A_362 : vector<16xi32>
        %select_n3A_364 = arith.select %ge3A_363, %broadcast_in_dim3A_9, %select_n3A_360 : vector<16xi1>, vector<16xf32>
        %ge3A_365 = arith.constant 3 : i32
        %ge3A_366 = vector.broadcast %ge3A_365 : i32 to vector<16xi32>
        %ge3A_367 = arith.cmpi sge, %get3A_298, %ge3A_366 : vector<16xi32>
        %select_n3A_368 = arith.select %ge3A_367, %broadcast_in_dim3A_12, %select_n3A_364 : vector<16xi1>, vector<16xf32>
        %ge3A_369 = arith.constant 4 : i32
        %ge3A_370 = vector.broadcast %ge3A_369 : i32 to vector<16xi32>
        %ge3A_371 = arith.cmpi sge, %get3A_298, %ge3A_370 : vector<16xi32>
        %select_n3A_372 = arith.select %ge3A_371, %broadcast_in_dim3A_15, %select_n3A_368 : vector<16xi1>, vector<16xf32>
        %bitcast3A_373 = vector.bitcast %get3A_304 : vector<16xi32> to vector<16xi32>
        %min3A_374 = arith.constant 4 : i32
        %min3A_375 = vector.broadcast %min3A_374 : i32 to vector<16xi32>
        %min3A_376 = arith.minui %bitcast3A_373, %min3A_375 : vector<16xi32>
        %bitcast3A_377 = vector.bitcast %min3A_376 : vector<16xi32> to vector<16xi32>
        %gather3A_378 = tpu.vector_load_idx %arg5[%bitcast3A_377] : memref<16xf32, #tpu.memory_space<vmem>>[vector<16xi32>], vector<16xf32>,
        %ge3A_379 = arith.constant 1 : i32
        %ge3A_380 = vector.broadcast %ge3A_379 : i32 to vector<16xi32>
        %ge3A_381 = arith.cmpi sge, %get3A_310, %ge3A_380 : vector<16xi32>
        %select_n3A_382 = arith.select %ge3A_381, %broadcast_in_dim3A_6, %broadcast_in_dim3A : vector<16xi1>, vector<16xf32>
        %ge3A_383 = arith.constant 2 : i32
        %ge3A_384 = vector.broadcast %ge3A_383 : i32 to vector<16xi32>
        %ge3A_385 = arith.cmpi sge, %get3A_310, %ge3A_384 : vector<16xi32>
        %select_n3A_386 = arith.select %ge3A_385, %broadcast_in_dim3A_9, %select_n3A_382 : vector<16xi1>, vector<16xf32>
        %ge3A_387 = arith.constant 3 : i32
        %ge3A_388 = vector.broadcast %ge3A_387 : i32 to vector<16xi32>
        %ge3A_389 = arith.cmpi sge, %get3A_310, %ge3A_388 : vector<16xi32>
        %select_n3A_390 = arith.select %ge3A_389, %broadcast_in_dim3A_12, %select_n3A_386 : vector<16xi1>, vector<16xf32>
        %ge3A_391 = arith.constant 4 : i32
        %ge3A_392 = vector.broadcast %ge3A_391 : i32 to vector<16xi32>
        %ge3A_393 = arith.cmpi sge, %get3A_310, %ge3A_392 : vector<16xi32>
        %select_n3A_394 = arith.select %ge3A_393, %broadcast_in_dim3A_15, %select_n3A_390 : vector<16xi1>, vector<16xf32>
        %add3A_395 = arith.constant 0 : i32
        %add3A_396 = arith.addi %mul3A_262, %add3A_395 : i32
        %swap3A = arith.constant 1 : i32
        %swap3A_397 = arith.index_cast %swap3A : i32 to index
        %swap3A_398 = arith.index_cast %add3A_396 : i32 to index
        %swap3A_399 = tpu.vector_load %arg13[%swap3A_397, %swap3A_398] {strides = array<i32>} : memref<4x2048xf32, #tpu.memory_space<vmem>>, vector<16xf32>,
        tpu.vector_store %arg13[%swap3A_397, %swap3A_398], %gather3A {strides = array<i32>} : memref<4x2048xf32, #tpu.memory_space<vmem>>, vector<16xf32>,
        %add3A_400 = arith.constant 16 : i32
        %add3A_401 = arith.addi %mul3A_262, %add3A_400 : i32
        %swap3A_402 = arith.constant 1 : i32
        %swap3A_403 = arith.index_cast %swap3A_402 : i32 to index
        %swap3A_404 = arith.index_cast %add3A_401 : i32 to index
        %swap3A_405 = tpu.vector_load %arg13[%swap3A_403, %swap3A_404] {strides = array<i32>} : memref<4x2048xf32, #tpu.memory_space<vmem>>, vector<16xf32>,
        tpu.vector_store %arg13[%swap3A_403, %swap3A_404], %select_n3A_328 {strides = array<i32>} : memref<4x2048xf32, #tpu.memory_space<vmem>>, vector<16xf32>,
        %add3A_406 = arith.constant 32 : i32
        %add3A_407 = arith.addi %mul3A_262, %add3A_406 : i32
        %swap3A_408 = arith.constant 1 : i32
        %swap3A_409 = arith.index_cast %swap3A_408 : i32 to index
        %swap3A_410 = arith.index_cast %add3A_407 : i32 to index
        %swap3A_411 = tpu.vector_load %arg13[%swap3A_409, %swap3A_410] {strides = array<i32>} : memref<4x2048xf32, #tpu.memory_space<vmem>>, vector<16xf32>,
        tpu.vector_store %arg13[%swap3A_409, %swap3A_410], %gather3A_334 {strides = array<i32>} : memref<4x2048xf32, #tpu.memory_space<vmem>>, vector<16xf32>,
        %add3A_412 = arith.constant 48 : i32
        %add3A_413 = arith.addi %mul3A_262, %add3A_412 : i32
        %swap3A_414 = arith.constant 1 : i32
        %swap3A_415 = arith.index_cast %swap3A_414 : i32 to index
        %swap3A_416 = arith.index_cast %add3A_413 : i32 to index
        %swap3A_417 = tpu.vector_load %arg13[%swap3A_415, %swap3A_416] {strides = array<i32>} : memref<4x2048xf32, #tpu.memory_space<vmem>>, vector<16xf32>,
        tpu.vector_store %arg13[%swap3A_415, %swap3A_416], %select_n3A_350 {strides = array<i32>} : memref<4x2048xf32, #tpu.memory_space<vmem>>, vector<16xf32>,
        %add3A_418 = arith.constant 64 : i32
        %add3A_419 = arith.addi %mul3A_262, %add3A_418 : i32
        %swap3A_420 = arith.constant 1 : i32
        %swap3A_421 = arith.index_cast %swap3A_420 : i32 to index
        %swap3A_422 = arith.index_cast %add3A_419 : i32 to index
        %swap3A_423 = tpu.vector_load %arg13[%swap3A_421, %swap3A_422] {strides = array<i32>} : memref<4x2048xf32, #tpu.memory_space<vmem>>, vector<16xf32>,
        tpu.vector_store %arg13[%swap3A_421, %swap3A_422], %gather3A_356 {strides = array<i32>} : memref<4x2048xf32, #tpu.memory_space<vmem>>, vector<16xf32>,
        %add3A_424 = arith.constant 80 : i32
        %add3A_425 = arith.addi %mul3A_262, %add3A_424 : i32
        %swap3A_426 = arith.constant 1 : i32
        %swap3A_427 = arith.index_cast %swap3A_426 : i32 to index
        %swap3A_428 = arith.index_cast %add3A_425 : i32 to index
        %swap3A_429 = tpu.vector_load %arg13[%swap3A_427, %swap3A_428] {strides = array<i32>} : memref<4x2048xf32, #tpu.memory_space<vmem>>, vector<16xf32>,
        tpu.vector_store %arg13[%swap3A_427, %swap3A_428], %select_n3A_372 {strides = array<i32>} : memref<4x2048xf32, #tpu.memory_space<vmem>>, vector<16xf32>,
        %add3A_430 = arith.constant 96 : i32
        %add3A_431 = arith.addi %mul3A_262, %add3A_430 : i32
        %swap3A_432 = arith.constant 1 : i32
        %swap3A_433 = arith.index_cast %swap3A_432 : i32 to index
        %swap3A_434 = arith.index_cast %add3A_431 : i32 to index
        %swap3A_435 = tpu.vector_load %arg13[%swap3A_433, %swap3A_434] {strides = array<i32>} : memref<4x2048xf32, #tpu.memory_space<vmem>>, vector<16xf32>,
        tpu.vector_store %arg13[%swap3A_433, %swap3A_434], %gather3A_378 {strides = array<i32>} : memref<4x2048xf32, #tpu.memory_space<vmem>>, vector<16xf32>,
        %add3A_436 = arith.constant 112 : i32
        %add3A_437 = arith.addi %mul3A_262, %add3A_436 : i32
        %swap3A_438 = arith.constant 1 : i32
        %swap3A_439 = arith.index_cast %swap3A_438 : i32 to index
        %swap3A_440 = arith.index_cast %add3A_437 : i32 to index
        %swap3A_441 = tpu.vector_load %arg13[%swap3A_439, %swap3A_440] {strides = array<i32>} : memref<4x2048xf32, #tpu.memory_space<vmem>>, vector<16xf32>,
        tpu.vector_store %arg13[%swap3A_439, %swap3A_440], %select_n3A_394 {strides = array<i32>} : memref<4x2048xf32, #tpu.memory_space<vmem>>, vector<16xf32>,
      }
      %scan3A_233 = arith.constant 16 : i32
      %scan3A_234 = arith.constant 0 : i32
      %scan3A_235 = arith.constant 0 : i32
      %scan3A_236 = arith.constant 16 : i32
      %scan3A_237 = arith.addi %scan3A_235, %scan3A_236 : i32
      %scan3A_238 = arith.constant 1 : i32
      scf.for %scan3A_260 = %scan3A_235 to %scan3A_237 step %scan3A_238  : i32 {
        %mul3A_261 = arith.constant 128 : i32
        %mul3A_262 = arith.muli %scan3A_260, %mul3A_261 : i32
        %add3A_263 = arith.constant 0 : i32
        %add3A_264 = arith.addi %mul3A_262, %add3A_263 : i32
        %get3A_265 = arith.constant 2 : i32
        %get3A_266 = arith.index_cast %get3A_265 : i32 to index
        %get3A_267 = arith.index_cast %add3A_264 : i32 to index
        %get3A_268 = tpu.vector_load %arg9[%get3A_266, %get3A_267] {strides = array<i32>} : memref<4x2048xi32, #tpu.memory_space<vmem>>, vector<16xi32>,
        %add3A_269 = arith.constant 16 : i32
        %add3A_270 = arith.addi %mul3A_262, %add3A_269 : i32
        %get3A_271 = arith.constant 2 : i32
        %get3A_272 = arith.index_cast %get3A_271 : i32 to index
        %get3A_273 = arith.index_cast %add3A_270 : i32 to index
        %get3A_274 = tpu.vector_load %arg9[%get3A_272, %get3A_273] {strides = array<i32>} : memref<4x2048xi32, #tpu.memory_space<vmem>>, vector<16xi32>,
        %add3A_275 = arith.constant 32 : i32
        %add3A_276 = arith.addi %mul3A_262, %add3A_275 : i32
        %get3A_277 = arith.constant 2 : i32
        %get3A_278 = arith.index_cast %get3A_277 : i32 to index
        %get3A_279 = arith.index_cast %add3A_276 : i32 to index
        %get3A_280 = tpu.vector_load %arg9[%get3A_278, %get3A_279] {strides = array<i32>} : memref<4x2048xi32, #tpu.memory_space<vmem>>, vector<16xi32>,
        %add3A_281 = arith.constant 48 : i32
        %add3A_282 = arith.addi %mul3A_262, %add3A_281 : i32
        %get3A_283 = arith.constant 2 : i32
        %get3A_284 = arith.index_cast %get3A_283 : i32 to index
        %get3A_285 = arith.index_cast %add3A_282 : i32 to index
        %get3A_286 = tpu.vector_load %arg9[%get3A_284, %get3A_285] {strides = array<i32>} : memref<4x2048xi32, #tpu.memory_space<vmem>>, vector<16xi32>,
        %add3A_287 = arith.constant 64 : i32
        %add3A_288 = arith.addi %mul3A_262, %add3A_287 : i32
        %get3A_289 = arith.constant 2 : i32
        %get3A_290 = arith.index_cast %get3A_289 : i32 to index
        %get3A_291 = arith.index_cast %add3A_288 : i32 to index
        %get3A_292 = tpu.vector_load %arg9[%get3A_290, %get3A_291] {strides = array<i32>} : memref<4x2048xi32, #tpu.memory_space<vmem>>, vector<16xi32>,
        %add3A_293 = arith.constant 80 : i32
        %add3A_294 = arith.addi %mul3A_262, %add3A_293 : i32
        %get3A_295 = arith.constant 2 : i32
        %get3A_296 = arith.index_cast %get3A_295 : i32 to index
        %get3A_297 = arith.index_cast %add3A_294 : i32 to index
        %get3A_298 = tpu.vector_load %arg9[%get3A_296, %get3A_297] {strides = array<i32>} : memref<4x2048xi32, #tpu.memory_space<vmem>>, vector<16xi32>,
        %add3A_299 = arith.constant 96 : i32
        %add3A_300 = arith.addi %mul3A_262, %add3A_299 : i32
        %get3A_301 = arith.constant 2 : i32
        %get3A_302 = arith.index_cast %get3A_301 : i32 to index
        %get3A_303 = arith.index_cast %add3A_300 : i32 to index
        %get3A_304 = tpu.vector_load %arg9[%get3A_302, %get3A_303] {strides = array<i32>} : memref<4x2048xi32, #tpu.memory_space<vmem>>, vector<16xi32>,
        %add3A_305 = arith.constant 112 : i32
        %add3A_306 = arith.addi %mul3A_262, %add3A_305 : i32
        %get3A_307 = arith.constant 2 : i32
        %get3A_308 = arith.index_cast %get3A_307 : i32 to index
        %get3A_309 = arith.index_cast %add3A_306 : i32 to index
        %get3A_310 = tpu.vector_load %arg9[%get3A_308, %get3A_309] {strides = array<i32>} : memref<4x2048xi32, #tpu.memory_space<vmem>>, vector<16xi32>,
        %bitcast3A = vector.bitcast %get3A_268 : vector<16xi32> to vector<16xi32>
        %min3A = arith.constant 4 : i32
        %min3A_311 = vector.broadcast %min3A : i32 to vector<16xi32>
        %min3A_312 = arith.minui %bitcast3A, %min3A_311 : vector<16xi32>
        %bitcast3A_313 = vector.bitcast %min3A_312 : vector<16xi32> to vector<16xi32>
        %gather3A = tpu.vector_load_idx %arg5[%bitcast3A_313] : memref<16xf32, #tpu.memory_space<vmem>>[vector<16xi32>], vector<16xf32>,
        %ge3A_314 = arith.constant 1 : i32
        %ge3A_315 = vector.broadcast %ge3A_314 : i32 to vector<16xi32>
        %ge3A_316 = arith.cmpi sge, %get3A_274, %ge3A_315 : vector<16xi32>
        %select_n3A = arith.select %ge3A_316, %broadcast_in_dim3A_6, %broadcast_in_dim3A : vector<16xi1>, vector<16xf32>
        %ge3A_317 = arith.constant 2 : i32
        %ge3A_318 = vector.broadcast %ge3A_317 : i32 to vector<16xi32>
        %ge3A_319 = arith.cmpi sge, %get3A_274, %ge3A_318 : vector<16xi32>
        %select_n3A_320 = arith.select %ge3A_319, %broadcast_in_dim3A_9, %select_n3A : vector<16xi1>, vector<16xf32>
        %ge3A_321 = arith.constant 3 : i32
        %ge3A_322 = vector.broadcast %ge3A_321 : i32 to vector<16xi32>
        %ge3A_323 = arith.cmpi sge, %get3A_274, %ge3A_322 : vector<16xi32>
        %select_n3A_324 = arith.select %ge3A_323, %broadcast_in_dim3A_12, %select_n3A_320 : vector<16xi1>, vector<16xf32>
        %ge3A_325 = arith.constant 4 : i32
        %ge3A_326 = vector.broadcast %ge3A_325 : i32 to vector<16xi32>
        %ge3A_327 = arith.cmpi sge, %get3A_274, %ge3A_326 : vector<16xi32>
        %select_n3A_328 = arith.select %ge3A_327, %broadcast_in_dim3A_15, %select_n3A_324 : vector<16xi1>, vector<16xf32>
        %bitcast3A_329 = vector.bitcast %get3A_280 : vector<16xi32> to vector<16xi32>
        %min3A_330 = arith.constant 4 : i32
        %min3A_331 = vector.broadcast %min3A_330 : i32 to vector<16xi32>
        %min3A_332 = arith.minui %bitcast3A_329, %min3A_331 : vector<16xi32>
        %bitcast3A_333 = vector.bitcast %min3A_332 : vector<16xi32> to vector<16xi32>
        %gather3A_334 = tpu.vector_load_idx %arg5[%bitcast3A_333] : memref<16xf32, #tpu.memory_space<vmem>>[vector<16xi32>], vector<16xf32>,
        %ge3A_335 = arith.constant 1 : i32
        %ge3A_336 = vector.broadcast %ge3A_335 : i32 to vector<16xi32>
        %ge3A_337 = arith.cmpi sge, %get3A_286, %ge3A_336 : vector<16xi32>
        %select_n3A_338 = arith.select %ge3A_337, %broadcast_in_dim3A_6, %broadcast_in_dim3A : vector<16xi1>, vector<16xf32>
        %ge3A_339 = arith.constant 2 : i32
        %ge3A_340 = vector.broadcast %ge3A_339 : i32 to vector<16xi32>
        %ge3A_341 = arith.cmpi sge, %get3A_286, %ge3A_340 : vector<16xi32>
        %select_n3A_342 = arith.select %ge3A_341, %broadcast_in_dim3A_9, %select_n3A_338 : vector<16xi1>, vector<16xf32>
        %ge3A_343 = arith.constant 3 : i32
        %ge3A_344 = vector.broadcast %ge3A_343 : i32 to vector<16xi32>
        %ge3A_345 = arith.cmpi sge, %get3A_286, %ge3A_344 : vector<16xi32>
        %select_n3A_346 = arith.select %ge3A_345, %broadcast_in_dim3A_12, %select_n3A_342 : vector<16xi1>, vector<16xf32>
        %ge3A_347 = arith.constant 4 : i32
        %ge3A_348 = vector.broadcast %ge3A_347 : i32 to vector<16xi32>
        %ge3A_349 = arith.cmpi sge, %get3A_286, %ge3A_348 : vector<16xi32>
        %select_n3A_350 = arith.select %ge3A_349, %broadcast_in_dim3A_15, %select_n3A_346 : vector<16xi1>, vector<16xf32>
        %bitcast3A_351 = vector.bitcast %get3A_292 : vector<16xi32> to vector<16xi32>
        %min3A_352 = arith.constant 4 : i32
        %min3A_353 = vector.broadcast %min3A_352 : i32 to vector<16xi32>
        %min3A_354 = arith.minui %bitcast3A_351, %min3A_353 : vector<16xi32>
        %bitcast3A_355 = vector.bitcast %min3A_354 : vector<16xi32> to vector<16xi32>
        %gather3A_356 = tpu.vector_load_idx %arg5[%bitcast3A_355] : memref<16xf32, #tpu.memory_space<vmem>>[vector<16xi32>], vector<16xf32>,
        %ge3A_357 = arith.constant 1 : i32
        %ge3A_358 = vector.broadcast %ge3A_357 : i32 to vector<16xi32>
        %ge3A_359 = arith.cmpi sge, %get3A_298, %ge3A_358 : vector<16xi32>
        %select_n3A_360 = arith.select %ge3A_359, %broadcast_in_dim3A_6, %broadcast_in_dim3A : vector<16xi1>, vector<16xf32>
        %ge3A_361 = arith.constant 2 : i32
        %ge3A_362 = vector.broadcast %ge3A_361 : i32 to vector<16xi32>
        %ge3A_363 = arith.cmpi sge, %get3A_298, %ge3A_362 : vector<16xi32>
        %select_n3A_364 = arith.select %ge3A_363, %broadcast_in_dim3A_9, %select_n3A_360 : vector<16xi1>, vector<16xf32>
        %ge3A_365 = arith.constant 3 : i32
        %ge3A_366 = vector.broadcast %ge3A_365 : i32 to vector<16xi32>
        %ge3A_367 = arith.cmpi sge, %get3A_298, %ge3A_366 : vector<16xi32>
        %select_n3A_368 = arith.select %ge3A_367, %broadcast_in_dim3A_12, %select_n3A_364 : vector<16xi1>, vector<16xf32>
        %ge3A_369 = arith.constant 4 : i32
        %ge3A_370 = vector.broadcast %ge3A_369 : i32 to vector<16xi32>
        %ge3A_371 = arith.cmpi sge, %get3A_298, %ge3A_370 : vector<16xi32>
        %select_n3A_372 = arith.select %ge3A_371, %broadcast_in_dim3A_15, %select_n3A_368 : vector<16xi1>, vector<16xf32>
        %bitcast3A_373 = vector.bitcast %get3A_304 : vector<16xi32> to vector<16xi32>
        %min3A_374 = arith.constant 4 : i32
        %min3A_375 = vector.broadcast %min3A_374 : i32 to vector<16xi32>
        %min3A_376 = arith.minui %bitcast3A_373, %min3A_375 : vector<16xi32>
        %bitcast3A_377 = vector.bitcast %min3A_376 : vector<16xi32> to vector<16xi32>
        %gather3A_378 = tpu.vector_load_idx %arg5[%bitcast3A_377] : memref<16xf32, #tpu.memory_space<vmem>>[vector<16xi32>], vector<16xf32>,
        %ge3A_379 = arith.constant 1 : i32
        %ge3A_380 = vector.broadcast %ge3A_379 : i32 to vector<16xi32>
        %ge3A_381 = arith.cmpi sge, %get3A_310, %ge3A_380 : vector<16xi32>
        %select_n3A_382 = arith.select %ge3A_381, %broadcast_in_dim3A_6, %broadcast_in_dim3A : vector<16xi1>, vector<16xf32>
        %ge3A_383 = arith.constant 2 : i32
        %ge3A_384 = vector.broadcast %ge3A_383 : i32 to vector<16xi32>
        %ge3A_385 = arith.cmpi sge, %get3A_310, %ge3A_384 : vector<16xi32>
        %select_n3A_386 = arith.select %ge3A_385, %broadcast_in_dim3A_9, %select_n3A_382 : vector<16xi1>, vector<16xf32>
        %ge3A_387 = arith.constant 3 : i32
        %ge3A_388 = vector.broadcast %ge3A_387 : i32 to vector<16xi32>
        %ge3A_389 = arith.cmpi sge, %get3A_310, %ge3A_388 : vector<16xi32>
        %select_n3A_390 = arith.select %ge3A_389, %broadcast_in_dim3A_12, %select_n3A_386 : vector<16xi1>, vector<16xf32>
        %ge3A_391 = arith.constant 4 : i32
        %ge3A_392 = vector.broadcast %ge3A_391 : i32 to vector<16xi32>
        %ge3A_393 = arith.cmpi sge, %get3A_310, %ge3A_392 : vector<16xi32>
        %select_n3A_394 = arith.select %ge3A_393, %broadcast_in_dim3A_15, %select_n3A_390 : vector<16xi1>, vector<16xf32>
        %add3A_395 = arith.constant 0 : i32
        %add3A_396 = arith.addi %mul3A_262, %add3A_395 : i32
        %swap3A = arith.constant 2 : i32
        %swap3A_397 = arith.index_cast %swap3A : i32 to index
        %swap3A_398 = arith.index_cast %add3A_396 : i32 to index
        %swap3A_399 = tpu.vector_load %arg13[%swap3A_397, %swap3A_398] {strides = array<i32>} : memref<4x2048xf32, #tpu.memory_space<vmem>>, vector<16xf32>,
        tpu.vector_store %arg13[%swap3A_397, %swap3A_398], %gather3A {strides = array<i32>} : memref<4x2048xf32, #tpu.memory_space<vmem>>, vector<16xf32>,
        %add3A_400 = arith.constant 16 : i32
        %add3A_401 = arith.addi %mul3A_262, %add3A_400 : i32
        %swap3A_402 = arith.constant 2 : i32
        %swap3A_403 = arith.index_cast %swap3A_402 : i32 to index
        %swap3A_404 = arith.index_cast %add3A_401 : i32 to index
        %swap3A_405 = tpu.vector_load %arg13[%swap3A_403, %swap3A_404] {strides = array<i32>} : memref<4x2048xf32, #tpu.memory_space<vmem>>, vector<16xf32>,
        tpu.vector_store %arg13[%swap3A_403, %swap3A_404], %select_n3A_328 {strides = array<i32>} : memref<4x2048xf32, #tpu.memory_space<vmem>>, vector<16xf32>,
        %add3A_406 = arith.constant 32 : i32
        %add3A_407 = arith.addi %mul3A_262, %add3A_406 : i32
        %swap3A_408 = arith.constant 2 : i32
        %swap3A_409 = arith.index_cast %swap3A_408 : i32 to index
        %swap3A_410 = arith.index_cast %add3A_407 : i32 to index
        %swap3A_411 = tpu.vector_load %arg13[%swap3A_409, %swap3A_410] {strides = array<i32>} : memref<4x2048xf32, #tpu.memory_space<vmem>>, vector<16xf32>,
        tpu.vector_store %arg13[%swap3A_409, %swap3A_410], %gather3A_334 {strides = array<i32>} : memref<4x2048xf32, #tpu.memory_space<vmem>>, vector<16xf32>,
        %add3A_412 = arith.constant 48 : i32
        %add3A_413 = arith.addi %mul3A_262, %add3A_412 : i32
        %swap3A_414 = arith.constant 2 : i32
        %swap3A_415 = arith.index_cast %swap3A_414 : i32 to index
        %swap3A_416 = arith.index_cast %add3A_413 : i32 to index
        %swap3A_417 = tpu.vector_load %arg13[%swap3A_415, %swap3A_416] {strides = array<i32>} : memref<4x2048xf32, #tpu.memory_space<vmem>>, vector<16xf32>,
        tpu.vector_store %arg13[%swap3A_415, %swap3A_416], %select_n3A_350 {strides = array<i32>} : memref<4x2048xf32, #tpu.memory_space<vmem>>, vector<16xf32>,
        %add3A_418 = arith.constant 64 : i32
        %add3A_419 = arith.addi %mul3A_262, %add3A_418 : i32
        %swap3A_420 = arith.constant 2 : i32
        %swap3A_421 = arith.index_cast %swap3A_420 : i32 to index
        %swap3A_422 = arith.index_cast %add3A_419 : i32 to index
        %swap3A_423 = tpu.vector_load %arg13[%swap3A_421, %swap3A_422] {strides = array<i32>} : memref<4x2048xf32, #tpu.memory_space<vmem>>, vector<16xf32>,
        tpu.vector_store %arg13[%swap3A_421, %swap3A_422], %gather3A_356 {strides = array<i32>} : memref<4x2048xf32, #tpu.memory_space<vmem>>, vector<16xf32>,
        %add3A_424 = arith.constant 80 : i32
        %add3A_425 = arith.addi %mul3A_262, %add3A_424 : i32
        %swap3A_426 = arith.constant 2 : i32
        %swap3A_427 = arith.index_cast %swap3A_426 : i32 to index
        %swap3A_428 = arith.index_cast %add3A_425 : i32 to index
        %swap3A_429 = tpu.vector_load %arg13[%swap3A_427, %swap3A_428] {strides = array<i32>} : memref<4x2048xf32, #tpu.memory_space<vmem>>, vector<16xf32>,
        tpu.vector_store %arg13[%swap3A_427, %swap3A_428], %select_n3A_372 {strides = array<i32>} : memref<4x2048xf32, #tpu.memory_space<vmem>>, vector<16xf32>,
        %add3A_430 = arith.constant 96 : i32
        %add3A_431 = arith.addi %mul3A_262, %add3A_430 : i32
        %swap3A_432 = arith.constant 2 : i32
        %swap3A_433 = arith.index_cast %swap3A_432 : i32 to index
        %swap3A_434 = arith.index_cast %add3A_431 : i32 to index
        %swap3A_435 = tpu.vector_load %arg13[%swap3A_433, %swap3A_434] {strides = array<i32>} : memref<4x2048xf32, #tpu.memory_space<vmem>>, vector<16xf32>,
        tpu.vector_store %arg13[%swap3A_433, %swap3A_434], %gather3A_378 {strides = array<i32>} : memref<4x2048xf32, #tpu.memory_space<vmem>>, vector<16xf32>,
        %add3A_436 = arith.constant 112 : i32
        %add3A_437 = arith.addi %mul3A_262, %add3A_436 : i32
        %swap3A_438 = arith.constant 2 : i32
        %swap3A_439 = arith.index_cast %swap3A_438 : i32 to index
        %swap3A_440 = arith.index_cast %add3A_437 : i32 to index
        %swap3A_441 = tpu.vector_load %arg13[%swap3A_439, %swap3A_440] {strides = array<i32>} : memref<4x2048xf32, #tpu.memory_space<vmem>>, vector<16xf32>,
        tpu.vector_store %arg13[%swap3A_439, %swap3A_440], %select_n3A_394 {strides = array<i32>} : memref<4x2048xf32, #tpu.memory_space<vmem>>, vector<16xf32>,
      }
      %scan3A_239 = arith.constant 16 : i32
      %scan3A_240 = arith.constant 0 : i32
      %scan3A_241 = arith.constant 0 : i32
      %scan3A_242 = arith.constant 16 : i32
      %scan3A_243 = arith.addi %scan3A_241, %scan3A_242 : i32
      %scan3A_244 = arith.constant 1 : i32
      scf.for %scan3A_260 = %scan3A_241 to %scan3A_243 step %scan3A_244  : i32 {
        %mul3A_261 = arith.constant 128 : i32
        %mul3A_262 = arith.muli %scan3A_260, %mul3A_261 : i32
        %add3A_263 = arith.constant 0 : i32
        %add3A_264 = arith.addi %mul3A_262, %add3A_263 : i32
        %get3A_265 = arith.constant 3 : i32
        %get3A_266 = arith.index_cast %get3A_265 : i32 to index
        %get3A_267 = arith.index_cast %add3A_264 : i32 to index
        %get3A_268 = tpu.vector_load %arg9[%get3A_266, %get3A_267] {strides = array<i32>} : memref<4x2048xi32, #tpu.memory_space<vmem>>, vector<16xi32>,
        %add3A_269 = arith.constant 16 : i32
        %add3A_270 = arith.addi %mul3A_262, %add3A_269 : i32
        %get3A_271 = arith.constant 3 : i32
        %get3A_272 = arith.index_cast %get3A_271 : i32 to index
        %get3A_273 = arith.index_cast %add3A_270 : i32 to index
        %get3A_274 = tpu.vector_load %arg9[%get3A_272, %get3A_273] {strides = array<i32>} : memref<4x2048xi32, #tpu.memory_space<vmem>>, vector<16xi32>,
        %add3A_275 = arith.constant 32 : i32
        %add3A_276 = arith.addi %mul3A_262, %add3A_275 : i32
        %get3A_277 = arith.constant 3 : i32
        %get3A_278 = arith.index_cast %get3A_277 : i32 to index
        %get3A_279 = arith.index_cast %add3A_276 : i32 to index
        %get3A_280 = tpu.vector_load %arg9[%get3A_278, %get3A_279] {strides = array<i32>} : memref<4x2048xi32, #tpu.memory_space<vmem>>, vector<16xi32>,
        %add3A_281 = arith.constant 48 : i32
        %add3A_282 = arith.addi %mul3A_262, %add3A_281 : i32
        %get3A_283 = arith.constant 3 : i32
        %get3A_284 = arith.index_cast %get3A_283 : i32 to index
        %get3A_285 = arith.index_cast %add3A_282 : i32 to index
        %get3A_286 = tpu.vector_load %arg9[%get3A_284, %get3A_285] {strides = array<i32>} : memref<4x2048xi32, #tpu.memory_space<vmem>>, vector<16xi32>,
        %add3A_287 = arith.constant 64 : i32
        %add3A_288 = arith.addi %mul3A_262, %add3A_287 : i32
        %get3A_289 = arith.constant 3 : i32
        %get3A_290 = arith.index_cast %get3A_289 : i32 to index
        %get3A_291 = arith.index_cast %add3A_288 : i32 to index
        %get3A_292 = tpu.vector_load %arg9[%get3A_290, %get3A_291] {strides = array<i32>} : memref<4x2048xi32, #tpu.memory_space<vmem>>, vector<16xi32>,
        %add3A_293 = arith.constant 80 : i32
        %add3A_294 = arith.addi %mul3A_262, %add3A_293 : i32
        %get3A_295 = arith.constant 3 : i32
        %get3A_296 = arith.index_cast %get3A_295 : i32 to index
        %get3A_297 = arith.index_cast %add3A_294 : i32 to index
        %get3A_298 = tpu.vector_load %arg9[%get3A_296, %get3A_297] {strides = array<i32>} : memref<4x2048xi32, #tpu.memory_space<vmem>>, vector<16xi32>,
        %add3A_299 = arith.constant 96 : i32
        %add3A_300 = arith.addi %mul3A_262, %add3A_299 : i32
        %get3A_301 = arith.constant 3 : i32
        %get3A_302 = arith.index_cast %get3A_301 : i32 to index
        %get3A_303 = arith.index_cast %add3A_300 : i32 to index
        %get3A_304 = tpu.vector_load %arg9[%get3A_302, %get3A_303] {strides = array<i32>} : memref<4x2048xi32, #tpu.memory_space<vmem>>, vector<16xi32>,
        %add3A_305 = arith.constant 112 : i32
        %add3A_306 = arith.addi %mul3A_262, %add3A_305 : i32
        %get3A_307 = arith.constant 3 : i32
        %get3A_308 = arith.index_cast %get3A_307 : i32 to index
        %get3A_309 = arith.index_cast %add3A_306 : i32 to index
        %get3A_310 = tpu.vector_load %arg9[%get3A_308, %get3A_309] {strides = array<i32>} : memref<4x2048xi32, #tpu.memory_space<vmem>>, vector<16xi32>,
        %bitcast3A = vector.bitcast %get3A_268 : vector<16xi32> to vector<16xi32>
        %min3A = arith.constant 4 : i32
        %min3A_311 = vector.broadcast %min3A : i32 to vector<16xi32>
        %min3A_312 = arith.minui %bitcast3A, %min3A_311 : vector<16xi32>
        %bitcast3A_313 = vector.bitcast %min3A_312 : vector<16xi32> to vector<16xi32>
        %gather3A = tpu.vector_load_idx %arg5[%bitcast3A_313] : memref<16xf32, #tpu.memory_space<vmem>>[vector<16xi32>], vector<16xf32>,
        %ge3A_314 = arith.constant 1 : i32
        %ge3A_315 = vector.broadcast %ge3A_314 : i32 to vector<16xi32>
        %ge3A_316 = arith.cmpi sge, %get3A_274, %ge3A_315 : vector<16xi32>
        %select_n3A = arith.select %ge3A_316, %broadcast_in_dim3A_6, %broadcast_in_dim3A : vector<16xi1>, vector<16xf32>
        %ge3A_317 = arith.constant 2 : i32
        %ge3A_318 = vector.broadcast %ge3A_317 : i32 to vector<16xi32>
        %ge3A_319 = arith.cmpi sge, %get3A_274, %ge3A_318 : vector<16xi32>
        %select_n3A_320 = arith.select %ge3A_319, %broadcast_in_dim3A_9, %select_n3A : vector<16xi1>, vector<16xf32>
        %ge3A_321 = arith.constant 3 : i32
        %ge3A_322 = vector.broadcast %ge3A_321 : i32 to vector<16xi32>
        %ge3A_323 = arith.cmpi sge, %get3A_274, %ge3A_322 : vector<16xi32>
        %select_n3A_324 = arith.select %ge3A_323, %broadcast_in_dim3A_12, %select_n3A_320 : vector<16xi1>, vector<16xf32>
        %ge3A_325 = arith.constant 4 : i32
        %ge3A_326 = vector.broadcast %ge3A_325 : i32 to vector<16xi32>
        %ge3A_327 = arith.cmpi sge, %get3A_274, %ge3A_326 : vector<16xi32>
        %select_n3A_328 = arith.select %ge3A_327, %broadcast_in_dim3A_15, %select_n3A_324 : vector<16xi1>, vector<16xf32>
        %bitcast3A_329 = vector.bitcast %get3A_280 : vector<16xi32> to vector<16xi32>
        %min3A_330 = arith.constant 4 : i32
        %min3A_331 = vector.broadcast %min3A_330 : i32 to vector<16xi32>
        %min3A_332 = arith.minui %bitcast3A_329, %min3A_331 : vector<16xi32>
        %bitcast3A_333 = vector.bitcast %min3A_332 : vector<16xi32> to vector<16xi32>
        %gather3A_334 = tpu.vector_load_idx %arg5[%bitcast3A_333] : memref<16xf32, #tpu.memory_space<vmem>>[vector<16xi32>], vector<16xf32>,
        %ge3A_335 = arith.constant 1 : i32
        %ge3A_336 = vector.broadcast %ge3A_335 : i32 to vector<16xi32>
        %ge3A_337 = arith.cmpi sge, %get3A_286, %ge3A_336 : vector<16xi32>
        %select_n3A_338 = arith.select %ge3A_337, %broadcast_in_dim3A_6, %broadcast_in_dim3A : vector<16xi1>, vector<16xf32>
        %ge3A_339 = arith.constant 2 : i32
        %ge3A_340 = vector.broadcast %ge3A_339 : i32 to vector<16xi32>
        %ge3A_341 = arith.cmpi sge, %get3A_286, %ge3A_340 : vector<16xi32>
        %select_n3A_342 = arith.select %ge3A_341, %broadcast_in_dim3A_9, %select_n3A_338 : vector<16xi1>, vector<16xf32>
        %ge3A_343 = arith.constant 3 : i32
        %ge3A_344 = vector.broadcast %ge3A_343 : i32 to vector<16xi32>
        %ge3A_345 = arith.cmpi sge, %get3A_286, %ge3A_344 : vector<16xi32>
        %select_n3A_346 = arith.select %ge3A_345, %broadcast_in_dim3A_12, %select_n3A_342 : vector<16xi1>, vector<16xf32>
        %ge3A_347 = arith.constant 4 : i32
        %ge3A_348 = vector.broadcast %ge3A_347 : i32 to vector<16xi32>
        %ge3A_349 = arith.cmpi sge, %get3A_286, %ge3A_348 : vector<16xi32>
        %select_n3A_350 = arith.select %ge3A_349, %broadcast_in_dim3A_15, %select_n3A_346 : vector<16xi1>, vector<16xf32>
        %bitcast3A_351 = vector.bitcast %get3A_292 : vector<16xi32> to vector<16xi32>
        %min3A_352 = arith.constant 4 : i32
        %min3A_353 = vector.broadcast %min3A_352 : i32 to vector<16xi32>
        %min3A_354 = arith.minui %bitcast3A_351, %min3A_353 : vector<16xi32>
        %bitcast3A_355 = vector.bitcast %min3A_354 : vector<16xi32> to vector<16xi32>
        %gather3A_356 = tpu.vector_load_idx %arg5[%bitcast3A_355] : memref<16xf32, #tpu.memory_space<vmem>>[vector<16xi32>], vector<16xf32>,
        %ge3A_357 = arith.constant 1 : i32
        %ge3A_358 = vector.broadcast %ge3A_357 : i32 to vector<16xi32>
        %ge3A_359 = arith.cmpi sge, %get3A_298, %ge3A_358 : vector<16xi32>
        %select_n3A_360 = arith.select %ge3A_359, %broadcast_in_dim3A_6, %broadcast_in_dim3A : vector<16xi1>, vector<16xf32>
        %ge3A_361 = arith.constant 2 : i32
        %ge3A_362 = vector.broadcast %ge3A_361 : i32 to vector<16xi32>
        %ge3A_363 = arith.cmpi sge, %get3A_298, %ge3A_362 : vector<16xi32>
        %select_n3A_364 = arith.select %ge3A_363, %broadcast_in_dim3A_9, %select_n3A_360 : vector<16xi1>, vector<16xf32>
        %ge3A_365 = arith.constant 3 : i32
        %ge3A_366 = vector.broadcast %ge3A_365 : i32 to vector<16xi32>
        %ge3A_367 = arith.cmpi sge, %get3A_298, %ge3A_366 : vector<16xi32>
        %select_n3A_368 = arith.select %ge3A_367, %broadcast_in_dim3A_12, %select_n3A_364 : vector<16xi1>, vector<16xf32>
        %ge3A_369 = arith.constant 4 : i32
        %ge3A_370 = vector.broadcast %ge3A_369 : i32 to vector<16xi32>
        %ge3A_371 = arith.cmpi sge, %get3A_298, %ge3A_370 : vector<16xi32>
        %select_n3A_372 = arith.select %ge3A_371, %broadcast_in_dim3A_15, %select_n3A_368 : vector<16xi1>, vector<16xf32>
        %bitcast3A_373 = vector.bitcast %get3A_304 : vector<16xi32> to vector<16xi32>
        %min3A_374 = arith.constant 4 : i32
        %min3A_375 = vector.broadcast %min3A_374 : i32 to vector<16xi32>
        %min3A_376 = arith.minui %bitcast3A_373, %min3A_375 : vector<16xi32>
        %bitcast3A_377 = vector.bitcast %min3A_376 : vector<16xi32> to vector<16xi32>
        %gather3A_378 = tpu.vector_load_idx %arg5[%bitcast3A_377] : memref<16xf32, #tpu.memory_space<vmem>>[vector<16xi32>], vector<16xf32>,
        %ge3A_379 = arith.constant 1 : i32
        %ge3A_380 = vector.broadcast %ge3A_379 : i32 to vector<16xi32>
        %ge3A_381 = arith.cmpi sge, %get3A_310, %ge3A_380 : vector<16xi32>
        %select_n3A_382 = arith.select %ge3A_381, %broadcast_in_dim3A_6, %broadcast_in_dim3A : vector<16xi1>, vector<16xf32>
        %ge3A_383 = arith.constant 2 : i32
        %ge3A_384 = vector.broadcast %ge3A_383 : i32 to vector<16xi32>
        %ge3A_385 = arith.cmpi sge, %get3A_310, %ge3A_384 : vector<16xi32>
        %select_n3A_386 = arith.select %ge3A_385, %broadcast_in_dim3A_9, %select_n3A_382 : vector<16xi1>, vector<16xf32>
        %ge3A_387 = arith.constant 3 : i32
        %ge3A_388 = vector.broadcast %ge3A_387 : i32 to vector<16xi32>
        %ge3A_389 = arith.cmpi sge, %get3A_310, %ge3A_388 : vector<16xi32>
        %select_n3A_390 = arith.select %ge3A_389, %broadcast_in_dim3A_12, %select_n3A_386 : vector<16xi1>, vector<16xf32>
        %ge3A_391 = arith.constant 4 : i32
        %ge3A_392 = vector.broadcast %ge3A_391 : i32 to vector<16xi32>
        %ge3A_393 = arith.cmpi sge, %get3A_310, %ge3A_392 : vector<16xi32>
        %select_n3A_394 = arith.select %ge3A_393, %broadcast_in_dim3A_15, %select_n3A_390 : vector<16xi1>, vector<16xf32>
        %add3A_395 = arith.constant 0 : i32
        %add3A_396 = arith.addi %mul3A_262, %add3A_395 : i32
        %swap3A = arith.constant 3 : i32
        %swap3A_397 = arith.index_cast %swap3A : i32 to index
        %swap3A_398 = arith.index_cast %add3A_396 : i32 to index
        %swap3A_399 = tpu.vector_load %arg13[%swap3A_397, %swap3A_398] {strides = array<i32>} : memref<4x2048xf32, #tpu.memory_space<vmem>>, vector<16xf32>,
        tpu.vector_store %arg13[%swap3A_397, %swap3A_398], %gather3A {strides = array<i32>} : memref<4x2048xf32, #tpu.memory_space<vmem>>, vector<16xf32>,
        %add3A_400 = arith.constant 16 : i32
        %add3A_401 = arith.addi %mul3A_262, %add3A_400 : i32
        %swap3A_402 = arith.constant 3 : i32
        %swap3A_403 = arith.index_cast %swap3A_402 : i32 to index
        %swap3A_404 = arith.index_cast %add3A_401 : i32 to index
        %swap3A_405 = tpu.vector_load %arg13[%swap3A_403, %swap3A_404] {strides = array<i32>} : memref<4x2048xf32, #tpu.memory_space<vmem>>, vector<16xf32>,
        tpu.vector_store %arg13[%swap3A_403, %swap3A_404], %select_n3A_328 {strides = array<i32>} : memref<4x2048xf32, #tpu.memory_space<vmem>>, vector<16xf32>,
        %add3A_406 = arith.constant 32 : i32
        %add3A_407 = arith.addi %mul3A_262, %add3A_406 : i32
        %swap3A_408 = arith.constant 3 : i32
        %swap3A_409 = arith.index_cast %swap3A_408 : i32 to index
        %swap3A_410 = arith.index_cast %add3A_407 : i32 to index
        %swap3A_411 = tpu.vector_load %arg13[%swap3A_409, %swap3A_410] {strides = array<i32>} : memref<4x2048xf32, #tpu.memory_space<vmem>>, vector<16xf32>,
        tpu.vector_store %arg13[%swap3A_409, %swap3A_410], %gather3A_334 {strides = array<i32>} : memref<4x2048xf32, #tpu.memory_space<vmem>>, vector<16xf32>,
        %add3A_412 = arith.constant 48 : i32
        %add3A_413 = arith.addi %mul3A_262, %add3A_412 : i32
        %swap3A_414 = arith.constant 3 : i32
        %swap3A_415 = arith.index_cast %swap3A_414 : i32 to index
        %swap3A_416 = arith.index_cast %add3A_413 : i32 to index
        %swap3A_417 = tpu.vector_load %arg13[%swap3A_415, %swap3A_416] {strides = array<i32>} : memref<4x2048xf32, #tpu.memory_space<vmem>>, vector<16xf32>,
        tpu.vector_store %arg13[%swap3A_415, %swap3A_416], %select_n3A_350 {strides = array<i32>} : memref<4x2048xf32, #tpu.memory_space<vmem>>, vector<16xf32>,
        %add3A_418 = arith.constant 64 : i32
        %add3A_419 = arith.addi %mul3A_262, %add3A_418 : i32
        %swap3A_420 = arith.constant 3 : i32
        %swap3A_421 = arith.index_cast %swap3A_420 : i32 to index
        %swap3A_422 = arith.index_cast %add3A_419 : i32 to index
        %swap3A_423 = tpu.vector_load %arg13[%swap3A_421, %swap3A_422] {strides = array<i32>} : memref<4x2048xf32, #tpu.memory_space<vmem>>, vector<16xf32>,
        tpu.vector_store %arg13[%swap3A_421, %swap3A_422], %gather3A_356 {strides = array<i32>} : memref<4x2048xf32, #tpu.memory_space<vmem>>, vector<16xf32>,
        %add3A_424 = arith.constant 80 : i32
        %add3A_425 = arith.addi %mul3A_262, %add3A_424 : i32
        %swap3A_426 = arith.constant 3 : i32
        %swap3A_427 = arith.index_cast %swap3A_426 : i32 to index
        %swap3A_428 = arith.index_cast %add3A_425 : i32 to index
        %swap3A_429 = tpu.vector_load %arg13[%swap3A_427, %swap3A_428] {strides = array<i32>} : memref<4x2048xf32, #tpu.memory_space<vmem>>, vector<16xf32>,
        tpu.vector_store %arg13[%swap3A_427, %swap3A_428], %select_n3A_372 {strides = array<i32>} : memref<4x2048xf32, #tpu.memory_space<vmem>>, vector<16xf32>,
        %add3A_430 = arith.constant 96 : i32
        %add3A_431 = arith.addi %mul3A_262, %add3A_430 : i32
        %swap3A_432 = arith.constant 3 : i32
        %swap3A_433 = arith.index_cast %swap3A_432 : i32 to index
        %swap3A_434 = arith.index_cast %add3A_431 : i32 to index
        %swap3A_435 = tpu.vector_load %arg13[%swap3A_433, %swap3A_434] {strides = array<i32>} : memref<4x2048xf32, #tpu.memory_space<vmem>>, vector<16xf32>,
        tpu.vector_store %arg13[%swap3A_433, %swap3A_434], %gather3A_378 {strides = array<i32>} : memref<4x2048xf32, #tpu.memory_space<vmem>>, vector<16xf32>,
        %add3A_436 = arith.constant 112 : i32
        %add3A_437 = arith.addi %mul3A_262, %add3A_436 : i32
        %swap3A_438 = arith.constant 3 : i32
        %swap3A_439 = arith.index_cast %swap3A_438 : i32 to index
        %swap3A_440 = arith.index_cast %add3A_437 : i32 to index
        %swap3A_441 = tpu.vector_load %arg13[%swap3A_439, %swap3A_440] {strides = array<i32>} : memref<4x2048xf32, #tpu.memory_space<vmem>>, vector<16xf32>,
        tpu.vector_store %arg13[%swap3A_439, %swap3A_440], %select_n3A_394 {strides = array<i32>} : memref<4x2048xf32, #tpu.memory_space<vmem>>, vector<16xf32>,
      }
      %scan3A_245 = arith.constant 16 : i32
      %mul3A_246 = arith.constant 4 : i32
      %mul3A_247 = arith.muli %add3A_212, %mul3A_246 : i32
      %add3A_248 = arith.addi %mul3A_2, %mul3A_247 : i32
      %dma_start3A_249 = arith.constant 0 : i32
      %dma_start3A_250 = tpu.memref_slice %arg4[%add3A_248, %dma_start3A_249] : memref<8192x2048xf32, #tpu.memory_space<hbm>> -> memref<4x2048xf32, #tpu.memory_space<hbm>>
      %dma_start3A_251 = arith.constant 0 : i32
      %dma_start3A_252 = tpu.memref_slice %arg4[%add3A_248, %dma_start3A_251] : memref<8192x2048xf32, #tpu.memory_space<hbm>> -> memref<4x2048xf32, #tpu.memory_space<hbm>>
      tpu.enqueue_dma source(%arg13 : memref<4x2048xf32, #tpu.memory_space<vmem>>) target(%dma_start3A_252 : memref<4x2048xf32, #tpu.memory_space<hbm>>) target_semaphore(%arg21 : memref<!tpu.dma_semaphore, #tpu.memory_space<semaphore_mem>>)
      %add3A_253 = arith.constant 4 : i32
      %add3A_254 = arith.addi %add3A_212, %add3A_253 : i32
      %lt3A_255 = arith.constant 64 : i32
      %lt3A_256 = arith.cmpi slt, %add3A_254, %lt3A_255 : i32
      %convert_element_type3A_257 = arith.extui %lt3A_256 : i1 to i32
      %cond3A_258 = arith.constant 0 : i32
      %cond3A_259 = arith.cmpi ne, %convert_element_type3A_257, %cond3A_258 : i32
      scf.if %cond3A_259 {
        %add3A_260 = arith.constant 4 : i32
        %add3A_261 = arith.addi %add3A_212, %add3A_260 : i32
        %mul3A_262 = arith.constant 4 : i32
        %mul3A_263 = arith.muli %add3A_261, %mul3A_262 : i32
        %add3A_264 = arith.addi %mul3A_2, %mul3A_263 : i32
        %dma_start3A_265 = arith.constant 0 : i32
        %dma_start3A_266 = tpu.memref_slice %arg2[%add3A_264, %dma_start3A_265] : memref<8192x2048xi32, #tpu.memory_space<hbm>> -> memref<4x2048xi32, #tpu.memory_space<hbm>>
        %dma_start3A_267 = arith.constant 0 : i32
        %dma_start3A_268 = tpu.memref_slice %arg2[%add3A_264, %dma_start3A_267] : memref<8192x2048xi32, #tpu.memory_space<hbm>> -> memref<4x2048xi32, #tpu.memory_space<hbm>>
        tpu.enqueue_dma source(%dma_start3A_268 : memref<4x2048xi32, #tpu.memory_space<hbm>>) target(%arg9 : memref<4x2048xi32, #tpu.memory_space<vmem>>) target_semaphore(%arg17 : memref<!tpu.dma_semaphore, #tpu.memory_space<semaphore_mem>>)
      } else {
      }
    }
    %scan3A_43 = arith.constant 16 : i32
    %dma_wait3A = arith.constant 0 : i32
    %dma_wait3A_44 = tpu.memref_slice %arg4[%mul3A_2, %dma_wait3A] : memref<8192x2048xf32, #tpu.memory_space<hbm>> -> memref<4x2048xf32, #tpu.memory_space<hbm>>
    %dma_wait3A_45 = arith.constant 0 : i32
    %dma_wait3A_46 = tpu.memref_slice %arg4[%mul3A_2, %dma_wait3A_45] : memref<8192x2048xf32, #tpu.memory_space<hbm>> -> memref<4x2048xf32, #tpu.memory_space<hbm>>
    tpu.wait_dma2 semaphore(%arg18 : memref<!tpu.dma_semaphore, #tpu.memory_space<semaphore_mem>>) src(%arg10 : memref<4x2048xf32, #tpu.memory_space<vmem>>) dst(%dma_wait3A_46 : memref<4x2048xf32, #tpu.memory_space<hbm>>)
    %dma_wait3A_47 = arith.constant 0 : i32
    %dma_wait3A_48 = tpu.memref_slice %arg4[%mul3A_2, %dma_wait3A_47] : memref<8192x2048xf32, #tpu.memory_space<hbm>> -> memref<4x2048xf32, #tpu.memory_space<hbm>>
    %dma_wait3A_49 = arith.constant 0 : i32
    %dma_wait3A_50 = tpu.memref_slice %arg4[%mul3A_2, %dma_wait3A_49] : memref<8192x2048xf32, #tpu.memory_space<hbm>> -> memref<4x2048xf32, #tpu.memory_space<hbm>>
    tpu.wait_dma2 semaphore(%arg19 : memref<!tpu.dma_semaphore, #tpu.memory_space<semaphore_mem>>) src(%arg11 : memref<4x2048xf32, #tpu.memory_space<vmem>>) dst(%dma_wait3A_50 : memref<4x2048xf32, #tpu.memory_space<hbm>>)
    %dma_wait3A_51 = arith.constant 0 : i32
    %dma_wait3A_52 = tpu.memref_slice %arg4[%mul3A_2, %dma_wait3A_51] : memref<8192x2048xf32, #tpu.memory_space<hbm>> -> memref<4x2048xf32, #tpu.memory_space<hbm>>
    %dma_wait3A_53 = arith.constant 0 : i32
    %dma_wait3A_54 = tpu.memref_slice %arg4[%mul3A_2, %dma_wait3A_53] : memref<8192x2048xf32, #tpu.memory_space<hbm>> -> memref<4x2048xf32, #tpu.memory_space<hbm>>
    tpu.wait_dma2 semaphore(%arg20 : memref<!tpu.dma_semaphore, #tpu.memory_space<semaphore_mem>>) src(%arg12 : memref<4x2048xf32, #tpu.memory_space<vmem>>) dst(%dma_wait3A_54 : memref<4x2048xf32, #tpu.memory_space<hbm>>)
    %dma_wait3A_55 = arith.constant 0 : i32
    %dma_wait3A_56 = tpu.memref_slice %arg4[%mul3A_2, %dma_wait3A_55] : memref<8192x2048xf32, #tpu.memory_space<hbm>> -> memref<4x2048xf32, #tpu.memory_space<hbm>>
    %dma_wait3A_57 = arith.constant 0 : i32
    %dma_wait3A_58 = tpu.memref_slice %arg4[%mul3A_2, %dma_wait3A_57] : memref<8192x2048xf32, #tpu.memory_space<hbm>> -> memref<4x2048xf32, #tpu.memory_space<hbm>>
    tpu.wait_dma2 semaphore(%arg21 : memref<!tpu.dma_semaphore, #tpu.memory_space<semaphore_mem>>) src(%arg13 : memref<4x2048xf32, #tpu.memory_space<vmem>>) dst(%dma_wait3A_58 : memref<4x2048xf32, #tpu.memory_space<hbm>>)
    return
  }
}

</mosaic_0001>

<sc_bundles>
// kernel: kernel.3.cloned.1.call-start
scs
__scs_entry_jumppad:
0x0: {  	(pc) =	sbr.rel $0x88, $3  }
0x1: {  	(tag) =	ssettag $0x0;
	lr =	simm.s32 $0x1  }
0x2: {  	[smem:$0x3F9F] =	sst lr;
	_ =	strace $0xD0000000  }
0x3: {  	_ = 	snop  }
0x4: {  	_ = 	snop  }
0x5: {  	_ = 	snop  }
0x6: {  	_ = 	snop  }
0x7: {  	_ = 	snop  }
__scs_overlays_trampoline_lowered:
0x8: {  	[smem:$0x3FAE] =	sst s0  }
0x9: {  	[smem:$0x3FAF] =	sst s1  }
0xa: {  	[smem:$0x3FB0] =	sst s2  }
0xb: {  	[smem:$0x3FB1] =	sst s3  }
0xc: {  	[smem:$0x3FB2] =	sst s4  }
0xd: {  	[smem:$0x3FB3] =	sst s5  }
0xe: {  	[smem:$0x3FB4] =	sst s6  }
0xf: {  	[smem:$0x3FB5] =	sst s7  }
0x10: {  	[smem:$0x3FB6] =	sst s8  }
0x11: {  	[smem:$0x3FB7] =	sst s9;
	s0 =	simm.s32 @!p0 $0x0  }
0x12: {  	s1 =	sld [smem:$0x3F9D];
	s0 =	simm.s32 @p0 $0x1  }
0x13: {  	[smem:$0x3FB8] =	sst s0;
	s0 =	simm.s32 @!p1 $0x0  }
0x14: {  	s2 =	sld [smem:$0x3F9C];
	s0 =	simm.s32 @p1 $0x1  }
0x15: {  	[smem:$0x3FB9] =	sst s0;
	s0 =	simm.s32 @!p2 $0x0  }
0x16: {  	s3 =	sld [smem:$0x3FDB];
	s0 =	simm.s32 @p2 $0x1  }
0x17: {  	s4 =	simm.s32 $0x1BF5;
	[smem:$0x3FBB] =	sst s0  }
0x18: {  	s0 =	sld [smem:$0x3F9E];
	_ =	swait.ge [sflag:s4], $0x0  }
0x19: {  	s7 =	sld [smem:$0x3F9F]  }
0x1a: {  	s8 =	sadd.s32 $0xFFFFE003, lr  }
0x1b: {  	s9 =	sadd.s32 $0xFFFFFEF7, lr;
	s5 =	simm.s32 $0xFFFFFFFF;
	p2 =	slt.u32 s8, $0xFFFFF086  }
0x1c: {  	p1 =	slt.u32 s9, $0xF7A;
	s5 =	simm.s32 @!p2 $0x0  }
0x1d: {  	s5 =	simm.s32 @p1 $0x1;
	p0 =	seq.s32 s7, s2  }
0x1e: {  	s7 =	smul.u32 @!p0 $0xF7A, s2;
	p2 =	seq.s32 @!p0 s5, $0x0  }
0x1f: {  	s9 =	smul.u32 $0xF7A, s1;
	s8 =	simm.s32 @!p0 $0x1BF5;
	p2 =	por !p2, p0  }
0x20: {  	[sflag:s8] =	ssyncset.s32 @!p0 $0xFFFFF086;
	s6 =	sadd.s32 @!p0 s3, s7;
	s7 =	simm.s32 @!p0 $0x108  }
0x21: {  	s3 =	sadd.s32 s3, s9;
	s6 =	sadd.s32 @!p0 $0x88, s6;
	s7 =	simm.s32 @p2 $0x1082  }
0x22: {  	[simem:s7], [sflag:s8] =	dma.local @!p0 [hbm:s6], $0xF7A  }
0x23: {  	s9 =	sor.u32 $0xD0000000, s2;
	s6 =	simm.s32 $0x108;
	_ =	swait.ge @!p0 [sflag:s8], $0x0  }
0x24: {  	s3 =	sadd.s32 $0x88, s3;
	s6 =	simm.s32 @!p1 $0x1082;
	[sflag:s4] =	ssyncset.s32 $0xFFFFF086  }
0x25: {  	[simem:s6], [sflag:s4] =	dma.local [hbm:s3], $0xF7A  }
0x26: {  	[smem:$0x3F9F] =	sst s1;
	(tag) =	ssettag s2;
	_ =	strace s9  }
0x27: {  	s1 =	sld [smem:$0x3FAF]  }
0x28: {  	s2 =	sld [smem:$0x3FB0]  }
0x29: {  	s4 =	sld [smem:$0x3FB2]  }
0x2a: {  	p0 =	seq.s32 s5, $0x0;
	s5 =	sld [smem:$0x3FB3]  }
0x2b: {  	s6 =	sld [smem:$0x3FB4]  }
0x2c: {  	s7 =	sld [smem:$0x3FB5]  }
0x2d: {  	s3 =	simm.s32 $0x108;
	s8 =	sld [smem:$0x3FB6]  }
0x2e: {  	s3 =	simm.s32 @!p0 $0x1082;
	s9 =	sld [smem:$0x3FB7]  }
0x2f: {  	lr =	sadd.s32 s0, s3;
	s0 =	sld [smem:$0x3FAE]  }
0x30: {  	s3 =	sld [smem:$0x3FB1]  }
0x31: {  	[smem:$0x3FBA] =	sst s10  }
0x32: {  	s10 =	sld [smem:$0x3FB8];
	_ =	sdelay $0x3  }
0x33: {  	p0 =	seq.s32 s10, $0x1;
	s10 =	sld [smem:$0x3FBA];
	_ =	sdelay $0x3  }
0x34: {  	[smem:$0x3FBA] =	sst s10  }
0x35: {  	s10 =	sld [smem:$0x3FB9];
	_ =	sdelay $0x3  }
0x36: {  	p1 =	seq.s32 s10, $0x1;
	s10 =	sld [smem:$0x3FBA];
	_ =	sdelay $0x3  }
0x37: {  	[smem:$0x3FBA] =	sst s10  }
0x38: {  	s10 =	sld [smem:$0x3FBB]  }
0x39: {  	_ = 	snop;
	(pc) =	sbr.ind lr, $3  }
0x3a: {  	_ = 	snop  }
0x3b: {  	_ = 	snop  }
0x3c: {  	p2 =	seq.s32 s10, $0x1;
	s10 =	sld [smem:$0x3FBA]  }
0x3d: {  	_ =	shalt  }
0x3e: {  	_ =	shalt  }
0x3f: {  	_ =	shalt  }
0x40: {  	_ =	shalt  }
0x41: {  	_ =	shalt  }
0x42: {  	_ =	shalt  }
0x43: {  	_ =	shalt  }
0x44: {  	_ =	shalt  }
0x45: {  	_ =	shalt  }
0x46: {  	_ =	shalt  }
0x47: {  	_ =	shalt  }
0x48: {  	_ =	shalt  }
0x49: {  	_ =	shalt  }
0x4a: {  	_ =	shalt  }
0x4b: {  	_ =	shalt  }
0x4c: {  	_ =	shalt  }
0x4d: {  	_ =	shalt  }
0x4e: {  	_ =	shalt  }
0x4f: {  	_ =	shalt  }
0x50: {  	_ =	shalt  }
0x51: {  	_ =	shalt  }
0x52: {  	_ =	shalt  }
0x53: {  	_ =	shalt  }
0x54: {  	_ =	shalt  }
0x55: {  	_ =	shalt  }
0x56: {  	_ =	shalt  }
0x57: {  	_ =	shalt  }
0x58: {  	_ =	shalt  }
0x59: {  	_ =	shalt  }
0x5a: {  	_ =	shalt  }
0x5b: {  	_ =	shalt  }
0x5c: {  	_ =	shalt  }
0x5d: {  	_ =	shalt  }
0x5e: {  	_ =	shalt  }
0x5f: {  	_ =	shalt  }
0x60: {  	_ =	shalt  }
0x61: {  	_ =	shalt  }
0x62: {  	_ =	shalt  }
0x63: {  	_ =	shalt  }
0x64: {  	_ =	shalt  }
0x65: {  	_ =	shalt  }
0x66: {  	_ =	shalt  }
0x67: {  	_ =	shalt  }
0x68: {  	_ =	shalt  }
0x69: {  	_ =	shalt  }
0x6a: {  	_ =	shalt  }
0x6b: {  	_ =	shalt  }
0x6c: {  	_ =	shalt  }
0x6d: {  	_ =	shalt  }
0x6e: {  	_ =	shalt  }
0x6f: {  	_ =	shalt  }
0x70: {  	_ =	shalt  }
0x71: {  	_ =	shalt  }
0x72: {  	_ =	shalt  }
0x73: {  	_ =	shalt  }
0x74: {  	_ =	shalt  }
0x75: {  	_ =	shalt  }
0x76: {  	_ =	shalt  }
0x77: {  	_ =	shalt  }
0x78: {  	_ =	shalt  }
0x79: {  	_ =	shalt  }
0x7a: {  	_ =	shalt  }
0x7b: {  	_ =	shalt  }
0x7c: {  	_ =	shalt  }
0x7d: {  	_ =	shalt  }
0x7e: {  	_ =	shalt  }
0x7f: {  	_ =	shalt  }
0x80: {  	_ =	shalt  }
0x81: {  	_ =	shalt  }
0x82: {  	_ =	shalt  }
0x83: {  	_ =	shalt  }
0x84: {  	_ =	shalt  }
0x85: {  	_ =	shalt  }
0x86: {  	_ =	shalt  }
0x87: {  	_ =	shalt  }
.Lfunc_end0:
.L_simem_size_0:
called_computation_lowered:
.L_overlay_start_0:
0x88: {  	s2 =	sld [smem:$0x3FD9]  }
0x89: {  	s3 =	sld [smem:$0x3FFE];
	_ =	sdelay $0x1  }
0x8a: {  	s1 =	srdreg.scid  }
0x8b: {  	s0 =	sand.u32 $0x1, s1  }
0x8c: {  	s17 =	sshll.u32 s0, $0xA;
	s2 =	sadd.s32 s3, s2  }
0x8d: {  	s2 =	sadd.s32 s2, s17  }
0x8e: {  	[smem:$0x3FC6] =	sst s2  }
0x8f: {  	_ = 	snop  }
0x90: {  	s2 =	sld [smem:$0x3FC9]  }
0x91: {  	s18 =	sld [smem:$0x3FD0];
	(tm) =	ssettm $0x1  }
0x92: {  	s4 =	sld [smem:$0x3FFB];
	_ =	sdelay $0x3  }
0x93: {  	_ =	strace s4  }
0x94: {  	s4 =	sld [smem:$0x3FFC];
	_ =	sdelay $0x3  }
0x95: {  	_ =	strace s4  }
0x96: {  	s4 =	sld [smem:$0x3FFD];
	_ =	sdelay $0x3  }
0x97: {  	_ =	strace s4  }
0x98: {  	_ =	strace $0x8FFFFFFF  }
0x99: {  	s19 =	sld [smem:$0x3FDB];
	_ =	sdelay $0x1  }
0x9a: {  	s5 =	simm.s32 $_scs_section_size  }
0x9b: {  	s6 =	simm.s32 $_size__tile_overlayer_lowered;
	s7 =	simm.s32 $_tile_overlayer_lowered  }
0x9c: {  	s22 =	simm.s32 $0x1BFF;
	s21 =	sshll.u32 s7, $0x1;
	s4 =	sadd.s32 s5, s19  }
0x9d: {  	s8 =	simm.s32 $0x0;
	s20 =	sshll.u32 s6, $0x1;
	s6 =	sadd.s32 s21, s4  }
0x9e: {  	[timem:s8], [sflag:s22] =	dma.local [hbm:s6], s20  }
0x9f: {  	_ =	swait.ge [sflag:s22], s20  }
0xa0: {  	s5 =	ssub.s32 $0x0, s20;
	[sflag:s22] =	ssyncset.done $0x0  }
0xa1: {  	[sflag:s22] =	ssyncadd.s32 s5;
	_ =	sdelay $0x1  }
0xa2: {  	s23 =	simm.s32 $0x1B8B  }
0xa3: {  	_ =	swait.ge [sflag:s23], $0x1  }
0xa4: {  	[sflag:s23] =	ssyncset.done $0x0  }
0xa5: {  	s25 =	simm.s32 $0x1B8E;
	s24 =	sld [smem:$0x3FFE];
	[sflag:s23] =	ssyncadd.s32 $0xFFFFFFFF  }
0xa6: {  	s26 =	simm.s32 $execute0_lowered;
	[smem:$0x3FD2] =	sst s25  }
0xa7: {  	s6 =	sshll.u32 s26, $0x1;
	_ =	strace $0x80000046;
	[dreg:$0x1] =	wrdreg $0xFFFFFFFF  }
0xa8: {  	s28 =	simm.s32 $_size_execute0_lowered;
	s4 =	sadd.s32 s4, s6;
	[dreg:$0x0] =	wrdreg $0x0  }
0xa9: {  	s6 =	sshll.u32 s28, $0x1;
	[dreg:$0x2] =	wrdreg s4  }
0xaa: {  	[dreg:$0x3] =	wrdreg s6  }
0xab: {  	[dreg:$0x4] =	wrdreg $0xC0  }
0xac: {  	_ =	task [dreg:s8], $0x5FFFF  }
0xad: {  	[dreg:$0x1] =	wrdreg $0xFFFFFFFF  }
0xae: {  	[dreg:$0x0] =	wrdreg $0x60  }
0xaf: {  	[dreg:$0x2] =	wrdreg s2  }
0xb0: {  	[dreg:$0x3] =	wrdreg s24  }
0xb1: {  	[dreg:$0x4] =	wrdreg s18  }
0xb2: {  	[dreg:$0x5] =	wrdreg $0x9  }
0xb3: {  	_ =	task.clear_ibuf [dreg:s8], $0x6FFFF;
	_ =	strace $0x90000046  }
0xb4: {  	s29 =	simm.s32 $0x9;
	_ =	strace $0x80000048  }
0xb5: {  	_ =	swait.ge [sflag:s29], $0x1  }
0xb6: {  	[sflag:s29] =	ssyncadd.s32 $0xFFFFFFFF  }
0xb7: {  	_ =	strace $0x90000048  }
0xb8: {  	_ =	sfence  }
0xb9: {  	s30 =	sld [smem:$0x0];
	_ =	sdelay $0x2  }
0xba: {  	s31 =	sshll.u32 s1, $0xD;
	s1 =	sshrl.u32 s1, $0x2  }
0xbb: {  	s3 =	sand.u32 $0x4000, s31;
	s1 =	sadd.s32 s1, s30  }
0xbc: {  	s0 =	sor.u32 s3, s0;
	s1 =	sshll.u32 s1, $0x11  }
0xbd: {  	s0 =	sor.u32 s1, s0  }
0xbe: {  	s0 =	sadd.s32 $0x8F2B, s0  }
0xbf: {  	[sflag:s0] =	ssyncadd.remote.s32 $0x1  }
0xc0: {  	_ =	sfence.sel $0xFFFF  }
0xc1: {  	[dreg:$0x0] =	wrdreg $0xFFFFFFFF;
	(pc) =	sbr.abs _section_cstart, $3  }
0xc2: {  	[dreg:$0x1] =	wrdreg $0xFFFFFFFF  }
0xc3: {  	_ =	task.clear_ibuf [dreg:s8], $0x2FFFF;
	_ =	strace $0x9FFFFFFF  }
0xc4: {  	(tm) =	ssettm $0x7FFFFFFF  }
0xc5: {  	_ =	shalt  }
tec
execute0_lowered:
.L_overlay_start_1:
0x0: {  	(tag) =	ssettag $0x1  }
0x1: {  	s0 =	rddreg [dreg:$0x0]  }
0x2: {  	s1 =	rddreg [dreg:$0x1]  }
0x3: {  	s6 =	rddreg [dreg:$0x2];
	s2 =	srdreg.scid  }
0x4: {  	s3 =	simm.s32 $0x0;
	s4 =	stileid.u32;
	s28 =	simm.s32 $0x2  }
0x5: {  	s29 =	simm.s32 $0x6;
	s30 =	simm.s32 $0xA080;
	s31 =	simm.s32 $0x3  }
0x6: {  	s7 =	simm.s32 $0x8;
	s8 =	simm.s32 $0xE080;
	s2 =	sand.u32 $0x1, s2  }
0x7: {  	[smem:$0x7FF] =	sst s3;
	s4 =	sshll.u32 s4, $0x11;
	s1 =	sadd.s32 $0x400, s1  }
0x8: {  	s11 =	sadd.s32 $0x40, s6;
	s14 =	smov.u32 s6;
	s13 =	sadd.s32 $0x800, s6  }
0x9: {  	s6 =	simm.s32 $0x0;
	s5 =	sshll.u32 s2, $0x10;
	_ =	strace $0x80000047  }
0xa: {  	s2 =	ssub.s32 $0x2, s2;
	[dreg:$0x4] =	wrdreg s1;
	s4 =	sor.u32 s5, s4  }
0xb: {  	s1 =	simm.s32 $0xC080;
	s18 =	sshrl.u32 s2, $0x1;
	s5 =	sadd.s32 s0, s4  }
0xc: {  	s19 =	ssub.s32 s2, s18;
	s20 =	sadd.s32 $0x40, s5;
	[dreg:$0x5] =	wrdreg s5  }
0xd: {  	s26 =	sadd.s32 s4, s11;
	s21 =	sadd.s32 $0x800, s5;
	[dreg:$0x6] =	wrdreg s20  }
0xe: {  	s22 =	sadd.s32 $0x840, s5;
	s23 =	sadd.s32 $0x1000, s5;
	[dreg:$0x7] =	wrdreg s21  }
0xf: {  	s24 =	sadd.s32 $0x1040, s5;
	s25 =	sadd.s32 $0x1800, s5;
	[dreg:$0x8] =	wrdreg s22  }
.Ltmp0:
0x10: {  	s15 =	sadd.s32 $0x1840, s5;
	[dreg:$0x9] =	wrdreg s23;
	(pc) =	sbr.rel .LBB2_1-.Ltmp0, $4  }
0x11: {  	s0 =	smax.u32 s19, $0x1;
	s17 =	sadd.s32 $0x800, s26;
	[dreg:$0xa] =	wrdreg s24  }
0x12: {  	s19 =	simm.s32 $0x200;
	s26 =	simm.s32 $0x8080;
	[dreg:$0xb] =	wrdreg s25  }
0x13: {  	s5 =	simm.s32 $0x4;
	[dreg:$0xc] =	wrdreg s0;
	s20 =	simm.s32 $0x400  }
0x14: {  	s24 =	simm.s32 $0x6080;
	s25 =	simm.s32 $0x1;
	s0 =	simm.s32 $0x7  }
.LBB2_80:
0x15: {  	s2 =	simm.s32 $0x5  }
0x16: {  	_ =	swait.ge [sflag:s2], $0x2000  }
0x17: {  	[sflag:s2] =	ssyncset.done $0x0  }
0x18: {  	[sflag:s2] =	ssyncadd.s32 $0xFFFFE000  }
0x19: {  	_ =	swait.ge [sflag:s29], $0x2000  }
0x1a: {  	[sflag:s29] =	ssyncset.done $0x0  }
0x1b: {  	[sflag:s29] =	ssyncadd.s32 $0xFFFFE000  }
0x1c: {  	_ =	swait.ge [sflag:s0], $0x2000  }
0x1d: {  	[sflag:s0] =	ssyncset.done $0x0  }
0x1e: {  	[sflag:s0] =	ssyncadd.s32 $0xFFFFE000  }
0x1f: {  	_ =	swait.ge [sflag:s7], $0x2000  }
0x20: {  	s6 =	rddreg [dreg:$0xd]  }
0x21: {  	s23 =	rddreg [dreg:$0xc];
	s6 =	sadd.s32 $0x1, s6  }
0x22: {  	p0 =	sne.s32 s6, s23  }
.Ltmp1:
0x23: {  	_ = 	snop;
	(pc) =	sbr.rel @!p0 .LBB2_81-.Ltmp1, $3  }
0x24: {  	_ =	sdelay $0x1  }
0x25: {  	[sflag:s7] =	ssyncset.done $0x0  }
0x26: {  	[sflag:s7] =	ssyncadd.s32 $0xFFFFE000  }
.LBB2_1:
0x27: {  	[dreg:$0xd] =	wrdreg s6  }
0x28: {  	s2 =	rddreg [dreg:$0x4];
	s9 =	simm.s32 $0x9  }
0x29: {  	[tilespmem:s3], [sflag:$0x9] =	stream.linear.gather [hbm4b:s2+s3], $0x80, $0x38;
	[tilespmem:$0x10080] =	vst v63  }
0x2a: {  	_ =	swait.ge [sflag:s9], $0x80  }
0x2b: {  	[sflag:s9] =	ssyncset.done $0x0  }
0x2c: {  	[sflag:s9] =	ssyncadd.s32 $0xFFFFFF80  }
0x2d: {  	s12 =	simm.s32 $0x80;
	s10 =	rddreg [dreg:$0x5];
	v4 =	vld [tilespmem:$0x0]  }
0x2e: {  	[tilespmem:s12], [sflag:$0x1] =	stream.strided.gather [hbm4b:s10+s19], $0x2000, s20, s19, $0x38;
	[tilespmem:$0x10080] =	vst v63  }
0x2f: {  	s18 =	simm.s32 $0x2080;
	s16 =	rddreg [dreg:$0x6]  }
0x30: {  	[tilespmem:s18], [sflag:$0x2] =	stream.strided.gather [hbm4b:s16+s19], $0x2000, s20, s19, $0x38;
	[tilespmem:$0x10080] =	vst v63  }
0x31: {  	s22 =	simm.s32 $0x4080;
	s21 =	rddreg [dreg:$0x7]  }
0x32: {  	[tilespmem:s22], [sflag:$0x3] =	stream.strided.gather [hbm4b:s21+s19], $0x2000, s20, s19, $0x38;
	v0 =	vbroadcast v4, $0x0;
	[tilespmem:$0x10080] =	vst v63  }
0x33: {  	s6 =	simm.s32 $0x0;
	s23 =	rddreg [dreg:$0x8];
	v1 =	vbroadcast v4, $0x1;
	v2 =	vbroadcast v4, $0x2  }
0x34: {  	v3 =	vbroadcast v4, $0x3;
	v4 =	vbroadcast v4, $0x4;
	[tilespmem:s24], [sflag:$0x4] =	stream.strided.gather [hbm4b:s23+s19], $0x2000, s20, s19, $0x38;
	[tilespmem:$0x10080] =	vst v63  }
.LBB2_2:
0x35: {  	_ =	swait.ge [sflag:s25], $0x2000  }
0x36: {  	p0 =	seq.s32 s6, $0x0;
	[sflag:s25] =	ssyncset.done $0x0  }
0x37: {  	s2 =	simm.s32 @!p0 $0x5;
	[sflag:s25] =	ssyncadd.s32 $0xFFFFE000  }
0x38: {  	_ =	swait.ge @!p0 [sflag:s2], $0x2000  }
0x39: {  	[sflag:s2] =	ssyncset.done @!p0 $0x0  }
0x3a: {  	s16 =	simm.s32 $0x0;
	[sflag:s2] =	ssyncadd.s32 @!p0 $0xFFFFE000  }
0x3b: {  	v8 =	vld [tilespmem:s16+$0xE0]  }
0x3c: {  	v5 =	vld [tilespmem:s16+$0xA0]  }
0x3d: {  	v9 =	vld [tilespmem:s16+$0x80]  }
0x3e: {  	v10 =	vld [tilespmem:s16+$0xC0]  }
0x3f: {  	v7 =	vld [tilespmem:s16+$0x90]  }
0x40: {  	v12 =	vld [tilespmem:s16+$0xD0]  }
0x41: {  	v6 =	vld [tilespmem:s16+$0xB0]  }
0x42: {  	s9 =	simm.s32 $0x200;
	v14 =	vld [tilespmem:s16+$0xF0];
	v13 =	vmin.u32 v5, $0x4  }
0x43: {  	v17 =	vld [tilespmem:s9+$0xE0];
	v8 =	vmin.u32 v8, $0x4;
	v9 =	vmin.u32 v9, $0x4;
	v10 =	vmin.u32 v10, $0x4  }
0x44: {  	v18 =	vld [tilespmem:s9+$0xA0];
	vm1 =	vgt.s32 v7, $0x3;
	vm0 =	vgt.s32 v7, $0x0;
	vm2 =	vgt.s32 v7, $0x1  }
0x45: {  	v19 =	vld [tilespmem:s9+$0x80];
	vm3 =	vgt.s32 v12, $0x0;
	vm4 =	vgt.s32 v12, $0x2;
	v15 =	vsel vm0, v1, v0  }
0x46: {  	v11 =	vld [tilespmem:s9+$0xC0];
	vm5 =	vgt.s32 v6, $0x2;
	v15 =	vsel vm2, v2, v15;
	vm2 =	vgt.s32 v7, $0x2  }
0x47: {  	s21 =	simm.s32 $0x0;
	v5 =	vld [tilespmem:s9+$0x90];
	vm6 =	vgt.s32 v6, $0x1;
	vm15 =	vgt.s32 v14, $0x0;
	v7 =	vsel vm2, v3, v15  }
0x48: {  	vm0 =	vgt.s32 v14, $0x1;
	vm2 =	vgt.s32 v12, $0x1;
	v7 =	vsel vm1, v4, v7;
	v13 =	vld.idx.msk [tilespmem:v13+s21+$0x0], $0xffff  }
0x49: {  	vm1 =	vgt.s32 v6, $0x0;
	v16 =	vld.idx.msk [tilespmem:v8+s21+$0x0], $0xffff;
	v8 =	vsel vm3, v1, v0;
	vm3 =	vgt.s32 v12, $0x3  }
0x4a: {  	v10 =	vld.idx.msk [tilespmem:v10+s21+$0x0], $0xffff;
	v12 =	vsel vm1, v1, v0;
	vm1 =	vgt.s32 v14, $0x2;
	v8 =	vsel vm2, v2, v8  }
0x4b: {  	v15 =	vld.idx.msk [tilespmem:v9+s21+$0x0], $0xffff;
	v20 =	vsel vm6, v2, v12;
	vm2 =	vgt.s32 v14, $0x3;
	v21 =	vsel vm4, v3, v8  }
0x4c: {  	s18 =	sshll.u32 s6, $0xC;
	v9 =	vld [tilespmem:s9+$0xD0];
	[tilespmem:s16+$0x8090] =	vst v7;
	v12 =	vmin.u32 v17, $0x4;
	v8 =	vmin.u32 v19, $0x4;
	v19 =	vsel vm3, v4, v21  }
0x4d: {  	s22 =	simm.s32 $0x200;
	s23 =	simm.s32 $0x0;
	s2 =	simm.s32 $0x1000;
	v7 =	vld [tilespmem:s9+$0xF0];
	v14 =	vmin.u32 v18, $0x4;
	v18 =	vsel vm15, v1, v0;
	v17 =	vsel vm5, v3, v20;
	[tilespmem:s16+$0x80D0] =	vst v19  }
.LBB2_3:
0x4e: {  	s10 =	sshra.s32 s2, $0x2;
	p1 =	sne.s32 s2, $0x7800;
	s2 =	sadd.s32 $0x800, s2;
	vm3 =	vgt.s32 v5, $0x3;
	vm4 =	vgt.s32 v6, $0x3;
	v6 =	vld [tilespmem:s22+$0xB0];
	v18 =	vsel vm0, v2, v18;
	[tilespmem:s23+$0x80A0] =	vst v13  }
0x4f: {  	v20 =	vmin.u32 v11, $0x4;
	v19 =	vld [tilespmem:s10+$0x90];
	v11 =	vsel vm4, v4, v17;
	v13 =	vsel vm1, v3, v18;
	[tilespmem:s23+$0x80E0] =	vst v16  }
0x50: {  	vm0 =	vgt.s32 v5, $0x0;
	vm1 =	vgt.s32 v5, $0x1;
	v17 =	vld [tilespmem:s10+$0xE0];
	v13 =	vsel vm2, v4, v13;
	[tilespmem:s23+$0x80B0] =	vst v11  }
0x51: {  	v11 =	vsel vm0, v1, v0;
	v18 =	vld [tilespmem:s10+$0xA0];
	vm2 =	vgt.s32 v9, $0x0;
	vm5 =	vgt.s32 v9, $0x2;
	[tilespmem:s23+$0x8080] =	vst v15  }
0x52: {  	v15 =	vsel vm1, v2, v11;
	vm1 =	vgt.s32 v5, $0x2;
	v21 =	vld [tilespmem:s10+$0x80];
	vm0 =	vgt.s32 v7, $0x1;
	[tilespmem:s23+$0x80F0] =	vst v13  }
0x53: {  	vm6 =	vgt.s32 v9, $0x1;
	v15 =	vsel vm1, v3, v15;
	v11 =	vld [tilespmem:s10+$0xC0];
	vm4 =	vgt.s32 v6, $0x2;
	[tilespmem:s23+$0x80C0] =	vst v10;
	s23 =	smov.u32 s22;
	s22 =	smov.u32 s10  }
0x54: {  	v22 =	vsel vm3, v4, v15;
	vm3 =	vgt.s32 v6, $0x1;
	v13 =	vld.idx.msk [tilespmem:v14+s21+$0x0], $0xffff;
	v14 =	vsel vm2, v1, v0;
	v5 =	vmovc v19  }
.Ltmp2:
0x55: {  	vm7 =	vgt.s32 v9, $0x3;
	vm1 =	vgt.s32 v7, $0x2;
	vm2 =	vgt.s32 v6, $0x0;
	v16 =	vld.idx.msk [tilespmem:v12+s21+$0x0], $0xffff;
	(pc) =	sbr.rel @p1 .LBB2_3-.Ltmp2, $4  }
0x56: {  	v9 =	vsel vm2, v1, v0;
	v12 =	vsel vm6, v2, v14;
	vm2 =	vgt.s32 v7, $0x3;
	v10 =	vld.idx.msk [tilespmem:v20+s21+$0x0], $0xffff  }
0x57: {  	v19 =	vsel vm3, v2, v9;
	v14 =	vsel vm5, v3, v12;
	vm3 =	vgt.s32 v7, $0x0;
	v15 =	vld.idx.msk [tilespmem:v8+s21+$0x0], $0xffff  }
0x58: {  	v12 =	vmin.u32 v17, $0x4;
	v8 =	vmin.u32 v21, $0x4;
	v20 =	vsel vm7, v4, v14;
	v9 =	vld [tilespmem:s22+$0xD0];
	[tilespmem:s23+$0x8090] =	vst v22  }
0x59: {  	v14 =	vmin.u32 v18, $0x4;
	v17 =	vsel vm4, v3, v19;
	v18 =	vsel vm3, v1, v0;
	v7 =	vld [tilespmem:s22+$0xF0];
	[tilespmem:s23+$0x80D0] =	vst v20  }
0x5a: {  	v19 =	vld [tilespmem:s22+$0xB0];
	[tilespmem:s23+$0x80A0] =	vst v13  }
0x5b: {  	vm3 =	vgt.s32 v6, $0x3;
	v6 =	vsel vm0, v2, v18;
	[tilespmem:s23+$0x80E0] =	vst v16  }
0x5c: {  	v13 =	vsel vm3, v4, v17;
	v6 =	vsel vm1, v3, v6;
	[tilespmem:s23+$0x80C0] =	vst v10  }
0x5d: {  	v11 =	vmin.u32 v11, $0x4;
	vm1 =	vgt.s32 v5, $0x0;
	[tilespmem:s23+$0x80B0] =	vst v13;
	v6 =	vsel vm2, v4, v6  }
0x5e: {  	vm0 =	vgt.s32 v5, $0x3;
	vm2 =	vgt.s32 v5, $0x1;
	[tilespmem:s23+$0x80F0] =	vst v6;
	v6 =	vsel vm1, v1, v0  }
0x5f: {  	[tilespmem:s23+$0x8080] =	vst v15;
	vm1 =	vgt.s32 v9, $0x0;
	v6 =	vsel vm2, v2, v6;
	vm2 =	vgt.s32 v5, $0x2  }
0x60: {  	v5 =	vld.idx.msk [tilespmem:v14+s21+$0x0], $0xffff;
	v10 =	vsel vm1, v1, v0;
	v6 =	vsel vm2, v3, v6;
	vm2 =	vgt.s32 v9, $0x1  }
0x61: {  	vm3 =	vgt.s32 v9, $0x2;
	v12 =	vld.idx.msk [tilespmem:v12+s21+$0x0], $0xffff;
	v10 =	vsel vm2, v2, v10  }
0x62: {  	v8 =	vld.idx.msk [tilespmem:v8+s21+$0x0], $0xffff;
	v6 =	vsel vm0, v4, v6;
	vm2 =	vgt.s32 v9, $0x3;
	v9 =	vsel vm3, v3, v10  }
0x63: {  	v11 =	vld.idx.msk [tilespmem:v11+s21+$0x0], $0xffff;
	vm0 =	vgt.s32 v19, $0x0;
	[tilespmem:s22+$0x8090] =	vst v6;
	v9 =	vsel vm2, v4, v9  }
0x64: {  	vm3 =	vgt.s32 v19, $0x1;
	v10 =	vsel vm0, v1, v0;
	[tilespmem:s22+$0x80D0] =	vst v9  }
0x65: {  	vm0 =	vgt.s32 v19, $0x2;
	v6 =	vsel vm3, v2, v10;
	vm2 =	vgt.s32 v7, $0x0;
	[tilespmem:s22+$0x80A0] =	vst v5  }
0x66: {  	vm1 =	vgt.s32 v7, $0x1;
	v6 =	vsel vm0, v3, v6;
	v9 =	vsel vm2, v1, v0;
	[tilespmem:s22+$0x80E0] =	vst v12  }
0x67: {  	vm0 =	vgt.s32 v19, $0x3;
	vm2 =	vgt.s32 v7, $0x2;
	[tilespmem:s22+$0x8080] =	vst v8;
	v5 =	vsel vm1, v2, v9  }
0x68: {  	v6 =	vsel vm0, v4, v6;
	vm0 =	vgt.s32 v7, $0x3;
	[tilespmem:s22+$0x80C0] =	vst v11;
	v5 =	vsel vm2, v3, v5  }
0x69: {  	[tilespmem:s22+$0x80B0] =	vst v6;
	v5 =	vsel vm0, v4, v5  }
0x6a: {  	[tilespmem:s22+$0x80F0] =	vst v5  }
0x6b: {  	v5 =	vld [tilespmem:s16+$0x130]  }
0x6c: {  	v7 =	vld [tilespmem:s16+$0x150]  }
0x6d: {  	v6 =	vld [tilespmem:s16+$0x140]  }
0x6e: {  	v8 =	vld [tilespmem:s16+$0x100]  }
0x6f: {  	v9 =	vld [tilespmem:s16+$0x110]  }
0x70: {  	v11 =	vld [tilespmem:s16+$0x120]  }
0x71: {  	v12 =	vld [tilespmem:s16+$0x160]  }
0x72: {  	vm0 =	vgt.s32 v5, $0x0;
	vm1 =	vgt.s32 v5, $0x1;
	v13 =	vmin.u32 v6, $0x4  }
0x73: {  	vm2 =	vgt.s32 v5, $0x3;
	vm3 =	vgt.s32 v7, $0x3;
	v15 =	vmin.u32 v8, $0x4  }
0x74: {  	v14 =	vld [tilespmem:s16+$0x170];
	vm4 =	vgt.s32 v9, $0x3;
	vm5 =	vgt.s32 v7, $0x1;
	vm6 =	vgt.s32 v9, $0x0  }
0x75: {  	v20 =	vld [tilespmem:s9+$0x140];
	vm7 =	vgt.s32 v9, $0x1;
	v18 =	vmin.u32 v11, $0x4;
	vm14 =	vgt.s32 v9, $0x2  }
0x76: {  	v6 =	vld [tilespmem:s9+$0x130];
	v19 =	vmin.u32 v12, $0x4;
	v10 =	vsel vm0, v1, v0;
	vm0 =	vgt.s32 v7, $0x2  }
0x77: {  	v8 =	vld [tilespmem:s9+$0x110];
	v17 =	vsel vm6, v1, v0;
	v10 =	vsel vm1, v2, v10;
	vm1 =	vgt.s32 v5, $0x2  }
0x78: {  	v5 =	vld [tilespmem:s9+$0x150];
	v17 =	vsel vm7, v2, v17;
	v16 =	vsel vm1, v3, v10;
	vm1 =	vgt.s32 v7, $0x0  }
0x79: {  	v10 =	vld [tilespmem:s9+$0x100];
	v9 =	vsel vm14, v3, v17;
	v11 =	vsel vm2, v4, v16;
	v12 =	vsel vm1, v1, v0  }
0x7a: {  	s21 =	simm.s32 $0x0;
	v7 =	vld [tilespmem:s9+$0x120];
	v21 =	vsel vm4, v4, v9;
	vm1 =	vgt.s32 v14, $0x0;
	vm2 =	vgt.s32 v14, $0x3  }
0x7b: {  	v9 =	vsel vm5, v2, v12;
	v12 =	vld.idx.msk [tilespmem:v13+s21+$0x0], $0xffff;
	v22 =	vsel vm1, v1, v0;
	vm1 =	vgt.s32 v14, $0x2  }
0x7c: {  	v16 =	vld.idx.msk [tilespmem:v18+s21+$0x0], $0xffff;
	vm15 =	vgt.s32 v6, $0x1;
	v13 =	vsel vm0, v3, v9;
	vm0 =	vgt.s32 v14, $0x1  }
0x7d: {  	v9 =	vld.idx.msk [tilespmem:v15+s21+$0x0], $0xffff;
	v17 =	vsel vm3, v4, v13;
	vm3 =	vgt.s32 v6, $0x0;
	v13 =	vsel vm0, v2, v22  }
0x7e: {  	v14 =	vld.idx.msk [tilespmem:v19+s21+$0x0], $0xffff;
	vm0 =	vgt.s32 v5, $0x2;
	v18 =	vsel vm3, v1, v0;
	v19 =	vsel vm1, v3, v13  }
0x7f: {  	s2 =	simm.s32 $0x1000;
	v15 =	vld [tilespmem:s9+$0x160];
	[tilespmem:s16+$0x8110] =	vst v21;
	v13 =	vmin.u32 v20, $0x4;
	v18 =	vsel vm15, v2, v18;
	v19 =	vsel vm2, v4, v19  }
.LBB2_5:
0x80: {  	s10 =	sshra.s32 s2, $0x2;
	p1 =	sne.s32 s2, $0x7800;
	s2 =	sadd.s32 $0x800, s2;
	v20 =	vld [tilespmem:s9+$0x170];
	vm2 =	vgt.s32 v6, $0x2;
	vm3 =	vgt.s32 v6, $0x3;
	vm1 =	vgt.s32 v5, $0x3;
	[tilespmem:s16+$0x8130] =	vst v11  }
0x81: {  	v22 =	vmin.u32 v10, $0x4;
	vm4 =	vgt.s32 v8, $0x3;
	vm5 =	vgt.s32 v5, $0x1;
	v21 =	vld [tilespmem:s10+$0x150];
	[tilespmem:s16+$0x8150] =	vst v17  }
0x82: {  	vm6 =	vgt.s32 v8, $0x0;
	vm7 =	vgt.s32 v8, $0x1;
	v10 =	vsel vm2, v3, v18;
	v6 =	vld [tilespmem:s10+$0x130];
	[tilespmem:s16+$0x8170] =	vst v19  }
0x83: {  	v17 =	vsel vm6, v1, v0;
	vm2 =	vgt.s32 v5, $0x0;
	v11 =	vsel vm3, v4, v10;
	v18 =	vld [tilespmem:s10+$0x110];
	[tilespmem:s16+$0x8120] =	vst v16  }
0x84: {  	v17 =	vsel vm7, v2, v17;
	vm3 =	vgt.s32 v8, $0x2;
	v16 =	vmin.u32 v7, $0x4;
	v10 =	vld [tilespmem:s10+$0x100];
	[tilespmem:s16+$0x8140] =	vst v12  }
0x85: {  	v8 =	vsel vm2, v1, v0;
	v12 =	vsel vm3, v3, v17;
	v15 =	vmin.u32 v15, $0x4;
	v7 =	vld [tilespmem:s10+$0x120];
	[tilespmem:s16+$0x8160] =	vst v14  }
0x86: {  	v24 =	vsel vm5, v2, v8;
	v23 =	vsel vm4, v4, v12;
	vm2 =	vgt.s32 v20, $0x0;
	v19 =	vld [tilespmem:s10+$0x140];
	[tilespmem:s16+$0x8100] =	vst v9;
	v5 =	vmovc v21;
	s16 =	smov.u32 s9;
	s9 =	smov.u32 s10  }
.Ltmp3:
0x87: {  	v14 =	vsel vm0, v3, v24;
	v12 =	vld.idx.msk [tilespmem:v13+s21+$0x0], $0xffff;
	v13 =	vsel vm2, v1, v0;
	vm2 =	vgt.s32 v20, $0x2;
	(pc) =	sbr.rel @p1 .LBB2_5-.Ltmp3, $4  }
0x88: {  	vm0 =	vgt.s32 v20, $0x1;
	v17 =	vsel vm1, v4, v14;
	vm1 =	vgt.s32 v20, $0x3;
	v9 =	vld.idx.msk [tilespmem:v22+s21+$0x0], $0xffff;
	v8 =	vmovc v18  }
0x89: {  	vm3 =	vgt.s32 v6, $0x0;
	vm4 =	vgt.s32 v6, $0x1;
	v13 =	vsel vm0, v2, v13;
	v16 =	vld.idx.msk [tilespmem:v16+s21+$0x0], $0xffff  }
0x8a: {  	v18 =	vsel vm3, v1, v0;
	vm0 =	vgt.s32 v5, $0x2;
	v20 =	vsel vm2, v3, v13;
	v14 =	vld.idx.msk [tilespmem:v15+s21+$0x0], $0xffff  }
0x8b: {  	v18 =	vsel vm4, v2, v18;
	v15 =	vld [tilespmem:s9+$0x160];
	v13 =	vmin.u32 v19, $0x4;
	v19 =	vsel vm1, v4, v20;
	[tilespmem:s16+$0x8110] =	vst v23  }
0x8c: {  	v20 =	vld [tilespmem:s9+$0x170];
	[tilespmem:s16+$0x8130] =	vst v11  }
0x8d: {  	[tilespmem:s16+$0x8150] =	vst v17  }
0x8e: {  	[tilespmem:s16+$0x8170] =	vst v19  }
0x8f: {  	v10 =	vmin.u32 v10, $0x4;
	[tilespmem:s16+$0x8140] =	vst v12  }
0x90: {  	vm1 =	vgt.s32 v6, $0x2;
	vm2 =	vgt.s32 v6, $0x3;
	v6 =	vmin.u32 v7, $0x4;
	[tilespmem:s16+$0x8100] =	vst v9  }
0x91: {  	vm5 =	vgt.s32 v8, $0x0;
	[tilespmem:s16+$0x8120] =	vst v16;
	v7 =	vmin.u32 v15, $0x4  }
0x92: {  	vm3 =	vgt.s32 v5, $0x3;
	vm7 =	vgt.s32 v8, $0x1;
	s21 =	simm.s32 $0x0;
	v11 =	vsel vm5, v1, v0;
	[tilespmem:s16+$0x8160] =	vst v14  }
0x93: {  	vm4 =	vgt.s32 v8, $0x3;
	vm10 =	vgt.s32 v8, $0x2;
	v11 =	vsel vm7, v2, v11;
	v8 =	vld.idx.msk [tilespmem:v13+s21+$0x0], $0xffff  }
0x94: {  	vm6 =	vgt.s32 v5, $0x1;
	vm11 =	vgt.s32 v5, $0x0;
	v5 =	vsel vm10, v3, v11;
	v10 =	vld.idx.msk [tilespmem:v10+s21+$0x0], $0xffff  }
0x95: {  	v9 =	vsel vm1, v3, v18;
	v11 =	vsel vm11, v1, v0;
	v5 =	vsel vm4, v4, v5;
	v6 =	vld.idx.msk [tilespmem:v6+s21+$0x0], $0xffff  }
0x96: {  	v9 =	vsel vm2, v4, v9;
	v11 =	vsel vm6, v2, v11;
	v7 =	vld.idx.msk [tilespmem:v7+s21+$0x0], $0xffff;
	[tilespmem:s9+$0x8110] =	vst v5  }
0x97: {  	vm12 =	vgt.s32 v20, $0x0;
	v11 =	vsel vm0, v3, v11;
	[tilespmem:s9+$0x8130] =	vst v9  }
0x98: {  	vm13 =	vgt.s32 v20, $0x1;
	v63 =	vsel vm12, v1, v0;
	v5 =	vsel vm3, v4, v11;
	[tilespmem:s9+$0x8140] =	vst v8  }
0x99: {  	vm14 =	vgt.s32 v20, $0x2;
	v12 =	vsel vm13, v2, v63;
	[tilespmem:s9+$0x8150] =	vst v5  }
0x9a: {  	vm15 =	vgt.s32 v20, $0x3;
	v11 =	vsel vm14, v3, v12;
	[tilespmem:s9+$0x8120] =	vst v6  }
0x9b: {  	v9 =	vsel vm15, v4, v11;
	[tilespmem:s9+$0x8100] =	vst v10  }
0x9c: {  	[tilespmem:s9+$0x8170] =	vst v9  }
0x9d: {  	[tilespmem:s9+$0x8160] =	vst v7;
	s9 =	simm.s32 $0x0  }
0x9e: {  	v5 =	vld [tilespmem:s9+$0x1E0]  }
0x9f: {  	v9 =	vld [tilespmem:s9+$0x1A0]  }
0xa0: {  	p2 =	por $0x1, $0x1;
	v6 =	vld [tilespmem:s9+$0x180]  }
.Ltmp4:
0xa1: {  	_ = 	snop;
	(pc) =	sbr.rel @!p2 .LBB2_7-.Ltmp4, $4  }
0xa2: {  	v17 =	vld [tilespmem:s9+$0x190]  }
0xa3: {  	v10 =	vld [tilespmem:s9+$0x1C0]  }
0xa4: {  	v7 =	vld [tilespmem:s9+$0x1D0]  }
0xa5: {  	p1 =	por $0x0, $0x0;
	v6 =	vmin.u32 v6, $0x4;
	v8 =	vmin.u32 v5, $0x4;
	v5 =	vld [tilespmem:s9+$0x1F0];
	v11 =	vmin.u32 v9, $0x4  }
0xa6: {  	_ =	sdelay $0x2  }
0xa7: {  	v9 =	vld [tilespmem:s9+$0x1B0]  }
0xa8: {  	s16 =	simm.s32 $0x200;
	v16 =	vld.idx.msk [tilespmem:v6+s21+$0x0], $0xffff;
	vm1 =	vgt.s32 v17, $0x3  }
0xa9: {  	v18 =	vld [tilespmem:s16+$0x1E0];
	vm0 =	vgt.s32 v17, $0x0;
	vm2 =	vgt.s32 v17, $0x1;
	v12 =	vmin.u32 v10, $0x4  }
0xaa: {  	v19 =	vld [tilespmem:s16+$0x1A0];
	v14 =	vsel vm0, v1, v0;
	vm3 =	vgt.s32 v7, $0x0;
	vm4 =	vgt.s32 v7, $0x2  }
0xab: {  	v20 =	vld [tilespmem:s16+$0x180];
	v15 =	vsel vm2, v2, v14;
	vm2 =	vgt.s32 v17, $0x2;
	vm0 =	vgt.s32 v5, $0x1  }
0xac: {  	v14 =	vld.idx.msk [tilespmem:v11+s21+$0x0], $0xffff;
	v11 =	vsel vm2, v3, v15;
	vm2 =	vgt.s32 v7, $0x1;
	vm15 =	vgt.s32 v5, $0x0  }
0xad: {  	p4 =	por $0x1, $0x1;
	v15 =	vld.idx.msk [tilespmem:v8+s21+$0x0], $0xffff;
	vm5 =	vgt.s32 v9, $0x2;
	v8 =	vsel vm1, v4, v11;
	vm6 =	vgt.s32 v9, $0x1  }
.Ltmp5:
0xae: {  	v13 =	vld [tilespmem:s16+$0x190];
	vm1 =	vgt.s32 v9, $0x0;
	v11 =	vsel vm3, v1, v0;
	vm3 =	vgt.s32 v7, $0x3;
	(pc) =	sbr.rel @!p4 .LBB2_9-.Ltmp5, $4  }
0xaf: {  	v10 =	vld [tilespmem:s16+$0x1C0];
	v7 =	vsel vm1, v1, v0;
	vm1 =	vgt.s32 v5, $0x2;
	v6 =	vsel vm2, v2, v11  }
0xb0: {  	vm2 =	vgt.s32 v5, $0x3;
	v12 =	vld.idx.msk [tilespmem:v12+s21+$0x0], $0xffff;
	v17 =	vsel vm6, v2, v7;
	v11 =	vsel vm4, v3, v6  }
0xb1: {  	v7 =	vld [tilespmem:s16+$0x1D0];
	[tilespmem:s9+$0x8190] =	vst v8;
	v6 =	vmin.u32 v20, $0x4;
	v8 =	vmin.u32 v18, $0x4;
	v20 =	vsel vm3, v4, v11  }
0xb2: {  	s2 =	simm.s32 $0x1000;
	p3 =	por $0x1, $0x1;
	s22 =	simm.s32 $0x0;
	v5 =	vld [tilespmem:s16+$0x1F0];
	v11 =	vmin.u32 v19, $0x4;
	v18 =	vsel vm5, v3, v17;
	v19 =	vsel vm15, v1, v0;
	[tilespmem:s9+$0x81D0] =	vst v20  }
.LBB2_10:
0xb3: {  	s10 =	sshra.s32 s2, $0x2;
	p4 =	sne.s32 s2, $0x7800;
	s2 =	sadd.s32 $0x800, s2;
	vm3 =	vgt.s32 v13, $0x3;
	vm4 =	vgt.s32 v9, $0x3;
	v9 =	vld [tilespmem:s16+$0x1B0];
	v17 =	vsel vm0, v2, v19;
	[tilespmem:s22+$0x81A0] =	vst v14  }
0xb4: {  	v20 =	vmin.u32 v10, $0x4;
	v19 =	vld [tilespmem:s10+$0x190];
	v10 =	vsel vm4, v4, v18;
	v14 =	vsel vm1, v3, v17;
	[tilespmem:s22+$0x81E0] =	vst v15  }
0xb5: {  	vm0 =	vgt.s32 v13, $0x0;
	vm1 =	vgt.s32 v13, $0x1;
	v17 =	vld [tilespmem:s10+$0x1E0];
	v14 =	vsel vm2, v4, v14;
	[tilespmem:s22+$0x81B0] =	vst v10  }
0xb6: {  	v10 =	vsel vm0, v1, v0;
	v18 =	vld [tilespmem:s10+$0x1A0];
	vm2 =	vgt.s32 v7, $0x0;
	vm5 =	vgt.s32 v7, $0x2;
	[tilespmem:s22+$0x8180] =	vst v16  }
0xb7: {  	v15 =	vsel vm1, v2, v10;
	vm1 =	vgt.s32 v13, $0x2;
	v21 =	vld [tilespmem:s10+$0x180];
	vm0 =	vgt.s32 v5, $0x1;
	[tilespmem:s22+$0x81F0] =	vst v14  }
0xb8: {  	vm6 =	vgt.s32 v7, $0x1;
	v15 =	vsel vm1, v3, v15;
	v10 =	vld [tilespmem:s10+$0x1C0];
	vm4 =	vgt.s32 v9, $0x2;
	[tilespmem:s22+$0x81C0] =	vst v12;
	s22 =	smov.u32 s16;
	s16 =	smov.u32 s10  }
0xb9: {  	v22 =	vsel vm3, v4, v15;
	vm3 =	vgt.s32 v9, $0x1;
	v14 =	vld.idx.msk [tilespmem:v11+s21+$0x0], $0xffff;
	v11 =	vsel vm2, v1, v0;
	v13 =	vmovc v19  }
.Ltmp6:
0xba: {  	vm7 =	vgt.s32 v7, $0x3;
	vm1 =	vgt.s32 v5, $0x2;
	vm2 =	vgt.s32 v9, $0x0;
	v15 =	vld.idx.msk [tilespmem:v8+s21+$0x0], $0xffff;
	(pc) =	sbr.rel @p4 .LBB2_10-.Ltmp6, $4  }
0xbb: {  	v7 =	vsel vm2, v1, v0;
	v8 =	vsel vm6, v2, v11;
	vm2 =	vgt.s32 v5, $0x3;
	v12 =	vld.idx.msk [tilespmem:v20+s21+$0x0], $0xffff  }
0xbc: {  	v19 =	vsel vm3, v2, v7;
	v11 =	vsel vm5, v3, v8;
	vm3 =	vgt.s32 v5, $0x0;
	v16 =	vld.idx.msk [tilespmem:v6+s21+$0x0], $0xffff  }
0xbd: {  	v8 =	vmin.u32 v17, $0x4;
	v6 =	vmin.u32 v21, $0x4;
	v17 =	vsel vm7, v4, v11;
	v7 =	vld [tilespmem:s16+$0x1D0];
	[tilespmem:s22+$0x8190] =	vst v22  }
0xbe: {  	v11 =	vmin.u32 v18, $0x4;
	v18 =	vsel vm4, v3, v19;
	v19 =	vsel vm3, v1, v0;
	v5 =	vld [tilespmem:s16+$0x1F0];
	[tilespmem:s22+$0x81D0] =	vst v17  }
0xbf: {  	v17 =	vmov v13  }
.LBB2_12:
0xc0: {  	v13 =	vld [tilespmem:s16+$0x1B0];
	[tilespmem:s22+$0x81A0] =	vst @p3 v14  }
0xc1: {  	[tilespmem:s22+$0x81E0] =	vst @p3 v15  }
0xc2: {  	vm3 =	vgt.s32 @p3 v9, $0x3;
	v9 =	vsel @p3 vm0, v2, v19;
	v10 =	vmin.u32 v10, $0x4;
	[tilespmem:s22+$0x81C0] =	vst @p3 v12  }
0xc3: {  	vm11 =	vgt.s32 v17, $0x3;
	v14 =	vsel @p3 vm3, v4, v18;
	v9 =	vsel @p3 vm1, v3, v9;
	[tilespmem:s22+$0x8180] =	vst @p3 v16  }
0xc4: {  	vm12 =	vgt.s32 v17, $0x0;
	vm13 =	vgt.s32 v17, $0x1;
	[tilespmem:s22+$0x81B0] =	vst @p3 v14;
	v9 =	vsel @p3 vm2, v4, v9  }
0xc5: {  	vm5 =	vgt.s32 v17, $0x2;
	vm14 =	vgt.s32 v7, $0x0;
	[tilespmem:s22+$0x81F0] =	vst @p3 v9;
	v9 =	vsel vm12, v1, v0  }
0xc6: {  	vm6 =	vgt.s32 v7, $0x1;
	v62 =	vsel vm14, v1, v0;
	v9 =	vsel vm13, v2, v9;
	v11 =	vld.idx.msk [tilespmem:v11+s21+$0x0], $0xffff  }
0xc7: {  	vm15 =	vgt.s32 v7, $0x2;
	v8 =	vld.idx.msk [tilespmem:v8+s21+$0x0], $0xffff;
	v12 =	vsel vm6, v2, v62;
	v9 =	vsel vm5, v3, v9  }
0xc8: {  	vm9 =	vgt.s32 v7, $0x3;
	v6 =	vld.idx.msk [tilespmem:v6+s21+$0x0], $0xffff;
	v7 =	vsel vm15, v3, v12;
	v9 =	vsel vm11, v4, v9  }
0xc9: {  	v10 =	vld.idx.msk [tilespmem:v10+s21+$0x0], $0xffff;
	vm8 =	vgt.s32 v13, $0x0;
	v7 =	vsel vm9, v4, v7;
	[tilespmem:s16+$0x8190] =	vst v9  }
0xca: {  	vm7 =	vgt.s32 v5, $0x1;
	vm10 =	vgt.s32 v13, $0x1;
	v63 =	vsel vm8, v1, v0;
	[tilespmem:s16+$0x81D0] =	vst v7  }
0xcb: {  	vm12 =	vgt.s32 v5, $0x0;
	vm11 =	vgt.s32 v13, $0x2;
	v9 =	vsel vm10, v2, v63;
	[tilespmem:s16+$0x81A0] =	vst v11  }
0xcc: {  	vm13 =	vgt.s32 v13, $0x3;
	v7 =	vsel vm11, v3, v9;
	v9 =	vsel vm12, v1, v0;
	[tilespmem:s16+$0x81E0] =	vst v8  }
0xcd: {  	vm14 =	vgt.s32 v5, $0x2;
	v9 =	vsel vm7, v2, v9;
	v7 =	vsel vm13, v4, v7;
	[tilespmem:s16+$0x8180] =	vst v6  }
0xce: {  	vm15 =	vgt.s32 v5, $0x3;
	v5 =	vsel vm14, v3, v9;
	[tilespmem:s16+$0x81B0] =	vst v7  }
0xcf: {  	[tilespmem:s16+$0x81C0] =	vst v10;
	v5 =	vsel vm15, v4, v5  }
0xd0: {  	[tilespmem:s16+$0x81F0] =	vst v5  }
0xd1: {  	v5 =	vld [tilespmem:s9+$0x260]  }
0xd2: {  	v8 =	vld [tilespmem:s9+$0x220]  }
0xd3: {  	v6 =	vld [tilespmem:s9+$0x200]  }
.Ltmp7:
0xd4: {  	_ = 	snop;
	(pc) =	sbr.rel @!p2 .LBB2_13-.Ltmp7, $4  }
0xd5: {  	v17 =	vld [tilespmem:s9+$0x210]  }
0xd6: {  	v10 =	vld [tilespmem:s9+$0x240]  }
0xd7: {  	v7 =	vld [tilespmem:s9+$0x250]  }
0xd8: {  	v6 =	vmin.u32 v6, $0x4;
	v9 =	vmin.u32 v5, $0x4;
	v5 =	vld [tilespmem:s9+$0x270];
	v11 =	vmin.u32 v8, $0x4  }
0xd9: {  	_ =	sdelay $0x2  }
0xda: {  	v8 =	vld [tilespmem:s9+$0x230]  }
0xdb: {  	s16 =	simm.s32 $0x200;
	v16 =	vld.idx.msk [tilespmem:v6+s3+$0x0], $0xffff;
	vm1 =	vgt.s32 v17, $0x3  }
0xdc: {  	v18 =	vld [tilespmem:s16+$0x260];
	vm0 =	vgt.s32 v17, $0x0;
	vm2 =	vgt.s32 v17, $0x1;
	v13 =	vmin.u32 v10, $0x4  }
0xdd: {  	v19 =	vld [tilespmem:s16+$0x220];
	v14 =	vsel vm0, v1, v0;
	vm3 =	vgt.s32 v7, $0x0;
	vm4 =	vgt.s32 v7, $0x2  }
0xde: {  	v20 =	vld [tilespmem:s16+$0x200];
	v15 =	vsel vm2, v2, v14;
	vm2 =	vgt.s32 v17, $0x2;
	vm0 =	vgt.s32 v5, $0x1  }
0xdf: {  	v14 =	vld.idx.msk [tilespmem:v11+s3+$0x0], $0xffff;
	v11 =	vsel vm2, v3, v15;
	vm2 =	vgt.s32 v7, $0x1;
	vm15 =	vgt.s32 v5, $0x0  }
0xe0: {  	p2 =	por $0x1, $0x1;
	v15 =	vld.idx.msk [tilespmem:v9+s3+$0x0], $0xffff;
	vm5 =	vgt.s32 v8, $0x2;
	v9 =	vsel vm1, v4, v11;
	vm6 =	vgt.s32 v8, $0x1  }
.Ltmp8:
0xe1: {  	v12 =	vld [tilespmem:s16+$0x210];
	vm1 =	vgt.s32 v8, $0x0;
	v11 =	vsel vm3, v1, v0;
	vm3 =	vgt.s32 v7, $0x3;
	(pc) =	sbr.rel @!p2 .LBB2_15-.Ltmp8, $4  }
0xe2: {  	v10 =	vld [tilespmem:s16+$0x240];
	v7 =	vsel vm1, v1, v0;
	vm1 =	vgt.s32 v5, $0x2;
	v6 =	vsel vm2, v2, v11  }
0xe3: {  	vm2 =	vgt.s32 v5, $0x3;
	v13 =	vld.idx.msk [tilespmem:v13+s3+$0x0], $0xffff;
	v17 =	vsel vm6, v2, v7;
	v11 =	vsel vm4, v3, v6  }
0xe4: {  	v7 =	vld [tilespmem:s16+$0x250];
	[tilespmem:s9+$0x8210] =	vst v9;
	v6 =	vmin.u32 v20, $0x4;
	v9 =	vmin.u32 v18, $0x4;
	v20 =	vsel vm3, v4, v11  }
0xe5: {  	s2 =	simm.s32 $0x1000;
	p1 =	por $0x1, $0x1;
	v5 =	vld [tilespmem:s16+$0x270];
	v11 =	vmin.u32 v19, $0x4;
	v18 =	vsel vm5, v3, v17;
	v19 =	vsel vm15, v1, v0;
	[tilespmem:s9+$0x8250] =	vst v20  }
.LBB2_16:
0xe6: {  	s10 =	sshra.s32 s2, $0x2;
	p2 =	sne.s32 s2, $0x7800;
	s2 =	sadd.s32 $0x800, s2;
	vm3 =	vgt.s32 v12, $0x3;
	vm4 =	vgt.s32 v8, $0x3;
	v8 =	vld [tilespmem:s16+$0x230];
	v17 =	vsel vm0, v2, v19;
	[tilespmem:s9+$0x8220] =	vst v14  }
0xe7: {  	v20 =	vmin.u32 v10, $0x4;
	v19 =	vld [tilespmem:s10+$0x210];
	v10 =	vsel vm4, v4, v18;
	v14 =	vsel vm1, v3, v17;
	[tilespmem:s9+$0x8260] =	vst v15  }
0xe8: {  	vm0 =	vgt.s32 v12, $0x0;
	vm1 =	vgt.s32 v12, $0x1;
	v17 =	vld [tilespmem:s10+$0x260];
	v14 =	vsel vm2, v4, v14;
	[tilespmem:s9+$0x8230] =	vst v10  }
0xe9: {  	v10 =	vsel vm0, v1, v0;
	v18 =	vld [tilespmem:s10+$0x220];
	vm2 =	vgt.s32 v7, $0x0;
	vm5 =	vgt.s32 v7, $0x2;
	[tilespmem:s9+$0x8200] =	vst v16  }
0xea: {  	v15 =	vsel vm1, v2, v10;
	vm1 =	vgt.s32 v12, $0x2;
	v21 =	vld [tilespmem:s10+$0x200];
	vm0 =	vgt.s32 v5, $0x1;
	[tilespmem:s9+$0x8270] =	vst v14  }
0xeb: {  	vm6 =	vgt.s32 v7, $0x1;
	v15 =	vsel vm1, v3, v15;
	v10 =	vld [tilespmem:s10+$0x240];
	vm4 =	vgt.s32 v8, $0x2;
	[tilespmem:s9+$0x8240] =	vst v13;
	s9 =	smov.u32 s16;
	s16 =	smov.u32 s10  }
0xec: {  	v22 =	vsel vm3, v4, v15;
	vm3 =	vgt.s32 v8, $0x1;
	v14 =	vld.idx.msk [tilespmem:v11+s3+$0x0], $0xffff;
	v11 =	vsel vm2, v1, v0;
	v12 =	vmovc v19  }
.Ltmp9:
0xed: {  	vm7 =	vgt.s32 v7, $0x3;
	vm1 =	vgt.s32 v5, $0x2;
	vm2 =	vgt.s32 v8, $0x0;
	v15 =	vld.idx.msk [tilespmem:v9+s3+$0x0], $0xffff;
	(pc) =	sbr.rel @p2 .LBB2_16-.Ltmp9, $4  }
0xee: {  	v7 =	vsel vm2, v1, v0;
	v9 =	vsel vm6, v2, v11;
	vm2 =	vgt.s32 v5, $0x3;
	v13 =	vld.idx.msk [tilespmem:v20+s3+$0x0], $0xffff  }
0xef: {  	v19 =	vsel vm3, v2, v7;
	v11 =	vsel vm5, v3, v9;
	vm3 =	vgt.s32 v5, $0x0;
	v16 =	vld.idx.msk [tilespmem:v6+s3+$0x0], $0xffff  }
0xf0: {  	v9 =	vmin.u32 v17, $0x4;
	v6 =	vmin.u32 v21, $0x4;
	v17 =	vsel vm7, v4, v11;
	v7 =	vld [tilespmem:s16+$0x250];
	[tilespmem:s9+$0x8210] =	vst v22  }
0xf1: {  	v11 =	vmin.u32 v18, $0x4;
	v18 =	vsel vm4, v3, v19;
	v19 =	vsel vm3, v1, v0;
	v5 =	vld [tilespmem:s16+$0x270];
	[tilespmem:s9+$0x8250] =	vst v17  }
0xf2: {  	v17 =	vmov v12  }
.LBB2_18:
0xf3: {  	v12 =	vld [tilespmem:s16+$0x230];
	[tilespmem:s9+$0x8220] =	vst @p1 v14  }
0xf4: {  	vm3 =	vgt.s32 @p1 v8, $0x3;
	[tilespmem:s9+$0x8260] =	vst @p1 v15  }
0xf5: {  	v8 =	vsel @p1 vm0, v2, v19;
	v10 =	vmin.u32 v10, $0x4;
	vm11 =	vgt.s32 v17, $0x3;
	[tilespmem:s9+$0x8240] =	vst @p1 v13  }
0xf6: {  	vm12 =	vgt.s32 v17, $0x0;
	v14 =	vsel @p1 vm3, v4, v18;
	v8 =	vsel @p1 vm1, v3, v8;
	[tilespmem:s9+$0x8200] =	vst @p1 v16  }
0xf7: {  	vm13 =	vgt.s32 v17, $0x1;
	vm5 =	vgt.s32 v17, $0x2;
	[tilespmem:s9+$0x8230] =	vst @p1 v14;
	v8 =	vsel @p1 vm2, v4, v8  }
0xf8: {  	v59 =	vsel vm12, v1, v0;
	vm14 =	vgt.s32 v7, $0x0;
	vm15 =	vgt.s32 v7, $0x2;
	[tilespmem:s9+$0x8270] =	vst @p1 v8  }
0xf9: {  	vm6 =	vgt.s32 v7, $0x1;
	v8 =	vsel vm13, v2, v59;
	v60 =	vsel vm14, v1, v0;
	v11 =	vld.idx.msk [tilespmem:v11+s3+$0x0], $0xffff  }
0xfa: {  	vm9 =	vgt.s32 v7, $0x3;
	v8 =	vsel vm5, v3, v8;
	v9 =	vld.idx.msk [tilespmem:v9+s3+$0x0], $0xffff;
	v13 =	vsel vm6, v2, v60  }
0xfb: {  	vm7 =	vgt.s32 v5, $0x1;
	v6 =	vld.idx.msk [tilespmem:v6+s3+$0x0], $0xffff;
	v8 =	vsel vm11, v4, v8;
	v7 =	vsel vm15, v3, v13  }
0xfc: {  	vm12 =	vgt.s32 v5, $0x0;
	vm14 =	vgt.s32 v5, $0x2;
	v10 =	vld.idx.msk [tilespmem:v10+s3+$0x0], $0xffff;
	v7 =	vsel vm9, v4, v7;
	[tilespmem:s16+$0x8210] =	vst v8  }
0xfd: {  	v63 =	vsel vm12, v1, v0;
	vm8 =	vgt.s32 v12, $0x0;
	vm10 =	vgt.s32 v12, $0x1;
	[tilespmem:s16+$0x8250] =	vst v7  }
0xfe: {  	vm11 =	vgt.s32 v12, $0x2;
	v61 =	vsel vm8, v1, v0;
	v8 =	vsel vm7, v2, v63;
	[tilespmem:s16+$0x8220] =	vst v11  }
0xff: {  	p1 =	sne.s32 s6, $0xF;
	vm15 =	vgt.s32 v5, $0x3;
	v62 =	vsel vm10, v2, v61;
	v5 =	vsel vm14, v3, v8;
	[tilespmem:s16+$0x8260] =	vst v9  }
.Ltmp10:
0x100: {  	vm13 =	vgt.s32 v12, $0x3;
	v7 =	vsel vm11, v3, v62;
	v5 =	vsel vm15, v4, v5;
	[tilespmem:s16+$0x8200] =	vst v6;
	(pc) =	sbr.rel @p1 .LBB2_20-.Ltmp10, $4  }
0x101: {  	v7 =	vsel vm13, v4, v7;
	[tilespmem:s16+$0x8270] =	vst v5  }
0x102: {  	s9 =	sor.u32 s4, s18;
	[tilespmem:s16+$0x8230] =	vst v7  }
0x103: {  	s2 =	sadd.s32 s14, s9;
	[tilespmem:s16+$0x8240] =	vst v10  }
0x104: {  	[hbm4b:s2+s19] =	stream.strided.scatter [tilespmem:s26], [sflag:$0x5], $0x2000, s20, s19, $0x38;
	[tilespmem:$0x10080] =	vst v63  }
.Ltmp11:
0x105: {  	(pc) =	sbr.rel .LBB2_21-.Ltmp11, $4  }
0x106: {  	_ = 	snop  }
0x107: {  	_ =	swait.ge [sflag:s28], $0x2000  }
0x108: {  	[sflag:s28] =	ssyncset.done $0x0  }
0x109: {  	[sflag:s28] =	ssyncadd.s32 $0xFFFFE000  }
.LBB2_20:
0x10a: {  	s2 =	rddreg [dreg:$0x9]  }
.Ltmp12:
0x10b: {  	s10 =	simm.s32 $0x80;
	s2 =	sadd.s32 s18, s2;
	(pc) =	sbr.rel @p0 .LBB2_22-.Ltmp12, $4  }
0x10c: {  	[tilespmem:s10], [sflag:$0x1] =	stream.strided.gather [hbm4b:s2+s19], $0x2000, s20, s19, $0x38;
	[tilespmem:$0x10080] =	vst v63  }
0x10d: {  	_ =	swait.ge [sflag:s28], $0x2000  }
0x10e: {  	[sflag:s28] =	ssyncset.done $0x0  }
0x10f: {  	[sflag:s28] =	ssyncadd.s32 $0xFFFFE000  }
.LBB2_21:
0x110: {  	_ =	swait.ge [sflag:s29], $0x2000  }
0x111: {  	[sflag:s29] =	ssyncset.done $0x0  }
0x112: {  	[sflag:s29] =	ssyncadd.s32 $0xFFFFE000  }
.LBB2_22:
0x113: {  	s21 =	simm.s32 $0x0  }
0x114: {  	v8 =	vld [tilespmem:s21+$0x20E0]  }
0x115: {  	v5 =	vld [tilespmem:s21+$0x20A0]  }
0x116: {  	v9 =	vld [tilespmem:s21+$0x2080]  }
0x117: {  	v10 =	vld [tilespmem:s21+$0x20C0]  }
0x118: {  	v7 =	vld [tilespmem:s21+$0x2090]  }
0x119: {  	v12 =	vld [tilespmem:s21+$0x20D0]  }
0x11a: {  	v6 =	vld [tilespmem:s21+$0x20B0]  }
0x11b: {  	s16 =	simm.s32 $0x200;
	v13 =	vld [tilespmem:s21+$0x20F0];
	v14 =	vmin.u32 v5, $0x4  }
0x11c: {  	v17 =	vld [tilespmem:s16+$0x20E0];
	v8 =	vmin.u32 v8, $0x4;
	v9 =	vmin.u32 v9, $0x4;
	v10 =	vmin.u32 v10, $0x4  }
0x11d: {  	v18 =	vld [tilespmem:s16+$0x20A0];
	vm1 =	vgt.s32 v7, $0x3;
	vm0 =	vgt.s32 v7, $0x0;
	vm2 =	vgt.s32 v7, $0x1  }
0x11e: {  	v19 =	vld [tilespmem:s16+$0x2080];
	vm3 =	vgt.s32 v12, $0x0;
	vm4 =	vgt.s32 v12, $0x2;
	v15 =	vsel vm0, v1, v0  }
0x11f: {  	v11 =	vld [tilespmem:s16+$0x20C0];
	vm5 =	vgt.s32 v6, $0x2;
	v15 =	vsel vm2, v2, v15;
	vm2 =	vgt.s32 v7, $0x2  }
0x120: {  	s22 =	simm.s32 $0x0;
	v5 =	vld [tilespmem:s16+$0x2090];
	vm6 =	vgt.s32 v6, $0x1;
	vm15 =	vgt.s32 v13, $0x0;
	v7 =	vsel vm2, v3, v15  }
0x121: {  	vm0 =	vgt.s32 v13, $0x1;
	vm2 =	vgt.s32 v12, $0x1;
	v7 =	vsel vm1, v4, v7;
	v14 =	vld.idx.msk [tilespmem:v14+s22+$0x0], $0xffff  }
0x122: {  	vm1 =	vgt.s32 v6, $0x0;
	v16 =	vld.idx.msk [tilespmem:v8+s22+$0x0], $0xffff;
	v8 =	vsel vm3, v1, v0;
	vm3 =	vgt.s32 v12, $0x3  }
0x123: {  	v10 =	vld.idx.msk [tilespmem:v10+s22+$0x0], $0xffff;
	v12 =	vsel vm1, v1, v0;
	vm1 =	vgt.s32 v13, $0x2;
	v8 =	vsel vm2, v2, v8  }
0x124: {  	v15 =	vld.idx.msk [tilespmem:v9+s22+$0x0], $0xffff;
	v20 =	vsel vm6, v2, v12;
	vm2 =	vgt.s32 v13, $0x3;
	v21 =	vsel vm4, v3, v8  }
0x125: {  	v9 =	vld [tilespmem:s16+$0x20D0];
	[tilespmem:s21+$0xA090] =	vst v7;
	v12 =	vmin.u32 v17, $0x4;
	v8 =	vmin.u32 v19, $0x4;
	v19 =	vsel vm3, v4, v21  }
0x126: {  	s10 =	simm.s32 $0x1000;
	s23 =	simm.s32 $0x200;
	s2 =	simm.s32 $0x0;
	v7 =	vld [tilespmem:s16+$0x20F0];
	v13 =	vmin.u32 v18, $0x4;
	v18 =	vsel vm15, v1, v0;
	v17 =	vsel vm5, v3, v20;
	[tilespmem:s21+$0xA0D0] =	vst v19  }
.LBB2_23:
0x127: {  	s12 =	sshra.s32 s10, $0x2;
	p2 =	sne.s32 s10, $0x7800;
	s10 =	sadd.s32 $0x800, s10;
	vm3 =	vgt.s32 v5, $0x3;
	vm4 =	vgt.s32 v6, $0x3;
	v6 =	vld [tilespmem:s23+$0x20B0];
	v18 =	vsel vm0, v2, v18;
	[tilespmem:s2+$0xA0A0] =	vst v14  }
0x128: {  	v20 =	vmin.u32 v11, $0x4;
	v19 =	vld [tilespmem:s12+$0x2090];
	v11 =	vsel vm4, v4, v17;
	v14 =	vsel vm1, v3, v18;
	[tilespmem:s2+$0xA0E0] =	vst v16  }
0x129: {  	vm0 =	vgt.s32 v5, $0x0;
	vm1 =	vgt.s32 v5, $0x1;
	v17 =	vld [tilespmem:s12+$0x20E0];
	v14 =	vsel vm2, v4, v14;
	[tilespmem:s2+$0xA0B0] =	vst v11  }
0x12a: {  	v11 =	vsel vm0, v1, v0;
	v18 =	vld [tilespmem:s12+$0x20A0];
	vm2 =	vgt.s32 v9, $0x0;
	vm5 =	vgt.s32 v9, $0x2;
	[tilespmem:s2+$0xA080] =	vst v15  }
0x12b: {  	v15 =	vsel vm1, v2, v11;
	vm1 =	vgt.s32 v5, $0x2;
	v21 =	vld [tilespmem:s12+$0x2080];
	vm0 =	vgt.s32 v7, $0x1;
	[tilespmem:s2+$0xA0F0] =	vst v14  }
0x12c: {  	vm6 =	vgt.s32 v9, $0x1;
	v15 =	vsel vm1, v3, v15;
	v11 =	vld [tilespmem:s12+$0x20C0];
	vm4 =	vgt.s32 v6, $0x2;
	[tilespmem:s2+$0xA0C0] =	vst v10;
	s2 =	smov.u32 s23;
	s23 =	smov.u32 s12  }
0x12d: {  	v22 =	vsel vm3, v4, v15;
	vm3 =	vgt.s32 v6, $0x1;
	v14 =	vld.idx.msk [tilespmem:v13+s22+$0x0], $0xffff;
	v13 =	vsel vm2, v1, v0;
	v5 =	vmovc v19  }
.Ltmp13:
0x12e: {  	vm7 =	vgt.s32 v9, $0x3;
	vm1 =	vgt.s32 v7, $0x2;
	vm2 =	vgt.s32 v6, $0x0;
	v16 =	vld.idx.msk [tilespmem:v12+s22+$0x0], $0xffff;
	(pc) =	sbr.rel @p2 .LBB2_23-.Ltmp13, $4  }
0x12f: {  	v9 =	vsel vm2, v1, v0;
	v12 =	vsel vm6, v2, v13;
	vm2 =	vgt.s32 v7, $0x3;
	v10 =	vld.idx.msk [tilespmem:v20+s22+$0x0], $0xffff  }
0x130: {  	v19 =	vsel vm3, v2, v9;
	v13 =	vsel vm5, v3, v12;
	vm3 =	vgt.s32 v7, $0x0;
	v15 =	vld.idx.msk [tilespmem:v8+s22+$0x0], $0xffff  }
0x131: {  	v12 =	vmin.u32 v17, $0x4;
	v8 =	vmin.u32 v21, $0x4;
	v20 =	vsel vm7, v4, v13;
	v9 =	vld [tilespmem:s23+$0x20D0];
	[tilespmem:s2+$0xA090] =	vst v22  }
0x132: {  	v13 =	vmin.u32 v18, $0x4;
	v17 =	vsel vm4, v3, v19;
	v18 =	vsel vm3, v1, v0;
	v7 =	vld [tilespmem:s23+$0x20F0];
	[tilespmem:s2+$0xA0D0] =	vst v20  }
0x133: {  	v19 =	vld [tilespmem:s23+$0x20B0];
	[tilespmem:s2+$0xA0A0] =	vst v14  }
0x134: {  	vm3 =	vgt.s32 v6, $0x3;
	v6 =	vsel vm0, v2, v18;
	[tilespmem:s2+$0xA0E0] =	vst v16  }
0x135: {  	v14 =	vsel vm3, v4, v17;
	v6 =	vsel vm1, v3, v6;
	[tilespmem:s2+$0xA0C0] =	vst v10  }
0x136: {  	v11 =	vmin.u32 v11, $0x4;
	vm1 =	vgt.s32 v5, $0x0;
	[tilespmem:s2+$0xA0B0] =	vst v14;
	v6 =	vsel vm2, v4, v6  }
0x137: {  	vm0 =	vgt.s32 v5, $0x3;
	vm2 =	vgt.s32 v5, $0x1;
	[tilespmem:s2+$0xA0F0] =	vst v6;
	v6 =	vsel vm1, v1, v0  }
0x138: {  	[tilespmem:s2+$0xA080] =	vst v15;
	vm1 =	vgt.s32 v9, $0x0;
	v6 =	vsel vm2, v2, v6;
	vm2 =	vgt.s32 v5, $0x2  }
0x139: {  	v5 =	vld.idx.msk [tilespmem:v13+s22+$0x0], $0xffff;
	v10 =	vsel vm1, v1, v0;
	v6 =	vsel vm2, v3, v6;
	vm2 =	vgt.s32 v9, $0x1  }
0x13a: {  	vm3 =	vgt.s32 v9, $0x2;
	v12 =	vld.idx.msk [tilespmem:v12+s22+$0x0], $0xffff;
	v10 =	vsel vm2, v2, v10  }
0x13b: {  	v8 =	vld.idx.msk [tilespmem:v8+s22+$0x0], $0xffff;
	v6 =	vsel vm0, v4, v6;
	vm2 =	vgt.s32 v9, $0x3;
	v9 =	vsel vm3, v3, v10  }
0x13c: {  	v11 =	vld.idx.msk [tilespmem:v11+s22+$0x0], $0xffff;
	vm0 =	vgt.s32 v19, $0x0;
	[tilespmem:s23+$0xA090] =	vst v6;
	v9 =	vsel vm2, v4, v9  }
0x13d: {  	vm3 =	vgt.s32 v19, $0x1;
	v10 =	vsel vm0, v1, v0;
	[tilespmem:s23+$0xA0D0] =	vst v9  }
0x13e: {  	vm0 =	vgt.s32 v19, $0x2;
	v6 =	vsel vm3, v2, v10;
	vm2 =	vgt.s32 v7, $0x0;
	[tilespmem:s23+$0xA0A0] =	vst v5  }
0x13f: {  	vm1 =	vgt.s32 v7, $0x1;
	v6 =	vsel vm0, v3, v6;
	v9 =	vsel vm2, v1, v0;
	[tilespmem:s23+$0xA0E0] =	vst v12  }
0x140: {  	vm0 =	vgt.s32 v19, $0x3;
	vm2 =	vgt.s32 v7, $0x2;
	[tilespmem:s23+$0xA080] =	vst v8;
	v5 =	vsel vm1, v2, v9  }
0x141: {  	v6 =	vsel vm0, v4, v6;
	vm0 =	vgt.s32 v7, $0x3;
	[tilespmem:s23+$0xA0C0] =	vst v11;
	v5 =	vsel vm2, v3, v5  }
0x142: {  	[tilespmem:s23+$0xA0B0] =	vst v6;
	v5 =	vsel vm0, v4, v5  }
0x143: {  	[tilespmem:s23+$0xA0F0] =	vst v5  }
0x144: {  	v5 =	vld [tilespmem:s21+$0x2130]  }
0x145: {  	v7 =	vld [tilespmem:s21+$0x2150]  }
0x146: {  	v6 =	vld [tilespmem:s21+$0x2140]  }
0x147: {  	v8 =	vld [tilespmem:s21+$0x2100]  }
0x148: {  	v9 =	vld [tilespmem:s21+$0x2110]  }
0x149: {  	v11 =	vld [tilespmem:s21+$0x2120]  }
0x14a: {  	v12 =	vld [tilespmem:s21+$0x2160]  }
0x14b: {  	vm0 =	vgt.s32 v5, $0x0;
	vm1 =	vgt.s32 v5, $0x1;
	v13 =	vmin.u32 v6, $0x4  }
0x14c: {  	vm2 =	vgt.s32 v5, $0x3;
	vm3 =	vgt.s32 v7, $0x3;
	v15 =	vmin.u32 v8, $0x4  }
0x14d: {  	v14 =	vld [tilespmem:s21+$0x2170];
	vm4 =	vgt.s32 v9, $0x3;
	vm5 =	vgt.s32 v7, $0x1;
	vm6 =	vgt.s32 v9, $0x0  }
0x14e: {  	v20 =	vld [tilespmem:s16+$0x2140];
	vm7 =	vgt.s32 v9, $0x1;
	v18 =	vmin.u32 v11, $0x4;
	vm14 =	vgt.s32 v9, $0x2  }
0x14f: {  	v6 =	vld [tilespmem:s16+$0x2130];
	v19 =	vmin.u32 v12, $0x4;
	v10 =	vsel vm0, v1, v0;
	vm0 =	vgt.s32 v7, $0x2  }
0x150: {  	v8 =	vld [tilespmem:s16+$0x2110];
	v17 =	vsel vm6, v1, v0;
	v10 =	vsel vm1, v2, v10;
	vm1 =	vgt.s32 v5, $0x2  }
0x151: {  	v5 =	vld [tilespmem:s16+$0x2150];
	v17 =	vsel vm7, v2, v17;
	v16 =	vsel vm1, v3, v10;
	vm1 =	vgt.s32 v7, $0x0  }
0x152: {  	v10 =	vld [tilespmem:s16+$0x2100];
	v9 =	vsel vm14, v3, v17;
	v11 =	vsel vm2, v4, v16;
	v12 =	vsel vm1, v1, v0  }
0x153: {  	s22 =	simm.s32 $0x0;
	v7 =	vld [tilespmem:s16+$0x2120];
	v21 =	vsel vm4, v4, v9;
	vm1 =	vgt.s32 v14, $0x0;
	vm2 =	vgt.s32 v14, $0x3  }
0x154: {  	v9 =	vsel vm5, v2, v12;
	v12 =	vld.idx.msk [tilespmem:v13+s22+$0x0], $0xffff;
	v22 =	vsel vm1, v1, v0;
	vm1 =	vgt.s32 v14, $0x2  }
0x155: {  	v16 =	vld.idx.msk [tilespmem:v18+s22+$0x0], $0xffff;
	vm15 =	vgt.s32 v6, $0x1;
	v13 =	vsel vm0, v3, v9;
	vm0 =	vgt.s32 v14, $0x1  }
0x156: {  	v9 =	vld.idx.msk [tilespmem:v15+s22+$0x0], $0xffff;
	v17 =	vsel vm3, v4, v13;
	vm3 =	vgt.s32 v6, $0x0;
	v13 =	vsel vm0, v2, v22  }
0x157: {  	v14 =	vld.idx.msk [tilespmem:v19+s22+$0x0], $0xffff;
	vm0 =	vgt.s32 v5, $0x2;
	v18 =	vsel vm3, v1, v0;
	v19 =	vsel vm1, v3, v13  }
0x158: {  	s2 =	simm.s32 $0x1000;
	v15 =	vld [tilespmem:s16+$0x2160];
	[tilespmem:s21+$0xA110] =	vst v21;
	v13 =	vmin.u32 v20, $0x4;
	v18 =	vsel vm15, v2, v18;
	v19 =	vsel vm2, v4, v19  }
.LBB2_25:
0x159: {  	s10 =	sshra.s32 s2, $0x2;
	p2 =	sne.s32 s2, $0x7800;
	s2 =	sadd.s32 $0x800, s2;
	v20 =	vld [tilespmem:s16+$0x2170];
	vm2 =	vgt.s32 v6, $0x2;
	vm3 =	vgt.s32 v6, $0x3;
	vm1 =	vgt.s32 v5, $0x3;
	[tilespmem:s21+$0xA130] =	vst v11  }
0x15a: {  	v22 =	vmin.u32 v10, $0x4;
	vm4 =	vgt.s32 v8, $0x3;
	vm5 =	vgt.s32 v5, $0x1;
	v21 =	vld [tilespmem:s10+$0x2150];
	[tilespmem:s21+$0xA150] =	vst v17  }
0x15b: {  	vm6 =	vgt.s32 v8, $0x0;
	vm7 =	vgt.s32 v8, $0x1;
	v10 =	vsel vm2, v3, v18;
	v6 =	vld [tilespmem:s10+$0x2130];
	[tilespmem:s21+$0xA170] =	vst v19  }
0x15c: {  	v17 =	vsel vm6, v1, v0;
	vm2 =	vgt.s32 v5, $0x0;
	v11 =	vsel vm3, v4, v10;
	v18 =	vld [tilespmem:s10+$0x2110];
	[tilespmem:s21+$0xA120] =	vst v16  }
0x15d: {  	v17 =	vsel vm7, v2, v17;
	vm3 =	vgt.s32 v8, $0x2;
	v16 =	vmin.u32 v7, $0x4;
	v10 =	vld [tilespmem:s10+$0x2100];
	[tilespmem:s21+$0xA140] =	vst v12  }
0x15e: {  	v8 =	vsel vm2, v1, v0;
	v12 =	vsel vm3, v3, v17;
	v15 =	vmin.u32 v15, $0x4;
	v7 =	vld [tilespmem:s10+$0x2120];
	[tilespmem:s21+$0xA160] =	vst v14  }
0x15f: {  	v24 =	vsel vm5, v2, v8;
	v23 =	vsel vm4, v4, v12;
	vm2 =	vgt.s32 v20, $0x0;
	v19 =	vld [tilespmem:s10+$0x2140];
	[tilespmem:s21+$0xA100] =	vst v9;
	v5 =	vmovc v21;
	s21 =	smov.u32 s16;
	s16 =	smov.u32 s10  }
.Ltmp14:
0x160: {  	v14 =	vsel vm0, v3, v24;
	v12 =	vld.idx.msk [tilespmem:v13+s22+$0x0], $0xffff;
	v13 =	vsel vm2, v1, v0;
	vm2 =	vgt.s32 v20, $0x2;
	(pc) =	sbr.rel @p2 .LBB2_25-.Ltmp14, $4  }
0x161: {  	vm0 =	vgt.s32 v20, $0x1;
	v17 =	vsel vm1, v4, v14;
	vm1 =	vgt.s32 v20, $0x3;
	v9 =	vld.idx.msk [tilespmem:v22+s22+$0x0], $0xffff;
	v8 =	vmovc v18  }
0x162: {  	vm3 =	vgt.s32 v6, $0x0;
	vm4 =	vgt.s32 v6, $0x1;
	v13 =	vsel vm0, v2, v13;
	v16 =	vld.idx.msk [tilespmem:v16+s22+$0x0], $0xffff  }
0x163: {  	v18 =	vsel vm3, v1, v0;
	vm0 =	vgt.s32 v5, $0x2;
	v20 =	vsel vm2, v3, v13;
	v14 =	vld.idx.msk [tilespmem:v15+s22+$0x0], $0xffff  }
0x164: {  	v18 =	vsel vm4, v2, v18;
	v15 =	vld [tilespmem:s16+$0x2160];
	v13 =	vmin.u32 v19, $0x4;
	v19 =	vsel vm1, v4, v20;
	[tilespmem:s21+$0xA110] =	vst v23  }
0x165: {  	v20 =	vld [tilespmem:s16+$0x2170];
	[tilespmem:s21+$0xA130] =	vst v11  }
0x166: {  	[tilespmem:s21+$0xA150] =	vst v17  }
0x167: {  	[tilespmem:s21+$0xA170] =	vst v19  }
0x168: {  	v10 =	vmin.u32 v10, $0x4;
	[tilespmem:s21+$0xA140] =	vst v12  }
0x169: {  	vm1 =	vgt.s32 v6, $0x2;
	vm2 =	vgt.s32 v6, $0x3;
	v6 =	vmin.u32 v7, $0x4;
	[tilespmem:s21+$0xA100] =	vst v9  }
0x16a: {  	vm5 =	vgt.s32 v8, $0x0;
	[tilespmem:s21+$0xA120] =	vst v16;
	v7 =	vmin.u32 v15, $0x4  }
0x16b: {  	vm3 =	vgt.s32 v5, $0x3;
	vm7 =	vgt.s32 v8, $0x1;
	s22 =	simm.s32 $0x0;
	v11 =	vsel vm5, v1, v0;
	[tilespmem:s21+$0xA160] =	vst v14  }
0x16c: {  	vm4 =	vgt.s32 v8, $0x3;
	vm10 =	vgt.s32 v8, $0x2;
	v11 =	vsel vm7, v2, v11;
	v8 =	vld.idx.msk [tilespmem:v13+s22+$0x0], $0xffff  }
0x16d: {  	vm6 =	vgt.s32 v5, $0x1;
	vm11 =	vgt.s32 v5, $0x0;
	v5 =	vsel vm10, v3, v11;
	v10 =	vld.idx.msk [tilespmem:v10+s22+$0x0], $0xffff  }
0x16e: {  	v9 =	vsel vm1, v3, v18;
	v11 =	vsel vm11, v1, v0;
	v5 =	vsel vm4, v4, v5;
	v6 =	vld.idx.msk [tilespmem:v6+s22+$0x0], $0xffff  }
0x16f: {  	v9 =	vsel vm2, v4, v9;
	v11 =	vsel vm6, v2, v11;
	v7 =	vld.idx.msk [tilespmem:v7+s22+$0x0], $0xffff;
	[tilespmem:s16+$0xA110] =	vst v5  }
0x170: {  	vm12 =	vgt.s32 v20, $0x0;
	v11 =	vsel vm0, v3, v11;
	[tilespmem:s16+$0xA130] =	vst v9  }
0x171: {  	vm13 =	vgt.s32 v20, $0x1;
	v63 =	vsel vm12, v1, v0;
	v5 =	vsel vm3, v4, v11;
	[tilespmem:s16+$0xA140] =	vst v8  }
0x172: {  	vm14 =	vgt.s32 v20, $0x2;
	v12 =	vsel vm13, v2, v63;
	[tilespmem:s16+$0xA150] =	vst v5  }
0x173: {  	vm15 =	vgt.s32 v20, $0x3;
	v11 =	vsel vm14, v3, v12;
	[tilespmem:s16+$0xA120] =	vst v6  }
0x174: {  	v9 =	vsel vm15, v4, v11;
	[tilespmem:s16+$0xA100] =	vst v10  }
0x175: {  	[tilespmem:s16+$0xA170] =	vst v9  }
0x176: {  	[tilespmem:s16+$0xA160] =	vst v7;
	s16 =	simm.s32 $0x0  }
0x177: {  	v5 =	vld [tilespmem:s16+$0x21E0]  }
0x178: {  	v9 =	vld [tilespmem:s16+$0x21A0]  }
0x179: {  	p3 =	por $0x1, $0x1;
	v6 =	vld [tilespmem:s16+$0x2180]  }
.Ltmp15:
0x17a: {  	_ = 	snop;
	(pc) =	sbr.rel @!p3 .LBB2_27-.Ltmp15, $4  }
0x17b: {  	v17 =	vld [tilespmem:s16+$0x2190]  }
0x17c: {  	v10 =	vld [tilespmem:s16+$0x21C0]  }
0x17d: {  	v7 =	vld [tilespmem:s16+$0x21D0]  }
0x17e: {  	p2 =	por $0x0, $0x0;
	v6 =	vmin.u32 v6, $0x4;
	v8 =	vmin.u32 v5, $0x4;
	v5 =	vld [tilespmem:s16+$0x21F0];
	v11 =	vmin.u32 v9, $0x4  }
0x17f: {  	_ =	sdelay $0x2  }
0x180: {  	v9 =	vld [tilespmem:s16+$0x21B0]  }
0x181: {  	s21 =	simm.s32 $0x200;
	v16 =	vld.idx.msk [tilespmem:v6+s22+$0x0], $0xffff;
	vm1 =	vgt.s32 v17, $0x3  }
0x182: {  	v18 =	vld [tilespmem:s21+$0x21E0];
	vm0 =	vgt.s32 v17, $0x0;
	vm2 =	vgt.s32 v17, $0x1;
	v12 =	vmin.u32 v10, $0x4  }
0x183: {  	v19 =	vld [tilespmem:s21+$0x21A0];
	v14 =	vsel vm0, v1, v0;
	vm3 =	vgt.s32 v7, $0x0;
	vm4 =	vgt.s32 v7, $0x2  }
0x184: {  	v20 =	vld [tilespmem:s21+$0x2180];
	v15 =	vsel vm2, v2, v14;
	vm2 =	vgt.s32 v17, $0x2;
	vm0 =	vgt.s32 v5, $0x1  }
0x185: {  	v14 =	vld.idx.msk [tilespmem:v11+s22+$0x0], $0xffff;
	v11 =	vsel vm2, v3, v15;
	vm2 =	vgt.s32 v7, $0x1;
	vm15 =	vgt.s32 v5, $0x0  }
0x186: {  	p5 =	por $0x1, $0x1;
	v15 =	vld.idx.msk [tilespmem:v8+s22+$0x0], $0xffff;
	vm5 =	vgt.s32 v9, $0x2;
	v8 =	vsel vm1, v4, v11;
	vm6 =	vgt.s32 v9, $0x1  }
.Ltmp16:
0x187: {  	v13 =	vld [tilespmem:s21+$0x2190];
	vm1 =	vgt.s32 v9, $0x0;
	v11 =	vsel vm3, v1, v0;
	vm3 =	vgt.s32 v7, $0x3;
	(pc) =	sbr.rel @!p5 .LBB2_29-.Ltmp16, $4  }
0x188: {  	v10 =	vld [tilespmem:s21+$0x21C0];
	v7 =	vsel vm1, v1, v0;
	vm1 =	vgt.s32 v5, $0x2;
	v6 =	vsel vm2, v2, v11  }
0x189: {  	vm2 =	vgt.s32 v5, $0x3;
	v12 =	vld.idx.msk [tilespmem:v12+s22+$0x0], $0xffff;
	v17 =	vsel vm6, v2, v7;
	v11 =	vsel vm4, v3, v6  }
0x18a: {  	v7 =	vld [tilespmem:s21+$0x21D0];
	[tilespmem:s16+$0xA190] =	vst v8;
	v6 =	vmin.u32 v20, $0x4;
	v8 =	vmin.u32 v18, $0x4;
	v20 =	vsel vm3, v4, v11  }
0x18b: {  	s2 =	simm.s32 $0x1000;
	p4 =	por $0x1, $0x1;
	s23 =	simm.s32 $0x0;
	v5 =	vld [tilespmem:s21+$0x21F0];
	v11 =	vmin.u32 v19, $0x4;
	v18 =	vsel vm5, v3, v17;
	v19 =	vsel vm15, v1, v0;
	[tilespmem:s16+$0xA1D0] =	vst v20  }
.LBB2_30:
0x18c: {  	s10 =	sshra.s32 s2, $0x2;
	p5 =	sne.s32 s2, $0x7800;
	s2 =	sadd.s32 $0x800, s2;
	vm3 =	vgt.s32 v13, $0x3;
	vm4 =	vgt.s32 v9, $0x3;
	v9 =	vld [tilespmem:s21+$0x21B0];
	v17 =	vsel vm0, v2, v19;
	[tilespmem:s23+$0xA1A0] =	vst v14  }
0x18d: {  	v20 =	vmin.u32 v10, $0x4;
	v19 =	vld [tilespmem:s10+$0x2190];
	v10 =	vsel vm4, v4, v18;
	v14 =	vsel vm1, v3, v17;
	[tilespmem:s23+$0xA1E0] =	vst v15  }
0x18e: {  	vm0 =	vgt.s32 v13, $0x0;
	vm1 =	vgt.s32 v13, $0x1;
	v17 =	vld [tilespmem:s10+$0x21E0];
	v14 =	vsel vm2, v4, v14;
	[tilespmem:s23+$0xA1B0] =	vst v10  }
0x18f: {  	v10 =	vsel vm0, v1, v0;
	v18 =	vld [tilespmem:s10+$0x21A0];
	vm2 =	vgt.s32 v7, $0x0;
	vm5 =	vgt.s32 v7, $0x2;
	[tilespmem:s23+$0xA180] =	vst v16  }
0x190: {  	v15 =	vsel vm1, v2, v10;
	vm1 =	vgt.s32 v13, $0x2;
	v21 =	vld [tilespmem:s10+$0x2180];
	vm0 =	vgt.s32 v5, $0x1;
	[tilespmem:s23+$0xA1F0] =	vst v14  }
0x191: {  	vm6 =	vgt.s32 v7, $0x1;
	v15 =	vsel vm1, v3, v15;
	v10 =	vld [tilespmem:s10+$0x21C0];
	vm4 =	vgt.s32 v9, $0x2;
	[tilespmem:s23+$0xA1C0] =	vst v12;
	s23 =	smov.u32 s21;
	s21 =	smov.u32 s10  }
0x192: {  	v22 =	vsel vm3, v4, v15;
	vm3 =	vgt.s32 v9, $0x1;
	v14 =	vld.idx.msk [tilespmem:v11+s22+$0x0], $0xffff;
	v11 =	vsel vm2, v1, v0;
	v13 =	vmovc v19  }
.Ltmp17:
0x193: {  	vm7 =	vgt.s32 v7, $0x3;
	vm1 =	vgt.s32 v5, $0x2;
	vm2 =	vgt.s32 v9, $0x0;
	v15 =	vld.idx.msk [tilespmem:v8+s22+$0x0], $0xffff;
	(pc) =	sbr.rel @p5 .LBB2_30-.Ltmp17, $4  }
0x194: {  	v7 =	vsel vm2, v1, v0;
	v8 =	vsel vm6, v2, v11;
	vm2 =	vgt.s32 v5, $0x3;
	v12 =	vld.idx.msk [tilespmem:v20+s22+$0x0], $0xffff  }
0x195: {  	v19 =	vsel vm3, v2, v7;
	v11 =	vsel vm5, v3, v8;
	vm3 =	vgt.s32 v5, $0x0;
	v16 =	vld.idx.msk [tilespmem:v6+s22+$0x0], $0xffff  }
0x196: {  	v8 =	vmin.u32 v17, $0x4;
	v6 =	vmin.u32 v21, $0x4;
	v17 =	vsel vm7, v4, v11;
	v7 =	vld [tilespmem:s21+$0x21D0];
	[tilespmem:s23+$0xA190] =	vst v22  }
0x197: {  	v11 =	vmin.u32 v18, $0x4;
	v18 =	vsel vm4, v3, v19;
	v19 =	vsel vm3, v1, v0;
	v5 =	vld [tilespmem:s21+$0x21F0];
	[tilespmem:s23+$0xA1D0] =	vst v17  }
0x198: {  	v17 =	vmov v13  }
.LBB2_32:
0x199: {  	v13 =	vld [tilespmem:s21+$0x21B0];
	[tilespmem:s23+$0xA1A0] =	vst @p4 v14  }
0x19a: {  	[tilespmem:s23+$0xA1E0] =	vst @p4 v15  }
0x19b: {  	vm3 =	vgt.s32 @p4 v9, $0x3;
	v9 =	vsel @p4 vm0, v2, v19;
	v10 =	vmin.u32 v10, $0x4;
	[tilespmem:s23+$0xA1C0] =	vst @p4 v12  }
0x19c: {  	vm11 =	vgt.s32 v17, $0x3;
	v14 =	vsel @p4 vm3, v4, v18;
	v9 =	vsel @p4 vm1, v3, v9;
	[tilespmem:s23+$0xA180] =	vst @p4 v16  }
0x19d: {  	vm12 =	vgt.s32 v17, $0x0;
	vm13 =	vgt.s32 v17, $0x1;
	[tilespmem:s23+$0xA1B0] =	vst @p4 v14;
	v9 =	vsel @p4 vm2, v4, v9  }
0x19e: {  	vm5 =	vgt.s32 v17, $0x2;
	vm14 =	vgt.s32 v7, $0x0;
	[tilespmem:s23+$0xA1F0] =	vst @p4 v9;
	v9 =	vsel vm12, v1, v0  }
0x19f: {  	vm6 =	vgt.s32 v7, $0x1;
	v62 =	vsel vm14, v1, v0;
	v9 =	vsel vm13, v2, v9;
	v11 =	vld.idx.msk [tilespmem:v11+s22+$0x0], $0xffff  }
0x1a0: {  	vm15 =	vgt.s32 v7, $0x2;
	v8 =	vld.idx.msk [tilespmem:v8+s22+$0x0], $0xffff;
	v12 =	vsel vm6, v2, v62;
	v9 =	vsel vm5, v3, v9  }
0x1a1: {  	vm9 =	vgt.s32 v7, $0x3;
	v6 =	vld.idx.msk [tilespmem:v6+s22+$0x0], $0xffff;
	v7 =	vsel vm15, v3, v12;
	v9 =	vsel vm11, v4, v9  }
0x1a2: {  	v10 =	vld.idx.msk [tilespmem:v10+s22+$0x0], $0xffff;
	vm8 =	vgt.s32 v13, $0x0;
	v7 =	vsel vm9, v4, v7;
	[tilespmem:s21+$0xA190] =	vst v9  }
0x1a3: {  	vm7 =	vgt.s32 v5, $0x1;
	vm10 =	vgt.s32 v13, $0x1;
	v63 =	vsel vm8, v1, v0;
	[tilespmem:s21+$0xA1D0] =	vst v7  }
0x1a4: {  	vm12 =	vgt.s32 v5, $0x0;
	vm11 =	vgt.s32 v13, $0x2;
	v9 =	vsel vm10, v2, v63;
	[tilespmem:s21+$0xA1A0] =	vst v11  }
0x1a5: {  	vm13 =	vgt.s32 v13, $0x3;
	v7 =	vsel vm11, v3, v9;
	v9 =	vsel vm12, v1, v0;
	[tilespmem:s21+$0xA1E0] =	vst v8  }
0x1a6: {  	vm14 =	vgt.s32 v5, $0x2;
	v9 =	vsel vm7, v2, v9;
	v7 =	vsel vm13, v4, v7;
	[tilespmem:s21+$0xA180] =	vst v6  }
0x1a7: {  	vm15 =	vgt.s32 v5, $0x3;
	v5 =	vsel vm14, v3, v9;
	[tilespmem:s21+$0xA1B0] =	vst v7  }
0x1a8: {  	[tilespmem:s21+$0xA1C0] =	vst v10;
	v5 =	vsel vm15, v4, v5  }
0x1a9: {  	[tilespmem:s21+$0xA1F0] =	vst v5  }
0x1aa: {  	v5 =	vld [tilespmem:s16+$0x2260]  }
0x1ab: {  	v8 =	vld [tilespmem:s16+$0x2220]  }
0x1ac: {  	v6 =	vld [tilespmem:s16+$0x2200]  }
.Ltmp18:
0x1ad: {  	_ = 	snop;
	(pc) =	sbr.rel @!p3 .LBB2_33-.Ltmp18, $4  }
0x1ae: {  	v17 =	vld [tilespmem:s16+$0x2210]  }
0x1af: {  	v10 =	vld [tilespmem:s16+$0x2240]  }
0x1b0: {  	v7 =	vld [tilespmem:s16+$0x2250]  }
0x1b1: {  	v6 =	vmin.u32 v6, $0x4;
	v9 =	vmin.u32 v5, $0x4;
	v5 =	vld [tilespmem:s16+$0x2270];
	v11 =	vmin.u32 v8, $0x4  }
0x1b2: {  	_ =	sdelay $0x2  }
0x1b3: {  	v8 =	vld [tilespmem:s16+$0x2230]  }
0x1b4: {  	s21 =	simm.s32 $0x200;
	v16 =	vld.idx.msk [tilespmem:v6+s3+$0x0], $0xffff;
	vm1 =	vgt.s32 v17, $0x3  }
0x1b5: {  	v18 =	vld [tilespmem:s21+$0x2260];
	vm0 =	vgt.s32 v17, $0x0;
	vm2 =	vgt.s32 v17, $0x1;
	v13 =	vmin.u32 v10, $0x4  }
0x1b6: {  	v19 =	vld [tilespmem:s21+$0x2220];
	v14 =	vsel vm0, v1, v0;
	vm3 =	vgt.s32 v7, $0x0;
	vm4 =	vgt.s32 v7, $0x2  }
0x1b7: {  	v20 =	vld [tilespmem:s21+$0x2200];
	v15 =	vsel vm2, v2, v14;
	vm2 =	vgt.s32 v17, $0x2;
	vm0 =	vgt.s32 v5, $0x1  }
0x1b8: {  	v14 =	vld.idx.msk [tilespmem:v11+s3+$0x0], $0xffff;
	v11 =	vsel vm2, v3, v15;
	vm2 =	vgt.s32 v7, $0x1;
	vm15 =	vgt.s32 v5, $0x0  }
0x1b9: {  	p3 =	por $0x1, $0x1;
	v15 =	vld.idx.msk [tilespmem:v9+s3+$0x0], $0xffff;
	vm5 =	vgt.s32 v8, $0x2;
	v9 =	vsel vm1, v4, v11;
	vm6 =	vgt.s32 v8, $0x1  }
.Ltmp19:
0x1ba: {  	v12 =	vld [tilespmem:s21+$0x2210];
	vm1 =	vgt.s32 v8, $0x0;
	v11 =	vsel vm3, v1, v0;
	vm3 =	vgt.s32 v7, $0x3;
	(pc) =	sbr.rel @!p3 .LBB2_35-.Ltmp19, $4  }
0x1bb: {  	v10 =	vld [tilespmem:s21+$0x2240];
	v7 =	vsel vm1, v1, v0;
	vm1 =	vgt.s32 v5, $0x2;
	v6 =	vsel vm2, v2, v11  }
0x1bc: {  	vm2 =	vgt.s32 v5, $0x3;
	v13 =	vld.idx.msk [tilespmem:v13+s3+$0x0], $0xffff;
	v17 =	vsel vm6, v2, v7;
	v11 =	vsel vm4, v3, v6  }
0x1bd: {  	v7 =	vld [tilespmem:s21+$0x2250];
	[tilespmem:s16+$0xA210] =	vst v9;
	v6 =	vmin.u32 v20, $0x4;
	v9 =	vmin.u32 v18, $0x4;
	v20 =	vsel vm3, v4, v11  }
0x1be: {  	s2 =	simm.s32 $0x1000;
	p2 =	por $0x1, $0x1;
	v5 =	vld [tilespmem:s21+$0x2270];
	v11 =	vmin.u32 v19, $0x4;
	v18 =	vsel vm5, v3, v17;
	v19 =	vsel vm15, v1, v0;
	[tilespmem:s16+$0xA250] =	vst v20  }
.LBB2_36:
0x1bf: {  	s10 =	sshra.s32 s2, $0x2;
	p3 =	sne.s32 s2, $0x7800;
	s2 =	sadd.s32 $0x800, s2;
	vm3 =	vgt.s32 v12, $0x3;
	vm4 =	vgt.s32 v8, $0x3;
	v8 =	vld [tilespmem:s21+$0x2230];
	v17 =	vsel vm0, v2, v19;
	[tilespmem:s16+$0xA220] =	vst v14  }
0x1c0: {  	v20 =	vmin.u32 v10, $0x4;
	v19 =	vld [tilespmem:s10+$0x2210];
	v10 =	vsel vm4, v4, v18;
	v14 =	vsel vm1, v3, v17;
	[tilespmem:s16+$0xA260] =	vst v15  }
0x1c1: {  	vm0 =	vgt.s32 v12, $0x0;
	vm1 =	vgt.s32 v12, $0x1;
	v17 =	vld [tilespmem:s10+$0x2260];
	v14 =	vsel vm2, v4, v14;
	[tilespmem:s16+$0xA230] =	vst v10  }
0x1c2: {  	v10 =	vsel vm0, v1, v0;
	v18 =	vld [tilespmem:s10+$0x2220];
	vm2 =	vgt.s32 v7, $0x0;
	vm5 =	vgt.s32 v7, $0x2;
	[tilespmem:s16+$0xA200] =	vst v16  }
0x1c3: {  	v15 =	vsel vm1, v2, v10;
	vm1 =	vgt.s32 v12, $0x2;
	v21 =	vld [tilespmem:s10+$0x2200];
	vm0 =	vgt.s32 v5, $0x1;
	[tilespmem:s16+$0xA270] =	vst v14  }
0x1c4: {  	vm6 =	vgt.s32 v7, $0x1;
	v15 =	vsel vm1, v3, v15;
	v10 =	vld [tilespmem:s10+$0x2240];
	vm4 =	vgt.s32 v8, $0x2;
	[tilespmem:s16+$0xA240] =	vst v13;
	s16 =	smov.u32 s21;
	s21 =	smov.u32 s10  }
0x1c5: {  	v22 =	vsel vm3, v4, v15;
	vm3 =	vgt.s32 v8, $0x1;
	v14 =	vld.idx.msk [tilespmem:v11+s3+$0x0], $0xffff;
	v11 =	vsel vm2, v1, v0;
	v12 =	vmovc v19  }
.Ltmp20:
0x1c6: {  	vm7 =	vgt.s32 v7, $0x3;
	vm1 =	vgt.s32 v5, $0x2;
	vm2 =	vgt.s32 v8, $0x0;
	v15 =	vld.idx.msk [tilespmem:v9+s3+$0x0], $0xffff;
	(pc) =	sbr.rel @p3 .LBB2_36-.Ltmp20, $4  }
0x1c7: {  	v7 =	vsel vm2, v1, v0;
	v9 =	vsel vm6, v2, v11;
	vm2 =	vgt.s32 v5, $0x3;
	v13 =	vld.idx.msk [tilespmem:v20+s3+$0x0], $0xffff  }
0x1c8: {  	v19 =	vsel vm3, v2, v7;
	v11 =	vsel vm5, v3, v9;
	vm3 =	vgt.s32 v5, $0x0;
	v16 =	vld.idx.msk [tilespmem:v6+s3+$0x0], $0xffff  }
0x1c9: {  	v9 =	vmin.u32 v17, $0x4;
	v6 =	vmin.u32 v21, $0x4;
	v17 =	vsel vm7, v4, v11;
	v7 =	vld [tilespmem:s21+$0x2250];
	[tilespmem:s16+$0xA210] =	vst v22  }
0x1ca: {  	v11 =	vmin.u32 v18, $0x4;
	v18 =	vsel vm4, v3, v19;
	v19 =	vsel vm3, v1, v0;
	v5 =	vld [tilespmem:s21+$0x2270];
	[tilespmem:s16+$0xA250] =	vst v17  }
0x1cb: {  	v17 =	vmov v12  }
.LBB2_38:
0x1cc: {  	v12 =	vld [tilespmem:s21+$0x2230];
	[tilespmem:s16+$0xA220] =	vst @p2 v14  }
0x1cd: {  	vm3 =	vgt.s32 @p2 v8, $0x3;
	[tilespmem:s16+$0xA260] =	vst @p2 v15  }
0x1ce: {  	v8 =	vsel @p2 vm0, v2, v19;
	v10 =	vmin.u32 v10, $0x4;
	vm11 =	vgt.s32 v17, $0x3;
	[tilespmem:s16+$0xA240] =	vst @p2 v13  }
0x1cf: {  	vm12 =	vgt.s32 v17, $0x0;
	v14 =	vsel @p2 vm3, v4, v18;
	v8 =	vsel @p2 vm1, v3, v8;
	[tilespmem:s16+$0xA200] =	vst @p2 v16  }
0x1d0: {  	vm13 =	vgt.s32 v17, $0x1;
	vm5 =	vgt.s32 v17, $0x2;
	[tilespmem:s16+$0xA230] =	vst @p2 v14;
	v8 =	vsel @p2 vm2, v4, v8  }
0x1d1: {  	v59 =	vsel vm12, v1, v0;
	vm14 =	vgt.s32 v7, $0x0;
	vm15 =	vgt.s32 v7, $0x2;
	[tilespmem:s16+$0xA270] =	vst @p2 v8  }
0x1d2: {  	vm6 =	vgt.s32 v7, $0x1;
	v8 =	vsel vm13, v2, v59;
	v60 =	vsel vm14, v1, v0;
	v11 =	vld.idx.msk [tilespmem:v11+s3+$0x0], $0xffff  }
0x1d3: {  	vm9 =	vgt.s32 v7, $0x3;
	v8 =	vsel vm5, v3, v8;
	v9 =	vld.idx.msk [tilespmem:v9+s3+$0x0], $0xffff;
	v13 =	vsel vm6, v2, v60  }
0x1d4: {  	vm7 =	vgt.s32 v5, $0x1;
	v6 =	vld.idx.msk [tilespmem:v6+s3+$0x0], $0xffff;
	v8 =	vsel vm11, v4, v8;
	v7 =	vsel vm15, v3, v13  }
0x1d5: {  	vm12 =	vgt.s32 v5, $0x0;
	vm14 =	vgt.s32 v5, $0x2;
	v10 =	vld.idx.msk [tilespmem:v10+s3+$0x0], $0xffff;
	v7 =	vsel vm9, v4, v7;
	[tilespmem:s21+$0xA210] =	vst v8  }
0x1d6: {  	v63 =	vsel vm12, v1, v0;
	vm8 =	vgt.s32 v12, $0x0;
	vm10 =	vgt.s32 v12, $0x1;
	[tilespmem:s21+$0xA250] =	vst v7  }
0x1d7: {  	vm11 =	vgt.s32 v12, $0x2;
	v61 =	vsel vm8, v1, v0;
	v8 =	vsel vm7, v2, v63;
	[tilespmem:s21+$0xA220] =	vst v11  }
0x1d8: {  	vm15 =	vgt.s32 v5, $0x3;
	v62 =	vsel vm10, v2, v61;
	v5 =	vsel vm14, v3, v8;
	[tilespmem:s21+$0xA260] =	vst v9  }
.Ltmp21:
0x1d9: {  	vm13 =	vgt.s32 v12, $0x3;
	v7 =	vsel vm11, v3, v62;
	v5 =	vsel vm15, v4, v5;
	[tilespmem:s21+$0xA200] =	vst v6;
	(pc) =	sbr.rel @p1 .LBB2_40-.Ltmp21, $4  }
0x1da: {  	v7 =	vsel vm13, v4, v7;
	[tilespmem:s21+$0xA270] =	vst v5  }
0x1db: {  	[tilespmem:s21+$0xA230] =	vst v7  }
0x1dc: {  	s2 =	sadd.s32 s9, s11;
	[tilespmem:s21+$0xA240] =	vst v10  }
0x1dd: {  	[hbm4b:s2+s19] =	stream.strided.scatter [tilespmem:s30], [sflag:$0x6], $0x2000, s20, s19, $0x38;
	[tilespmem:$0x10080] =	vst v63  }
.Ltmp22:
0x1de: {  	(pc) =	sbr.rel .LBB2_41-.Ltmp22, $4  }
0x1df: {  	_ = 	snop  }
0x1e0: {  	_ =	swait.ge [sflag:s31], $0x2000  }
0x1e1: {  	[sflag:s31] =	ssyncset.done $0x0  }
0x1e2: {  	[sflag:s31] =	ssyncadd.s32 $0xFFFFE000  }
.LBB2_40:
0x1e3: {  	s2 =	rddreg [dreg:$0xa]  }
.Ltmp23:
0x1e4: {  	s10 =	simm.s32 $0x2080;
	s2 =	sadd.s32 s18, s2;
	(pc) =	sbr.rel @p0 .LBB2_42-.Ltmp23, $4  }
0x1e5: {  	[tilespmem:s10], [sflag:$0x2] =	stream.strided.gather [hbm4b:s2+s19], $0x2000, s20, s19, $0x38;
	[tilespmem:$0x10080] =	vst v63  }
0x1e6: {  	_ =	swait.ge [sflag:s31], $0x2000  }
0x1e7: {  	[sflag:s31] =	ssyncset.done $0x0  }
0x1e8: {  	[sflag:s31] =	ssyncadd.s32 $0xFFFFE000  }
.LBB2_41:
0x1e9: {  	_ =	swait.ge [sflag:s0], $0x2000  }
0x1ea: {  	[sflag:s0] =	ssyncset.done $0x0  }
0x1eb: {  	[sflag:s0] =	ssyncadd.s32 $0xFFFFE000  }
.LBB2_42:
0x1ec: {  	s21 =	simm.s32 $0x0  }
0x1ed: {  	v8 =	vld [tilespmem:s21+$0x40E0]  }
0x1ee: {  	v5 =	vld [tilespmem:s21+$0x40A0]  }
0x1ef: {  	v9 =	vld [tilespmem:s21+$0x4080]  }
0x1f0: {  	v10 =	vld [tilespmem:s21+$0x40C0]  }
0x1f1: {  	v7 =	vld [tilespmem:s21+$0x4090]  }
0x1f2: {  	v12 =	vld [tilespmem:s21+$0x40D0]  }
0x1f3: {  	v6 =	vld [tilespmem:s21+$0x40B0]  }
0x1f4: {  	s16 =	simm.s32 $0x200;
	v13 =	vld [tilespmem:s21+$0x40F0];
	v14 =	vmin.u32 v5, $0x4  }
0x1f5: {  	v17 =	vld [tilespmem:s16+$0x40E0];
	v8 =	vmin.u32 v8, $0x4;
	v9 =	vmin.u32 v9, $0x4;
	v10 =	vmin.u32 v10, $0x4  }
0x1f6: {  	v18 =	vld [tilespmem:s16+$0x40A0];
	vm1 =	vgt.s32 v7, $0x3;
	vm0 =	vgt.s32 v7, $0x0;
	vm2 =	vgt.s32 v7, $0x1  }
0x1f7: {  	v19 =	vld [tilespmem:s16+$0x4080];
	vm3 =	vgt.s32 v12, $0x0;
	vm4 =	vgt.s32 v12, $0x2;
	v15 =	vsel vm0, v1, v0  }
0x1f8: {  	v11 =	vld [tilespmem:s16+$0x40C0];
	vm5 =	vgt.s32 v6, $0x2;
	v15 =	vsel vm2, v2, v15;
	vm2 =	vgt.s32 v7, $0x2  }
0x1f9: {  	s22 =	simm.s32 $0x0;
	v5 =	vld [tilespmem:s16+$0x4090];
	vm6 =	vgt.s32 v6, $0x1;
	vm15 =	vgt.s32 v13, $0x0;
	v7 =	vsel vm2, v3, v15  }
0x1fa: {  	vm0 =	vgt.s32 v13, $0x1;
	vm2 =	vgt.s32 v12, $0x1;
	v7 =	vsel vm1, v4, v7;
	v14 =	vld.idx.msk [tilespmem:v14+s22+$0x0], $0xffff  }
0x1fb: {  	vm1 =	vgt.s32 v6, $0x0;
	v16 =	vld.idx.msk [tilespmem:v8+s22+$0x0], $0xffff;
	v8 =	vsel vm3, v1, v0;
	vm3 =	vgt.s32 v12, $0x3  }
0x1fc: {  	v10 =	vld.idx.msk [tilespmem:v10+s22+$0x0], $0xffff;
	v12 =	vsel vm1, v1, v0;
	vm1 =	vgt.s32 v13, $0x2;
	v8 =	vsel vm2, v2, v8  }
0x1fd: {  	v15 =	vld.idx.msk [tilespmem:v9+s22+$0x0], $0xffff;
	v20 =	vsel vm6, v2, v12;
	vm2 =	vgt.s32 v13, $0x3;
	v21 =	vsel vm4, v3, v8  }
0x1fe: {  	v9 =	vld [tilespmem:s16+$0x40D0];
	[tilespmem:s21+$0xC090] =	vst v7;
	v12 =	vmin.u32 v17, $0x4;
	v8 =	vmin.u32 v19, $0x4;
	v19 =	vsel vm3, v4, v21  }
0x1ff: {  	s10 =	simm.s32 $0x1000;
	s23 =	simm.s32 $0x200;
	s2 =	simm.s32 $0x0;
	v7 =	vld [tilespmem:s16+$0x40F0];
	v13 =	vmin.u32 v18, $0x4;
	v18 =	vsel vm15, v1, v0;
	v17 =	vsel vm5, v3, v20;
	[tilespmem:s21+$0xC0D0] =	vst v19  }
.LBB2_43:
0x200: {  	s12 =	sshra.s32 s10, $0x2;
	p2 =	sne.s32 s10, $0x7800;
	s10 =	sadd.s32 $0x800, s10;
	vm3 =	vgt.s32 v5, $0x3;
	vm4 =	vgt.s32 v6, $0x3;
	v6 =	vld [tilespmem:s23+$0x40B0];
	v18 =	vsel vm0, v2, v18;
	[tilespmem:s2+$0xC0A0] =	vst v14  }
0x201: {  	v20 =	vmin.u32 v11, $0x4;
	v19 =	vld [tilespmem:s12+$0x4090];
	v11 =	vsel vm4, v4, v17;
	v14 =	vsel vm1, v3, v18;
	[tilespmem:s2+$0xC0E0] =	vst v16  }
0x202: {  	vm0 =	vgt.s32 v5, $0x0;
	vm1 =	vgt.s32 v5, $0x1;
	v17 =	vld [tilespmem:s12+$0x40E0];
	v14 =	vsel vm2, v4, v14;
	[tilespmem:s2+$0xC0B0] =	vst v11  }
0x203: {  	v11 =	vsel vm0, v1, v0;
	v18 =	vld [tilespmem:s12+$0x40A0];
	vm2 =	vgt.s32 v9, $0x0;
	vm5 =	vgt.s32 v9, $0x2;
	[tilespmem:s2+$0xC080] =	vst v15  }
0x204: {  	v15 =	vsel vm1, v2, v11;
	vm1 =	vgt.s32 v5, $0x2;
	v21 =	vld [tilespmem:s12+$0x4080];
	vm0 =	vgt.s32 v7, $0x1;
	[tilespmem:s2+$0xC0F0] =	vst v14  }
0x205: {  	vm6 =	vgt.s32 v9, $0x1;
	v15 =	vsel vm1, v3, v15;
	v11 =	vld [tilespmem:s12+$0x40C0];
	vm4 =	vgt.s32 v6, $0x2;
	[tilespmem:s2+$0xC0C0] =	vst v10;
	s2 =	smov.u32 s23;
	s23 =	smov.u32 s12  }
0x206: {  	v22 =	vsel vm3, v4, v15;
	vm3 =	vgt.s32 v6, $0x1;
	v14 =	vld.idx.msk [tilespmem:v13+s22+$0x0], $0xffff;
	v13 =	vsel vm2, v1, v0;
	v5 =	vmovc v19  }
.Ltmp24:
0x207: {  	vm7 =	vgt.s32 v9, $0x3;
	vm1 =	vgt.s32 v7, $0x2;
	vm2 =	vgt.s32 v6, $0x0;
	v16 =	vld.idx.msk [tilespmem:v12+s22+$0x0], $0xffff;
	(pc) =	sbr.rel @p2 .LBB2_43-.Ltmp24, $4  }
0x208: {  	v9 =	vsel vm2, v1, v0;
	v12 =	vsel vm6, v2, v13;
	vm2 =	vgt.s32 v7, $0x3;
	v10 =	vld.idx.msk [tilespmem:v20+s22+$0x0], $0xffff  }
0x209: {  	v19 =	vsel vm3, v2, v9;
	v13 =	vsel vm5, v3, v12;
	vm3 =	vgt.s32 v7, $0x0;
	v15 =	vld.idx.msk [tilespmem:v8+s22+$0x0], $0xffff  }
0x20a: {  	v12 =	vmin.u32 v17, $0x4;
	v8 =	vmin.u32 v21, $0x4;
	v20 =	vsel vm7, v4, v13;
	v9 =	vld [tilespmem:s23+$0x40D0];
	[tilespmem:s2+$0xC090] =	vst v22  }
0x20b: {  	v13 =	vmin.u32 v18, $0x4;
	v17 =	vsel vm4, v3, v19;
	v18 =	vsel vm3, v1, v0;
	v7 =	vld [tilespmem:s23+$0x40F0];
	[tilespmem:s2+$0xC0D0] =	vst v20  }
0x20c: {  	v19 =	vld [tilespmem:s23+$0x40B0];
	[tilespmem:s2+$0xC0A0] =	vst v14  }
0x20d: {  	vm3 =	vgt.s32 v6, $0x3;
	v6 =	vsel vm0, v2, v18;
	[tilespmem:s2+$0xC0E0] =	vst v16  }
0x20e: {  	v14 =	vsel vm3, v4, v17;
	v6 =	vsel vm1, v3, v6;
	[tilespmem:s2+$0xC0C0] =	vst v10  }
0x20f: {  	v11 =	vmin.u32 v11, $0x4;
	vm1 =	vgt.s32 v5, $0x0;
	[tilespmem:s2+$0xC0B0] =	vst v14;
	v6 =	vsel vm2, v4, v6  }
0x210: {  	vm0 =	vgt.s32 v5, $0x3;
	vm2 =	vgt.s32 v5, $0x1;
	[tilespmem:s2+$0xC0F0] =	vst v6;
	v6 =	vsel vm1, v1, v0  }
0x211: {  	[tilespmem:s2+$0xC080] =	vst v15;
	vm1 =	vgt.s32 v9, $0x0;
	v6 =	vsel vm2, v2, v6;
	vm2 =	vgt.s32 v5, $0x2  }
0x212: {  	v5 =	vld.idx.msk [tilespmem:v13+s22+$0x0], $0xffff;
	v10 =	vsel vm1, v1, v0;
	v6 =	vsel vm2, v3, v6;
	vm2 =	vgt.s32 v9, $0x1  }
0x213: {  	vm3 =	vgt.s32 v9, $0x2;
	v12 =	vld.idx.msk [tilespmem:v12+s22+$0x0], $0xffff;
	v10 =	vsel vm2, v2, v10  }
0x214: {  	v8 =	vld.idx.msk [tilespmem:v8+s22+$0x0], $0xffff;
	v6 =	vsel vm0, v4, v6;
	vm2 =	vgt.s32 v9, $0x3;
	v9 =	vsel vm3, v3, v10  }
0x215: {  	v11 =	vld.idx.msk [tilespmem:v11+s22+$0x0], $0xffff;
	vm0 =	vgt.s32 v19, $0x0;
	[tilespmem:s23+$0xC090] =	vst v6;
	v9 =	vsel vm2, v4, v9  }
0x216: {  	vm3 =	vgt.s32 v19, $0x1;
	v10 =	vsel vm0, v1, v0;
	[tilespmem:s23+$0xC0D0] =	vst v9  }
0x217: {  	vm0 =	vgt.s32 v19, $0x2;
	v6 =	vsel vm3, v2, v10;
	vm2 =	vgt.s32 v7, $0x0;
	[tilespmem:s23+$0xC0A0] =	vst v5  }
0x218: {  	vm1 =	vgt.s32 v7, $0x1;
	v6 =	vsel vm0, v3, v6;
	v9 =	vsel vm2, v1, v0;
	[tilespmem:s23+$0xC0E0] =	vst v12  }
0x219: {  	vm0 =	vgt.s32 v19, $0x3;
	vm2 =	vgt.s32 v7, $0x2;
	[tilespmem:s23+$0xC080] =	vst v8;
	v5 =	vsel vm1, v2, v9  }
0x21a: {  	v6 =	vsel vm0, v4, v6;
	vm0 =	vgt.s32 v7, $0x3;
	[tilespmem:s23+$0xC0C0] =	vst v11;
	v5 =	vsel vm2, v3, v5  }
0x21b: {  	[tilespmem:s23+$0xC0B0] =	vst v6;
	v5 =	vsel vm0, v4, v5  }
0x21c: {  	[tilespmem:s23+$0xC0F0] =	vst v5  }
0x21d: {  	v5 =	vld [tilespmem:s21+$0x4130]  }
0x21e: {  	v7 =	vld [tilespmem:s21+$0x4150]  }
0x21f: {  	v6 =	vld [tilespmem:s21+$0x4140]  }
0x220: {  	v8 =	vld [tilespmem:s21+$0x4100]  }
0x221: {  	v9 =	vld [tilespmem:s21+$0x4110]  }
0x222: {  	v11 =	vld [tilespmem:s21+$0x4120]  }
0x223: {  	v12 =	vld [tilespmem:s21+$0x4160]  }
0x224: {  	vm0 =	vgt.s32 v5, $0x0;
	vm1 =	vgt.s32 v5, $0x1;
	v13 =	vmin.u32 v6, $0x4  }
0x225: {  	vm2 =	vgt.s32 v5, $0x3;
	vm3 =	vgt.s32 v7, $0x3;
	v15 =	vmin.u32 v8, $0x4  }
0x226: {  	v14 =	vld [tilespmem:s21+$0x4170];
	vm4 =	vgt.s32 v9, $0x3;
	vm5 =	vgt.s32 v7, $0x1;
	vm6 =	vgt.s32 v9, $0x0  }
0x227: {  	v20 =	vld [tilespmem:s16+$0x4140];
	vm7 =	vgt.s32 v9, $0x1;
	v18 =	vmin.u32 v11, $0x4;
	vm14 =	vgt.s32 v9, $0x2  }
0x228: {  	v6 =	vld [tilespmem:s16+$0x4130];
	v19 =	vmin.u32 v12, $0x4;
	v10 =	vsel vm0, v1, v0;
	vm0 =	vgt.s32 v7, $0x2  }
0x229: {  	v8 =	vld [tilespmem:s16+$0x4110];
	v17 =	vsel vm6, v1, v0;
	v10 =	vsel vm1, v2, v10;
	vm1 =	vgt.s32 v5, $0x2  }
0x22a: {  	v5 =	vld [tilespmem:s16+$0x4150];
	v17 =	vsel vm7, v2, v17;
	v16 =	vsel vm1, v3, v10;
	vm1 =	vgt.s32 v7, $0x0  }
0x22b: {  	v10 =	vld [tilespmem:s16+$0x4100];
	v9 =	vsel vm14, v3, v17;
	v11 =	vsel vm2, v4, v16;
	v12 =	vsel vm1, v1, v0  }
0x22c: {  	s22 =	simm.s32 $0x0;
	v7 =	vld [tilespmem:s16+$0x4120];
	v21 =	vsel vm4, v4, v9;
	vm1 =	vgt.s32 v14, $0x0;
	vm2 =	vgt.s32 v14, $0x3  }
0x22d: {  	v9 =	vsel vm5, v2, v12;
	v12 =	vld.idx.msk [tilespmem:v13+s22+$0x0], $0xffff;
	v22 =	vsel vm1, v1, v0;
	vm1 =	vgt.s32 v14, $0x2  }
0x22e: {  	v16 =	vld.idx.msk [tilespmem:v18+s22+$0x0], $0xffff;
	vm15 =	vgt.s32 v6, $0x1;
	v13 =	vsel vm0, v3, v9;
	vm0 =	vgt.s32 v14, $0x1  }
0x22f: {  	v9 =	vld.idx.msk [tilespmem:v15+s22+$0x0], $0xffff;
	v17 =	vsel vm3, v4, v13;
	vm3 =	vgt.s32 v6, $0x0;
	v13 =	vsel vm0, v2, v22  }
0x230: {  	v14 =	vld.idx.msk [tilespmem:v19+s22+$0x0], $0xffff;
	vm0 =	vgt.s32 v5, $0x2;
	v18 =	vsel vm3, v1, v0;
	v19 =	vsel vm1, v3, v13  }
0x231: {  	s2 =	simm.s32 $0x1000;
	v15 =	vld [tilespmem:s16+$0x4160];
	[tilespmem:s21+$0xC110] =	vst v21;
	v13 =	vmin.u32 v20, $0x4;
	v18 =	vsel vm15, v2, v18;
	v19 =	vsel vm2, v4, v19  }
.LBB2_45:
0x232: {  	s10 =	sshra.s32 s2, $0x2;
	p2 =	sne.s32 s2, $0x7800;
	s2 =	sadd.s32 $0x800, s2;
	v20 =	vld [tilespmem:s16+$0x4170];
	vm2 =	vgt.s32 v6, $0x2;
	vm3 =	vgt.s32 v6, $0x3;
	vm1 =	vgt.s32 v5, $0x3;
	[tilespmem:s21+$0xC130] =	vst v11  }
0x233: {  	v22 =	vmin.u32 v10, $0x4;
	vm4 =	vgt.s32 v8, $0x3;
	vm5 =	vgt.s32 v5, $0x1;
	v21 =	vld [tilespmem:s10+$0x4150];
	[tilespmem:s21+$0xC150] =	vst v17  }
0x234: {  	vm6 =	vgt.s32 v8, $0x0;
	vm7 =	vgt.s32 v8, $0x1;
	v10 =	vsel vm2, v3, v18;
	v6 =	vld [tilespmem:s10+$0x4130];
	[tilespmem:s21+$0xC170] =	vst v19  }
0x235: {  	v17 =	vsel vm6, v1, v0;
	vm2 =	vgt.s32 v5, $0x0;
	v11 =	vsel vm3, v4, v10;
	v18 =	vld [tilespmem:s10+$0x4110];
	[tilespmem:s21+$0xC120] =	vst v16  }
0x236: {  	v17 =	vsel vm7, v2, v17;
	vm3 =	vgt.s32 v8, $0x2;
	v16 =	vmin.u32 v7, $0x4;
	v10 =	vld [tilespmem:s10+$0x4100];
	[tilespmem:s21+$0xC140] =	vst v12  }
0x237: {  	v8 =	vsel vm2, v1, v0;
	v12 =	vsel vm3, v3, v17;
	v15 =	vmin.u32 v15, $0x4;
	v7 =	vld [tilespmem:s10+$0x4120];
	[tilespmem:s21+$0xC160] =	vst v14  }
0x238: {  	v24 =	vsel vm5, v2, v8;
	v23 =	vsel vm4, v4, v12;
	vm2 =	vgt.s32 v20, $0x0;
	v19 =	vld [tilespmem:s10+$0x4140];
	[tilespmem:s21+$0xC100] =	vst v9;
	v5 =	vmovc v21;
	s21 =	smov.u32 s16;
	s16 =	smov.u32 s10  }
.Ltmp25:
0x239: {  	v14 =	vsel vm0, v3, v24;
	v12 =	vld.idx.msk [tilespmem:v13+s22+$0x0], $0xffff;
	v13 =	vsel vm2, v1, v0;
	vm2 =	vgt.s32 v20, $0x2;
	(pc) =	sbr.rel @p2 .LBB2_45-.Ltmp25, $4  }
0x23a: {  	vm0 =	vgt.s32 v20, $0x1;
	v17 =	vsel vm1, v4, v14;
	vm1 =	vgt.s32 v20, $0x3;
	v9 =	vld.idx.msk [tilespmem:v22+s22+$0x0], $0xffff;
	v8 =	vmovc v18  }
0x23b: {  	vm3 =	vgt.s32 v6, $0x0;
	vm4 =	vgt.s32 v6, $0x1;
	v13 =	vsel vm0, v2, v13;
	v16 =	vld.idx.msk [tilespmem:v16+s22+$0x0], $0xffff  }
0x23c: {  	v18 =	vsel vm3, v1, v0;
	vm0 =	vgt.s32 v5, $0x2;
	v20 =	vsel vm2, v3, v13;
	v14 =	vld.idx.msk [tilespmem:v15+s22+$0x0], $0xffff  }
0x23d: {  	v18 =	vsel vm4, v2, v18;
	v15 =	vld [tilespmem:s16+$0x4160];
	v13 =	vmin.u32 v19, $0x4;
	v19 =	vsel vm1, v4, v20;
	[tilespmem:s21+$0xC110] =	vst v23  }
0x23e: {  	v20 =	vld [tilespmem:s16+$0x4170];
	[tilespmem:s21+$0xC130] =	vst v11  }
0x23f: {  	[tilespmem:s21+$0xC150] =	vst v17  }
0x240: {  	[tilespmem:s21+$0xC170] =	vst v19  }
0x241: {  	v10 =	vmin.u32 v10, $0x4;
	[tilespmem:s21+$0xC140] =	vst v12  }
0x242: {  	vm1 =	vgt.s32 v6, $0x2;
	vm2 =	vgt.s32 v6, $0x3;
	v6 =	vmin.u32 v7, $0x4;
	[tilespmem:s21+$0xC100] =	vst v9  }
0x243: {  	vm5 =	vgt.s32 v8, $0x0;
	[tilespmem:s21+$0xC120] =	vst v16;
	v7 =	vmin.u32 v15, $0x4  }
0x244: {  	vm3 =	vgt.s32 v5, $0x3;
	vm7 =	vgt.s32 v8, $0x1;
	s22 =	simm.s32 $0x0;
	v11 =	vsel vm5, v1, v0;
	[tilespmem:s21+$0xC160] =	vst v14  }
0x245: {  	vm4 =	vgt.s32 v8, $0x3;
	vm10 =	vgt.s32 v8, $0x2;
	v11 =	vsel vm7, v2, v11;
	v8 =	vld.idx.msk [tilespmem:v13+s22+$0x0], $0xffff  }
0x246: {  	vm6 =	vgt.s32 v5, $0x1;
	vm11 =	vgt.s32 v5, $0x0;
	v5 =	vsel vm10, v3, v11;
	v10 =	vld.idx.msk [tilespmem:v10+s22+$0x0], $0xffff  }
0x247: {  	v9 =	vsel vm1, v3, v18;
	v11 =	vsel vm11, v1, v0;
	v5 =	vsel vm4, v4, v5;
	v6 =	vld.idx.msk [tilespmem:v6+s22+$0x0], $0xffff  }
0x248: {  	v9 =	vsel vm2, v4, v9;
	v11 =	vsel vm6, v2, v11;
	v7 =	vld.idx.msk [tilespmem:v7+s22+$0x0], $0xffff;
	[tilespmem:s16+$0xC110] =	vst v5  }
0x249: {  	vm12 =	vgt.s32 v20, $0x0;
	v11 =	vsel vm0, v3, v11;
	[tilespmem:s16+$0xC130] =	vst v9  }
0x24a: {  	vm13 =	vgt.s32 v20, $0x1;
	v63 =	vsel vm12, v1, v0;
	v5 =	vsel vm3, v4, v11;
	[tilespmem:s16+$0xC140] =	vst v8  }
0x24b: {  	vm14 =	vgt.s32 v20, $0x2;
	v12 =	vsel vm13, v2, v63;
	[tilespmem:s16+$0xC150] =	vst v5  }
0x24c: {  	vm15 =	vgt.s32 v20, $0x3;
	v11 =	vsel vm14, v3, v12;
	[tilespmem:s16+$0xC120] =	vst v6  }
0x24d: {  	v9 =	vsel vm15, v4, v11;
	[tilespmem:s16+$0xC100] =	vst v10  }
0x24e: {  	[tilespmem:s16+$0xC170] =	vst v9  }
0x24f: {  	[tilespmem:s16+$0xC160] =	vst v7;
	s16 =	simm.s32 $0x0  }
0x250: {  	v5 =	vld [tilespmem:s16+$0x41E0]  }
0x251: {  	v9 =	vld [tilespmem:s16+$0x41A0]  }
0x252: {  	p3 =	por $0x1, $0x1;
	v6 =	vld [tilespmem:s16+$0x4180]  }
.Ltmp26:
0x253: {  	_ = 	snop;
	(pc) =	sbr.rel @!p3 .LBB2_47-.Ltmp26, $4  }
0x254: {  	v17 =	vld [tilespmem:s16+$0x4190]  }
0x255: {  	v10 =	vld [tilespmem:s16+$0x41C0]  }
0x256: {  	v7 =	vld [tilespmem:s16+$0x41D0]  }
0x257: {  	p2 =	por $0x0, $0x0;
	v6 =	vmin.u32 v6, $0x4;
	v8 =	vmin.u32 v5, $0x4;
	v5 =	vld [tilespmem:s16+$0x41F0];
	v11 =	vmin.u32 v9, $0x4  }
0x258: {  	_ =	sdelay $0x2  }
0x259: {  	v9 =	vld [tilespmem:s16+$0x41B0]  }
0x25a: {  	s21 =	simm.s32 $0x200;
	v16 =	vld.idx.msk [tilespmem:v6+s22+$0x0], $0xffff;
	vm1 =	vgt.s32 v17, $0x3  }
0x25b: {  	v18 =	vld [tilespmem:s21+$0x41E0];
	vm0 =	vgt.s32 v17, $0x0;
	vm2 =	vgt.s32 v17, $0x1;
	v12 =	vmin.u32 v10, $0x4  }
0x25c: {  	v19 =	vld [tilespmem:s21+$0x41A0];
	v14 =	vsel vm0, v1, v0;
	vm3 =	vgt.s32 v7, $0x0;
	vm4 =	vgt.s32 v7, $0x2  }
0x25d: {  	v20 =	vld [tilespmem:s21+$0x4180];
	v15 =	vsel vm2, v2, v14;
	vm2 =	vgt.s32 v17, $0x2;
	vm0 =	vgt.s32 v5, $0x1  }
0x25e: {  	v14 =	vld.idx.msk [tilespmem:v11+s22+$0x0], $0xffff;
	v11 =	vsel vm2, v3, v15;
	vm2 =	vgt.s32 v7, $0x1;
	vm15 =	vgt.s32 v5, $0x0  }
0x25f: {  	p5 =	por $0x1, $0x1;
	v15 =	vld.idx.msk [tilespmem:v8+s22+$0x0], $0xffff;
	vm5 =	vgt.s32 v9, $0x2;
	v8 =	vsel vm1, v4, v11;
	vm6 =	vgt.s32 v9, $0x1  }
.Ltmp27:
0x260: {  	v13 =	vld [tilespmem:s21+$0x4190];
	vm1 =	vgt.s32 v9, $0x0;
	v11 =	vsel vm3, v1, v0;
	vm3 =	vgt.s32 v7, $0x3;
	(pc) =	sbr.rel @!p5 .LBB2_49-.Ltmp27, $4  }
0x261: {  	v10 =	vld [tilespmem:s21+$0x41C0];
	v7 =	vsel vm1, v1, v0;
	vm1 =	vgt.s32 v5, $0x2;
	v6 =	vsel vm2, v2, v11  }
0x262: {  	vm2 =	vgt.s32 v5, $0x3;
	v12 =	vld.idx.msk [tilespmem:v12+s22+$0x0], $0xffff;
	v17 =	vsel vm6, v2, v7;
	v11 =	vsel vm4, v3, v6  }
0x263: {  	v7 =	vld [tilespmem:s21+$0x41D0];
	[tilespmem:s16+$0xC190] =	vst v8;
	v6 =	vmin.u32 v20, $0x4;
	v8 =	vmin.u32 v18, $0x4;
	v20 =	vsel vm3, v4, v11  }
0x264: {  	s2 =	simm.s32 $0x1000;
	p4 =	por $0x1, $0x1;
	s23 =	simm.s32 $0x0;
	v5 =	vld [tilespmem:s21+$0x41F0];
	v11 =	vmin.u32 v19, $0x4;
	v18 =	vsel vm5, v3, v17;
	v19 =	vsel vm15, v1, v0;
	[tilespmem:s16+$0xC1D0] =	vst v20  }
.LBB2_50:
0x265: {  	s10 =	sshra.s32 s2, $0x2;
	p5 =	sne.s32 s2, $0x7800;
	s2 =	sadd.s32 $0x800, s2;
	vm3 =	vgt.s32 v13, $0x3;
	vm4 =	vgt.s32 v9, $0x3;
	v9 =	vld [tilespmem:s21+$0x41B0];
	v17 =	vsel vm0, v2, v19;
	[tilespmem:s23+$0xC1A0] =	vst v14  }
0x266: {  	v20 =	vmin.u32 v10, $0x4;
	v19 =	vld [tilespmem:s10+$0x4190];
	v10 =	vsel vm4, v4, v18;
	v14 =	vsel vm1, v3, v17;
	[tilespmem:s23+$0xC1E0] =	vst v15  }
0x267: {  	vm0 =	vgt.s32 v13, $0x0;
	vm1 =	vgt.s32 v13, $0x1;
	v17 =	vld [tilespmem:s10+$0x41E0];
	v14 =	vsel vm2, v4, v14;
	[tilespmem:s23+$0xC1B0] =	vst v10  }
0x268: {  	v10 =	vsel vm0, v1, v0;
	v18 =	vld [tilespmem:s10+$0x41A0];
	vm2 =	vgt.s32 v7, $0x0;
	vm5 =	vgt.s32 v7, $0x2;
	[tilespmem:s23+$0xC180] =	vst v16  }
0x269: {  	v15 =	vsel vm1, v2, v10;
	vm1 =	vgt.s32 v13, $0x2;
	v21 =	vld [tilespmem:s10+$0x4180];
	vm0 =	vgt.s32 v5, $0x1;
	[tilespmem:s23+$0xC1F0] =	vst v14  }
0x26a: {  	vm6 =	vgt.s32 v7, $0x1;
	v15 =	vsel vm1, v3, v15;
	v10 =	vld [tilespmem:s10+$0x41C0];
	vm4 =	vgt.s32 v9, $0x2;
	[tilespmem:s23+$0xC1C0] =	vst v12;
	s23 =	smov.u32 s21;
	s21 =	smov.u32 s10  }
0x26b: {  	v22 =	vsel vm3, v4, v15;
	vm3 =	vgt.s32 v9, $0x1;
	v14 =	vld.idx.msk [tilespmem:v11+s22+$0x0], $0xffff;
	v11 =	vsel vm2, v1, v0;
	v13 =	vmovc v19  }
.Ltmp28:
0x26c: {  	vm7 =	vgt.s32 v7, $0x3;
	vm1 =	vgt.s32 v5, $0x2;
	vm2 =	vgt.s32 v9, $0x0;
	v15 =	vld.idx.msk [tilespmem:v8+s22+$0x0], $0xffff;
	(pc) =	sbr.rel @p5 .LBB2_50-.Ltmp28, $4  }
0x26d: {  	v7 =	vsel vm2, v1, v0;
	v8 =	vsel vm6, v2, v11;
	vm2 =	vgt.s32 v5, $0x3;
	v12 =	vld.idx.msk [tilespmem:v20+s22+$0x0], $0xffff  }
0x26e: {  	v19 =	vsel vm3, v2, v7;
	v11 =	vsel vm5, v3, v8;
	vm3 =	vgt.s32 v5, $0x0;
	v16 =	vld.idx.msk [tilespmem:v6+s22+$0x0], $0xffff  }
0x26f: {  	v8 =	vmin.u32 v17, $0x4;
	v6 =	vmin.u32 v21, $0x4;
	v17 =	vsel vm7, v4, v11;
	v7 =	vld [tilespmem:s21+$0x41D0];
	[tilespmem:s23+$0xC190] =	vst v22  }
0x270: {  	v11 =	vmin.u32 v18, $0x4;
	v18 =	vsel vm4, v3, v19;
	v19 =	vsel vm3, v1, v0;
	v5 =	vld [tilespmem:s21+$0x41F0];
	[tilespmem:s23+$0xC1D0] =	vst v17  }
0x271: {  	v17 =	vmov v13  }
.LBB2_52:
0x272: {  	v13 =	vld [tilespmem:s21+$0x41B0];
	[tilespmem:s23+$0xC1A0] =	vst @p4 v14  }
0x273: {  	[tilespmem:s23+$0xC1E0] =	vst @p4 v15  }
0x274: {  	vm3 =	vgt.s32 @p4 v9, $0x3;
	v9 =	vsel @p4 vm0, v2, v19;
	v10 =	vmin.u32 v10, $0x4;
	[tilespmem:s23+$0xC1C0] =	vst @p4 v12  }
0x275: {  	vm11 =	vgt.s32 v17, $0x3;
	v14 =	vsel @p4 vm3, v4, v18;
	v9 =	vsel @p4 vm1, v3, v9;
	[tilespmem:s23+$0xC180] =	vst @p4 v16  }
0x276: {  	vm12 =	vgt.s32 v17, $0x0;
	vm13 =	vgt.s32 v17, $0x1;
	[tilespmem:s23+$0xC1B0] =	vst @p4 v14;
	v9 =	vsel @p4 vm2, v4, v9  }
0x277: {  	vm5 =	vgt.s32 v17, $0x2;
	vm14 =	vgt.s32 v7, $0x0;
	[tilespmem:s23+$0xC1F0] =	vst @p4 v9;
	v9 =	vsel vm12, v1, v0  }
0x278: {  	vm6 =	vgt.s32 v7, $0x1;
	v62 =	vsel vm14, v1, v0;
	v9 =	vsel vm13, v2, v9;
	v11 =	vld.idx.msk [tilespmem:v11+s22+$0x0], $0xffff  }
0x279: {  	vm15 =	vgt.s32 v7, $0x2;
	v8 =	vld.idx.msk [tilespmem:v8+s22+$0x0], $0xffff;
	v12 =	vsel vm6, v2, v62;
	v9 =	vsel vm5, v3, v9  }
0x27a: {  	vm9 =	vgt.s32 v7, $0x3;
	v6 =	vld.idx.msk [tilespmem:v6+s22+$0x0], $0xffff;
	v7 =	vsel vm15, v3, v12;
	v9 =	vsel vm11, v4, v9  }
0x27b: {  	v10 =	vld.idx.msk [tilespmem:v10+s22+$0x0], $0xffff;
	vm8 =	vgt.s32 v13, $0x0;
	v7 =	vsel vm9, v4, v7;
	[tilespmem:s21+$0xC190] =	vst v9  }
0x27c: {  	vm7 =	vgt.s32 v5, $0x1;
	vm10 =	vgt.s32 v13, $0x1;
	v63 =	vsel vm8, v1, v0;
	[tilespmem:s21+$0xC1D0] =	vst v7  }
0x27d: {  	vm12 =	vgt.s32 v5, $0x0;
	vm11 =	vgt.s32 v13, $0x2;
	v9 =	vsel vm10, v2, v63;
	[tilespmem:s21+$0xC1A0] =	vst v11  }
0x27e: {  	vm13 =	vgt.s32 v13, $0x3;
	v7 =	vsel vm11, v3, v9;
	v9 =	vsel vm12, v1, v0;
	[tilespmem:s21+$0xC1E0] =	vst v8  }
0x27f: {  	vm14 =	vgt.s32 v5, $0x2;
	v9 =	vsel vm7, v2, v9;
	v7 =	vsel vm13, v4, v7;
	[tilespmem:s21+$0xC180] =	vst v6  }
0x280: {  	vm15 =	vgt.s32 v5, $0x3;
	v5 =	vsel vm14, v3, v9;
	[tilespmem:s21+$0xC1B0] =	vst v7  }
0x281: {  	[tilespmem:s21+$0xC1C0] =	vst v10;
	v5 =	vsel vm15, v4, v5  }
0x282: {  	[tilespmem:s21+$0xC1F0] =	vst v5  }
0x283: {  	v5 =	vld [tilespmem:s16+$0x4260]  }
0x284: {  	v8 =	vld [tilespmem:s16+$0x4220]  }
0x285: {  	v6 =	vld [tilespmem:s16+$0x4200]  }
.Ltmp29:
0x286: {  	_ = 	snop;
	(pc) =	sbr.rel @!p3 .LBB2_53-.Ltmp29, $4  }
0x287: {  	v17 =	vld [tilespmem:s16+$0x4210]  }
0x288: {  	v10 =	vld [tilespmem:s16+$0x4240]  }
0x289: {  	v7 =	vld [tilespmem:s16+$0x4250]  }
0x28a: {  	v6 =	vmin.u32 v6, $0x4;
	v9 =	vmin.u32 v5, $0x4;
	v5 =	vld [tilespmem:s16+$0x4270];
	v11 =	vmin.u32 v8, $0x4  }
0x28b: {  	_ =	sdelay $0x2  }
0x28c: {  	v8 =	vld [tilespmem:s16+$0x4230]  }
0x28d: {  	s21 =	simm.s32 $0x200;
	v16 =	vld.idx.msk [tilespmem:v6+s3+$0x0], $0xffff;
	vm1 =	vgt.s32 v17, $0x3  }
0x28e: {  	v18 =	vld [tilespmem:s21+$0x4260];
	vm0 =	vgt.s32 v17, $0x0;
	vm2 =	vgt.s32 v17, $0x1;
	v13 =	vmin.u32 v10, $0x4  }
0x28f: {  	v19 =	vld [tilespmem:s21+$0x4220];
	v14 =	vsel vm0, v1, v0;
	vm3 =	vgt.s32 v7, $0x0;
	vm4 =	vgt.s32 v7, $0x2  }
0x290: {  	v20 =	vld [tilespmem:s21+$0x4200];
	v15 =	vsel vm2, v2, v14;
	vm2 =	vgt.s32 v17, $0x2;
	vm0 =	vgt.s32 v5, $0x1  }
0x291: {  	v14 =	vld.idx.msk [tilespmem:v11+s3+$0x0], $0xffff;
	v11 =	vsel vm2, v3, v15;
	vm2 =	vgt.s32 v7, $0x1;
	vm15 =	vgt.s32 v5, $0x0  }
0x292: {  	p3 =	por $0x1, $0x1;
	v15 =	vld.idx.msk [tilespmem:v9+s3+$0x0], $0xffff;
	vm5 =	vgt.s32 v8, $0x2;
	v9 =	vsel vm1, v4, v11;
	vm6 =	vgt.s32 v8, $0x1  }
.Ltmp30:
0x293: {  	v12 =	vld [tilespmem:s21+$0x4210];
	vm1 =	vgt.s32 v8, $0x0;
	v11 =	vsel vm3, v1, v0;
	vm3 =	vgt.s32 v7, $0x3;
	(pc) =	sbr.rel @!p3 .LBB2_55-.Ltmp30, $4  }
0x294: {  	v10 =	vld [tilespmem:s21+$0x4240];
	v7 =	vsel vm1, v1, v0;
	vm1 =	vgt.s32 v5, $0x2;
	v6 =	vsel vm2, v2, v11  }
0x295: {  	vm2 =	vgt.s32 v5, $0x3;
	v13 =	vld.idx.msk [tilespmem:v13+s3+$0x0], $0xffff;
	v17 =	vsel vm6, v2, v7;
	v11 =	vsel vm4, v3, v6  }
0x296: {  	v7 =	vld [tilespmem:s21+$0x4250];
	[tilespmem:s16+$0xC210] =	vst v9;
	v6 =	vmin.u32 v20, $0x4;
	v9 =	vmin.u32 v18, $0x4;
	v20 =	vsel vm3, v4, v11  }
0x297: {  	s2 =	simm.s32 $0x1000;
	p2 =	por $0x1, $0x1;
	v5 =	vld [tilespmem:s21+$0x4270];
	v11 =	vmin.u32 v19, $0x4;
	v18 =	vsel vm5, v3, v17;
	v19 =	vsel vm15, v1, v0;
	[tilespmem:s16+$0xC250] =	vst v20  }
.LBB2_56:
0x298: {  	s10 =	sshra.s32 s2, $0x2;
	p3 =	sne.s32 s2, $0x7800;
	s2 =	sadd.s32 $0x800, s2;
	vm3 =	vgt.s32 v12, $0x3;
	vm4 =	vgt.s32 v8, $0x3;
	v8 =	vld [tilespmem:s21+$0x4230];
	v17 =	vsel vm0, v2, v19;
	[tilespmem:s16+$0xC220] =	vst v14  }
0x299: {  	v20 =	vmin.u32 v10, $0x4;
	v19 =	vld [tilespmem:s10+$0x4210];
	v10 =	vsel vm4, v4, v18;
	v14 =	vsel vm1, v3, v17;
	[tilespmem:s16+$0xC260] =	vst v15  }
0x29a: {  	vm0 =	vgt.s32 v12, $0x0;
	vm1 =	vgt.s32 v12, $0x1;
	v17 =	vld [tilespmem:s10+$0x4260];
	v14 =	vsel vm2, v4, v14;
	[tilespmem:s16+$0xC230] =	vst v10  }
0x29b: {  	v10 =	vsel vm0, v1, v0;
	v18 =	vld [tilespmem:s10+$0x4220];
	vm2 =	vgt.s32 v7, $0x0;
	vm5 =	vgt.s32 v7, $0x2;
	[tilespmem:s16+$0xC200] =	vst v16  }
0x29c: {  	v15 =	vsel vm1, v2, v10;
	vm1 =	vgt.s32 v12, $0x2;
	v21 =	vld [tilespmem:s10+$0x4200];
	vm0 =	vgt.s32 v5, $0x1;
	[tilespmem:s16+$0xC270] =	vst v14  }
0x29d: {  	vm6 =	vgt.s32 v7, $0x1;
	v15 =	vsel vm1, v3, v15;
	v10 =	vld [tilespmem:s10+$0x4240];
	vm4 =	vgt.s32 v8, $0x2;
	[tilespmem:s16+$0xC240] =	vst v13;
	s16 =	smov.u32 s21;
	s21 =	smov.u32 s10  }
0x29e: {  	v22 =	vsel vm3, v4, v15;
	vm3 =	vgt.s32 v8, $0x1;
	v14 =	vld.idx.msk [tilespmem:v11+s3+$0x0], $0xffff;
	v11 =	vsel vm2, v1, v0;
	v12 =	vmovc v19  }
.Ltmp31:
0x29f: {  	vm7 =	vgt.s32 v7, $0x3;
	vm1 =	vgt.s32 v5, $0x2;
	vm2 =	vgt.s32 v8, $0x0;
	v15 =	vld.idx.msk [tilespmem:v9+s3+$0x0], $0xffff;
	(pc) =	sbr.rel @p3 .LBB2_56-.Ltmp31, $4  }
0x2a0: {  	v7 =	vsel vm2, v1, v0;
	v9 =	vsel vm6, v2, v11;
	vm2 =	vgt.s32 v5, $0x3;
	v13 =	vld.idx.msk [tilespmem:v20+s3+$0x0], $0xffff  }
0x2a1: {  	v19 =	vsel vm3, v2, v7;
	v11 =	vsel vm5, v3, v9;
	vm3 =	vgt.s32 v5, $0x0;
	v16 =	vld.idx.msk [tilespmem:v6+s3+$0x0], $0xffff  }
0x2a2: {  	v9 =	vmin.u32 v17, $0x4;
	v6 =	vmin.u32 v21, $0x4;
	v17 =	vsel vm7, v4, v11;
	v7 =	vld [tilespmem:s21+$0x4250];
	[tilespmem:s16+$0xC210] =	vst v22  }
0x2a3: {  	v11 =	vmin.u32 v18, $0x4;
	v18 =	vsel vm4, v3, v19;
	v19 =	vsel vm3, v1, v0;
	v5 =	vld [tilespmem:s21+$0x4270];
	[tilespmem:s16+$0xC250] =	vst v17  }
0x2a4: {  	v17 =	vmov v12  }
.LBB2_58:
0x2a5: {  	v12 =	vld [tilespmem:s21+$0x4230];
	[tilespmem:s16+$0xC220] =	vst @p2 v14  }
0x2a6: {  	vm3 =	vgt.s32 @p2 v8, $0x3;
	[tilespmem:s16+$0xC260] =	vst @p2 v15  }
0x2a7: {  	v8 =	vsel @p2 vm0, v2, v19;
	v10 =	vmin.u32 v10, $0x4;
	vm11 =	vgt.s32 v17, $0x3;
	[tilespmem:s16+$0xC240] =	vst @p2 v13  }
0x2a8: {  	vm12 =	vgt.s32 v17, $0x0;
	v14 =	vsel @p2 vm3, v4, v18;
	v8 =	vsel @p2 vm1, v3, v8;
	[tilespmem:s16+$0xC200] =	vst @p2 v16  }
0x2a9: {  	vm13 =	vgt.s32 v17, $0x1;
	vm5 =	vgt.s32 v17, $0x2;
	[tilespmem:s16+$0xC230] =	vst @p2 v14;
	v8 =	vsel @p2 vm2, v4, v8  }
0x2aa: {  	v59 =	vsel vm12, v1, v0;
	vm14 =	vgt.s32 v7, $0x0;
	vm15 =	vgt.s32 v7, $0x2;
	[tilespmem:s16+$0xC270] =	vst @p2 v8  }
0x2ab: {  	vm6 =	vgt.s32 v7, $0x1;
	v8 =	vsel vm13, v2, v59;
	v60 =	vsel vm14, v1, v0;
	v11 =	vld.idx.msk [tilespmem:v11+s3+$0x0], $0xffff  }
0x2ac: {  	vm9 =	vgt.s32 v7, $0x3;
	v8 =	vsel vm5, v3, v8;
	v9 =	vld.idx.msk [tilespmem:v9+s3+$0x0], $0xffff;
	v13 =	vsel vm6, v2, v60  }
0x2ad: {  	vm7 =	vgt.s32 v5, $0x1;
	v6 =	vld.idx.msk [tilespmem:v6+s3+$0x0], $0xffff;
	v8 =	vsel vm11, v4, v8;
	v7 =	vsel vm15, v3, v13  }
0x2ae: {  	vm12 =	vgt.s32 v5, $0x0;
	vm14 =	vgt.s32 v5, $0x2;
	v10 =	vld.idx.msk [tilespmem:v10+s3+$0x0], $0xffff;
	v7 =	vsel vm9, v4, v7;
	[tilespmem:s21+$0xC210] =	vst v8  }
0x2af: {  	v63 =	vsel vm12, v1, v0;
	vm8 =	vgt.s32 v12, $0x0;
	vm10 =	vgt.s32 v12, $0x1;
	[tilespmem:s21+$0xC250] =	vst v7  }
0x2b0: {  	vm11 =	vgt.s32 v12, $0x2;
	v61 =	vsel vm8, v1, v0;
	v8 =	vsel vm7, v2, v63;
	[tilespmem:s21+$0xC220] =	vst v11  }
0x2b1: {  	vm15 =	vgt.s32 v5, $0x3;
	v62 =	vsel vm10, v2, v61;
	v5 =	vsel vm14, v3, v8;
	[tilespmem:s21+$0xC260] =	vst v9  }
.Ltmp32:
0x2b2: {  	vm13 =	vgt.s32 v12, $0x3;
	v7 =	vsel vm11, v3, v62;
	v5 =	vsel vm15, v4, v5;
	[tilespmem:s21+$0xC200] =	vst v6;
	(pc) =	sbr.rel @p1 .LBB2_60-.Ltmp32, $4  }
0x2b3: {  	v7 =	vsel vm13, v4, v7;
	[tilespmem:s21+$0xC270] =	vst v5  }
0x2b4: {  	[tilespmem:s21+$0xC230] =	vst v7  }
0x2b5: {  	s2 =	sadd.s32 s9, s13;
	[tilespmem:s21+$0xC240] =	vst v10  }
0x2b6: {  	[hbm4b:s2+s19] =	stream.strided.scatter [tilespmem:s1], [sflag:$0x7], $0x2000, s20, s19, $0x38;
	[tilespmem:$0x10080] =	vst v63  }
.Ltmp33:
0x2b7: {  	(pc) =	sbr.rel .LBB2_61-.Ltmp33, $4  }
0x2b8: {  	_ = 	snop  }
0x2b9: {  	_ =	swait.ge [sflag:s5], $0x2000  }
0x2ba: {  	[sflag:s5] =	ssyncset.done $0x0  }
0x2bb: {  	[sflag:s5] =	ssyncadd.s32 $0xFFFFE000  }
.LBB2_60:
0x2bc: {  	s2 =	rddreg [dreg:$0xb]  }
.Ltmp34:
0x2bd: {  	s9 =	simm.s32 $0x4080;
	s2 =	sadd.s32 s18, s2;
	(pc) =	sbr.rel @p0 .LBB2_62-.Ltmp34, $4  }
0x2be: {  	[tilespmem:s9], [sflag:$0x3] =	stream.strided.gather [hbm4b:s2+s19], $0x2000, s20, s19, $0x38;
	[tilespmem:$0x10080] =	vst v63  }
0x2bf: {  	_ =	swait.ge [sflag:s5], $0x2000  }
0x2c0: {  	[sflag:s5] =	ssyncset.done $0x0  }
0x2c1: {  	[sflag:s5] =	ssyncadd.s32 $0xFFFFE000  }
.LBB2_61:
0x2c2: {  	_ =	swait.ge [sflag:s7], $0x2000  }
0x2c3: {  	[sflag:s7] =	ssyncset.done $0x0  }
0x2c4: {  	[sflag:s7] =	ssyncadd.s32 $0xFFFFE000  }
.LBB2_62:
0x2c5: {  	s16 =	simm.s32 $0x0  }
0x2c6: {  	v8 =	vld [tilespmem:s16+$0x60E0]  }
0x2c7: {  	v5 =	vld [tilespmem:s16+$0x60A0]  }
0x2c8: {  	v9 =	vld [tilespmem:s16+$0x6080]  }
0x2c9: {  	v10 =	vld [tilespmem:s16+$0x60C0]  }
0x2ca: {  	v7 =	vld [tilespmem:s16+$0x6090]  }
0x2cb: {  	v12 =	vld [tilespmem:s16+$0x60D0]  }
0x2cc: {  	v6 =	vld [tilespmem:s16+$0x60B0]  }
0x2cd: {  	s9 =	simm.s32 $0x200;
	v13 =	vld [tilespmem:s16+$0x60F0];
	v14 =	vmin.u32 v5, $0x4  }
0x2ce: {  	v17 =	vld [tilespmem:s9+$0x60E0];
	v8 =	vmin.u32 v8, $0x4;
	v9 =	vmin.u32 v9, $0x4;
	v10 =	vmin.u32 v10, $0x4  }
0x2cf: {  	v18 =	vld [tilespmem:s9+$0x60A0];
	vm1 =	vgt.s32 v7, $0x3;
	vm0 =	vgt.s32 v7, $0x0;
	vm2 =	vgt.s32 v7, $0x1  }
0x2d0: {  	v19 =	vld [tilespmem:s9+$0x6080];
	vm3 =	vgt.s32 v12, $0x0;
	vm4 =	vgt.s32 v12, $0x2;
	v15 =	vsel vm0, v1, v0  }
0x2d1: {  	v11 =	vld [tilespmem:s9+$0x60C0];
	vm5 =	vgt.s32 v6, $0x2;
	v15 =	vsel vm2, v2, v15;
	vm2 =	vgt.s32 v7, $0x2  }
0x2d2: {  	s21 =	simm.s32 $0x0;
	v5 =	vld [tilespmem:s9+$0x6090];
	vm6 =	vgt.s32 v6, $0x1;
	vm15 =	vgt.s32 v13, $0x0;
	v7 =	vsel vm2, v3, v15  }
0x2d3: {  	vm0 =	vgt.s32 v13, $0x1;
	vm2 =	vgt.s32 v12, $0x1;
	v7 =	vsel vm1, v4, v7;
	v14 =	vld.idx.msk [tilespmem:v14+s21+$0x0], $0xffff  }
0x2d4: {  	vm1 =	vgt.s32 v6, $0x0;
	v16 =	vld.idx.msk [tilespmem:v8+s21+$0x0], $0xffff;
	v8 =	vsel vm3, v1, v0;
	vm3 =	vgt.s32 v12, $0x3  }
0x2d5: {  	v10 =	vld.idx.msk [tilespmem:v10+s21+$0x0], $0xffff;
	v12 =	vsel vm1, v1, v0;
	vm1 =	vgt.s32 v13, $0x2;
	v8 =	vsel vm2, v2, v8  }
0x2d6: {  	v15 =	vld.idx.msk [tilespmem:v9+s21+$0x0], $0xffff;
	v20 =	vsel vm6, v2, v12;
	vm2 =	vgt.s32 v13, $0x3;
	v21 =	vsel vm4, v3, v8  }
0x2d7: {  	v9 =	vld [tilespmem:s9+$0x60D0];
	[tilespmem:s16+$0xE090] =	vst v7;
	v12 =	vmin.u32 v17, $0x4;
	v8 =	vmin.u32 v19, $0x4;
	v19 =	vsel vm3, v4, v21  }
0x2d8: {  	s10 =	simm.s32 $0x1000;
	s22 =	simm.s32 $0x200;
	s2 =	simm.s32 $0x0;
	v7 =	vld [tilespmem:s9+$0x60F0];
	v13 =	vmin.u32 v18, $0x4;
	v18 =	vsel vm15, v1, v0;
	v17 =	vsel vm5, v3, v20;
	[tilespmem:s16+$0xE0D0] =	vst v19  }
.LBB2_63:
0x2d9: {  	s12 =	sshra.s32 s10, $0x2;
	p0 =	sne.s32 s10, $0x7800;
	s10 =	sadd.s32 $0x800, s10;
	vm3 =	vgt.s32 v5, $0x3;
	vm4 =	vgt.s32 v6, $0x3;
	v6 =	vld [tilespmem:s22+$0x60B0];
	v18 =	vsel vm0, v2, v18;
	[tilespmem:s2+$0xE0A0] =	vst v14  }
0x2da: {  	v20 =	vmin.u32 v11, $0x4;
	v19 =	vld [tilespmem:s12+$0x6090];
	v11 =	vsel vm4, v4, v17;
	v14 =	vsel vm1, v3, v18;
	[tilespmem:s2+$0xE0E0] =	vst v16  }
0x2db: {  	vm0 =	vgt.s32 v5, $0x0;
	vm1 =	vgt.s32 v5, $0x1;
	v17 =	vld [tilespmem:s12+$0x60E0];
	v14 =	vsel vm2, v4, v14;
	[tilespmem:s2+$0xE0B0] =	vst v11  }
0x2dc: {  	v11 =	vsel vm0, v1, v0;
	v18 =	vld [tilespmem:s12+$0x60A0];
	vm2 =	vgt.s32 v9, $0x0;
	vm5 =	vgt.s32 v9, $0x2;
	[tilespmem:s2+$0xE080] =	vst v15  }
0x2dd: {  	v15 =	vsel vm1, v2, v11;
	vm1 =	vgt.s32 v5, $0x2;
	v21 =	vld [tilespmem:s12+$0x6080];
	vm0 =	vgt.s32 v7, $0x1;
	[tilespmem:s2+$0xE0F0] =	vst v14  }
0x2de: {  	vm6 =	vgt.s32 v9, $0x1;
	v15 =	vsel vm1, v3, v15;
	v11 =	vld [tilespmem:s12+$0x60C0];
	vm4 =	vgt.s32 v6, $0x2;
	[tilespmem:s2+$0xE0C0] =	vst v10;
	s2 =	smov.u32 s22;
	s22 =	smov.u32 s12  }
0x2df: {  	v22 =	vsel vm3, v4, v15;
	vm3 =	vgt.s32 v6, $0x1;
	v14 =	vld.idx.msk [tilespmem:v13+s21+$0x0], $0xffff;
	v13 =	vsel vm2, v1, v0;
	v5 =	vmovc v19  }
.Ltmp35:
0x2e0: {  	vm7 =	vgt.s32 v9, $0x3;
	vm1 =	vgt.s32 v7, $0x2;
	vm2 =	vgt.s32 v6, $0x0;
	v16 =	vld.idx.msk [tilespmem:v12+s21+$0x0], $0xffff;
	(pc) =	sbr.rel @p0 .LBB2_63-.Ltmp35, $4  }
0x2e1: {  	v9 =	vsel vm2, v1, v0;
	v12 =	vsel vm6, v2, v13;
	vm2 =	vgt.s32 v7, $0x3;
	v10 =	vld.idx.msk [tilespmem:v20+s21+$0x0], $0xffff  }
0x2e2: {  	v19 =	vsel vm3, v2, v9;
	v13 =	vsel vm5, v3, v12;
	vm3 =	vgt.s32 v7, $0x0;
	v15 =	vld.idx.msk [tilespmem:v8+s21+$0x0], $0xffff  }
0x2e3: {  	v12 =	vmin.u32 v17, $0x4;
	v8 =	vmin.u32 v21, $0x4;
	v20 =	vsel vm7, v4, v13;
	v9 =	vld [tilespmem:s22+$0x60D0];
	[tilespmem:s2+$0xE090] =	vst v22  }
0x2e4: {  	v13 =	vmin.u32 v18, $0x4;
	v17 =	vsel vm4, v3, v19;
	v18 =	vsel vm3, v1, v0;
	v7 =	vld [tilespmem:s22+$0x60F0];
	[tilespmem:s2+$0xE0D0] =	vst v20  }
0x2e5: {  	v19 =	vld [tilespmem:s22+$0x60B0];
	[tilespmem:s2+$0xE0A0] =	vst v14  }
0x2e6: {  	vm3 =	vgt.s32 v6, $0x3;
	v6 =	vsel vm0, v2, v18;
	[tilespmem:s2+$0xE0E0] =	vst v16  }
0x2e7: {  	v14 =	vsel vm3, v4, v17;
	v6 =	vsel vm1, v3, v6;
	[tilespmem:s2+$0xE0C0] =	vst v10  }
0x2e8: {  	v11 =	vmin.u32 v11, $0x4;
	vm1 =	vgt.s32 v5, $0x0;
	[tilespmem:s2+$0xE0B0] =	vst v14;
	v6 =	vsel vm2, v4, v6  }
0x2e9: {  	vm0 =	vgt.s32 v5, $0x3;
	vm2 =	vgt.s32 v5, $0x1;
	[tilespmem:s2+$0xE0F0] =	vst v6;
	v6 =	vsel vm1, v1, v0  }
0x2ea: {  	[tilespmem:s2+$0xE080] =	vst v15;
	vm1 =	vgt.s32 v9, $0x0;
	v6 =	vsel vm2, v2, v6;
	vm2 =	vgt.s32 v5, $0x2  }
0x2eb: {  	v5 =	vld.idx.msk [tilespmem:v13+s21+$0x0], $0xffff;
	v10 =	vsel vm1, v1, v0;
	v6 =	vsel vm2, v3, v6;
	vm2 =	vgt.s32 v9, $0x1  }
0x2ec: {  	vm3 =	vgt.s32 v9, $0x2;
	v12 =	vld.idx.msk [tilespmem:v12+s21+$0x0], $0xffff;
	v10 =	vsel vm2, v2, v10  }
0x2ed: {  	v8 =	vld.idx.msk [tilespmem:v8+s21+$0x0], $0xffff;
	v6 =	vsel vm0, v4, v6;
	vm2 =	vgt.s32 v9, $0x3;
	v9 =	vsel vm3, v3, v10  }
0x2ee: {  	v11 =	vld.idx.msk [tilespmem:v11+s21+$0x0], $0xffff;
	vm0 =	vgt.s32 v19, $0x0;
	[tilespmem:s22+$0xE090] =	vst v6;
	v9 =	vsel vm2, v4, v9  }
0x2ef: {  	vm3 =	vgt.s32 v19, $0x1;
	v10 =	vsel vm0, v1, v0;
	[tilespmem:s22+$0xE0D0] =	vst v9  }
0x2f0: {  	vm0 =	vgt.s32 v19, $0x2;
	v6 =	vsel vm3, v2, v10;
	vm2 =	vgt.s32 v7, $0x0;
	[tilespmem:s22+$0xE0A0] =	vst v5  }
0x2f1: {  	vm1 =	vgt.s32 v7, $0x1;
	v6 =	vsel vm0, v3, v6;
	v9 =	vsel vm2, v1, v0;
	[tilespmem:s22+$0xE0E0] =	vst v12  }
0x2f2: {  	vm0 =	vgt.s32 v19, $0x3;
	vm2 =	vgt.s32 v7, $0x2;
	[tilespmem:s22+$0xE080] =	vst v8;
	v5 =	vsel vm1, v2, v9  }
0x2f3: {  	v6 =	vsel vm0, v4, v6;
	vm0 =	vgt.s32 v7, $0x3;
	[tilespmem:s22+$0xE0C0] =	vst v11;
	v5 =	vsel vm2, v3, v5  }
0x2f4: {  	[tilespmem:s22+$0xE0B0] =	vst v6;
	v5 =	vsel vm0, v4, v5  }
0x2f5: {  	[tilespmem:s22+$0xE0F0] =	vst v5  }
0x2f6: {  	v5 =	vld [tilespmem:s16+$0x6130]  }
0x2f7: {  	v7 =	vld [tilespmem:s16+$0x6150]  }
0x2f8: {  	v6 =	vld [tilespmem:s16+$0x6140]  }
0x2f9: {  	v8 =	vld [tilespmem:s16+$0x6100]  }
0x2fa: {  	v9 =	vld [tilespmem:s16+$0x6110]  }
0x2fb: {  	v11 =	vld [tilespmem:s16+$0x6120]  }
0x2fc: {  	v12 =	vld [tilespmem:s16+$0x6160]  }
0x2fd: {  	vm0 =	vgt.s32 v5, $0x0;
	vm1 =	vgt.s32 v5, $0x1;
	v13 =	vmin.u32 v6, $0x4  }
0x2fe: {  	vm2 =	vgt.s32 v5, $0x3;
	vm3 =	vgt.s32 v7, $0x3;
	v15 =	vmin.u32 v8, $0x4  }
0x2ff: {  	v14 =	vld [tilespmem:s16+$0x6170];
	vm4 =	vgt.s32 v9, $0x3;
	vm5 =	vgt.s32 v7, $0x1;
	vm6 =	vgt.s32 v9, $0x0  }
0x300: {  	v20 =	vld [tilespmem:s9+$0x6140];
	vm7 =	vgt.s32 v9, $0x1;
	v18 =	vmin.u32 v11, $0x4;
	vm14 =	vgt.s32 v9, $0x2  }
0x301: {  	v6 =	vld [tilespmem:s9+$0x6130];
	v19 =	vmin.u32 v12, $0x4;
	v10 =	vsel vm0, v1, v0;
	vm0 =	vgt.s32 v7, $0x2  }
0x302: {  	v8 =	vld [tilespmem:s9+$0x6110];
	v17 =	vsel vm6, v1, v0;
	v10 =	vsel vm1, v2, v10;
	vm1 =	vgt.s32 v5, $0x2  }
0x303: {  	v5 =	vld [tilespmem:s9+$0x6150];
	v17 =	vsel vm7, v2, v17;
	v16 =	vsel vm1, v3, v10;
	vm1 =	vgt.s32 v7, $0x0  }
0x304: {  	v10 =	vld [tilespmem:s9+$0x6100];
	v9 =	vsel vm14, v3, v17;
	v11 =	vsel vm2, v4, v16;
	v12 =	vsel vm1, v1, v0  }
0x305: {  	s21 =	simm.s32 $0x0;
	v7 =	vld [tilespmem:s9+$0x6120];
	v21 =	vsel vm4, v4, v9;
	vm1 =	vgt.s32 v14, $0x0;
	vm2 =	vgt.s32 v14, $0x3  }
0x306: {  	v9 =	vsel vm5, v2, v12;
	v12 =	vld.idx.msk [tilespmem:v13+s21+$0x0], $0xffff;
	v22 =	vsel vm1, v1, v0;
	vm1 =	vgt.s32 v14, $0x2  }
0x307: {  	v16 =	vld.idx.msk [tilespmem:v18+s21+$0x0], $0xffff;
	vm15 =	vgt.s32 v6, $0x1;
	v13 =	vsel vm0, v3, v9;
	vm0 =	vgt.s32 v14, $0x1  }
0x308: {  	v9 =	vld.idx.msk [tilespmem:v15+s21+$0x0], $0xffff;
	v17 =	vsel vm3, v4, v13;
	vm3 =	vgt.s32 v6, $0x0;
	v13 =	vsel vm0, v2, v22  }
0x309: {  	v14 =	vld.idx.msk [tilespmem:v19+s21+$0x0], $0xffff;
	vm0 =	vgt.s32 v5, $0x2;
	v18 =	vsel vm3, v1, v0;
	v19 =	vsel vm1, v3, v13  }
0x30a: {  	s2 =	simm.s32 $0x1000;
	v15 =	vld [tilespmem:s9+$0x6160];
	[tilespmem:s16+$0xE110] =	vst v21;
	v13 =	vmin.u32 v20, $0x4;
	v18 =	vsel vm15, v2, v18;
	v19 =	vsel vm2, v4, v19  }
.LBB2_65:
0x30b: {  	s10 =	sshra.s32 s2, $0x2;
	p0 =	sne.s32 s2, $0x7800;
	s2 =	sadd.s32 $0x800, s2;
	v20 =	vld [tilespmem:s9+$0x6170];
	vm2 =	vgt.s32 v6, $0x2;
	vm3 =	vgt.s32 v6, $0x3;
	vm1 =	vgt.s32 v5, $0x3;
	[tilespmem:s16+$0xE130] =	vst v11  }
0x30c: {  	v22 =	vmin.u32 v10, $0x4;
	vm4 =	vgt.s32 v8, $0x3;
	vm5 =	vgt.s32 v5, $0x1;
	v21 =	vld [tilespmem:s10+$0x6150];
	[tilespmem:s16+$0xE150] =	vst v17  }
0x30d: {  	vm6 =	vgt.s32 v8, $0x0;
	vm7 =	vgt.s32 v8, $0x1;
	v10 =	vsel vm2, v3, v18;
	v6 =	vld [tilespmem:s10+$0x6130];
	[tilespmem:s16+$0xE170] =	vst v19  }
0x30e: {  	v17 =	vsel vm6, v1, v0;
	vm2 =	vgt.s32 v5, $0x0;
	v11 =	vsel vm3, v4, v10;
	v18 =	vld [tilespmem:s10+$0x6110];
	[tilespmem:s16+$0xE120] =	vst v16  }
0x30f: {  	v17 =	vsel vm7, v2, v17;
	vm3 =	vgt.s32 v8, $0x2;
	v16 =	vmin.u32 v7, $0x4;
	v10 =	vld [tilespmem:s10+$0x6100];
	[tilespmem:s16+$0xE140] =	vst v12  }
0x310: {  	v8 =	vsel vm2, v1, v0;
	v12 =	vsel vm3, v3, v17;
	v15 =	vmin.u32 v15, $0x4;
	v7 =	vld [tilespmem:s10+$0x6120];
	[tilespmem:s16+$0xE160] =	vst v14  }
0x311: {  	v24 =	vsel vm5, v2, v8;
	v23 =	vsel vm4, v4, v12;
	vm2 =	vgt.s32 v20, $0x0;
	v19 =	vld [tilespmem:s10+$0x6140];
	[tilespmem:s16+$0xE100] =	vst v9;
	v5 =	vmovc v21;
	s16 =	smov.u32 s9;
	s9 =	smov.u32 s10  }
.Ltmp36:
0x312: {  	v14 =	vsel vm0, v3, v24;
	v12 =	vld.idx.msk [tilespmem:v13+s21+$0x0], $0xffff;
	v13 =	vsel vm2, v1, v0;
	vm2 =	vgt.s32 v20, $0x2;
	(pc) =	sbr.rel @p0 .LBB2_65-.Ltmp36, $4  }
0x313: {  	vm0 =	vgt.s32 v20, $0x1;
	v17 =	vsel vm1, v4, v14;
	vm1 =	vgt.s32 v20, $0x3;
	v9 =	vld.idx.msk [tilespmem:v22+s21+$0x0], $0xffff;
	v8 =	vmovc v18  }
0x314: {  	vm3 =	vgt.s32 v6, $0x0;
	vm4 =	vgt.s32 v6, $0x1;
	v13 =	vsel vm0, v2, v13;
	v16 =	vld.idx.msk [tilespmem:v16+s21+$0x0], $0xffff  }
0x315: {  	v18 =	vsel vm3, v1, v0;
	vm0 =	vgt.s32 v5, $0x2;
	v20 =	vsel vm2, v3, v13;
	v14 =	vld.idx.msk [tilespmem:v15+s21+$0x0], $0xffff  }
0x316: {  	v18 =	vsel vm4, v2, v18;
	v15 =	vld [tilespmem:s9+$0x6160];
	v13 =	vmin.u32 v19, $0x4;
	v19 =	vsel vm1, v4, v20;
	[tilespmem:s16+$0xE110] =	vst v23  }
0x317: {  	v20 =	vld [tilespmem:s9+$0x6170];
	[tilespmem:s16+$0xE130] =	vst v11  }
0x318: {  	[tilespmem:s16+$0xE150] =	vst v17  }
0x319: {  	[tilespmem:s16+$0xE170] =	vst v19  }
0x31a: {  	v10 =	vmin.u32 v10, $0x4;
	[tilespmem:s16+$0xE140] =	vst v12  }
0x31b: {  	vm1 =	vgt.s32 v6, $0x2;
	vm2 =	vgt.s32 v6, $0x3;
	v6 =	vmin.u32 v7, $0x4;
	[tilespmem:s16+$0xE100] =	vst v9  }
0x31c: {  	vm5 =	vgt.s32 v8, $0x0;
	[tilespmem:s16+$0xE120] =	vst v16;
	v7 =	vmin.u32 v15, $0x4  }
0x31d: {  	vm3 =	vgt.s32 v5, $0x3;
	vm7 =	vgt.s32 v8, $0x1;
	s21 =	simm.s32 $0x0;
	v11 =	vsel vm5, v1, v0;
	[tilespmem:s16+$0xE160] =	vst v14  }
0x31e: {  	vm4 =	vgt.s32 v8, $0x3;
	vm10 =	vgt.s32 v8, $0x2;
	v11 =	vsel vm7, v2, v11;
	v8 =	vld.idx.msk [tilespmem:v13+s21+$0x0], $0xffff  }
0x31f: {  	vm6 =	vgt.s32 v5, $0x1;
	vm11 =	vgt.s32 v5, $0x0;
	v5 =	vsel vm10, v3, v11;
	v10 =	vld.idx.msk [tilespmem:v10+s21+$0x0], $0xffff  }
0x320: {  	v9 =	vsel vm1, v3, v18;
	v11 =	vsel vm11, v1, v0;
	v5 =	vsel vm4, v4, v5;
	v6 =	vld.idx.msk [tilespmem:v6+s21+$0x0], $0xffff  }
0x321: {  	v9 =	vsel vm2, v4, v9;
	v11 =	vsel vm6, v2, v11;
	v7 =	vld.idx.msk [tilespmem:v7+s21+$0x0], $0xffff;
	[tilespmem:s9+$0xE110] =	vst v5  }
0x322: {  	vm12 =	vgt.s32 v20, $0x0;
	v11 =	vsel vm0, v3, v11;
	[tilespmem:s9+$0xE130] =	vst v9  }
0x323: {  	vm13 =	vgt.s32 v20, $0x1;
	v63 =	vsel vm12, v1, v0;
	v5 =	vsel vm3, v4, v11;
	[tilespmem:s9+$0xE140] =	vst v8  }
0x324: {  	vm14 =	vgt.s32 v20, $0x2;
	v12 =	vsel vm13, v2, v63;
	[tilespmem:s9+$0xE150] =	vst v5  }
0x325: {  	vm15 =	vgt.s32 v20, $0x3;
	v11 =	vsel vm14, v3, v12;
	[tilespmem:s9+$0xE120] =	vst v6  }
0x326: {  	v9 =	vsel vm15, v4, v11;
	[tilespmem:s9+$0xE100] =	vst v10  }
0x327: {  	[tilespmem:s9+$0xE170] =	vst v9  }
0x328: {  	[tilespmem:s9+$0xE160] =	vst v7;
	s9 =	simm.s32 $0x0  }
0x329: {  	v5 =	vld [tilespmem:s9+$0x61E0]  }
0x32a: {  	v9 =	vld [tilespmem:s9+$0x61A0]  }
0x32b: {  	p1 =	por $0x1, $0x1;
	v6 =	vld [tilespmem:s9+$0x6180]  }
.Ltmp37:
0x32c: {  	_ = 	snop;
	(pc) =	sbr.rel @!p1 .LBB2_67-.Ltmp37, $4  }
0x32d: {  	v17 =	vld [tilespmem:s9+$0x6190]  }
0x32e: {  	v10 =	vld [tilespmem:s9+$0x61C0]  }
0x32f: {  	v7 =	vld [tilespmem:s9+$0x61D0]  }
0x330: {  	p0 =	por $0x0, $0x0;
	v6 =	vmin.u32 v6, $0x4;
	v8 =	vmin.u32 v5, $0x4;
	v5 =	vld [tilespmem:s9+$0x61F0];
	v11 =	vmin.u32 v9, $0x4  }
0x331: {  	_ =	sdelay $0x2  }
0x332: {  	v9 =	vld [tilespmem:s9+$0x61B0]  }
0x333: {  	s16 =	simm.s32 $0x200;
	v16 =	vld.idx.msk [tilespmem:v6+s21+$0x0], $0xffff;
	vm1 =	vgt.s32 v17, $0x3  }
0x334: {  	v18 =	vld [tilespmem:s16+$0x61E0];
	vm0 =	vgt.s32 v17, $0x0;
	vm2 =	vgt.s32 v17, $0x1;
	v12 =	vmin.u32 v10, $0x4  }
0x335: {  	v19 =	vld [tilespmem:s16+$0x61A0];
	v14 =	vsel vm0, v1, v0;
	vm3 =	vgt.s32 v7, $0x0;
	vm4 =	vgt.s32 v7, $0x2  }
0x336: {  	v20 =	vld [tilespmem:s16+$0x6180];
	v15 =	vsel vm2, v2, v14;
	vm2 =	vgt.s32 v17, $0x2;
	vm0 =	vgt.s32 v5, $0x1  }
0x337: {  	v14 =	vld.idx.msk [tilespmem:v11+s21+$0x0], $0xffff;
	v11 =	vsel vm2, v3, v15;
	vm2 =	vgt.s32 v7, $0x1;
	vm15 =	vgt.s32 v5, $0x0  }
0x338: {  	p3 =	por $0x1, $0x1;
	v15 =	vld.idx.msk [tilespmem:v8+s21+$0x0], $0xffff;
	vm5 =	vgt.s32 v9, $0x2;
	v8 =	vsel vm1, v4, v11;
	vm6 =	vgt.s32 v9, $0x1  }
.Ltmp38:
0x339: {  	v13 =	vld [tilespmem:s16+$0x6190];
	vm1 =	vgt.s32 v9, $0x0;
	v11 =	vsel vm3, v1, v0;
	vm3 =	vgt.s32 v7, $0x3;
	(pc) =	sbr.rel @!p3 .LBB2_69-.Ltmp38, $4  }
0x33a: {  	v10 =	vld [tilespmem:s16+$0x61C0];
	v7 =	vsel vm1, v1, v0;
	vm1 =	vgt.s32 v5, $0x2;
	v6 =	vsel vm2, v2, v11  }
0x33b: {  	vm2 =	vgt.s32 v5, $0x3;
	v12 =	vld.idx.msk [tilespmem:v12+s21+$0x0], $0xffff;
	v17 =	vsel vm6, v2, v7;
	v11 =	vsel vm4, v3, v6  }
0x33c: {  	v7 =	vld [tilespmem:s16+$0x61D0];
	[tilespmem:s9+$0xE190] =	vst v8;
	v6 =	vmin.u32 v20, $0x4;
	v8 =	vmin.u32 v18, $0x4;
	v20 =	vsel vm3, v4, v11  }
0x33d: {  	s2 =	simm.s32 $0x1000;
	p2 =	por $0x1, $0x1;
	s22 =	simm.s32 $0x0;
	v5 =	vld [tilespmem:s16+$0x61F0];
	v11 =	vmin.u32 v19, $0x4;
	v18 =	vsel vm5, v3, v17;
	v19 =	vsel vm15, v1, v0;
	[tilespmem:s9+$0xE1D0] =	vst v20  }
.LBB2_70:
0x33e: {  	s10 =	sshra.s32 s2, $0x2;
	p3 =	sne.s32 s2, $0x7800;
	s2 =	sadd.s32 $0x800, s2;
	vm3 =	vgt.s32 v13, $0x3;
	vm4 =	vgt.s32 v9, $0x3;
	v9 =	vld [tilespmem:s16+$0x61B0];
	v17 =	vsel vm0, v2, v19;
	[tilespmem:s22+$0xE1A0] =	vst v14  }
0x33f: {  	v20 =	vmin.u32 v10, $0x4;
	v19 =	vld [tilespmem:s10+$0x6190];
	v10 =	vsel vm4, v4, v18;
	v14 =	vsel vm1, v3, v17;
	[tilespmem:s22+$0xE1E0] =	vst v15  }
0x340: {  	vm0 =	vgt.s32 v13, $0x0;
	vm1 =	vgt.s32 v13, $0x1;
	v17 =	vld [tilespmem:s10+$0x61E0];
	v14 =	vsel vm2, v4, v14;
	[tilespmem:s22+$0xE1B0] =	vst v10  }
0x341: {  	v10 =	vsel vm0, v1, v0;
	v18 =	vld [tilespmem:s10+$0x61A0];
	vm2 =	vgt.s32 v7, $0x0;
	vm5 =	vgt.s32 v7, $0x2;
	[tilespmem:s22+$0xE180] =	vst v16  }
0x342: {  	v15 =	vsel vm1, v2, v10;
	vm1 =	vgt.s32 v13, $0x2;
	v21 =	vld [tilespmem:s10+$0x6180];
	vm0 =	vgt.s32 v5, $0x1;
	[tilespmem:s22+$0xE1F0] =	vst v14  }
0x343: {  	vm6 =	vgt.s32 v7, $0x1;
	v15 =	vsel vm1, v3, v15;
	v10 =	vld [tilespmem:s10+$0x61C0];
	vm4 =	vgt.s32 v9, $0x2;
	[tilespmem:s22+$0xE1C0] =	vst v12;
	s22 =	smov.u32 s16;
	s16 =	smov.u32 s10  }
0x344: {  	v22 =	vsel vm3, v4, v15;
	vm3 =	vgt.s32 v9, $0x1;
	v14 =	vld.idx.msk [tilespmem:v11+s21+$0x0], $0xffff;
	v11 =	vsel vm2, v1, v0;
	v13 =	vmovc v19  }
.Ltmp39:
0x345: {  	vm7 =	vgt.s32 v7, $0x3;
	vm1 =	vgt.s32 v5, $0x2;
	vm2 =	vgt.s32 v9, $0x0;
	v15 =	vld.idx.msk [tilespmem:v8+s21+$0x0], $0xffff;
	(pc) =	sbr.rel @p3 .LBB2_70-.Ltmp39, $4  }
0x346: {  	v7 =	vsel vm2, v1, v0;
	v8 =	vsel vm6, v2, v11;
	vm2 =	vgt.s32 v5, $0x3;
	v12 =	vld.idx.msk [tilespmem:v20+s21+$0x0], $0xffff  }
0x347: {  	v19 =	vsel vm3, v2, v7;
	v11 =	vsel vm5, v3, v8;
	vm3 =	vgt.s32 v5, $0x0;
	v16 =	vld.idx.msk [tilespmem:v6+s21+$0x0], $0xffff  }
0x348: {  	v8 =	vmin.u32 v17, $0x4;
	v6 =	vmin.u32 v21, $0x4;
	v17 =	vsel vm7, v4, v11;
	v7 =	vld [tilespmem:s16+$0x61D0];
	[tilespmem:s22+$0xE190] =	vst v22  }
0x349: {  	v11 =	vmin.u32 v18, $0x4;
	v18 =	vsel vm4, v3, v19;
	v19 =	vsel vm3, v1, v0;
	v5 =	vld [tilespmem:s16+$0x61F0];
	[tilespmem:s22+$0xE1D0] =	vst v17  }
0x34a: {  	v17 =	vmov v13  }
.LBB2_72:
0x34b: {  	v13 =	vld [tilespmem:s16+$0x61B0];
	[tilespmem:s22+$0xE1A0] =	vst @p2 v14  }
0x34c: {  	[tilespmem:s22+$0xE1E0] =	vst @p2 v15  }
0x34d: {  	vm3 =	vgt.s32 @p2 v9, $0x3;
	v9 =	vsel @p2 vm0, v2, v19;
	v10 =	vmin.u32 v10, $0x4;
	[tilespmem:s22+$0xE1C0] =	vst @p2 v12  }
0x34e: {  	vm11 =	vgt.s32 v17, $0x3;
	v14 =	vsel @p2 vm3, v4, v18;
	v9 =	vsel @p2 vm1, v3, v9;
	[tilespmem:s22+$0xE180] =	vst @p2 v16  }
0x34f: {  	vm12 =	vgt.s32 v17, $0x0;
	vm13 =	vgt.s32 v17, $0x1;
	[tilespmem:s22+$0xE1B0] =	vst @p2 v14;
	v9 =	vsel @p2 vm2, v4, v9  }
0x350: {  	vm5 =	vgt.s32 v17, $0x2;
	vm14 =	vgt.s32 v7, $0x0;
	[tilespmem:s22+$0xE1F0] =	vst @p2 v9;
	v9 =	vsel vm12, v1, v0  }
0x351: {  	vm6 =	vgt.s32 v7, $0x1;
	v62 =	vsel vm14, v1, v0;
	v9 =	vsel vm13, v2, v9;
	v11 =	vld.idx.msk [tilespmem:v11+s21+$0x0], $0xffff  }
0x352: {  	vm15 =	vgt.s32 v7, $0x2;
	v8 =	vld.idx.msk [tilespmem:v8+s21+$0x0], $0xffff;
	v12 =	vsel vm6, v2, v62;
	v9 =	vsel vm5, v3, v9  }
0x353: {  	vm9 =	vgt.s32 v7, $0x3;
	v6 =	vld.idx.msk [tilespmem:v6+s21+$0x0], $0xffff;
	v7 =	vsel vm15, v3, v12;
	v9 =	vsel vm11, v4, v9  }
0x354: {  	v10 =	vld.idx.msk [tilespmem:v10+s21+$0x0], $0xffff;
	vm8 =	vgt.s32 v13, $0x0;
	v7 =	vsel vm9, v4, v7;
	[tilespmem:s16+$0xE190] =	vst v9  }
0x355: {  	vm7 =	vgt.s32 v5, $0x1;
	vm10 =	vgt.s32 v13, $0x1;
	v63 =	vsel vm8, v1, v0;
	[tilespmem:s16+$0xE1D0] =	vst v7  }
0x356: {  	vm12 =	vgt.s32 v5, $0x0;
	vm11 =	vgt.s32 v13, $0x2;
	v9 =	vsel vm10, v2, v63;
	[tilespmem:s16+$0xE1A0] =	vst v11  }
0x357: {  	vm13 =	vgt.s32 v13, $0x3;
	v7 =	vsel vm11, v3, v9;
	v9 =	vsel vm12, v1, v0;
	[tilespmem:s16+$0xE1E0] =	vst v8  }
0x358: {  	vm14 =	vgt.s32 v5, $0x2;
	v9 =	vsel vm7, v2, v9;
	v7 =	vsel vm13, v4, v7;
	[tilespmem:s16+$0xE180] =	vst v6  }
0x359: {  	vm15 =	vgt.s32 v5, $0x3;
	v5 =	vsel vm14, v3, v9;
	[tilespmem:s16+$0xE1B0] =	vst v7  }
0x35a: {  	[tilespmem:s16+$0xE1C0] =	vst v10;
	v5 =	vsel vm15, v4, v5  }
0x35b: {  	[tilespmem:s16+$0xE1F0] =	vst v5  }
0x35c: {  	v5 =	vld [tilespmem:s9+$0x6260]  }
0x35d: {  	v8 =	vld [tilespmem:s9+$0x6220]  }
0x35e: {  	v6 =	vld [tilespmem:s9+$0x6200]  }
.Ltmp40:
0x35f: {  	_ = 	snop;
	(pc) =	sbr.rel @!p1 .LBB2_73-.Ltmp40, $4  }
0x360: {  	v17 =	vld [tilespmem:s9+$0x6210]  }
0x361: {  	v10 =	vld [tilespmem:s9+$0x6240]  }
0x362: {  	v7 =	vld [tilespmem:s9+$0x6250]  }
0x363: {  	v6 =	vmin.u32 v6, $0x4;
	v9 =	vmin.u32 v5, $0x4;
	v5 =	vld [tilespmem:s9+$0x6270];
	v11 =	vmin.u32 v8, $0x4  }
0x364: {  	_ =	sdelay $0x2  }
0x365: {  	v8 =	vld [tilespmem:s9+$0x6230]  }
0x366: {  	s16 =	simm.s32 $0x200;
	v16 =	vld.idx.msk [tilespmem:v6+s3+$0x0], $0xffff;
	vm1 =	vgt.s32 v17, $0x3  }
0x367: {  	v18 =	vld [tilespmem:s16+$0x6260];
	vm0 =	vgt.s32 v17, $0x0;
	vm2 =	vgt.s32 v17, $0x1;
	v13 =	vmin.u32 v10, $0x4  }
0x368: {  	v19 =	vld [tilespmem:s16+$0x6220];
	v14 =	vsel vm0, v1, v0;
	vm3 =	vgt.s32 v7, $0x0;
	vm4 =	vgt.s32 v7, $0x2  }
0x369: {  	v20 =	vld [tilespmem:s16+$0x6200];
	v15 =	vsel vm2, v2, v14;
	vm2 =	vgt.s32 v17, $0x2;
	vm0 =	vgt.s32 v5, $0x1  }
0x36a: {  	v14 =	vld.idx.msk [tilespmem:v11+s3+$0x0], $0xffff;
	v11 =	vsel vm2, v3, v15;
	vm2 =	vgt.s32 v7, $0x1;
	vm15 =	vgt.s32 v5, $0x0  }
0x36b: {  	p1 =	por $0x1, $0x1;
	v15 =	vld.idx.msk [tilespmem:v9+s3+$0x0], $0xffff;
	vm5 =	vgt.s32 v8, $0x2;
	v9 =	vsel vm1, v4, v11;
	vm6 =	vgt.s32 v8, $0x1  }
.Ltmp41:
0x36c: {  	v12 =	vld [tilespmem:s16+$0x6210];
	vm1 =	vgt.s32 v8, $0x0;
	v11 =	vsel vm3, v1, v0;
	vm3 =	vgt.s32 v7, $0x3;
	(pc) =	sbr.rel @!p1 .LBB2_75-.Ltmp41, $4  }
0x36d: {  	v10 =	vld [tilespmem:s16+$0x6240];
	v7 =	vsel vm1, v1, v0;
	vm1 =	vgt.s32 v5, $0x2;
	v6 =	vsel vm2, v2, v11  }
0x36e: {  	vm2 =	vgt.s32 v5, $0x3;
	v13 =	vld.idx.msk [tilespmem:v13+s3+$0x0], $0xffff;
	v17 =	vsel vm6, v2, v7;
	v11 =	vsel vm4, v3, v6  }
0x36f: {  	v7 =	vld [tilespmem:s16+$0x6250];
	[tilespmem:s9+$0xE210] =	vst v9;
	v6 =	vmin.u32 v20, $0x4;
	v9 =	vmin.u32 v18, $0x4;
	v20 =	vsel vm3, v4, v11  }
0x370: {  	s2 =	simm.s32 $0x1000;
	p0 =	por $0x1, $0x1;
	v5 =	vld [tilespmem:s16+$0x6270];
	v11 =	vmin.u32 v19, $0x4;
	v18 =	vsel vm5, v3, v17;
	v19 =	vsel vm15, v1, v0;
	[tilespmem:s9+$0xE250] =	vst v20  }
.LBB2_76:
0x371: {  	s10 =	sshra.s32 s2, $0x2;
	p1 =	sne.s32 s2, $0x7800;
	s2 =	sadd.s32 $0x800, s2;
	vm3 =	vgt.s32 v12, $0x3;
	vm4 =	vgt.s32 v8, $0x3;
	v8 =	vld [tilespmem:s16+$0x6230];
	v17 =	vsel vm0, v2, v19;
	[tilespmem:s9+$0xE220] =	vst v14  }
0x372: {  	v20 =	vmin.u32 v10, $0x4;
	v19 =	vld [tilespmem:s10+$0x6210];
	v10 =	vsel vm4, v4, v18;
	v14 =	vsel vm1, v3, v17;
	[tilespmem:s9+$0xE260] =	vst v15  }
0x373: {  	vm0 =	vgt.s32 v12, $0x0;
	vm1 =	vgt.s32 v12, $0x1;
	v17 =	vld [tilespmem:s10+$0x6260];
	v14 =	vsel vm2, v4, v14;
	[tilespmem:s9+$0xE230] =	vst v10  }
0x374: {  	v10 =	vsel vm0, v1, v0;
	v18 =	vld [tilespmem:s10+$0x6220];
	vm2 =	vgt.s32 v7, $0x0;
	vm5 =	vgt.s32 v7, $0x2;
	[tilespmem:s9+$0xE200] =	vst v16  }
0x375: {  	v15 =	vsel vm1, v2, v10;
	vm1 =	vgt.s32 v12, $0x2;
	v21 =	vld [tilespmem:s10+$0x6200];
	vm0 =	vgt.s32 v5, $0x1;
	[tilespmem:s9+$0xE270] =	vst v14  }
0x376: {  	vm6 =	vgt.s32 v7, $0x1;
	v15 =	vsel vm1, v3, v15;
	v10 =	vld [tilespmem:s10+$0x6240];
	vm4 =	vgt.s32 v8, $0x2;
	[tilespmem:s9+$0xE240] =	vst v13;
	s9 =	smov.u32 s16;
	s16 =	smov.u32 s10  }
0x377: {  	v22 =	vsel vm3, v4, v15;
	vm3 =	vgt.s32 v8, $0x1;
	v14 =	vld.idx.msk [tilespmem:v11+s3+$0x0], $0xffff;
	v11 =	vsel vm2, v1, v0;
	v12 =	vmovc v19  }
.Ltmp42:
0x378: {  	vm7 =	vgt.s32 v7, $0x3;
	vm1 =	vgt.s32 v5, $0x2;
	vm2 =	vgt.s32 v8, $0x0;
	v15 =	vld.idx.msk [tilespmem:v9+s3+$0x0], $0xffff;
	(pc) =	sbr.rel @p1 .LBB2_76-.Ltmp42, $4  }
0x379: {  	v7 =	vsel vm2, v1, v0;
	v9 =	vsel vm6, v2, v11;
	vm2 =	vgt.s32 v5, $0x3;
	v13 =	vld.idx.msk [tilespmem:v20+s3+$0x0], $0xffff  }
0x37a: {  	v19 =	vsel vm3, v2, v7;
	v11 =	vsel vm5, v3, v9;
	vm3 =	vgt.s32 v5, $0x0;
	v16 =	vld.idx.msk [tilespmem:v6+s3+$0x0], $0xffff  }
0x37b: {  	v9 =	vmin.u32 v17, $0x4;
	v6 =	vmin.u32 v21, $0x4;
	v17 =	vsel vm7, v4, v11;
	v7 =	vld [tilespmem:s16+$0x6250];
	[tilespmem:s9+$0xE210] =	vst v22  }
0x37c: {  	v11 =	vmin.u32 v18, $0x4;
	v18 =	vsel vm4, v3, v19;
	v19 =	vsel vm3, v1, v0;
	v5 =	vld [tilespmem:s16+$0x6270];
	[tilespmem:s9+$0xE250] =	vst v17  }
0x37d: {  	v17 =	vmov v12  }
.LBB2_78:
0x37e: {  	v12 =	vld [tilespmem:s16+$0x6230];
	[tilespmem:s9+$0xE220] =	vst @p0 v14  }
0x37f: {  	vm3 =	vgt.s32 @p0 v8, $0x3;
	[tilespmem:s9+$0xE260] =	vst @p0 v15  }
0x380: {  	v8 =	vsel @p0 vm0, v2, v19;
	v10 =	vmin.u32 v10, $0x4;
	vm11 =	vgt.s32 v17, $0x3;
	[tilespmem:s9+$0xE240] =	vst @p0 v13  }
0x381: {  	vm12 =	vgt.s32 v17, $0x0;
	v14 =	vsel @p0 vm3, v4, v18;
	v8 =	vsel @p0 vm1, v3, v8;
	[tilespmem:s9+$0xE200] =	vst @p0 v16  }
0x382: {  	vm13 =	vgt.s32 v17, $0x1;
	vm5 =	vgt.s32 v17, $0x2;
	[tilespmem:s9+$0xE230] =	vst @p0 v14;
	v8 =	vsel @p0 vm2, v4, v8  }
0x383: {  	v59 =	vsel vm12, v1, v0;
	vm14 =	vgt.s32 v7, $0x0;
	vm15 =	vgt.s32 v7, $0x2;
	[tilespmem:s9+$0xE270] =	vst @p0 v8  }
0x384: {  	vm6 =	vgt.s32 v7, $0x1;
	v8 =	vsel vm13, v2, v59;
	v60 =	vsel vm14, v1, v0;
	v11 =	vld.idx.msk [tilespmem:v11+s3+$0x0], $0xffff  }
0x385: {  	vm9 =	vgt.s32 v7, $0x3;
	v8 =	vsel vm5, v3, v8;
	v9 =	vld.idx.msk [tilespmem:v9+s3+$0x0], $0xffff;
	v13 =	vsel vm6, v2, v60  }
0x386: {  	vm7 =	vgt.s32 v5, $0x1;
	v6 =	vld.idx.msk [tilespmem:v6+s3+$0x0], $0xffff;
	v8 =	vsel vm11, v4, v8;
	v7 =	vsel vm15, v3, v13  }
0x387: {  	vm12 =	vgt.s32 v5, $0x0;
	vm14 =	vgt.s32 v5, $0x2;
	v10 =	vld.idx.msk [tilespmem:v10+s3+$0x0], $0xffff;
	v7 =	vsel vm9, v4, v7;
	[tilespmem:s16+$0xE210] =	vst v8  }
0x388: {  	v63 =	vsel vm12, v1, v0;
	vm8 =	vgt.s32 v12, $0x0;
	vm10 =	vgt.s32 v12, $0x1;
	[tilespmem:s16+$0xE250] =	vst v7  }
0x389: {  	vm11 =	vgt.s32 v12, $0x2;
	v61 =	vsel vm8, v1, v0;
	v8 =	vsel vm7, v2, v63;
	[tilespmem:s16+$0xE220] =	vst v11  }
0x38a: {  	p0 =	seq.s32 s6, $0xF;
	vm15 =	vgt.s32 v5, $0x3;
	v62 =	vsel vm10, v2, v61;
	v5 =	vsel vm14, v3, v8;
	[tilespmem:s16+$0xE260] =	vst v9  }
.Ltmp43:
0x38b: {  	vm13 =	vgt.s32 v12, $0x3;
	v7 =	vsel vm11, v3, v62;
	v5 =	vsel vm15, v4, v5;
	[tilespmem:s16+$0xE200] =	vst v6;
	(pc) =	sbr.rel @p0 .LBB2_80-.Ltmp43, $4  }
0x38c: {  	v7 =	vsel vm13, v4, v7;
	[tilespmem:s16+$0xE270] =	vst v5  }
0x38d: {  	[tilespmem:s16+$0xE230] =	vst v7  }
0x38e: {  	s2 =	sadd.s32 s17, s18;
	[tilespmem:s16+$0xE240] =	vst v10  }
0x38f: {  	[hbm4b:s2+s19] =	stream.strided.scatter [tilespmem:s8], [sflag:$0x8], $0x2000, s20, s19, $0x38;
	[tilespmem:$0x10080] =	vst v63  }
.Ltmp44:
0x390: {  	(pc) =	sbr.rel .LBB2_2-.Ltmp44, $3  }
0x391: {  	_ =	sdelay $0x1  }
0x392: {  	s2 =	sadd.s32 s18, s15;
	s6 =	sadd.s32 $0x1, s6  }
0x393: {  	[tilespmem:s24], [sflag:$0x4] =	stream.strided.gather [hbm4b:s2+s19], $0x2000, s20, s19, $0x38;
	[tilespmem:$0x10080] =	vst v63  }
.LBB2_7:
.Ltmp45:
0x394: {  	(pc) =	sbr.rel .LBB2_12-.Ltmp45, $2  }
0x395: {  	_ =	sdelay $0x2  }
0x396: {  	s16 =	simm.s32 $0x0;
	p3 =	por $0x0, $0x0  }
.LBB2_13:
.Ltmp46:
0x397: {  	(pc) =	sbr.rel .LBB2_18-.Ltmp46, $2  }
0x398: {  	_ =	sdelay $0x2  }
0x399: {  	s16 =	simm.s32 $0x0  }
.LBB2_27:
.Ltmp47:
0x39a: {  	(pc) =	sbr.rel .LBB2_32-.Ltmp47, $2  }
0x39b: {  	_ =	sdelay $0x2  }
0x39c: {  	s21 =	simm.s32 $0x0;
	p4 =	por $0x0, $0x0  }
.LBB2_33:
.Ltmp48:
0x39d: {  	(pc) =	sbr.rel .LBB2_38-.Ltmp48, $2  }
0x39e: {  	_ =	sdelay $0x2  }
0x39f: {  	s21 =	simm.s32 $0x0  }
.LBB2_47:
.Ltmp49:
0x3a0: {  	(pc) =	sbr.rel .LBB2_52-.Ltmp49, $2  }
0x3a1: {  	_ =	sdelay $0x2  }
0x3a2: {  	s21 =	simm.s32 $0x0;
	p4 =	por $0x0, $0x0  }
.LBB2_53:
.Ltmp50:
0x3a3: {  	(pc) =	sbr.rel .LBB2_58-.Ltmp50, $2  }
0x3a4: {  	_ =	sdelay $0x2  }
0x3a5: {  	s21 =	simm.s32 $0x0  }
.LBB2_67:
.Ltmp51:
0x3a6: {  	(pc) =	sbr.rel .LBB2_72-.Ltmp51, $2  }
0x3a7: {  	_ =	sdelay $0x2  }
0x3a8: {  	s16 =	simm.s32 $0x0;
	p2 =	por $0x0, $0x0  }
.LBB2_73:
.Ltmp52:
0x3a9: {  	(pc) =	sbr.rel .LBB2_78-.Ltmp52, $2  }
0x3aa: {  	_ =	sdelay $0x2  }
0x3ab: {  	s16 =	simm.s32 $0x0  }
.LBB2_9:
.Ltmp53:
0x3ac: {  	(pc) =	sbr.rel .LBB2_12-.Ltmp53, $2  }
0x3ad: {  	_ =	sdelay $0x2  }
0x3ae: {  	v17 =	vmov v13;
	s22 =	simm.s32 $0x0  }
.LBB2_15:
.Ltmp54:
0x3af: {  	(pc) =	sbr.rel .LBB2_18-.Ltmp54, $2  }
0x3b0: {  	_ =	sdelay $0x2  }
0x3b1: {  	v17 =	vmov v12  }
.LBB2_29:
.Ltmp55:
0x3b2: {  	(pc) =	sbr.rel .LBB2_32-.Ltmp55, $2  }
0x3b3: {  	_ =	sdelay $0x2  }
0x3b4: {  	v17 =	vmov v13;
	s23 =	simm.s32 $0x0  }
.LBB2_35:
.Ltmp56:
0x3b5: {  	(pc) =	sbr.rel .LBB2_38-.Ltmp56, $2  }
0x3b6: {  	_ =	sdelay $0x2  }
0x3b7: {  	v17 =	vmov v12  }
.LBB2_49:
.Ltmp57:
0x3b8: {  	(pc) =	sbr.rel .LBB2_52-.Ltmp57, $2  }
0x3b9: {  	_ =	sdelay $0x2  }
0x3ba: {  	v17 =	vmov v13;
	s23 =	simm.s32 $0x0  }
.LBB2_55:
.Ltmp58:
0x3bb: {  	(pc) =	sbr.rel .LBB2_58-.Ltmp58, $2  }
0x3bc: {  	_ =	sdelay $0x2  }
0x3bd: {  	v17 =	vmov v12  }
.LBB2_69:
.Ltmp59:
0x3be: {  	(pc) =	sbr.rel .LBB2_72-.Ltmp59, $2  }
0x3bf: {  	_ =	sdelay $0x2  }
0x3c0: {  	v17 =	vmov v13;
	s22 =	simm.s32 $0x0  }
.LBB2_75:
.Ltmp60:
0x3c1: {  	(pc) =	sbr.rel .LBB2_78-.Ltmp60, $2  }
0x3c2: {  	_ =	sdelay $0x2  }
0x3c3: {  	v17 =	vmov v12  }
.LBB2_81:
0x3c4: {  	_ =	sfence.sel $0x180000  }
0x3c5: {  	[bflag:$0x0] =	sbarrier.arrive $0xFFFF  }
0x3c6: {  	_ =	strace $0x90000047  }
0x3c7: {  	s0 =	stileid.u32;
	[bflag:$0x2] =	sbarrier.arrive $0xFFFF  }
0x3c8: {  	p0 =	sne.s32 s0, $0x0;
	s0 =	rddreg [dreg:$0x3]  }
0x3c9: {  	s0 =	sadd.s32 @!p0 $0x100000, s0  }
0x3ca: {  	[sflag:s0] =	ssyncadd.tile.s32 @!p0 $0x1;
	_ =	shalt  }
.Lfunc_end2:
_tile_overlayer_lowered:
.L_overlay_start_2:
0x3cb: {  	(tag) =	ssettag $0x2  }
0x3cc: {  	s0 =	rddreg [dreg:$0x0];
	s2 =	stileid.u32  }
0x3cd: {  	s1 =	rddreg [dreg:$0x1];
	p0 =	sne.s32 s2, $0x0  }
0x3ce: {  	s3 =	rddreg [dreg:$0x2];
	[bflag:$0x3] =	sbarrier.arrive $0xFFFF;
	s2 =	simm.s32 @!p0 $0x1C09  }
0x3cf: {  	[timem:s3], [sflag:s2] =	dma.local @!p0 [hbm:s0], s1  }
0x3d0: {  	s0 =	simm.s32 @!p0 $0x9  }
0x3d1: {  	_ =	swait.ge @!p0 [sflag:s0], s1  }
0x3d2: {  	s1 =	ssub.s32 @!p0 $0x0, s1;
	[sflag:s0] =	ssyncset.done @!p0 $0x0  }
0x3d3: {  	[sflag:s0] =	ssyncadd.s32 @!p0 s1  }
0x3d4: {  	[bflag:$0x3] =	sbarrier.arrive $0xFFFF  }
0x3d5: {  	_ =	shalt  }

</sc_bundles>
